<compile_context>
chip_gen: v7x
topology: tpu7x:2x2x1
jax: 0.10.2.dev20260603
libtpu: 0.0.44.dev20260713+nightly
codegen_flags: <defaults>
</compile_context>

<pallas_src>
import functools

import jax
import jax.numpy as jnp
from jax import lax
from jax.experimental import pallas as pl
from jax.experimental.pallas import tpu as pltpu
from jax.experimental.pallas import tpu_sc as plsc

_BATCH = 16384
_CLASSES = 1000
_RATIO = 0.7
_ALPHA = 1.0
_GAMMA = 2.0
_K = int(_RATIO * _BATCH)
_ROWS = 2048
_GRID = _BATCH // _ROWS

_NSUB = 16
_PER = _BATCH // _NSUB
_CHUNKS = _PER // 16


def _focal_stage(x_ref, t_ref, out_ref):
    x = x_ref[...]
    t = t_ref[...].reshape(_ROWS, 1)
    s = jnp.sum(jnp.exp(x), axis=1, keepdims=True)
    lse = jnp.log(s)
    cols = jax.lax.broadcasted_iota(jnp.int32, x.shape, 1)
    tgt = jnp.sum(jnp.where(cols == t, x, 0.0), axis=1, keepdims=True)
    ce = (lse - tgt)[:, 0]
    pt = jnp.exp(-ce)
    focal = _ALPHA * (1.0 - pt) ** _GAMMA * ce
    out_ref[...] = jnp.maximum(focal, 0.0)


def _signed(u):
    return jnp.int32(u - (1 << 32) if u >= (1 << 31) else u)


def _topk_sc_body(f_hbm, out_hbm, vals, keys, hist, tot, allh, accv, sall,
                  outv, decv, shist, sacc, sdec):
    c = lax.axis_index("c")
    s = lax.axis_index("s")

    @pl.when(c == 0)
    def _():
        wid = s
        pltpu.sync_copy(f_hbm.at[pl.ds(wid * _PER, _PER)], vals)

        lanes = lax.broadcasted_iota(jnp.int32, (16,), 0)
        ones16 = jnp.full((16,), 1, jnp.int32)
        zeros16 = jnp.full((16,), 0, jnp.int32)

        prefix = jnp.int32(0)
        krem = jnp.int32(_K)

        for rnd, shift in enumerate((24, 16, 8, 0)):
            bits_above = shift + 8
            himask = (0 if bits_above >= 32
                      else (~((1 << bits_above) - 1)) & 0xFFFFFFFF)
            himask = _signed(himask)

            for zi in range(17):
                hist[pl.ds(zi * 16, 16)] = zeros16

            if rnd == 0:
                def digit_pass(i, _):
                    for u in range(8):
                        sl = pl.ds(i * 128 + u * 16, 16)
                        k16 = lax.bitcast_convert_type(vals[sl], jnp.int32)
                        keys[sl] = k16
                        digit = lax.shift_right_logical(k16, shift) & 255
                        plsc.addupdate_scatter(hist, [digit], ones16)
                    return 0
            else:
                def digit_pass(i, _):
                    for u in range(8):
                        k16 = keys[pl.ds(i * 128 + u * 16, 16)]
                        active = (k16 & himask) == prefix
                        digit = lax.shift_right_logical(k16, shift) & 255
                        slot = jnp.where(active, digit, 256 + lanes)
                        plsc.addupdate_scatter(hist, [slot], ones16)
                    return 0

            lax.fori_loop(0, _CHUNKS // 8, digit_pass, 0)

            pltpu.sync_copy(hist.at[pl.ds(0, 256)],
                            shist.at[rnd, pl.ds(wid * 256, 256)])
            plsc.subcore_barrier()

            @pl.when(wid == 0)
            def _(prefix=prefix, krem=krem):
                pltpu.sync_copy(shist.at[rnd], allh)
                for g in range(16):
                    def gmerge(tw, acc, g=g):
                        return acc + allh[pl.ds(tw * 256 + 16 * g, 16)]

                    tot[pl.ds(16 * g, 16)] = lax.fori_loop(
                        0, 16, gmerge, zeros16)

                def sbody(i, st):
                    cum, cumsel, gsel, rowsel, done = st
                    g = 15 - i
                    row = tot[pl.ds(g * 16, 16)]
                    rowsum = jnp.sum(row)
                    take = jnp.logical_and(jnp.logical_not(done),
                                           cum + rowsum >= krem)
                    cumsel = jnp.where(take, cum, cumsel)
                    gsel = jnp.where(take, g, gsel)
                    rowsel = jnp.where(take, row, rowsel)
                    done = jnp.logical_or(done, take)
                    cum = jnp.where(done, cum, cum + rowsum)
                    return cum, cumsel, gsel, rowsel, done

                init = (jnp.int32(0), jnp.int32(0), jnp.int32(0), zeros16,
                        jnp.bool_(False))
                _, cumsel, gsel, rowsel, _ = lax.fori_loop(0, 16, sbody, init)

                krow = krem - cumsel
                sfx = lax.rev(jnp.cumsum(lax.rev(rowsel, (0,))), (0,))
                mask = sfx >= krow
                pc = plsc.all_reduce_population_count(mask)
                lstar = pc[0] - 1
                sel = lanes == lstar
                cnt_ge = jnp.sum(jnp.where(sel, sfx, 0))
                rowd = jnp.sum(jnp.where(sel, rowsel, 0))
                dstar = gsel * 16 + lstar
                new_prefix = prefix | lax.shift_left(dstar, shift)
                new_krem = krow - (cnt_ge - rowd)
                decv[...] = jnp.where(lanes == 0, new_prefix, new_krem)
                pltpu.sync_copy(decv, sdec.at[rnd])

            plsc.subcore_barrier()
            pltpu.sync_copy(sdec.at[rnd], decv)
            dv = decv[...]
            prefix = dv[0]
            krem = dv[1]

        zf16 = jnp.full((16,), 0.0, jnp.float32)

        def sum_pass(i, acc):
            for u in range(8):
                sl = pl.ds(i * 128 + u * 16, 16)
                acc = acc + jnp.where(keys[sl] > prefix, vals[sl], 0.0)
            return acc

        accv[...] = lax.fori_loop(0, _CHUNKS // 8, sum_pass, zf16)
        pltpu.sync_copy(accv, sacc.at[pl.ds(wid * 16, 16)])
        plsc.subcore_barrier()

        @pl.when(wid == 0)
        def _():
            pltpu.sync_copy(sacc, sall)

            def fmerge(tw, acc):
                return acc + sall[pl.ds(tw * 16, 16)]

            psum = lax.fori_loop(0, 16, fmerge, zf16)
            s_gt = jnp.sum(psum)
            pvec = jnp.full((16,), prefix, jnp.int32)
            tval = lax.bitcast_convert_type(pvec, jnp.float32)
            nf = (jnp.full((16,), krem, jnp.int32)).astype(jnp.float32)
            outv[...] = (s_gt + nf * tval) * (1.0 / _K)
            pltpu.sync_copy(outv, out_hbm)


@functools.partial(
    pl.kernel,
    mesh=plsc.VectorSubcoreMesh(core_axis_name="c", subcore_axis_name="s"),
    out_type=jax.ShapeDtypeStruct((16,), jnp.float32),
    compiler_params=pltpu.CompilerParams(needs_layout_passes=False),
    scratch_types=[
        pltpu.VMEM((_PER,), jnp.float32),
        pltpu.VMEM((_PER,), jnp.int32),
        pltpu.VMEM((272,), jnp.int32),
        pltpu.VMEM((256,), jnp.int32),
        pltpu.VMEM((4096,), jnp.int32),
        pltpu.VMEM((16,), jnp.float32),
        pltpu.VMEM((256,), jnp.float32),
        pltpu.VMEM((16,), jnp.float32),
        pltpu.VMEM((16,), jnp.int32),
        pltpu.VMEM_SHARED((4, 4096), jnp.int32),
        pltpu.VMEM_SHARED((256,), jnp.float32),
        pltpu.VMEM_SHARED((4, 16), jnp.int32),
    ],
)
def _topk_sc(f_hbm, out_hbm, *scratch):
    _topk_sc_body(f_hbm, out_hbm, *scratch)


@jax.jit
def kernel(inputs, targets):
    focal = pl.pallas_call(
        _focal_stage,
        grid=(_GRID,),
        in_specs=[
            pl.BlockSpec((_ROWS, _CLASSES), lambda i: (i, 0)),
            pl.BlockSpec((_ROWS,), lambda i: (i,)),
        ],
        out_specs=pl.BlockSpec((_ROWS,), lambda i: (i,)),
        out_shape=jax.ShapeDtypeStruct((_BATCH,), jnp.float32),
    )(inputs, targets)

    out = _topk_sc(focal)
    return out[0]

# --- scband reference (transcript-rebuilt; emitter-appended) ---
"""Pipeline reference for scband-ohemfocal-loss-69750268887672 (READ-ONLY COPY).

The authoritative reference and input builder live on the scoring server;
editing this copy changes nothing except your own understanding.
"""

import jax, jax.numpy as jnp
import numpy as np

BATCH = 16384
NUM_CLASSES = 1000
RATIO = 0.7
ALPHA = 1.0
GAMMA = 2.0


def setup_inputs(seed: int = 0) -> dict:
    key = jax.random.key(seed)
    k1, k2 = jax.random.split(key)
    inputs = jax.random.normal(k1, (BATCH, NUM_CLASSES), dtype=jnp.float32)
    targets = jax.random.randint(k2, (BATCH,), 0, NUM_CLASSES, dtype=jnp.int32)
    return {"inputs": inputs, "targets": targets}


def reference(inputs, targets):
    # FocalLoss with reduction='none':
    # ce = cross_entropy(inputs, targets, reduction='none')
    log_probs = jax.nn.log_softmax(inputs, axis=-1)
    ce = -jnp.take_along_axis(log_probs, targets[:, None].astype(jnp.int32), axis=1)[:, 0]
    pt = jnp.exp(-ce)
    focal = ALPHA * (1.0 - pt) ** GAMMA * ce
    # OHEM: keep top ratio*N hardest (largest-loss) examples
    num_samples = focal.shape[0]
    num_hard = int(RATIO * num_samples)
    if num_hard == 0:
        num_hard = 1
    hard_loss, _ = jax.lax.top_k(focal, num_hard)
    return hard_loss.mean()

if __name__ == "__main__":
    import jax
    _d = setup_inputs()
    print(jax.jit(kernel)(*tuple(_d.values())))

</pallas_src>

<mosaic_0001>
#map = affine_map<(d0, d1) -> (0)>
module attributes {stable_mosaic.version = 14 : i64} {
  func.func @_topk_sc(%arg0: i32, %arg1: i32, %arg2: memref<16384xf32, #tpu.memory_space<hbm>>, %arg3: memref<16xf32, #tpu.memory_space<hbm>>, %arg4: memref<1024xf32, #tpu.memory_space<vmem>>, %arg5: memref<1024xi32, #tpu.memory_space<vmem>>, %arg6: memref<272xi32, #tpu.memory_space<vmem>>, %arg7: memref<256xi32, #tpu.memory_space<vmem>>, %arg8: memref<4096xi32, #tpu.memory_space<vmem>>, %arg9: memref<16xf32, #tpu.memory_space<vmem>>, %arg10: memref<256xf32, #tpu.memory_space<vmem>>, %arg11: memref<16xf32, #tpu.memory_space<vmem>>, %arg12: memref<16xi32, #tpu.memory_space<vmem>>, %arg13: memref<4x4096xi32, #tpu.memory_space<vmem_shared>>, %arg14: memref<256xf32, #tpu.memory_space<vmem_shared>>, %arg15: memref<4x16xi32, #tpu.memory_space<vmem_shared>>) attributes {dimension_semantics = [#tpu.dimension_semantics<core_parallel>, #tpu.dimension_semantics<subcore_parallel>], iteration_bounds = array<i64: 2, 16>, scalar_prefetch = 0 : i64, scratch_operands = 12 : i64, tpu.core_type = #tpu.core_type<sc_vector_subcore>, window_params = [{transform_indices = #map}, {transform_indices = #map}]} {
    %eq3A = arith.constant 0 : i32
    %eq3A_0 = arith.cmpi eq, %arg0, %eq3A : i32
    %convert_element_type3A = arith.extui %eq3A_0 : i1 to i32
    %cond3A = arith.constant 0 : i32
    %cond3A_1 = arith.cmpi ne, %convert_element_type3A, %cond3A : i32
    scf.if %cond3A_1 {
      %mul3A = arith.constant 1024 : i32
      %mul3A_2 = arith.muli %arg1, %mul3A : i32
      "tpu.region"() ({
        %run_scoped3A_254 = tpu.sem_alloc : memref<!tpu.dma_semaphore, #tpu.memory_space<semaphore_mem>>
        %dma_start3A = tpu.memref_slice %arg2[%mul3A_2] : memref<16384xf32, #tpu.memory_space<hbm>> -> memref<1024xf32, #tpu.memory_space<hbm>>
        %dma_start3A_255 = tpu.memref_slice %arg2[%mul3A_2] : memref<16384xf32, #tpu.memory_space<hbm>> -> memref<1024xf32, #tpu.memory_space<hbm>>
        tpu.enqueue_dma source(%dma_start3A_255 : memref<1024xf32, #tpu.memory_space<hbm>>) target(%arg4 : memref<1024xf32, #tpu.memory_space<vmem>>) target_semaphore(%run_scoped3A_254 : memref<!tpu.dma_semaphore, #tpu.memory_space<semaphore_mem>>)
        %dma_wait3A = tpu.memref_slice %arg2[%mul3A_2] : memref<16384xf32, #tpu.memory_space<hbm>> -> memref<1024xf32, #tpu.memory_space<hbm>>
        %dma_wait3A_256 = tpu.memref_slice %arg2[%mul3A_2] : memref<16384xf32, #tpu.memory_space<hbm>> -> memref<1024xf32, #tpu.memory_space<hbm>>
        tpu.wait_dma2 semaphore(%run_scoped3A_254 : memref<!tpu.dma_semaphore, #tpu.memory_space<semaphore_mem>>) src(%dma_wait3A_256 : memref<1024xf32, #tpu.memory_space<hbm>>) dst(%arg4 : memref<1024xf32, #tpu.memory_space<vmem>>)
        tpu.yield
      }) : () -> ()
      %iota3A = tpu.iota {dimensions = array<i32: 0>} : vector<16xi32>
      %broadcast_in_dim3A = arith.constant 1 : i32
      %broadcast_in_dim3A_3 = vector.broadcast %broadcast_in_dim3A : i32 to vector<16xi32>
      %broadcast_in_dim3A_4 = arith.constant 0 : i32
      %broadcast_in_dim3A_5 = vector.broadcast %broadcast_in_dim3A_4 : i32 to vector<16xi32>
      %swap3A = arith.constant 0 : index
      %swap3A_6 = tpu.vector_load %arg6[%swap3A] {strides = array<i32>} : memref<272xi32, #tpu.memory_space<vmem>>, vector<16xi32>,
      tpu.vector_store %arg6[%swap3A], %broadcast_in_dim3A_5 {strides = array<i32>} : memref<272xi32, #tpu.memory_space<vmem>>, vector<16xi32>,
      %swap3A_7 = arith.constant 16 : index
      %swap3A_8 = tpu.vector_load %arg6[%swap3A_7] {strides = array<i32>} : memref<272xi32, #tpu.memory_space<vmem>>, vector<16xi32>,
      tpu.vector_store %arg6[%swap3A_7], %broadcast_in_dim3A_5 {strides = array<i32>} : memref<272xi32, #tpu.memory_space<vmem>>, vector<16xi32>,
      %swap3A_9 = arith.constant 32 : index
      %swap3A_10 = tpu.vector_load %arg6[%swap3A_9] {strides = array<i32>} : memref<272xi32, #tpu.memory_space<vmem>>, vector<16xi32>,
      tpu.vector_store %arg6[%swap3A_9], %broadcast_in_dim3A_5 {strides = array<i32>} : memref<272xi32, #tpu.memory_space<vmem>>, vector<16xi32>,
      %swap3A_11 = arith.constant 48 : index
      %swap3A_12 = tpu.vector_load %arg6[%swap3A_11] {strides = array<i32>} : memref<272xi32, #tpu.memory_space<vmem>>, vector<16xi32>,
      tpu.vector_store %arg6[%swap3A_11], %broadcast_in_dim3A_5 {strides = array<i32>} : memref<272xi32, #tpu.memory_space<vmem>>, vector<16xi32>,
      %swap3A_13 = arith.constant 64 : index
      %swap3A_14 = tpu.vector_load %arg6[%swap3A_13] {strides = array<i32>} : memref<272xi32, #tpu.memory_space<vmem>>, vector<16xi32>,
      tpu.vector_store %arg6[%swap3A_13], %broadcast_in_dim3A_5 {strides = array<i32>} : memref<272xi32, #tpu.memory_space<vmem>>, vector<16xi32>,
      %swap3A_15 = arith.constant 80 : index
      %swap3A_16 = tpu.vector_load %arg6[%swap3A_15] {strides = array<i32>} : memref<272xi32, #tpu.memory_space<vmem>>, vector<16xi32>,
      tpu.vector_store %arg6[%swap3A_15], %broadcast_in_dim3A_5 {strides = array<i32>} : memref<272xi32, #tpu.memory_space<vmem>>, vector<16xi32>,
      %swap3A_17 = arith.constant 96 : index
      %swap3A_18 = tpu.vector_load %arg6[%swap3A_17] {strides = array<i32>} : memref<272xi32, #tpu.memory_space<vmem>>, vector<16xi32>,
      tpu.vector_store %arg6[%swap3A_17], %broadcast_in_dim3A_5 {strides = array<i32>} : memref<272xi32, #tpu.memory_space<vmem>>, vector<16xi32>,
      %swap3A_19 = arith.constant 112 : index
      %swap3A_20 = tpu.vector_load %arg6[%swap3A_19] {strides = array<i32>} : memref<272xi32, #tpu.memory_space<vmem>>, vector<16xi32>,
      tpu.vector_store %arg6[%swap3A_19], %broadcast_in_dim3A_5 {strides = array<i32>} : memref<272xi32, #tpu.memory_space<vmem>>, vector<16xi32>,
      %swap3A_21 = arith.constant 128 : index
      %swap3A_22 = tpu.vector_load %arg6[%swap3A_21] {strides = array<i32>} : memref<272xi32, #tpu.memory_space<vmem>>, vector<16xi32>,
      tpu.vector_store %arg6[%swap3A_21], %broadcast_in_dim3A_5 {strides = array<i32>} : memref<272xi32, #tpu.memory_space<vmem>>, vector<16xi32>,
      %swap3A_23 = arith.constant 144 : index
      %swap3A_24 = tpu.vector_load %arg6[%swap3A_23] {strides = array<i32>} : memref<272xi32, #tpu.memory_space<vmem>>, vector<16xi32>,
      tpu.vector_store %arg6[%swap3A_23], %broadcast_in_dim3A_5 {strides = array<i32>} : memref<272xi32, #tpu.memory_space<vmem>>, vector<16xi32>,
      %swap3A_25 = arith.constant 160 : index
      %swap3A_26 = tpu.vector_load %arg6[%swap3A_25] {strides = array<i32>} : memref<272xi32, #tpu.memory_space<vmem>>, vector<16xi32>,
      tpu.vector_store %arg6[%swap3A_25], %broadcast_in_dim3A_5 {strides = array<i32>} : memref<272xi32, #tpu.memory_space<vmem>>, vector<16xi32>,
      %swap3A_27 = arith.constant 176 : index
      %swap3A_28 = tpu.vector_load %arg6[%swap3A_27] {strides = array<i32>} : memref<272xi32, #tpu.memory_space<vmem>>, vector<16xi32>,
      tpu.vector_store %arg6[%swap3A_27], %broadcast_in_dim3A_5 {strides = array<i32>} : memref<272xi32, #tpu.memory_space<vmem>>, vector<16xi32>,
      %swap3A_29 = arith.constant 192 : index
      %swap3A_30 = tpu.vector_load %arg6[%swap3A_29] {strides = array<i32>} : memref<272xi32, #tpu.memory_space<vmem>>, vector<16xi32>,
      tpu.vector_store %arg6[%swap3A_29], %broadcast_in_dim3A_5 {strides = array<i32>} : memref<272xi32, #tpu.memory_space<vmem>>, vector<16xi32>,
      %swap3A_31 = arith.constant 208 : index
      %swap3A_32 = tpu.vector_load %arg6[%swap3A_31] {strides = array<i32>} : memref<272xi32, #tpu.memory_space<vmem>>, vector<16xi32>,
      tpu.vector_store %arg6[%swap3A_31], %broadcast_in_dim3A_5 {strides = array<i32>} : memref<272xi32, #tpu.memory_space<vmem>>, vector<16xi32>,
      %swap3A_33 = arith.constant 224 : index
      %swap3A_34 = tpu.vector_load %arg6[%swap3A_33] {strides = array<i32>} : memref<272xi32, #tpu.memory_space<vmem>>, vector<16xi32>,
      tpu.vector_store %arg6[%swap3A_33], %broadcast_in_dim3A_5 {strides = array<i32>} : memref<272xi32, #tpu.memory_space<vmem>>, vector<16xi32>,
      %swap3A_35 = arith.constant 240 : index
      %swap3A_36 = tpu.vector_load %arg6[%swap3A_35] {strides = array<i32>} : memref<272xi32, #tpu.memory_space<vmem>>, vector<16xi32>,
      tpu.vector_store %arg6[%swap3A_35], %broadcast_in_dim3A_5 {strides = array<i32>} : memref<272xi32, #tpu.memory_space<vmem>>, vector<16xi32>,
      %swap3A_37 = arith.constant 256 : index
      %swap3A_38 = tpu.vector_load %arg6[%swap3A_37] {strides = array<i32>} : memref<272xi32, #tpu.memory_space<vmem>>, vector<16xi32>,
      tpu.vector_store %arg6[%swap3A_37], %broadcast_in_dim3A_5 {strides = array<i32>} : memref<272xi32, #tpu.memory_space<vmem>>, vector<16xi32>,
      %scan3A = arith.constant 0 : i32
      %scan3A_39 = arith.constant 0 : i32
      %scan3A_40 = arith.constant 8 : i32
      %scan3A_41 = arith.addi %scan3A_39, %scan3A_40 : i32
      %scan3A_42 = arith.constant 1 : i32
      %scan3A_43 = scf.for %scan3A_254 = %scan3A_39 to %scan3A_41 step %scan3A_42 iter_args(%scan3A_255 = %scan3A) -> (i32)  : i32 {
        %mul3A_256 = arith.constant 128 : i32
        %mul3A_257 = arith.muli %scan3A_254, %mul3A_256 : i32
        %add3A = arith.constant 0 : i32
        %add3A_258 = arith.addi %mul3A_257, %add3A : i32
        %get3A_259 = arith.index_cast %add3A_258 : i32 to index
        %get3A_260 = tpu.vector_load %arg4[%get3A_259] {strides = array<i32>} : memref<1024xf32, #tpu.memory_space<vmem>>, vector<16xf32>,
        %bitcast_convert_type3A = tpu.bitcast %get3A_260 : vector<16xf32> -> vector<16xi32>
        %swap3A_261 = arith.index_cast %add3A_258 : i32 to index
        %swap3A_262 = tpu.vector_load %arg5[%swap3A_261] {strides = array<i32>} : memref<1024xi32, #tpu.memory_space<vmem>>, vector<16xi32>,
        tpu.vector_store %arg5[%swap3A_261], %bitcast_convert_type3A {strides = array<i32>} : memref<1024xi32, #tpu.memory_space<vmem>>, vector<16xi32>,
        %shift_right_logical3A = arith.constant 24 : i32
        %shift_right_logical3A_263 = vector.broadcast %shift_right_logical3A : i32 to vector<16xi32>
        %shift_right_logical3A_264 = arith.shrui %bitcast_convert_type3A, %shift_right_logical3A_263 : vector<16xi32>
        %and3A = arith.constant 255 : i32
        %and3A_265 = vector.broadcast %and3A : i32 to vector<16xi32>
        %and3A_266 = arith.andi %shift_right_logical3A_264, %and3A_265 : vector<16xi32>
        tpu.vector_store_idx %arg6[%and3A_266], %broadcast_in_dim3A_3 {add = true} : memref<272xi32, #tpu.memory_space<vmem>>[vector<16xi32>], vector<16xi32>,
        %mul3A_267 = arith.constant 128 : i32
        %mul3A_268 = arith.muli %scan3A_254, %mul3A_267 : i32
        %add3A_269 = arith.constant 16 : i32
        %add3A_270 = arith.addi %mul3A_268, %add3A_269 : i32
        %get3A_271 = arith.index_cast %add3A_270 : i32 to index
        %get3A_272 = tpu.vector_load %arg4[%get3A_271] {strides = array<i32>} : memref<1024xf32, #tpu.memory_space<vmem>>, vector<16xf32>,
        %bitcast_convert_type3A_273 = tpu.bitcast %get3A_272 : vector<16xf32> -> vector<16xi32>
        %swap3A_274 = arith.index_cast %add3A_270 : i32 to index
        %swap3A_275 = tpu.vector_load %arg5[%swap3A_274] {strides = array<i32>} : memref<1024xi32, #tpu.memory_space<vmem>>, vector<16xi32>,
        tpu.vector_store %arg5[%swap3A_274], %bitcast_convert_type3A_273 {strides = array<i32>} : memref<1024xi32, #tpu.memory_space<vmem>>, vector<16xi32>,
        %shift_right_logical3A_276 = arith.constant 24 : i32
        %shift_right_logical3A_277 = vector.broadcast %shift_right_logical3A_276 : i32 to vector<16xi32>
        %shift_right_logical3A_278 = arith.shrui %bitcast_convert_type3A_273, %shift_right_logical3A_277 : vector<16xi32>
        %and3A_279 = arith.constant 255 : i32
        %and3A_280 = vector.broadcast %and3A_279 : i32 to vector<16xi32>
        %and3A_281 = arith.andi %shift_right_logical3A_278, %and3A_280 : vector<16xi32>
        tpu.vector_store_idx %arg6[%and3A_281], %broadcast_in_dim3A_3 {add = true} : memref<272xi32, #tpu.memory_space<vmem>>[vector<16xi32>], vector<16xi32>,
        %mul3A_282 = arith.constant 128 : i32
        %mul3A_283 = arith.muli %scan3A_254, %mul3A_282 : i32
        %add3A_284 = arith.constant 32 : i32
        %add3A_285 = arith.addi %mul3A_283, %add3A_284 : i32
        %get3A_286 = arith.index_cast %add3A_285 : i32 to index
        %get3A_287 = tpu.vector_load %arg4[%get3A_286] {strides = array<i32>} : memref<1024xf32, #tpu.memory_space<vmem>>, vector<16xf32>,
        %bitcast_convert_type3A_288 = tpu.bitcast %get3A_287 : vector<16xf32> -> vector<16xi32>
        %swap3A_289 = arith.index_cast %add3A_285 : i32 to index
        %swap3A_290 = tpu.vector_load %arg5[%swap3A_289] {strides = array<i32>} : memref<1024xi32, #tpu.memory_space<vmem>>, vector<16xi32>,
        tpu.vector_store %arg5[%swap3A_289], %bitcast_convert_type3A_288 {strides = array<i32>} : memref<1024xi32, #tpu.memory_space<vmem>>, vector<16xi32>,
        %shift_right_logical3A_291 = arith.constant 24 : i32
        %shift_right_logical3A_292 = vector.broadcast %shift_right_logical3A_291 : i32 to vector<16xi32>
        %shift_right_logical3A_293 = arith.shrui %bitcast_convert_type3A_288, %shift_right_logical3A_292 : vector<16xi32>
        %and3A_294 = arith.constant 255 : i32
        %and3A_295 = vector.broadcast %and3A_294 : i32 to vector<16xi32>
        %and3A_296 = arith.andi %shift_right_logical3A_293, %and3A_295 : vector<16xi32>
        tpu.vector_store_idx %arg6[%and3A_296], %broadcast_in_dim3A_3 {add = true} : memref<272xi32, #tpu.memory_space<vmem>>[vector<16xi32>], vector<16xi32>,
        %mul3A_297 = arith.constant 128 : i32
        %mul3A_298 = arith.muli %scan3A_254, %mul3A_297 : i32
        %add3A_299 = arith.constant 48 : i32
        %add3A_300 = arith.addi %mul3A_298, %add3A_299 : i32
        %get3A_301 = arith.index_cast %add3A_300 : i32 to index
        %get3A_302 = tpu.vector_load %arg4[%get3A_301] {strides = array<i32>} : memref<1024xf32, #tpu.memory_space<vmem>>, vector<16xf32>,
        %bitcast_convert_type3A_303 = tpu.bitcast %get3A_302 : vector<16xf32> -> vector<16xi32>
        %swap3A_304 = arith.index_cast %add3A_300 : i32 to index
        %swap3A_305 = tpu.vector_load %arg5[%swap3A_304] {strides = array<i32>} : memref<1024xi32, #tpu.memory_space<vmem>>, vector<16xi32>,
        tpu.vector_store %arg5[%swap3A_304], %bitcast_convert_type3A_303 {strides = array<i32>} : memref<1024xi32, #tpu.memory_space<vmem>>, vector<16xi32>,
        %shift_right_logical3A_306 = arith.constant 24 : i32
        %shift_right_logical3A_307 = vector.broadcast %shift_right_logical3A_306 : i32 to vector<16xi32>
        %shift_right_logical3A_308 = arith.shrui %bitcast_convert_type3A_303, %shift_right_logical3A_307 : vector<16xi32>
        %and3A_309 = arith.constant 255 : i32
        %and3A_310 = vector.broadcast %and3A_309 : i32 to vector<16xi32>
        %and3A_311 = arith.andi %shift_right_logical3A_308, %and3A_310 : vector<16xi32>
        tpu.vector_store_idx %arg6[%and3A_311], %broadcast_in_dim3A_3 {add = true} : memref<272xi32, #tpu.memory_space<vmem>>[vector<16xi32>], vector<16xi32>,
        %mul3A_312 = arith.constant 128 : i32
        %mul3A_313 = arith.muli %scan3A_254, %mul3A_312 : i32
        %add3A_314 = arith.constant 64 : i32
        %add3A_315 = arith.addi %mul3A_313, %add3A_314 : i32
        %get3A_316 = arith.index_cast %add3A_315 : i32 to index
        %get3A_317 = tpu.vector_load %arg4[%get3A_316] {strides = array<i32>} : memref<1024xf32, #tpu.memory_space<vmem>>, vector<16xf32>,
        %bitcast_convert_type3A_318 = tpu.bitcast %get3A_317 : vector<16xf32> -> vector<16xi32>
        %swap3A_319 = arith.index_cast %add3A_315 : i32 to index
        %swap3A_320 = tpu.vector_load %arg5[%swap3A_319] {strides = array<i32>} : memref<1024xi32, #tpu.memory_space<vmem>>, vector<16xi32>,
        tpu.vector_store %arg5[%swap3A_319], %bitcast_convert_type3A_318 {strides = array<i32>} : memref<1024xi32, #tpu.memory_space<vmem>>, vector<16xi32>,
        %shift_right_logical3A_321 = arith.constant 24 : i32
        %shift_right_logical3A_322 = vector.broadcast %shift_right_logical3A_321 : i32 to vector<16xi32>
        %shift_right_logical3A_323 = arith.shrui %bitcast_convert_type3A_318, %shift_right_logical3A_322 : vector<16xi32>
        %and3A_324 = arith.constant 255 : i32
        %and3A_325 = vector.broadcast %and3A_324 : i32 to vector<16xi32>
        %and3A_326 = arith.andi %shift_right_logical3A_323, %and3A_325 : vector<16xi32>
        tpu.vector_store_idx %arg6[%and3A_326], %broadcast_in_dim3A_3 {add = true} : memref<272xi32, #tpu.memory_space<vmem>>[vector<16xi32>], vector<16xi32>,
        %mul3A_327 = arith.constant 128 : i32
        %mul3A_328 = arith.muli %scan3A_254, %mul3A_327 : i32
        %add3A_329 = arith.constant 80 : i32
        %add3A_330 = arith.addi %mul3A_328, %add3A_329 : i32
        %get3A_331 = arith.index_cast %add3A_330 : i32 to index
        %get3A_332 = tpu.vector_load %arg4[%get3A_331] {strides = array<i32>} : memref<1024xf32, #tpu.memory_space<vmem>>, vector<16xf32>,
        %bitcast_convert_type3A_333 = tpu.bitcast %get3A_332 : vector<16xf32> -> vector<16xi32>
        %swap3A_334 = arith.index_cast %add3A_330 : i32 to index
        %swap3A_335 = tpu.vector_load %arg5[%swap3A_334] {strides = array<i32>} : memref<1024xi32, #tpu.memory_space<vmem>>, vector<16xi32>,
        tpu.vector_store %arg5[%swap3A_334], %bitcast_convert_type3A_333 {strides = array<i32>} : memref<1024xi32, #tpu.memory_space<vmem>>, vector<16xi32>,
        %shift_right_logical3A_336 = arith.constant 24 : i32
        %shift_right_logical3A_337 = vector.broadcast %shift_right_logical3A_336 : i32 to vector<16xi32>
        %shift_right_logical3A_338 = arith.shrui %bitcast_convert_type3A_333, %shift_right_logical3A_337 : vector<16xi32>
        %and3A_339 = arith.constant 255 : i32
        %and3A_340 = vector.broadcast %and3A_339 : i32 to vector<16xi32>
        %and3A_341 = arith.andi %shift_right_logical3A_338, %and3A_340 : vector<16xi32>
        tpu.vector_store_idx %arg6[%and3A_341], %broadcast_in_dim3A_3 {add = true} : memref<272xi32, #tpu.memory_space<vmem>>[vector<16xi32>], vector<16xi32>,
        %mul3A_342 = arith.constant 128 : i32
        %mul3A_343 = arith.muli %scan3A_254, %mul3A_342 : i32
        %add3A_344 = arith.constant 96 : i32
        %add3A_345 = arith.addi %mul3A_343, %add3A_344 : i32
        %get3A_346 = arith.index_cast %add3A_345 : i32 to index
        %get3A_347 = tpu.vector_load %arg4[%get3A_346] {strides = array<i32>} : memref<1024xf32, #tpu.memory_space<vmem>>, vector<16xf32>,
        %bitcast_convert_type3A_348 = tpu.bitcast %get3A_347 : vector<16xf32> -> vector<16xi32>
        %swap3A_349 = arith.index_cast %add3A_345 : i32 to index
        %swap3A_350 = tpu.vector_load %arg5[%swap3A_349] {strides = array<i32>} : memref<1024xi32, #tpu.memory_space<vmem>>, vector<16xi32>,
        tpu.vector_store %arg5[%swap3A_349], %bitcast_convert_type3A_348 {strides = array<i32>} : memref<1024xi32, #tpu.memory_space<vmem>>, vector<16xi32>,
        %shift_right_logical3A_351 = arith.constant 24 : i32
        %shift_right_logical3A_352 = vector.broadcast %shift_right_logical3A_351 : i32 to vector<16xi32>
        %shift_right_logical3A_353 = arith.shrui %bitcast_convert_type3A_348, %shift_right_logical3A_352 : vector<16xi32>
        %and3A_354 = arith.constant 255 : i32
        %and3A_355 = vector.broadcast %and3A_354 : i32 to vector<16xi32>
        %and3A_356 = arith.andi %shift_right_logical3A_353, %and3A_355 : vector<16xi32>
        tpu.vector_store_idx %arg6[%and3A_356], %broadcast_in_dim3A_3 {add = true} : memref<272xi32, #tpu.memory_space<vmem>>[vector<16xi32>], vector<16xi32>,
        %mul3A_357 = arith.constant 128 : i32
        %mul3A_358 = arith.muli %scan3A_254, %mul3A_357 : i32
        %add3A_359 = arith.constant 112 : i32
        %add3A_360 = arith.addi %mul3A_358, %add3A_359 : i32
        %get3A_361 = arith.index_cast %add3A_360 : i32 to index
        %get3A_362 = tpu.vector_load %arg4[%get3A_361] {strides = array<i32>} : memref<1024xf32, #tpu.memory_space<vmem>>, vector<16xf32>,
        %bitcast_convert_type3A_363 = tpu.bitcast %get3A_362 : vector<16xf32> -> vector<16xi32>
        %swap3A_364 = arith.index_cast %add3A_360 : i32 to index
        %swap3A_365 = tpu.vector_load %arg5[%swap3A_364] {strides = array<i32>} : memref<1024xi32, #tpu.memory_space<vmem>>, vector<16xi32>,
        tpu.vector_store %arg5[%swap3A_364], %bitcast_convert_type3A_363 {strides = array<i32>} : memref<1024xi32, #tpu.memory_space<vmem>>, vector<16xi32>,
        %shift_right_logical3A_366 = arith.constant 24 : i32
        %shift_right_logical3A_367 = vector.broadcast %shift_right_logical3A_366 : i32 to vector<16xi32>
        %shift_right_logical3A_368 = arith.shrui %bitcast_convert_type3A_363, %shift_right_logical3A_367 : vector<16xi32>
        %and3A_369 = arith.constant 255 : i32
        %and3A_370 = vector.broadcast %and3A_369 : i32 to vector<16xi32>
        %and3A_371 = arith.andi %shift_right_logical3A_368, %and3A_370 : vector<16xi32>
        tpu.vector_store_idx %arg6[%and3A_371], %broadcast_in_dim3A_3 {add = true} : memref<272xi32, #tpu.memory_space<vmem>>[vector<16xi32>], vector<16xi32>,
        %scan3A_372 = arith.constant 0 : i32
        scf.yield %scan3A_372 : i32
      }
      %scan3A_44 = arith.constant 8 : i32
      %mul3A_45 = arith.constant 256 : i32
      %mul3A_46 = arith.muli %arg1, %mul3A_45 : i32
      %run_scoped3A = arith.constant 0 : i32
      "tpu.region"() ({
        %run_scoped3A_254 = tpu.sem_alloc : memref<!tpu.dma_semaphore, #tpu.memory_space<semaphore_mem>>
        %dma_start3A = arith.constant 0 : i32
        %dma_start3A_255 = tpu.memref_slice %arg6[%dma_start3A] : memref<272xi32, #tpu.memory_space<vmem>> -> memref<256xi32, #tpu.memory_space<vmem>>
        %dma_start3A_256 = tpu.memref_slice %arg13[%run_scoped3A, %mul3A_46] : memref<4x4096xi32, #tpu.memory_space<vmem_shared>> -> memref<1x256xi32, #tpu.memory_space<vmem_shared>>
        %dma_start3A_257 = tpu.memref_squeeze %dma_start3A_256 : memref<1x256xi32, #tpu.memory_space<vmem_shared>> -> memref<256xi32, #tpu.memory_space<vmem_shared>>
        %dma_start3A_258 = tpu.memref_slice %arg13[%run_scoped3A, %mul3A_46] : memref<4x4096xi32, #tpu.memory_space<vmem_shared>> -> memref<1x256xi32, #tpu.memory_space<vmem_shared>>
        %dma_start3A_259 = tpu.memref_squeeze %dma_start3A_258 : memref<1x256xi32, #tpu.memory_space<vmem_shared>> -> memref<256xi32, #tpu.memory_space<vmem_shared>>
        %dma_start3A_260 = arith.constant 0 : i32
        %dma_start3A_261 = tpu.memref_slice %arg6[%dma_start3A_260] : memref<272xi32, #tpu.memory_space<vmem>> -> memref<256xi32, #tpu.memory_space<vmem>>
        tpu.enqueue_dma source(%dma_start3A_261 : memref<256xi32, #tpu.memory_space<vmem>>) target(%dma_start3A_259 : memref<256xi32, #tpu.memory_space<vmem_shared>>) target_semaphore(%run_scoped3A_254 : memref<!tpu.dma_semaphore, #tpu.memory_space<semaphore_mem>>)
        %dma_wait3A = arith.constant 0 : i32
        %dma_wait3A_262 = tpu.memref_slice %arg6[%dma_wait3A] : memref<272xi32, #tpu.memory_space<vmem>> -> memref<256xi32, #tpu.memory_space<vmem>>
        %dma_wait3A_263 = tpu.memref_slice %arg13[%run_scoped3A, %mul3A_46] : memref<4x4096xi32, #tpu.memory_space<vmem_shared>> -> memref<1x256xi32, #tpu.memory_space<vmem_shared>>
        %dma_wait3A_264 = tpu.memref_squeeze %dma_wait3A_263 : memref<1x256xi32, #tpu.memory_space<vmem_shared>> -> memref<256xi32, #tpu.memory_space<vmem_shared>>
        %dma_wait3A_265 = tpu.memref_slice %arg13[%run_scoped3A, %mul3A_46] : memref<4x4096xi32, #tpu.memory_space<vmem_shared>> -> memref<1x256xi32, #tpu.memory_space<vmem_shared>>
        %dma_wait3A_266 = tpu.memref_squeeze %dma_wait3A_265 : memref<1x256xi32, #tpu.memory_space<vmem_shared>> -> memref<256xi32, #tpu.memory_space<vmem_shared>>
        %dma_wait3A_267 = arith.constant 0 : i32
        %dma_wait3A_268 = tpu.memref_slice %arg6[%dma_wait3A_267] : memref<272xi32, #tpu.memory_space<vmem>> -> memref<256xi32, #tpu.memory_space<vmem>>
        tpu.wait_dma2 semaphore(%run_scoped3A_254 : memref<!tpu.dma_semaphore, #tpu.memory_space<semaphore_mem>>) src(%dma_wait3A_268 : memref<256xi32, #tpu.memory_space<vmem>>) dst(%dma_wait3A_266 : memref<256xi32, #tpu.memory_space<vmem_shared>>)
        tpu.yield
      }) : () -> ()
      %barrier3A = arith.constant 0 : index
      tpu.barrier barrier_id(%barrier3A)
      %eq3A_47 = arith.constant 0 : i32
      %eq3A_48 = arith.cmpi eq, %arg1, %eq3A_47 : i32
      %convert_element_type3A_49 = arith.extui %eq3A_48 : i1 to i32
      %cond3A_50 = arith.constant 11468 : i32
      %cond3A_51 = arith.constant 0 : i32
      %cond3A_52 = arith.constant 0 : i32
      %cond3A_53 = arith.cmpi ne, %convert_element_type3A_49, %cond3A_52 : i32
      scf.if %cond3A_53 {
        %run_scoped3A_254 = arith.constant 0 : i32
        "tpu.region"() ({
          %run_scoped3A_436 = tpu.sem_alloc : memref<!tpu.dma_semaphore, #tpu.memory_space<semaphore_mem>>
          %dma_start3A = arith.constant 0 : i32
          %dma_start3A_437 = tpu.memref_slice %arg13[%run_scoped3A_254, %dma_start3A] : memref<4x4096xi32, #tpu.memory_space<vmem_shared>> -> memref<1x4096xi32, #tpu.memory_space<vmem_shared>>
          %dma_start3A_438 = tpu.memref_squeeze %dma_start3A_437 : memref<1x4096xi32, #tpu.memory_space<vmem_shared>> -> memref<4096xi32, #tpu.memory_space<vmem_shared>>
          %dma_start3A_439 = arith.constant 0 : i32
          %dma_start3A_440 = tpu.memref_slice %arg13[%run_scoped3A_254, %dma_start3A_439] : memref<4x4096xi32, #tpu.memory_space<vmem_shared>> -> memref<1x4096xi32, #tpu.memory_space<vmem_shared>>
          %dma_start3A_441 = tpu.memref_squeeze %dma_start3A_440 : memref<1x4096xi32, #tpu.memory_space<vmem_shared>> -> memref<4096xi32, #tpu.memory_space<vmem_shared>>
          tpu.enqueue_dma source(%dma_start3A_441 : memref<4096xi32, #tpu.memory_space<vmem_shared>>) target(%arg8 : memref<4096xi32, #tpu.memory_space<vmem>>) target_semaphore(%run_scoped3A_436 : memref<!tpu.dma_semaphore, #tpu.memory_space<semaphore_mem>>)
          %dma_wait3A = arith.constant 0 : i32
          %dma_wait3A_442 = tpu.memref_slice %arg13[%run_scoped3A_254, %dma_wait3A] : memref<4x4096xi32, #tpu.memory_space<vmem_shared>> -> memref<1x4096xi32, #tpu.memory_space<vmem_shared>>
          %dma_wait3A_443 = tpu.memref_squeeze %dma_wait3A_442 : memref<1x4096xi32, #tpu.memory_space<vmem_shared>> -> memref<4096xi32, #tpu.memory_space<vmem_shared>>
          %dma_wait3A_444 = arith.constant 0 : i32
          %dma_wait3A_445 = tpu.memref_slice %arg13[%run_scoped3A_254, %dma_wait3A_444] : memref<4x4096xi32, #tpu.memory_space<vmem_shared>> -> memref<1x4096xi32, #tpu.memory_space<vmem_shared>>
          %dma_wait3A_446 = tpu.memref_squeeze %dma_wait3A_445 : memref<1x4096xi32, #tpu.memory_space<vmem_shared>> -> memref<4096xi32, #tpu.memory_space<vmem_shared>>
          tpu.wait_dma2 semaphore(%run_scoped3A_436 : memref<!tpu.dma_semaphore, #tpu.memory_space<semaphore_mem>>) src(%dma_wait3A_446 : memref<4096xi32, #tpu.memory_space<vmem_shared>>) dst(%arg8 : memref<4096xi32, #tpu.memory_space<vmem>>)
          tpu.yield
        }) : () -> ()
        %scan3A_255 = arith.constant 0 : i32
        %scan3A_256 = arith.constant 16 : i32
        %scan3A_257 = arith.addi %scan3A_255, %scan3A_256 : i32
        %scan3A_258 = arith.constant 1 : i32
        %scan3A_259 = scf.for %scan3A_436 = %scan3A_255 to %scan3A_257 step %scan3A_258 iter_args(%scan3A_437 = %broadcast_in_dim3A_5) -> (vector<16xi32>)  : i32 {
          %mul3A_438 = arith.constant 256 : i32
          %mul3A_439 = arith.muli %scan3A_436, %mul3A_438 : i32
          %add3A_440 = arith.constant 0 : i32
          %add3A_441 = arith.addi %mul3A_439, %add3A_440 : i32
          %get3A_442 = arith.index_cast %add3A_441 : i32 to index
          %get3A_443 = tpu.vector_load %arg8[%get3A_442] {strides = array<i32>} : memref<4096xi32, #tpu.memory_space<vmem>>, vector<16xi32>,
          %add3A_444 = arith.addi %scan3A_437, %get3A_443 : vector<16xi32>
          scf.yield %add3A_444 : vector<16xi32>
        }
        %scan3A_260 = arith.constant 16 : i32
        %swap3A_261 = arith.constant 0 : index
        %swap3A_262 = tpu.vector_load %arg7[%swap3A_261] {strides = array<i32>} : memref<256xi32, #tpu.memory_space<vmem>>, vector<16xi32>,
        tpu.vector_store %arg7[%swap3A_261], %scan3A_259 {strides = array<i32>} : memref<256xi32, #tpu.memory_space<vmem>>, vector<16xi32>,
        %scan3A_263 = arith.constant 0 : i32
        %scan3A_264 = arith.constant 16 : i32
        %scan3A_265 = arith.addi %scan3A_263, %scan3A_264 : i32
        %scan3A_266 = arith.constant 1 : i32
        %scan3A_267 = scf.for %scan3A_436 = %scan3A_263 to %scan3A_265 step %scan3A_266 iter_args(%scan3A_437 = %broadcast_in_dim3A_5) -> (vector<16xi32>)  : i32 {
          %mul3A_438 = arith.constant 256 : i32
          %mul3A_439 = arith.muli %scan3A_436, %mul3A_438 : i32
          %add3A_440 = arith.constant 16 : i32
          %add3A_441 = arith.addi %mul3A_439, %add3A_440 : i32
          %get3A_442 = arith.index_cast %add3A_441 : i32 to index
          %get3A_443 = tpu.vector_load %arg8[%get3A_442] {strides = array<i32>} : memref<4096xi32, #tpu.memory_space<vmem>>, vector<16xi32>,
          %add3A_444 = arith.addi %scan3A_437, %get3A_443 : vector<16xi32>
          scf.yield %add3A_444 : vector<16xi32>
        }
        %scan3A_268 = arith.constant 16 : i32
        %swap3A_269 = arith.constant 16 : index
        %swap3A_270 = tpu.vector_load %arg7[%swap3A_269] {strides = array<i32>} : memref<256xi32, #tpu.memory_space<vmem>>, vector<16xi32>,
        tpu.vector_store %arg7[%swap3A_269], %scan3A_267 {strides = array<i32>} : memref<256xi32, #tpu.memory_space<vmem>>, vector<16xi32>,
        %scan3A_271 = arith.constant 0 : i32
        %scan3A_272 = arith.constant 16 : i32
        %scan3A_273 = arith.addi %scan3A_271, %scan3A_272 : i32
        %scan3A_274 = arith.constant 1 : i32
        %scan3A_275 = scf.for %scan3A_436 = %scan3A_271 to %scan3A_273 step %scan3A_274 iter_args(%scan3A_437 = %broadcast_in_dim3A_5) -> (vector<16xi32>)  : i32 {
          %mul3A_438 = arith.constant 256 : i32
          %mul3A_439 = arith.muli %scan3A_436, %mul3A_438 : i32
          %add3A_440 = arith.constant 32 : i32
          %add3A_441 = arith.addi %mul3A_439, %add3A_440 : i32
          %get3A_442 = arith.index_cast %add3A_441 : i32 to index
          %get3A_443 = tpu.vector_load %arg8[%get3A_442] {strides = array<i32>} : memref<4096xi32, #tpu.memory_space<vmem>>, vector<16xi32>,
          %add3A_444 = arith.addi %scan3A_437, %get3A_443 : vector<16xi32>
          scf.yield %add3A_444 : vector<16xi32>
        }
        %scan3A_276 = arith.constant 16 : i32
        %swap3A_277 = arith.constant 32 : index
        %swap3A_278 = tpu.vector_load %arg7[%swap3A_277] {strides = array<i32>} : memref<256xi32, #tpu.memory_space<vmem>>, vector<16xi32>,
        tpu.vector_store %arg7[%swap3A_277], %scan3A_275 {strides = array<i32>} : memref<256xi32, #tpu.memory_space<vmem>>, vector<16xi32>,
        %scan3A_279 = arith.constant 0 : i32
        %scan3A_280 = arith.constant 16 : i32
        %scan3A_281 = arith.addi %scan3A_279, %scan3A_280 : i32
        %scan3A_282 = arith.constant 1 : i32
        %scan3A_283 = scf.for %scan3A_436 = %scan3A_279 to %scan3A_281 step %scan3A_282 iter_args(%scan3A_437 = %broadcast_in_dim3A_5) -> (vector<16xi32>)  : i32 {
          %mul3A_438 = arith.constant 256 : i32
          %mul3A_439 = arith.muli %scan3A_436, %mul3A_438 : i32
          %add3A_440 = arith.constant 48 : i32
          %add3A_441 = arith.addi %mul3A_439, %add3A_440 : i32
          %get3A_442 = arith.index_cast %add3A_441 : i32 to index
          %get3A_443 = tpu.vector_load %arg8[%get3A_442] {strides = array<i32>} : memref<4096xi32, #tpu.memory_space<vmem>>, vector<16xi32>,
          %add3A_444 = arith.addi %scan3A_437, %get3A_443 : vector<16xi32>
          scf.yield %add3A_444 : vector<16xi32>
        }
        %scan3A_284 = arith.constant 16 : i32
        %swap3A_285 = arith.constant 48 : index
        %swap3A_286 = tpu.vector_load %arg7[%swap3A_285] {strides = array<i32>} : memref<256xi32, #tpu.memory_space<vmem>>, vector<16xi32>,
        tpu.vector_store %arg7[%swap3A_285], %scan3A_283 {strides = array<i32>} : memref<256xi32, #tpu.memory_space<vmem>>, vector<16xi32>,
        %scan3A_287 = arith.constant 0 : i32
        %scan3A_288 = arith.constant 16 : i32
        %scan3A_289 = arith.addi %scan3A_287, %scan3A_288 : i32
        %scan3A_290 = arith.constant 1 : i32
        %scan3A_291 = scf.for %scan3A_436 = %scan3A_287 to %scan3A_289 step %scan3A_290 iter_args(%scan3A_437 = %broadcast_in_dim3A_5) -> (vector<16xi32>)  : i32 {
          %mul3A_438 = arith.constant 256 : i32
          %mul3A_439 = arith.muli %scan3A_436, %mul3A_438 : i32
          %add3A_440 = arith.constant 64 : i32
          %add3A_441 = arith.addi %mul3A_439, %add3A_440 : i32
          %get3A_442 = arith.index_cast %add3A_441 : i32 to index
          %get3A_443 = tpu.vector_load %arg8[%get3A_442] {strides = array<i32>} : memref<4096xi32, #tpu.memory_space<vmem>>, vector<16xi32>,
          %add3A_444 = arith.addi %scan3A_437, %get3A_443 : vector<16xi32>
          scf.yield %add3A_444 : vector<16xi32>
        }
        %scan3A_292 = arith.constant 16 : i32
        %swap3A_293 = arith.constant 64 : index
        %swap3A_294 = tpu.vector_load %arg7[%swap3A_293] {strides = array<i32>} : memref<256xi32, #tpu.memory_space<vmem>>, vector<16xi32>,
        tpu.vector_store %arg7[%swap3A_293], %scan3A_291 {strides = array<i32>} : memref<256xi32, #tpu.memory_space<vmem>>, vector<16xi32>,
        %scan3A_295 = arith.constant 0 : i32
        %scan3A_296 = arith.constant 16 : i32
        %scan3A_297 = arith.addi %scan3A_295, %scan3A_296 : i32
        %scan3A_298 = arith.constant 1 : i32
        %scan3A_299 = scf.for %scan3A_436 = %scan3A_295 to %scan3A_297 step %scan3A_298 iter_args(%scan3A_437 = %broadcast_in_dim3A_5) -> (vector<16xi32>)  : i32 {
          %mul3A_438 = arith.constant 256 : i32
          %mul3A_439 = arith.muli %scan3A_436, %mul3A_438 : i32
          %add3A_440 = arith.constant 80 : i32
          %add3A_441 = arith.addi %mul3A_439, %add3A_440 : i32
          %get3A_442 = arith.index_cast %add3A_441 : i32 to index
          %get3A_443 = tpu.vector_load %arg8[%get3A_442] {strides = array<i32>} : memref<4096xi32, #tpu.memory_space<vmem>>, vector<16xi32>,
          %add3A_444 = arith.addi %scan3A_437, %get3A_443 : vector<16xi32>
          scf.yield %add3A_444 : vector<16xi32>
        }
        %scan3A_300 = arith.constant 16 : i32
        %swap3A_301 = arith.constant 80 : index
        %swap3A_302 = tpu.vector_load %arg7[%swap3A_301] {strides = array<i32>} : memref<256xi32, #tpu.memory_space<vmem>>, vector<16xi32>,
        tpu.vector_store %arg7[%swap3A_301], %scan3A_299 {strides = array<i32>} : memref<256xi32, #tpu.memory_space<vmem>>, vector<16xi32>,
        %scan3A_303 = arith.constant 0 : i32
        %scan3A_304 = arith.constant 16 : i32
        %scan3A_305 = arith.addi %scan3A_303, %scan3A_304 : i32
        %scan3A_306 = arith.constant 1 : i32
        %scan3A_307 = scf.for %scan3A_436 = %scan3A_303 to %scan3A_305 step %scan3A_306 iter_args(%scan3A_437 = %broadcast_in_dim3A_5) -> (vector<16xi32>)  : i32 {
          %mul3A_438 = arith.constant 256 : i32
          %mul3A_439 = arith.muli %scan3A_436, %mul3A_438 : i32
          %add3A_440 = arith.constant 96 : i32
          %add3A_441 = arith.addi %mul3A_439, %add3A_440 : i32
          %get3A_442 = arith.index_cast %add3A_441 : i32 to index
          %get3A_443 = tpu.vector_load %arg8[%get3A_442] {strides = array<i32>} : memref<4096xi32, #tpu.memory_space<vmem>>, vector<16xi32>,
          %add3A_444 = arith.addi %scan3A_437, %get3A_443 : vector<16xi32>
          scf.yield %add3A_444 : vector<16xi32>
        }
        %scan3A_308 = arith.constant 16 : i32
        %swap3A_309 = arith.constant 96 : index
        %swap3A_310 = tpu.vector_load %arg7[%swap3A_309] {strides = array<i32>} : memref<256xi32, #tpu.memory_space<vmem>>, vector<16xi32>,
        tpu.vector_store %arg7[%swap3A_309], %scan3A_307 {strides = array<i32>} : memref<256xi32, #tpu.memory_space<vmem>>, vector<16xi32>,
        %scan3A_311 = arith.constant 0 : i32
        %scan3A_312 = arith.constant 16 : i32
        %scan3A_313 = arith.addi %scan3A_311, %scan3A_312 : i32
        %scan3A_314 = arith.constant 1 : i32
        %scan3A_315 = scf.for %scan3A_436 = %scan3A_311 to %scan3A_313 step %scan3A_314 iter_args(%scan3A_437 = %broadcast_in_dim3A_5) -> (vector<16xi32>)  : i32 {
          %mul3A_438 = arith.constant 256 : i32
          %mul3A_439 = arith.muli %scan3A_436, %mul3A_438 : i32
          %add3A_440 = arith.constant 112 : i32
          %add3A_441 = arith.addi %mul3A_439, %add3A_440 : i32
          %get3A_442 = arith.index_cast %add3A_441 : i32 to index
          %get3A_443 = tpu.vector_load %arg8[%get3A_442] {strides = array<i32>} : memref<4096xi32, #tpu.memory_space<vmem>>, vector<16xi32>,
          %add3A_444 = arith.addi %scan3A_437, %get3A_443 : vector<16xi32>
          scf.yield %add3A_444 : vector<16xi32>
        }
        %scan3A_316 = arith.constant 16 : i32
        %swap3A_317 = arith.constant 112 : index
        %swap3A_318 = tpu.vector_load %arg7[%swap3A_317] {strides = array<i32>} : memref<256xi32, #tpu.memory_space<vmem>>, vector<16xi32>,
        tpu.vector_store %arg7[%swap3A_317], %scan3A_315 {strides = array<i32>} : memref<256xi32, #tpu.memory_space<vmem>>, vector<16xi32>,
        %scan3A_319 = arith.constant 0 : i32
        %scan3A_320 = arith.constant 16 : i32
        %scan3A_321 = arith.addi %scan3A_319, %scan3A_320 : i32
        %scan3A_322 = arith.constant 1 : i32
        %scan3A_323 = scf.for %scan3A_436 = %scan3A_319 to %scan3A_321 step %scan3A_322 iter_args(%scan3A_437 = %broadcast_in_dim3A_5) -> (vector<16xi32>)  : i32 {
          %mul3A_438 = arith.constant 256 : i32
          %mul3A_439 = arith.muli %scan3A_436, %mul3A_438 : i32
          %add3A_440 = arith.constant 128 : i32
          %add3A_441 = arith.addi %mul3A_439, %add3A_440 : i32
          %get3A_442 = arith.index_cast %add3A_441 : i32 to index
          %get3A_443 = tpu.vector_load %arg8[%get3A_442] {strides = array<i32>} : memref<4096xi32, #tpu.memory_space<vmem>>, vector<16xi32>,
          %add3A_444 = arith.addi %scan3A_437, %get3A_443 : vector<16xi32>
          scf.yield %add3A_444 : vector<16xi32>
        }
        %scan3A_324 = arith.constant 16 : i32
        %swap3A_325 = arith.constant 128 : index
        %swap3A_326 = tpu.vector_load %arg7[%swap3A_325] {strides = array<i32>} : memref<256xi32, #tpu.memory_space<vmem>>, vector<16xi32>,
        tpu.vector_store %arg7[%swap3A_325], %scan3A_323 {strides = array<i32>} : memref<256xi32, #tpu.memory_space<vmem>>, vector<16xi32>,
        %scan3A_327 = arith.constant 0 : i32
        %scan3A_328 = arith.constant 16 : i32
        %scan3A_329 = arith.addi %scan3A_327, %scan3A_328 : i32
        %scan3A_330 = arith.constant 1 : i32
        %scan3A_331 = scf.for %scan3A_436 = %scan3A_327 to %scan3A_329 step %scan3A_330 iter_args(%scan3A_437 = %broadcast_in_dim3A_5) -> (vector<16xi32>)  : i32 {
          %mul3A_438 = arith.constant 256 : i32
          %mul3A_439 = arith.muli %scan3A_436, %mul3A_438 : i32
          %add3A_440 = arith.constant 144 : i32
          %add3A_441 = arith.addi %mul3A_439, %add3A_440 : i32
          %get3A_442 = arith.index_cast %add3A_441 : i32 to index
          %get3A_443 = tpu.vector_load %arg8[%get3A_442] {strides = array<i32>} : memref<4096xi32, #tpu.memory_space<vmem>>, vector<16xi32>,
          %add3A_444 = arith.addi %scan3A_437, %get3A_443 : vector<16xi32>
          scf.yield %add3A_444 : vector<16xi32>
        }
        %scan3A_332 = arith.constant 16 : i32
        %swap3A_333 = arith.constant 144 : index
        %swap3A_334 = tpu.vector_load %arg7[%swap3A_333] {strides = array<i32>} : memref<256xi32, #tpu.memory_space<vmem>>, vector<16xi32>,
        tpu.vector_store %arg7[%swap3A_333], %scan3A_331 {strides = array<i32>} : memref<256xi32, #tpu.memory_space<vmem>>, vector<16xi32>,
        %scan3A_335 = arith.constant 0 : i32
        %scan3A_336 = arith.constant 16 : i32
        %scan3A_337 = arith.addi %scan3A_335, %scan3A_336 : i32
        %scan3A_338 = arith.constant 1 : i32
        %scan3A_339 = scf.for %scan3A_436 = %scan3A_335 to %scan3A_337 step %scan3A_338 iter_args(%scan3A_437 = %broadcast_in_dim3A_5) -> (vector<16xi32>)  : i32 {
          %mul3A_438 = arith.constant 256 : i32
          %mul3A_439 = arith.muli %scan3A_436, %mul3A_438 : i32
          %add3A_440 = arith.constant 160 : i32
          %add3A_441 = arith.addi %mul3A_439, %add3A_440 : i32
          %get3A_442 = arith.index_cast %add3A_441 : i32 to index
          %get3A_443 = tpu.vector_load %arg8[%get3A_442] {strides = array<i32>} : memref<4096xi32, #tpu.memory_space<vmem>>, vector<16xi32>,
          %add3A_444 = arith.addi %scan3A_437, %get3A_443 : vector<16xi32>
          scf.yield %add3A_444 : vector<16xi32>
        }
        %scan3A_340 = arith.constant 16 : i32
        %swap3A_341 = arith.constant 160 : index
        %swap3A_342 = tpu.vector_load %arg7[%swap3A_341] {strides = array<i32>} : memref<256xi32, #tpu.memory_space<vmem>>, vector<16xi32>,
        tpu.vector_store %arg7[%swap3A_341], %scan3A_339 {strides = array<i32>} : memref<256xi32, #tpu.memory_space<vmem>>, vector<16xi32>,
        %scan3A_343 = arith.constant 0 : i32
        %scan3A_344 = arith.constant 16 : i32
        %scan3A_345 = arith.addi %scan3A_343, %scan3A_344 : i32
        %scan3A_346 = arith.constant 1 : i32
        %scan3A_347 = scf.for %scan3A_436 = %scan3A_343 to %scan3A_345 step %scan3A_346 iter_args(%scan3A_437 = %broadcast_in_dim3A_5) -> (vector<16xi32>)  : i32 {
          %mul3A_438 = arith.constant 256 : i32
          %mul3A_439 = arith.muli %scan3A_436, %mul3A_438 : i32
          %add3A_440 = arith.constant 176 : i32
          %add3A_441 = arith.addi %mul3A_439, %add3A_440 : i32
          %get3A_442 = arith.index_cast %add3A_441 : i32 to index
          %get3A_443 = tpu.vector_load %arg8[%get3A_442] {strides = array<i32>} : memref<4096xi32, #tpu.memory_space<vmem>>, vector<16xi32>,
          %add3A_444 = arith.addi %scan3A_437, %get3A_443 : vector<16xi32>
          scf.yield %add3A_444 : vector<16xi32>
        }
        %scan3A_348 = arith.constant 16 : i32
        %swap3A_349 = arith.constant 176 : index
        %swap3A_350 = tpu.vector_load %arg7[%swap3A_349] {strides = array<i32>} : memref<256xi32, #tpu.memory_space<vmem>>, vector<16xi32>,
        tpu.vector_store %arg7[%swap3A_349], %scan3A_347 {strides = array<i32>} : memref<256xi32, #tpu.memory_space<vmem>>, vector<16xi32>,
        %scan3A_351 = arith.constant 0 : i32
        %scan3A_352 = arith.constant 16 : i32
        %scan3A_353 = arith.addi %scan3A_351, %scan3A_352 : i32
        %scan3A_354 = arith.constant 1 : i32
        %scan3A_355 = scf.for %scan3A_436 = %scan3A_351 to %scan3A_353 step %scan3A_354 iter_args(%scan3A_437 = %broadcast_in_dim3A_5) -> (vector<16xi32>)  : i32 {
          %mul3A_438 = arith.constant 256 : i32
          %mul3A_439 = arith.muli %scan3A_436, %mul3A_438 : i32
          %add3A_440 = arith.constant 192 : i32
          %add3A_441 = arith.addi %mul3A_439, %add3A_440 : i32
          %get3A_442 = arith.index_cast %add3A_441 : i32 to index
          %get3A_443 = tpu.vector_load %arg8[%get3A_442] {strides = array<i32>} : memref<4096xi32, #tpu.memory_space<vmem>>, vector<16xi32>,
          %add3A_444 = arith.addi %scan3A_437, %get3A_443 : vector<16xi32>
          scf.yield %add3A_444 : vector<16xi32>
        }
        %scan3A_356 = arith.constant 16 : i32
        %swap3A_357 = arith.constant 192 : index
        %swap3A_358 = tpu.vector_load %arg7[%swap3A_357] {strides = array<i32>} : memref<256xi32, #tpu.memory_space<vmem>>, vector<16xi32>,
        tpu.vector_store %arg7[%swap3A_357], %scan3A_355 {strides = array<i32>} : memref<256xi32, #tpu.memory_space<vmem>>, vector<16xi32>,
        %scan3A_359 = arith.constant 0 : i32
        %scan3A_360 = arith.constant 16 : i32
        %scan3A_361 = arith.addi %scan3A_359, %scan3A_360 : i32
        %scan3A_362 = arith.constant 1 : i32
        %scan3A_363 = scf.for %scan3A_436 = %scan3A_359 to %scan3A_361 step %scan3A_362 iter_args(%scan3A_437 = %broadcast_in_dim3A_5) -> (vector<16xi32>)  : i32 {
          %mul3A_438 = arith.constant 256 : i32
          %mul3A_439 = arith.muli %scan3A_436, %mul3A_438 : i32
          %add3A_440 = arith.constant 208 : i32
          %add3A_441 = arith.addi %mul3A_439, %add3A_440 : i32
          %get3A_442 = arith.index_cast %add3A_441 : i32 to index
          %get3A_443 = tpu.vector_load %arg8[%get3A_442] {strides = array<i32>} : memref<4096xi32, #tpu.memory_space<vmem>>, vector<16xi32>,
          %add3A_444 = arith.addi %scan3A_437, %get3A_443 : vector<16xi32>
          scf.yield %add3A_444 : vector<16xi32>
        }
        %scan3A_364 = arith.constant 16 : i32
        %swap3A_365 = arith.constant 208 : index
        %swap3A_366 = tpu.vector_load %arg7[%swap3A_365] {strides = array<i32>} : memref<256xi32, #tpu.memory_space<vmem>>, vector<16xi32>,
        tpu.vector_store %arg7[%swap3A_365], %scan3A_363 {strides = array<i32>} : memref<256xi32, #tpu.memory_space<vmem>>, vector<16xi32>,
        %scan3A_367 = arith.constant 0 : i32
        %scan3A_368 = arith.constant 16 : i32
        %scan3A_369 = arith.addi %scan3A_367, %scan3A_368 : i32
        %scan3A_370 = arith.constant 1 : i32
        %scan3A_371 = scf.for %scan3A_436 = %scan3A_367 to %scan3A_369 step %scan3A_370 iter_args(%scan3A_437 = %broadcast_in_dim3A_5) -> (vector<16xi32>)  : i32 {
          %mul3A_438 = arith.constant 256 : i32
          %mul3A_439 = arith.muli %scan3A_436, %mul3A_438 : i32
          %add3A_440 = arith.constant 224 : i32
          %add3A_441 = arith.addi %mul3A_439, %add3A_440 : i32
          %get3A_442 = arith.index_cast %add3A_441 : i32 to index
          %get3A_443 = tpu.vector_load %arg8[%get3A_442] {strides = array<i32>} : memref<4096xi32, #tpu.memory_space<vmem>>, vector<16xi32>,
          %add3A_444 = arith.addi %scan3A_437, %get3A_443 : vector<16xi32>
          scf.yield %add3A_444 : vector<16xi32>
        }
        %scan3A_372 = arith.constant 16 : i32
        %swap3A_373 = arith.constant 224 : index
        %swap3A_374 = tpu.vector_load %arg7[%swap3A_373] {strides = array<i32>} : memref<256xi32, #tpu.memory_space<vmem>>, vector<16xi32>,
        tpu.vector_store %arg7[%swap3A_373], %scan3A_371 {strides = array<i32>} : memref<256xi32, #tpu.memory_space<vmem>>, vector<16xi32>,
        %scan3A_375 = arith.constant 0 : i32
        %scan3A_376 = arith.constant 16 : i32
        %scan3A_377 = arith.addi %scan3A_375, %scan3A_376 : i32
        %scan3A_378 = arith.constant 1 : i32
        %scan3A_379 = scf.for %scan3A_436 = %scan3A_375 to %scan3A_377 step %scan3A_378 iter_args(%scan3A_437 = %broadcast_in_dim3A_5) -> (vector<16xi32>)  : i32 {
          %mul3A_438 = arith.constant 256 : i32
          %mul3A_439 = arith.muli %scan3A_436, %mul3A_438 : i32
          %add3A_440 = arith.constant 240 : i32
          %add3A_441 = arith.addi %mul3A_439, %add3A_440 : i32
          %get3A_442 = arith.index_cast %add3A_441 : i32 to index
          %get3A_443 = tpu.vector_load %arg8[%get3A_442] {strides = array<i32>} : memref<4096xi32, #tpu.memory_space<vmem>>, vector<16xi32>,
          %add3A_444 = arith.addi %scan3A_437, %get3A_443 : vector<16xi32>
          scf.yield %add3A_444 : vector<16xi32>
        }
        %scan3A_380 = arith.constant 16 : i32
        %swap3A_381 = arith.constant 240 : index
        %swap3A_382 = tpu.vector_load %arg7[%swap3A_381] {strides = array<i32>} : memref<256xi32, #tpu.memory_space<vmem>>, vector<16xi32>,
        tpu.vector_store %arg7[%swap3A_381], %scan3A_379 {strides = array<i32>} : memref<256xi32, #tpu.memory_space<vmem>>, vector<16xi32>,
        %scan3A_383 = arith.constant 0 : i32
        %scan3A_384 = arith.constant 0 : i32
        %scan3A_385 = arith.constant 0 : i32
        %scan3A_386 = arith.constant false
        %scan3A_387 = arith.constant 0 : i32
        %scan3A_388 = arith.constant 16 : i32
        %scan3A_389 = arith.addi %scan3A_387, %scan3A_388 : i32
        %scan3A_390 = arith.constant 1 : i32
        %scan3A_391:5 = scf.for %scan3A_436 = %scan3A_387 to %scan3A_389 step %scan3A_390 iter_args(%scan3A_437 = %scan3A_383, %scan3A_438 = %scan3A_384, %scan3A_439 = %scan3A_385, %scan3A_440 = %broadcast_in_dim3A_5, %scan3A_441 = %scan3A_386) -> (i32, i32, i32, vector<16xi32>, i1)  : i32 {
          %sub3A_442 = arith.constant 15 : i32
          %sub3A_443 = arith.subi %sub3A_442, %scan3A_436 : i32
          %mul3A_444 = arith.constant 16 : i32
          %mul3A_445 = arith.muli %sub3A_443, %mul3A_444 : i32
          %get3A_446 = arith.index_cast %mul3A_445 : i32 to index
          %get3A_447 = tpu.vector_load %arg7[%get3A_446] {strides = array<i32>} : memref<256xi32, #tpu.memory_space<vmem>>, vector<16xi32>,
          %reduce_sum3A_448 = arith.constant true
          %reduce_sum3A_449 = vector.broadcast %reduce_sum3A_448 : i1 to vector<16xi1>
          %reduce_sum3A_450 = tpu.scan <sum>, %get3A_447 masked %reduce_sum3A_449 : vector<16xi32>, vector<16xi1> -> vector<16xi32>
          %reduce_sum3A_451 = vector.extract %reduce_sum3A_450[15] : i32 from vector<16xi32>
          %not3A = arith.constant true
          %not3A_452 = arith.xori %scan3A_441, %not3A : i1
          %add3A_453 = arith.addi %scan3A_437, %reduce_sum3A_451 : i32
          %ge3A_454 = arith.cmpi sge, %add3A_453, %cond3A_50 : i32
          %and3A = arith.andi %not3A_452, %ge3A_454 : i1
          %select_n3A_455 = arith.select %and3A, %scan3A_437, %scan3A_438 : i32
          %select_n3A_456 = arith.select %and3A, %sub3A_443, %scan3A_439 : i32
          %select_n3A_457 = arith.select %and3A, %get3A_447, %scan3A_440 : vector<16xi32>
          %or3A_458 = arith.ori %scan3A_441, %and3A : i1
          %add3A_459 = arith.addi %scan3A_437, %reduce_sum3A_451 : i32
          %select_n3A_460 = arith.select %or3A_458, %scan3A_437, %add3A_459 : i32
          scf.yield %select_n3A_460, %select_n3A_455, %select_n3A_456, %select_n3A_457, %or3A_458 : i32, i32, i32, vector<16xi32>, i1
        }
        %scan3A_392 = arith.constant 16 : i32
        %sub3A = arith.subi %cond3A_50, %scan3A_391#1 : i32
        %rev3A = arith.constant 15 : i32
        %rev3A_393 = vector.broadcast %rev3A : i32 to vector<16xi32>
        %rev3A_394 = tpu.iota {dimensions = array<i32: 0>} : vector<16xi32>
        %rev3A_395 = arith.subi %rev3A_393, %rev3A_394 : vector<16xi32>
        %rev3A_396 = tpu.dynamic_gather %scan3A_391#3[%rev3A_395] in [0] : vector<16xi32>, vector<16xi32> -> vector<16xi32>
        %cumsum3A = arith.constant true
        %cumsum3A_397 = vector.broadcast %cumsum3A : i1 to vector<16xi1>
        %cumsum3A_398 = tpu.scan <sum>, %rev3A_396 masked %cumsum3A_397 : vector<16xi32>, vector<16xi1> -> vector<16xi32>
        %rev3A_399 = arith.constant 15 : i32
        %rev3A_400 = vector.broadcast %rev3A_399 : i32 to vector<16xi32>
        %rev3A_401 = tpu.iota {dimensions = array<i32: 0>} : vector<16xi32>
        %rev3A_402 = arith.subi %rev3A_400, %rev3A_401 : vector<16xi32>
        %rev3A_403 = tpu.dynamic_gather %cumsum3A_398[%rev3A_402] in [0] : vector<16xi32>, vector<16xi32> -> vector<16xi32>
        %ge3A = vector.broadcast %sub3A : i32 to vector<16xi32>
        %ge3A_404 = arith.cmpi sge, %rev3A_403, %ge3A : vector<16xi32>
        %all_reduce_population_count3A = tpu.all_reduce %ge3A_404 {dim = 0 : i64, kind = #tpu.reduction_kind<sum>} : vector<16xi1> -> vector<16xi32>
        %slice3A_405 = vector.extract_strided_slice %all_reduce_population_count3A {offsets = [0], sizes = [1], strides = [1]} : vector<16xi32> to vector<1xi32>
        %squeeze3A_406 = vector.extract %slice3A_405[0] : i32 from vector<1xi32>
        %sub3A_407 = arith.constant 1 : i32
        %sub3A_408 = arith.subi %squeeze3A_406, %sub3A_407 : i32
        %eq3A_409 = vector.broadcast %sub3A_408 : i32 to vector<16xi32>
        %eq3A_410 = arith.cmpi eq, %iota3A, %eq3A_409 : vector<16xi32>
        %jit3A = arith.constant 0 : i32
        %broadcast_in_dim3A_411 = vector.broadcast %jit3A : i32 to vector<16xi32>
        %select_n3A = arith.select %eq3A_410, %rev3A_403, %broadcast_in_dim3A_411 : vector<16xi1>, vector<16xi32>
        %reduce_sum3A = arith.constant true
        %reduce_sum3A_412 = vector.broadcast %reduce_sum3A : i1 to vector<16xi1>
        %reduce_sum3A_413 = tpu.scan <sum>, %select_n3A masked %reduce_sum3A_412 : vector<16xi32>, vector<16xi1> -> vector<16xi32>
        %reduce_sum3A_414 = vector.extract %reduce_sum3A_413[15] : i32 from vector<16xi32>
        %jit3A_415 = arith.constant 0 : i32
        %broadcast_in_dim3A_416 = vector.broadcast %jit3A_415 : i32 to vector<16xi32>
        %select_n3A_417 = arith.select %eq3A_410, %scan3A_391#3, %broadcast_in_dim3A_416 : vector<16xi1>, vector<16xi32>
        %reduce_sum3A_418 = arith.constant true
        %reduce_sum3A_419 = vector.broadcast %reduce_sum3A_418 : i1 to vector<16xi1>
        %reduce_sum3A_420 = tpu.scan <sum>, %select_n3A_417 masked %reduce_sum3A_419 : vector<16xi32>, vector<16xi1> -> vector<16xi32>
        %reduce_sum3A_421 = vector.extract %reduce_sum3A_420[15] : i32 from vector<16xi32>
        %mul3A_422 = arith.constant 16 : i32
        %mul3A_423 = arith.muli %scan3A_391#2, %mul3A_422 : i32
        %add3A = arith.addi %mul3A_423, %sub3A_408 : i32
        %shift_left3A = arith.constant 24 : i32
        %shift_left3A_424 = arith.shli %add3A, %shift_left3A : i32
        %or3A = arith.ori %cond3A_51, %shift_left3A_424 : i32
        %sub3A_425 = arith.subi %reduce_sum3A_414, %reduce_sum3A_421 : i32
        %sub3A_426 = arith.subi %sub3A, %sub3A_425 : i32
        %eq3A_427 = arith.constant 0 : i32
        %eq3A_428 = vector.broadcast %eq3A_427 : i32 to vector<16xi32>
        %eq3A_429 = arith.cmpi eq, %iota3A, %eq3A_428 : vector<16xi32>
        %broadcast_in_dim3A_430 = vector.broadcast %or3A : i32 to vector<16xi32>
        %broadcast_in_dim3A_431 = vector.broadcast %sub3A_426 : i32 to vector<16xi32>
        %select_n3A_432 = arith.select %eq3A_429, %broadcast_in_dim3A_430, %broadcast_in_dim3A_431 : vector<16xi1>, vector<16xi32>
        %swap3A_433 = arith.constant 0 : index
        %swap3A_434 = tpu.vector_load %arg12[%swap3A_433] {strides = array<i32>} : memref<16xi32, #tpu.memory_space<vmem>>, vector<16xi32>,
        tpu.vector_store %arg12[%swap3A_433], %select_n3A_432 {strides = array<i32>} : memref<16xi32, #tpu.memory_space<vmem>>, vector<16xi32>,
        %run_scoped3A_435 = arith.constant 0 : i32
        "tpu.region"() ({
          %run_scoped3A_436 = tpu.sem_alloc : memref<!tpu.dma_semaphore, #tpu.memory_space<semaphore_mem>>
          %dma_start3A = arith.constant 0 : i32
          %dma_start3A_437 = tpu.memref_slice %arg15[%run_scoped3A_435, %dma_start3A] : memref<4x16xi32, #tpu.memory_space<vmem_shared>> -> memref<1x16xi32, #tpu.memory_space<vmem_shared>>
          %dma_start3A_438 = tpu.memref_squeeze %dma_start3A_437 : memref<1x16xi32, #tpu.memory_space<vmem_shared>> -> memref<16xi32, #tpu.memory_space<vmem_shared>>
          %dma_start3A_439 = arith.constant 0 : i32
          %dma_start3A_440 = tpu.memref_slice %arg15[%run_scoped3A_435, %dma_start3A_439] : memref<4x16xi32, #tpu.memory_space<vmem_shared>> -> memref<1x16xi32, #tpu.memory_space<vmem_shared>>
          %dma_start3A_441 = tpu.memref_squeeze %dma_start3A_440 : memref<1x16xi32, #tpu.memory_space<vmem_shared>> -> memref<16xi32, #tpu.memory_space<vmem_shared>>
          tpu.enqueue_dma source(%arg12 : memref<16xi32, #tpu.memory_space<vmem>>) target(%dma_start3A_441 : memref<16xi32, #tpu.memory_space<vmem_shared>>) target_semaphore(%run_scoped3A_436 : memref<!tpu.dma_semaphore, #tpu.memory_space<semaphore_mem>>)
          %dma_wait3A = arith.constant 0 : i32
          %dma_wait3A_442 = tpu.memref_slice %arg15[%run_scoped3A_435, %dma_wait3A] : memref<4x16xi32, #tpu.memory_space<vmem_shared>> -> memref<1x16xi32, #tpu.memory_space<vmem_shared>>
          %dma_wait3A_443 = tpu.memref_squeeze %dma_wait3A_442 : memref<1x16xi32, #tpu.memory_space<vmem_shared>> -> memref<16xi32, #tpu.memory_space<vmem_shared>>
          %dma_wait3A_444 = arith.constant 0 : i32
          %dma_wait3A_445 = tpu.memref_slice %arg15[%run_scoped3A_435, %dma_wait3A_444] : memref<4x16xi32, #tpu.memory_space<vmem_shared>> -> memref<1x16xi32, #tpu.memory_space<vmem_shared>>
          %dma_wait3A_446 = tpu.memref_squeeze %dma_wait3A_445 : memref<1x16xi32, #tpu.memory_space<vmem_shared>> -> memref<16xi32, #tpu.memory_space<vmem_shared>>
          tpu.wait_dma2 semaphore(%run_scoped3A_436 : memref<!tpu.dma_semaphore, #tpu.memory_space<semaphore_mem>>) src(%arg12 : memref<16xi32, #tpu.memory_space<vmem>>) dst(%dma_wait3A_446 : memref<16xi32, #tpu.memory_space<vmem_shared>>)
          tpu.yield
        }) : () -> ()
      } else {
      }
      %barrier3A_54 = arith.constant 0 : index
      tpu.barrier barrier_id(%barrier3A_54)
      %run_scoped3A_55 = arith.constant 0 : i32
      "tpu.region"() ({
        %run_scoped3A_254 = tpu.sem_alloc : memref<!tpu.dma_semaphore, #tpu.memory_space<semaphore_mem>>
        %dma_start3A = arith.constant 0 : i32
        %dma_start3A_255 = tpu.memref_slice %arg15[%run_scoped3A_55, %dma_start3A] : memref<4x16xi32, #tpu.memory_space<vmem_shared>> -> memref<1x16xi32, #tpu.memory_space<vmem_shared>>
        %dma_start3A_256 = tpu.memref_squeeze %dma_start3A_255 : memref<1x16xi32, #tpu.memory_space<vmem_shared>> -> memref<16xi32, #tpu.memory_space<vmem_shared>>
        %dma_start3A_257 = arith.constant 0 : i32
        %dma_start3A_258 = tpu.memref_slice %arg15[%run_scoped3A_55, %dma_start3A_257] : memref<4x16xi32, #tpu.memory_space<vmem_shared>> -> memref<1x16xi32, #tpu.memory_space<vmem_shared>>
        %dma_start3A_259 = tpu.memref_squeeze %dma_start3A_258 : memref<1x16xi32, #tpu.memory_space<vmem_shared>> -> memref<16xi32, #tpu.memory_space<vmem_shared>>
        tpu.enqueue_dma source(%dma_start3A_259 : memref<16xi32, #tpu.memory_space<vmem_shared>>) target(%arg12 : memref<16xi32, #tpu.memory_space<vmem>>) target_semaphore(%run_scoped3A_254 : memref<!tpu.dma_semaphore, #tpu.memory_space<semaphore_mem>>)
        %dma_wait3A = arith.constant 0 : i32
        %dma_wait3A_260 = tpu.memref_slice %arg15[%run_scoped3A_55, %dma_wait3A] : memref<4x16xi32, #tpu.memory_space<vmem_shared>> -> memref<1x16xi32, #tpu.memory_space<vmem_shared>>
        %dma_wait3A_261 = tpu.memref_squeeze %dma_wait3A_260 : memref<1x16xi32, #tpu.memory_space<vmem_shared>> -> memref<16xi32, #tpu.memory_space<vmem_shared>>
        %dma_wait3A_262 = arith.constant 0 : i32
        %dma_wait3A_263 = tpu.memref_slice %arg15[%run_scoped3A_55, %dma_wait3A_262] : memref<4x16xi32, #tpu.memory_space<vmem_shared>> -> memref<1x16xi32, #tpu.memory_space<vmem_shared>>
        %dma_wait3A_264 = tpu.memref_squeeze %dma_wait3A_263 : memref<1x16xi32, #tpu.memory_space<vmem_shared>> -> memref<16xi32, #tpu.memory_space<vmem_shared>>
        tpu.wait_dma2 semaphore(%run_scoped3A_254 : memref<!tpu.dma_semaphore, #tpu.memory_space<semaphore_mem>>) src(%dma_wait3A_264 : memref<16xi32, #tpu.memory_space<vmem_shared>>) dst(%arg12 : memref<16xi32, #tpu.memory_space<vmem>>)
        tpu.yield
      }) : () -> ()
      %get3A = arith.constant 0 : index
      %get3A_56 = tpu.vector_load %arg12[%get3A] {strides = array<i32>} : memref<16xi32, #tpu.memory_space<vmem>>, vector<16xi32>,
      %slice3A = vector.extract_strided_slice %get3A_56 {offsets = [0], sizes = [1], strides = [1]} : vector<16xi32> to vector<1xi32>
      %squeeze3A = vector.extract %slice3A[0] : i32 from vector<1xi32>
      %slice3A_57 = vector.extract_strided_slice %get3A_56 {offsets = [1], sizes = [1], strides = [1]} : vector<16xi32> to vector<1xi32>
      %squeeze3A_58 = vector.extract %slice3A_57[0] : i32 from vector<1xi32>
      %swap3A_59 = arith.constant 0 : index
      %swap3A_60 = tpu.vector_load %arg6[%swap3A_59] {strides = array<i32>} : memref<272xi32, #tpu.memory_space<vmem>>, vector<16xi32>,
      tpu.vector_store %arg6[%swap3A_59], %broadcast_in_dim3A_5 {strides = array<i32>} : memref<272xi32, #tpu.memory_space<vmem>>, vector<16xi32>,
      %swap3A_61 = arith.constant 16 : index
      %swap3A_62 = tpu.vector_load %arg6[%swap3A_61] {strides = array<i32>} : memref<272xi32, #tpu.memory_space<vmem>>, vector<16xi32>,
      tpu.vector_store %arg6[%swap3A_61], %broadcast_in_dim3A_5 {strides = array<i32>} : memref<272xi32, #tpu.memory_space<vmem>>, vector<16xi32>,
      %swap3A_63 = arith.constant 32 : index
      %swap3A_64 = tpu.vector_load %arg6[%swap3A_63] {strides = array<i32>} : memref<272xi32, #tpu.memory_space<vmem>>, vector<16xi32>,
      tpu.vector_store %arg6[%swap3A_63], %broadcast_in_dim3A_5 {strides = array<i32>} : memref<272xi32, #tpu.memory_space<vmem>>, vector<16xi32>,
      %swap3A_65 = arith.constant 48 : index
      %swap3A_66 = tpu.vector_load %arg6[%swap3A_65] {strides = array<i32>} : memref<272xi32, #tpu.memory_space<vmem>>, vector<16xi32>,
      tpu.vector_store %arg6[%swap3A_65], %broadcast_in_dim3A_5 {strides = array<i32>} : memref<272xi32, #tpu.memory_space<vmem>>, vector<16xi32>,
      %swap3A_67 = arith.constant 64 : index
      %swap3A_68 = tpu.vector_load %arg6[%swap3A_67] {strides = array<i32>} : memref<272xi32, #tpu.memory_space<vmem>>, vector<16xi32>,
      tpu.vector_store %arg6[%swap3A_67], %broadcast_in_dim3A_5 {strides = array<i32>} : memref<272xi32, #tpu.memory_space<vmem>>, vector<16xi32>,
      %swap3A_69 = arith.constant 80 : index
      %swap3A_70 = tpu.vector_load %arg6[%swap3A_69] {strides = array<i32>} : memref<272xi32, #tpu.memory_space<vmem>>, vector<16xi32>,
      tpu.vector_store %arg6[%swap3A_69], %broadcast_in_dim3A_5 {strides = array<i32>} : memref<272xi32, #tpu.memory_space<vmem>>, vector<16xi32>,
      %swap3A_71 = arith.constant 96 : index
      %swap3A_72 = tpu.vector_load %arg6[%swap3A_71] {strides = array<i32>} : memref<272xi32, #tpu.memory_space<vmem>>, vector<16xi32>,
      tpu.vector_store %arg6[%swap3A_71], %broadcast_in_dim3A_5 {strides = array<i32>} : memref<272xi32, #tpu.memory_space<vmem>>, vector<16xi32>,
      %swap3A_73 = arith.constant 112 : index
      %swap3A_74 = tpu.vector_load %arg6[%swap3A_73] {strides = array<i32>} : memref<272xi32, #tpu.memory_space<vmem>>, vector<16xi32>,
      tpu.vector_store %arg6[%swap3A_73], %broadcast_in_dim3A_5 {strides = array<i32>} : memref<272xi32, #tpu.memory_space<vmem>>, vector<16xi32>,
      %swap3A_75 = arith.constant 128 : index
      %swap3A_76 = tpu.vector_load %arg6[%swap3A_75] {strides = array<i32>} : memref<272xi32, #tpu.memory_space<vmem>>, vector<16xi32>,
      tpu.vector_store %arg6[%swap3A_75], %broadcast_in_dim3A_5 {strides = array<i32>} : memref<272xi32, #tpu.memory_space<vmem>>, vector<16xi32>,
      %swap3A_77 = arith.constant 144 : index
      %swap3A_78 = tpu.vector_load %arg6[%swap3A_77] {strides = array<i32>} : memref<272xi32, #tpu.memory_space<vmem>>, vector<16xi32>,
      tpu.vector_store %arg6[%swap3A_77], %broadcast_in_dim3A_5 {strides = array<i32>} : memref<272xi32, #tpu.memory_space<vmem>>, vector<16xi32>,
      %swap3A_79 = arith.constant 160 : index
      %swap3A_80 = tpu.vector_load %arg6[%swap3A_79] {strides = array<i32>} : memref<272xi32, #tpu.memory_space<vmem>>, vector<16xi32>,
      tpu.vector_store %arg6[%swap3A_79], %broadcast_in_dim3A_5 {strides = array<i32>} : memref<272xi32, #tpu.memory_space<vmem>>, vector<16xi32>,
      %swap3A_81 = arith.constant 176 : index
      %swap3A_82 = tpu.vector_load %arg6[%swap3A_81] {strides = array<i32>} : memref<272xi32, #tpu.memory_space<vmem>>, vector<16xi32>,
      tpu.vector_store %arg6[%swap3A_81], %broadcast_in_dim3A_5 {strides = array<i32>} : memref<272xi32, #tpu.memory_space<vmem>>, vector<16xi32>,
      %swap3A_83 = arith.constant 192 : index
      %swap3A_84 = tpu.vector_load %arg6[%swap3A_83] {strides = array<i32>} : memref<272xi32, #tpu.memory_space<vmem>>, vector<16xi32>,
      tpu.vector_store %arg6[%swap3A_83], %broadcast_in_dim3A_5 {strides = array<i32>} : memref<272xi32, #tpu.memory_space<vmem>>, vector<16xi32>,
      %swap3A_85 = arith.constant 208 : index
      %swap3A_86 = tpu.vector_load %arg6[%swap3A_85] {strides = array<i32>} : memref<272xi32, #tpu.memory_space<vmem>>, vector<16xi32>,
      tpu.vector_store %arg6[%swap3A_85], %broadcast_in_dim3A_5 {strides = array<i32>} : memref<272xi32, #tpu.memory_space<vmem>>, vector<16xi32>,
      %swap3A_87 = arith.constant 224 : index
      %swap3A_88 = tpu.vector_load %arg6[%swap3A_87] {strides = array<i32>} : memref<272xi32, #tpu.memory_space<vmem>>, vector<16xi32>,
      tpu.vector_store %arg6[%swap3A_87], %broadcast_in_dim3A_5 {strides = array<i32>} : memref<272xi32, #tpu.memory_space<vmem>>, vector<16xi32>,
      %swap3A_89 = arith.constant 240 : index
      %swap3A_90 = tpu.vector_load %arg6[%swap3A_89] {strides = array<i32>} : memref<272xi32, #tpu.memory_space<vmem>>, vector<16xi32>,
      tpu.vector_store %arg6[%swap3A_89], %broadcast_in_dim3A_5 {strides = array<i32>} : memref<272xi32, #tpu.memory_space<vmem>>, vector<16xi32>,
      %swap3A_91 = arith.constant 256 : index
      %swap3A_92 = tpu.vector_load %arg6[%swap3A_91] {strides = array<i32>} : memref<272xi32, #tpu.memory_space<vmem>>, vector<16xi32>,
      tpu.vector_store %arg6[%swap3A_91], %broadcast_in_dim3A_5 {strides = array<i32>} : memref<272xi32, #tpu.memory_space<vmem>>, vector<16xi32>,
      %scan3A_93 = arith.constant -16777216 : i32
      %scan3A_94 = arith.constant 0 : i32
      %scan3A_95 = arith.constant 0 : i32
      %scan3A_96 = arith.constant 8 : i32
      %scan3A_97 = arith.addi %scan3A_95, %scan3A_96 : i32
      %scan3A_98 = arith.constant 1 : i32
      %scan3A_99 = scf.for %scan3A_254 = %scan3A_95 to %scan3A_97 step %scan3A_98 iter_args(%scan3A_255 = %scan3A_94) -> (i32)  : i32 {
        %mul3A_256 = arith.constant 128 : i32
        %mul3A_257 = arith.muli %scan3A_254, %mul3A_256 : i32
        %add3A = arith.constant 0 : i32
        %add3A_258 = arith.addi %mul3A_257, %add3A : i32
        %get3A_259 = arith.index_cast %add3A_258 : i32 to index
        %get3A_260 = tpu.vector_load %arg5[%get3A_259] {strides = array<i32>} : memref<1024xi32, #tpu.memory_space<vmem>>, vector<16xi32>,
        %and3A = vector.broadcast %scan3A_93 : i32 to vector<16xi32>
        %and3A_261 = arith.andi %get3A_260, %and3A : vector<16xi32>
        %eq3A_262 = vector.broadcast %squeeze3A : i32 to vector<16xi32>
        %eq3A_263 = arith.cmpi eq, %and3A_261, %eq3A_262 : vector<16xi32>
        %shift_right_logical3A = arith.constant 16 : i32
        %shift_right_logical3A_264 = vector.broadcast %shift_right_logical3A : i32 to vector<16xi32>
        %shift_right_logical3A_265 = arith.shrui %get3A_260, %shift_right_logical3A_264 : vector<16xi32>
        %and3A_266 = arith.constant 255 : i32
        %and3A_267 = vector.broadcast %and3A_266 : i32 to vector<16xi32>
        %and3A_268 = arith.andi %shift_right_logical3A_265, %and3A_267 : vector<16xi32>
        %add3A_269 = arith.constant 256 : i32
        %add3A_270 = vector.broadcast %add3A_269 : i32 to vector<16xi32>
        %add3A_271 = arith.addi %add3A_270, %iota3A : vector<16xi32>
        %select_n3A = arith.select %eq3A_263, %and3A_268, %add3A_271 : vector<16xi1>, vector<16xi32>
        tpu.vector_store_idx %arg6[%select_n3A], %broadcast_in_dim3A_3 {add = true} : memref<272xi32, #tpu.memory_space<vmem>>[vector<16xi32>], vector<16xi32>,
        %mul3A_272 = arith.constant 128 : i32
        %mul3A_273 = arith.muli %scan3A_254, %mul3A_272 : i32
        %add3A_274 = arith.constant 16 : i32
        %add3A_275 = arith.addi %mul3A_273, %add3A_274 : i32
        %get3A_276 = arith.index_cast %add3A_275 : i32 to index
        %get3A_277 = tpu.vector_load %arg5[%get3A_276] {strides = array<i32>} : memref<1024xi32, #tpu.memory_space<vmem>>, vector<16xi32>,
        %and3A_278 = vector.broadcast %scan3A_93 : i32 to vector<16xi32>
        %and3A_279 = arith.andi %get3A_277, %and3A_278 : vector<16xi32>
        %eq3A_280 = vector.broadcast %squeeze3A : i32 to vector<16xi32>
        %eq3A_281 = arith.cmpi eq, %and3A_279, %eq3A_280 : vector<16xi32>
        %shift_right_logical3A_282 = arith.constant 16 : i32
        %shift_right_logical3A_283 = vector.broadcast %shift_right_logical3A_282 : i32 to vector<16xi32>
        %shift_right_logical3A_284 = arith.shrui %get3A_277, %shift_right_logical3A_283 : vector<16xi32>
        %and3A_285 = arith.constant 255 : i32
        %and3A_286 = vector.broadcast %and3A_285 : i32 to vector<16xi32>
        %and3A_287 = arith.andi %shift_right_logical3A_284, %and3A_286 : vector<16xi32>
        %add3A_288 = arith.constant 256 : i32
        %add3A_289 = vector.broadcast %add3A_288 : i32 to vector<16xi32>
        %add3A_290 = arith.addi %add3A_289, %iota3A : vector<16xi32>
        %select_n3A_291 = arith.select %eq3A_281, %and3A_287, %add3A_290 : vector<16xi1>, vector<16xi32>
        tpu.vector_store_idx %arg6[%select_n3A_291], %broadcast_in_dim3A_3 {add = true} : memref<272xi32, #tpu.memory_space<vmem>>[vector<16xi32>], vector<16xi32>,
        %mul3A_292 = arith.constant 128 : i32
        %mul3A_293 = arith.muli %scan3A_254, %mul3A_292 : i32
        %add3A_294 = arith.constant 32 : i32
        %add3A_295 = arith.addi %mul3A_293, %add3A_294 : i32
        %get3A_296 = arith.index_cast %add3A_295 : i32 to index
        %get3A_297 = tpu.vector_load %arg5[%get3A_296] {strides = array<i32>} : memref<1024xi32, #tpu.memory_space<vmem>>, vector<16xi32>,
        %and3A_298 = vector.broadcast %scan3A_93 : i32 to vector<16xi32>
        %and3A_299 = arith.andi %get3A_297, %and3A_298 : vector<16xi32>
        %eq3A_300 = vector.broadcast %squeeze3A : i32 to vector<16xi32>
        %eq3A_301 = arith.cmpi eq, %and3A_299, %eq3A_300 : vector<16xi32>
        %shift_right_logical3A_302 = arith.constant 16 : i32
        %shift_right_logical3A_303 = vector.broadcast %shift_right_logical3A_302 : i32 to vector<16xi32>
        %shift_right_logical3A_304 = arith.shrui %get3A_297, %shift_right_logical3A_303 : vector<16xi32>
        %and3A_305 = arith.constant 255 : i32
        %and3A_306 = vector.broadcast %and3A_305 : i32 to vector<16xi32>
        %and3A_307 = arith.andi %shift_right_logical3A_304, %and3A_306 : vector<16xi32>
        %add3A_308 = arith.constant 256 : i32
        %add3A_309 = vector.broadcast %add3A_308 : i32 to vector<16xi32>
        %add3A_310 = arith.addi %add3A_309, %iota3A : vector<16xi32>
        %select_n3A_311 = arith.select %eq3A_301, %and3A_307, %add3A_310 : vector<16xi1>, vector<16xi32>
        tpu.vector_store_idx %arg6[%select_n3A_311], %broadcast_in_dim3A_3 {add = true} : memref<272xi32, #tpu.memory_space<vmem>>[vector<16xi32>], vector<16xi32>,
        %mul3A_312 = arith.constant 128 : i32
        %mul3A_313 = arith.muli %scan3A_254, %mul3A_312 : i32
        %add3A_314 = arith.constant 48 : i32
        %add3A_315 = arith.addi %mul3A_313, %add3A_314 : i32
        %get3A_316 = arith.index_cast %add3A_315 : i32 to index
        %get3A_317 = tpu.vector_load %arg5[%get3A_316] {strides = array<i32>} : memref<1024xi32, #tpu.memory_space<vmem>>, vector<16xi32>,
        %and3A_318 = vector.broadcast %scan3A_93 : i32 to vector<16xi32>
        %and3A_319 = arith.andi %get3A_317, %and3A_318 : vector<16xi32>
        %eq3A_320 = vector.broadcast %squeeze3A : i32 to vector<16xi32>
        %eq3A_321 = arith.cmpi eq, %and3A_319, %eq3A_320 : vector<16xi32>
        %shift_right_logical3A_322 = arith.constant 16 : i32
        %shift_right_logical3A_323 = vector.broadcast %shift_right_logical3A_322 : i32 to vector<16xi32>
        %shift_right_logical3A_324 = arith.shrui %get3A_317, %shift_right_logical3A_323 : vector<16xi32>
        %and3A_325 = arith.constant 255 : i32
        %and3A_326 = vector.broadcast %and3A_325 : i32 to vector<16xi32>
        %and3A_327 = arith.andi %shift_right_logical3A_324, %and3A_326 : vector<16xi32>
        %add3A_328 = arith.constant 256 : i32
        %add3A_329 = vector.broadcast %add3A_328 : i32 to vector<16xi32>
        %add3A_330 = arith.addi %add3A_329, %iota3A : vector<16xi32>
        %select_n3A_331 = arith.select %eq3A_321, %and3A_327, %add3A_330 : vector<16xi1>, vector<16xi32>
        tpu.vector_store_idx %arg6[%select_n3A_331], %broadcast_in_dim3A_3 {add = true} : memref<272xi32, #tpu.memory_space<vmem>>[vector<16xi32>], vector<16xi32>,
        %mul3A_332 = arith.constant 128 : i32
        %mul3A_333 = arith.muli %scan3A_254, %mul3A_332 : i32
        %add3A_334 = arith.constant 64 : i32
        %add3A_335 = arith.addi %mul3A_333, %add3A_334 : i32
        %get3A_336 = arith.index_cast %add3A_335 : i32 to index
        %get3A_337 = tpu.vector_load %arg5[%get3A_336] {strides = array<i32>} : memref<1024xi32, #tpu.memory_space<vmem>>, vector<16xi32>,
        %and3A_338 = vector.broadcast %scan3A_93 : i32 to vector<16xi32>
        %and3A_339 = arith.andi %get3A_337, %and3A_338 : vector<16xi32>
        %eq3A_340 = vector.broadcast %squeeze3A : i32 to vector<16xi32>
        %eq3A_341 = arith.cmpi eq, %and3A_339, %eq3A_340 : vector<16xi32>
        %shift_right_logical3A_342 = arith.constant 16 : i32
        %shift_right_logical3A_343 = vector.broadcast %shift_right_logical3A_342 : i32 to vector<16xi32>
        %shift_right_logical3A_344 = arith.shrui %get3A_337, %shift_right_logical3A_343 : vector<16xi32>
        %and3A_345 = arith.constant 255 : i32
        %and3A_346 = vector.broadcast %and3A_345 : i32 to vector<16xi32>
        %and3A_347 = arith.andi %shift_right_logical3A_344, %and3A_346 : vector<16xi32>
        %add3A_348 = arith.constant 256 : i32
        %add3A_349 = vector.broadcast %add3A_348 : i32 to vector<16xi32>
        %add3A_350 = arith.addi %add3A_349, %iota3A : vector<16xi32>
        %select_n3A_351 = arith.select %eq3A_341, %and3A_347, %add3A_350 : vector<16xi1>, vector<16xi32>
        tpu.vector_store_idx %arg6[%select_n3A_351], %broadcast_in_dim3A_3 {add = true} : memref<272xi32, #tpu.memory_space<vmem>>[vector<16xi32>], vector<16xi32>,
        %mul3A_352 = arith.constant 128 : i32
        %mul3A_353 = arith.muli %scan3A_254, %mul3A_352 : i32
        %add3A_354 = arith.constant 80 : i32
        %add3A_355 = arith.addi %mul3A_353, %add3A_354 : i32
        %get3A_356 = arith.index_cast %add3A_355 : i32 to index
        %get3A_357 = tpu.vector_load %arg5[%get3A_356] {strides = array<i32>} : memref<1024xi32, #tpu.memory_space<vmem>>, vector<16xi32>,
        %and3A_358 = vector.broadcast %scan3A_93 : i32 to vector<16xi32>
        %and3A_359 = arith.andi %get3A_357, %and3A_358 : vector<16xi32>
        %eq3A_360 = vector.broadcast %squeeze3A : i32 to vector<16xi32>
        %eq3A_361 = arith.cmpi eq, %and3A_359, %eq3A_360 : vector<16xi32>
        %shift_right_logical3A_362 = arith.constant 16 : i32
        %shift_right_logical3A_363 = vector.broadcast %shift_right_logical3A_362 : i32 to vector<16xi32>
        %shift_right_logical3A_364 = arith.shrui %get3A_357, %shift_right_logical3A_363 : vector<16xi32>
        %and3A_365 = arith.constant 255 : i32
        %and3A_366 = vector.broadcast %and3A_365 : i32 to vector<16xi32>
        %and3A_367 = arith.andi %shift_right_logical3A_364, %and3A_366 : vector<16xi32>
        %add3A_368 = arith.constant 256 : i32
        %add3A_369 = vector.broadcast %add3A_368 : i32 to vector<16xi32>
        %add3A_370 = arith.addi %add3A_369, %iota3A : vector<16xi32>
        %select_n3A_371 = arith.select %eq3A_361, %and3A_367, %add3A_370 : vector<16xi1>, vector<16xi32>
        tpu.vector_store_idx %arg6[%select_n3A_371], %broadcast_in_dim3A_3 {add = true} : memref<272xi32, #tpu.memory_space<vmem>>[vector<16xi32>], vector<16xi32>,
        %mul3A_372 = arith.constant 128 : i32
        %mul3A_373 = arith.muli %scan3A_254, %mul3A_372 : i32
        %add3A_374 = arith.constant 96 : i32
        %add3A_375 = arith.addi %mul3A_373, %add3A_374 : i32
        %get3A_376 = arith.index_cast %add3A_375 : i32 to index
        %get3A_377 = tpu.vector_load %arg5[%get3A_376] {strides = array<i32>} : memref<1024xi32, #tpu.memory_space<vmem>>, vector<16xi32>,
        %and3A_378 = vector.broadcast %scan3A_93 : i32 to vector<16xi32>
        %and3A_379 = arith.andi %get3A_377, %and3A_378 : vector<16xi32>
        %eq3A_380 = vector.broadcast %squeeze3A : i32 to vector<16xi32>
        %eq3A_381 = arith.cmpi eq, %and3A_379, %eq3A_380 : vector<16xi32>
        %shift_right_logical3A_382 = arith.constant 16 : i32
        %shift_right_logical3A_383 = vector.broadcast %shift_right_logical3A_382 : i32 to vector<16xi32>
        %shift_right_logical3A_384 = arith.shrui %get3A_377, %shift_right_logical3A_383 : vector<16xi32>
        %and3A_385 = arith.constant 255 : i32
        %and3A_386 = vector.broadcast %and3A_385 : i32 to vector<16xi32>
        %and3A_387 = arith.andi %shift_right_logical3A_384, %and3A_386 : vector<16xi32>
        %add3A_388 = arith.constant 256 : i32
        %add3A_389 = vector.broadcast %add3A_388 : i32 to vector<16xi32>
        %add3A_390 = arith.addi %add3A_389, %iota3A : vector<16xi32>
        %select_n3A_391 = arith.select %eq3A_381, %and3A_387, %add3A_390 : vector<16xi1>, vector<16xi32>
        tpu.vector_store_idx %arg6[%select_n3A_391], %broadcast_in_dim3A_3 {add = true} : memref<272xi32, #tpu.memory_space<vmem>>[vector<16xi32>], vector<16xi32>,
        %mul3A_392 = arith.constant 128 : i32
        %mul3A_393 = arith.muli %scan3A_254, %mul3A_392 : i32
        %add3A_394 = arith.constant 112 : i32
        %add3A_395 = arith.addi %mul3A_393, %add3A_394 : i32
        %get3A_396 = arith.index_cast %add3A_395 : i32 to index
        %get3A_397 = tpu.vector_load %arg5[%get3A_396] {strides = array<i32>} : memref<1024xi32, #tpu.memory_space<vmem>>, vector<16xi32>,
        %and3A_398 = vector.broadcast %scan3A_93 : i32 to vector<16xi32>
        %and3A_399 = arith.andi %get3A_397, %and3A_398 : vector<16xi32>
        %eq3A_400 = vector.broadcast %squeeze3A : i32 to vector<16xi32>
        %eq3A_401 = arith.cmpi eq, %and3A_399, %eq3A_400 : vector<16xi32>
        %shift_right_logical3A_402 = arith.constant 16 : i32
        %shift_right_logical3A_403 = vector.broadcast %shift_right_logical3A_402 : i32 to vector<16xi32>
        %shift_right_logical3A_404 = arith.shrui %get3A_397, %shift_right_logical3A_403 : vector<16xi32>
        %and3A_405 = arith.constant 255 : i32
        %and3A_406 = vector.broadcast %and3A_405 : i32 to vector<16xi32>
        %and3A_407 = arith.andi %shift_right_logical3A_404, %and3A_406 : vector<16xi32>
        %add3A_408 = arith.constant 256 : i32
        %add3A_409 = vector.broadcast %add3A_408 : i32 to vector<16xi32>
        %add3A_410 = arith.addi %add3A_409, %iota3A : vector<16xi32>
        %select_n3A_411 = arith.select %eq3A_401, %and3A_407, %add3A_410 : vector<16xi1>, vector<16xi32>
        tpu.vector_store_idx %arg6[%select_n3A_411], %broadcast_in_dim3A_3 {add = true} : memref<272xi32, #tpu.memory_space<vmem>>[vector<16xi32>], vector<16xi32>,
        %scan3A_412 = arith.constant 0 : i32
        scf.yield %scan3A_412 : i32
      }
      %scan3A_100 = arith.constant 8 : i32
      %mul3A_101 = arith.constant 256 : i32
      %mul3A_102 = arith.muli %arg1, %mul3A_101 : i32
      %run_scoped3A_103 = arith.constant 1 : i32
      "tpu.region"() ({
        %run_scoped3A_254 = tpu.sem_alloc : memref<!tpu.dma_semaphore, #tpu.memory_space<semaphore_mem>>
        %dma_start3A = arith.constant 0 : i32
        %dma_start3A_255 = tpu.memref_slice %arg6[%dma_start3A] : memref<272xi32, #tpu.memory_space<vmem>> -> memref<256xi32, #tpu.memory_space<vmem>>
        %dma_start3A_256 = tpu.memref_slice %arg13[%run_scoped3A_103, %mul3A_102] : memref<4x4096xi32, #tpu.memory_space<vmem_shared>> -> memref<1x256xi32, #tpu.memory_space<vmem_shared>>
        %dma_start3A_257 = tpu.memref_squeeze %dma_start3A_256 : memref<1x256xi32, #tpu.memory_space<vmem_shared>> -> memref<256xi32, #tpu.memory_space<vmem_shared>>
        %dma_start3A_258 = tpu.memref_slice %arg13[%run_scoped3A_103, %mul3A_102] : memref<4x4096xi32, #tpu.memory_space<vmem_shared>> -> memref<1x256xi32, #tpu.memory_space<vmem_shared>>
        %dma_start3A_259 = tpu.memref_squeeze %dma_start3A_258 : memref<1x256xi32, #tpu.memory_space<vmem_shared>> -> memref<256xi32, #tpu.memory_space<vmem_shared>>
        %dma_start3A_260 = arith.constant 0 : i32
        %dma_start3A_261 = tpu.memref_slice %arg6[%dma_start3A_260] : memref<272xi32, #tpu.memory_space<vmem>> -> memref<256xi32, #tpu.memory_space<vmem>>
        tpu.enqueue_dma source(%dma_start3A_261 : memref<256xi32, #tpu.memory_space<vmem>>) target(%dma_start3A_259 : memref<256xi32, #tpu.memory_space<vmem_shared>>) target_semaphore(%run_scoped3A_254 : memref<!tpu.dma_semaphore, #tpu.memory_space<semaphore_mem>>)
        %dma_wait3A = arith.constant 0 : i32
        %dma_wait3A_262 = tpu.memref_slice %arg6[%dma_wait3A] : memref<272xi32, #tpu.memory_space<vmem>> -> memref<256xi32, #tpu.memory_space<vmem>>
        %dma_wait3A_263 = tpu.memref_slice %arg13[%run_scoped3A_103, %mul3A_102] : memref<4x4096xi32, #tpu.memory_space<vmem_shared>> -> memref<1x256xi32, #tpu.memory_space<vmem_shared>>
        %dma_wait3A_264 = tpu.memref_squeeze %dma_wait3A_263 : memref<1x256xi32, #tpu.memory_space<vmem_shared>> -> memref<256xi32, #tpu.memory_space<vmem_shared>>
        %dma_wait3A_265 = tpu.memref_slice %arg13[%run_scoped3A_103, %mul3A_102] : memref<4x4096xi32, #tpu.memory_space<vmem_shared>> -> memref<1x256xi32, #tpu.memory_space<vmem_shared>>
        %dma_wait3A_266 = tpu.memref_squeeze %dma_wait3A_265 : memref<1x256xi32, #tpu.memory_space<vmem_shared>> -> memref<256xi32, #tpu.memory_space<vmem_shared>>
        %dma_wait3A_267 = arith.constant 0 : i32
        %dma_wait3A_268 = tpu.memref_slice %arg6[%dma_wait3A_267] : memref<272xi32, #tpu.memory_space<vmem>> -> memref<256xi32, #tpu.memory_space<vmem>>
        tpu.wait_dma2 semaphore(%run_scoped3A_254 : memref<!tpu.dma_semaphore, #tpu.memory_space<semaphore_mem>>) src(%dma_wait3A_268 : memref<256xi32, #tpu.memory_space<vmem>>) dst(%dma_wait3A_266 : memref<256xi32, #tpu.memory_space<vmem_shared>>)
        tpu.yield
      }) : () -> ()
      %barrier3A_104 = arith.constant 0 : index
      tpu.barrier barrier_id(%barrier3A_104)
      %eq3A_105 = arith.constant 0 : i32
      %eq3A_106 = arith.cmpi eq, %arg1, %eq3A_105 : i32
      %convert_element_type3A_107 = arith.extui %eq3A_106 : i1 to i32
      %cond3A_108 = arith.constant 0 : i32
      %cond3A_109 = arith.cmpi ne, %convert_element_type3A_107, %cond3A_108 : i32
      scf.if %cond3A_109 {
        %run_scoped3A_254 = arith.constant 1 : i32
        "tpu.region"() ({
          %run_scoped3A_436 = tpu.sem_alloc : memref<!tpu.dma_semaphore, #tpu.memory_space<semaphore_mem>>
          %dma_start3A = arith.constant 0 : i32
          %dma_start3A_437 = tpu.memref_slice %arg13[%run_scoped3A_254, %dma_start3A] : memref<4x4096xi32, #tpu.memory_space<vmem_shared>> -> memref<1x4096xi32, #tpu.memory_space<vmem_shared>>
          %dma_start3A_438 = tpu.memref_squeeze %dma_start3A_437 : memref<1x4096xi32, #tpu.memory_space<vmem_shared>> -> memref<4096xi32, #tpu.memory_space<vmem_shared>>
          %dma_start3A_439 = arith.constant 0 : i32
          %dma_start3A_440 = tpu.memref_slice %arg13[%run_scoped3A_254, %dma_start3A_439] : memref<4x4096xi32, #tpu.memory_space<vmem_shared>> -> memref<1x4096xi32, #tpu.memory_space<vmem_shared>>
          %dma_start3A_441 = tpu.memref_squeeze %dma_start3A_440 : memref<1x4096xi32, #tpu.memory_space<vmem_shared>> -> memref<4096xi32, #tpu.memory_space<vmem_shared>>
          tpu.enqueue_dma source(%dma_start3A_441 : memref<4096xi32, #tpu.memory_space<vmem_shared>>) target(%arg8 : memref<4096xi32, #tpu.memory_space<vmem>>) target_semaphore(%run_scoped3A_436 : memref<!tpu.dma_semaphore, #tpu.memory_space<semaphore_mem>>)
          %dma_wait3A = arith.constant 0 : i32
          %dma_wait3A_442 = tpu.memref_slice %arg13[%run_scoped3A_254, %dma_wait3A] : memref<4x4096xi32, #tpu.memory_space<vmem_shared>> -> memref<1x4096xi32, #tpu.memory_space<vmem_shared>>
          %dma_wait3A_443 = tpu.memref_squeeze %dma_wait3A_442 : memref<1x4096xi32, #tpu.memory_space<vmem_shared>> -> memref<4096xi32, #tpu.memory_space<vmem_shared>>
          %dma_wait3A_444 = arith.constant 0 : i32
          %dma_wait3A_445 = tpu.memref_slice %arg13[%run_scoped3A_254, %dma_wait3A_444] : memref<4x4096xi32, #tpu.memory_space<vmem_shared>> -> memref<1x4096xi32, #tpu.memory_space<vmem_shared>>
          %dma_wait3A_446 = tpu.memref_squeeze %dma_wait3A_445 : memref<1x4096xi32, #tpu.memory_space<vmem_shared>> -> memref<4096xi32, #tpu.memory_space<vmem_shared>>
          tpu.wait_dma2 semaphore(%run_scoped3A_436 : memref<!tpu.dma_semaphore, #tpu.memory_space<semaphore_mem>>) src(%dma_wait3A_446 : memref<4096xi32, #tpu.memory_space<vmem_shared>>) dst(%arg8 : memref<4096xi32, #tpu.memory_space<vmem>>)
          tpu.yield
        }) : () -> ()
        %scan3A_255 = arith.constant 0 : i32
        %scan3A_256 = arith.constant 16 : i32
        %scan3A_257 = arith.addi %scan3A_255, %scan3A_256 : i32
        %scan3A_258 = arith.constant 1 : i32
        %scan3A_259 = scf.for %scan3A_436 = %scan3A_255 to %scan3A_257 step %scan3A_258 iter_args(%scan3A_437 = %broadcast_in_dim3A_5) -> (vector<16xi32>)  : i32 {
          %mul3A_438 = arith.constant 256 : i32
          %mul3A_439 = arith.muli %scan3A_436, %mul3A_438 : i32
          %add3A_440 = arith.constant 0 : i32
          %add3A_441 = arith.addi %mul3A_439, %add3A_440 : i32
          %get3A_442 = arith.index_cast %add3A_441 : i32 to index
          %get3A_443 = tpu.vector_load %arg8[%get3A_442] {strides = array<i32>} : memref<4096xi32, #tpu.memory_space<vmem>>, vector<16xi32>,
          %add3A_444 = arith.addi %scan3A_437, %get3A_443 : vector<16xi32>
          scf.yield %add3A_444 : vector<16xi32>
        }
        %scan3A_260 = arith.constant 16 : i32
        %swap3A_261 = arith.constant 0 : index
        %swap3A_262 = tpu.vector_load %arg7[%swap3A_261] {strides = array<i32>} : memref<256xi32, #tpu.memory_space<vmem>>, vector<16xi32>,
        tpu.vector_store %arg7[%swap3A_261], %scan3A_259 {strides = array<i32>} : memref<256xi32, #tpu.memory_space<vmem>>, vector<16xi32>,
        %scan3A_263 = arith.constant 0 : i32
        %scan3A_264 = arith.constant 16 : i32
        %scan3A_265 = arith.addi %scan3A_263, %scan3A_264 : i32
        %scan3A_266 = arith.constant 1 : i32
        %scan3A_267 = scf.for %scan3A_436 = %scan3A_263 to %scan3A_265 step %scan3A_266 iter_args(%scan3A_437 = %broadcast_in_dim3A_5) -> (vector<16xi32>)  : i32 {
          %mul3A_438 = arith.constant 256 : i32
          %mul3A_439 = arith.muli %scan3A_436, %mul3A_438 : i32
          %add3A_440 = arith.constant 16 : i32
          %add3A_441 = arith.addi %mul3A_439, %add3A_440 : i32
          %get3A_442 = arith.index_cast %add3A_441 : i32 to index
          %get3A_443 = tpu.vector_load %arg8[%get3A_442] {strides = array<i32>} : memref<4096xi32, #tpu.memory_space<vmem>>, vector<16xi32>,
          %add3A_444 = arith.addi %scan3A_437, %get3A_443 : vector<16xi32>
          scf.yield %add3A_444 : vector<16xi32>
        }
        %scan3A_268 = arith.constant 16 : i32
        %swap3A_269 = arith.constant 16 : index
        %swap3A_270 = tpu.vector_load %arg7[%swap3A_269] {strides = array<i32>} : memref<256xi32, #tpu.memory_space<vmem>>, vector<16xi32>,
        tpu.vector_store %arg7[%swap3A_269], %scan3A_267 {strides = array<i32>} : memref<256xi32, #tpu.memory_space<vmem>>, vector<16xi32>,
        %scan3A_271 = arith.constant 0 : i32
        %scan3A_272 = arith.constant 16 : i32
        %scan3A_273 = arith.addi %scan3A_271, %scan3A_272 : i32
        %scan3A_274 = arith.constant 1 : i32
        %scan3A_275 = scf.for %scan3A_436 = %scan3A_271 to %scan3A_273 step %scan3A_274 iter_args(%scan3A_437 = %broadcast_in_dim3A_5) -> (vector<16xi32>)  : i32 {
          %mul3A_438 = arith.constant 256 : i32
          %mul3A_439 = arith.muli %scan3A_436, %mul3A_438 : i32
          %add3A_440 = arith.constant 32 : i32
          %add3A_441 = arith.addi %mul3A_439, %add3A_440 : i32
          %get3A_442 = arith.index_cast %add3A_441 : i32 to index
          %get3A_443 = tpu.vector_load %arg8[%get3A_442] {strides = array<i32>} : memref<4096xi32, #tpu.memory_space<vmem>>, vector<16xi32>,
          %add3A_444 = arith.addi %scan3A_437, %get3A_443 : vector<16xi32>
          scf.yield %add3A_444 : vector<16xi32>
        }
        %scan3A_276 = arith.constant 16 : i32
        %swap3A_277 = arith.constant 32 : index
        %swap3A_278 = tpu.vector_load %arg7[%swap3A_277] {strides = array<i32>} : memref<256xi32, #tpu.memory_space<vmem>>, vector<16xi32>,
        tpu.vector_store %arg7[%swap3A_277], %scan3A_275 {strides = array<i32>} : memref<256xi32, #tpu.memory_space<vmem>>, vector<16xi32>,
        %scan3A_279 = arith.constant 0 : i32
        %scan3A_280 = arith.constant 16 : i32
        %scan3A_281 = arith.addi %scan3A_279, %scan3A_280 : i32
        %scan3A_282 = arith.constant 1 : i32
        %scan3A_283 = scf.for %scan3A_436 = %scan3A_279 to %scan3A_281 step %scan3A_282 iter_args(%scan3A_437 = %broadcast_in_dim3A_5) -> (vector<16xi32>)  : i32 {
          %mul3A_438 = arith.constant 256 : i32
          %mul3A_439 = arith.muli %scan3A_436, %mul3A_438 : i32
          %add3A_440 = arith.constant 48 : i32
          %add3A_441 = arith.addi %mul3A_439, %add3A_440 : i32
          %get3A_442 = arith.index_cast %add3A_441 : i32 to index
          %get3A_443 = tpu.vector_load %arg8[%get3A_442] {strides = array<i32>} : memref<4096xi32, #tpu.memory_space<vmem>>, vector<16xi32>,
          %add3A_444 = arith.addi %scan3A_437, %get3A_443 : vector<16xi32>
          scf.yield %add3A_444 : vector<16xi32>
        }
        %scan3A_284 = arith.constant 16 : i32
        %swap3A_285 = arith.constant 48 : index
        %swap3A_286 = tpu.vector_load %arg7[%swap3A_285] {strides = array<i32>} : memref<256xi32, #tpu.memory_space<vmem>>, vector<16xi32>,
        tpu.vector_store %arg7[%swap3A_285], %scan3A_283 {strides = array<i32>} : memref<256xi32, #tpu.memory_space<vmem>>, vector<16xi32>,
        %scan3A_287 = arith.constant 0 : i32
        %scan3A_288 = arith.constant 16 : i32
        %scan3A_289 = arith.addi %scan3A_287, %scan3A_288 : i32
        %scan3A_290 = arith.constant 1 : i32
        %scan3A_291 = scf.for %scan3A_436 = %scan3A_287 to %scan3A_289 step %scan3A_290 iter_args(%scan3A_437 = %broadcast_in_dim3A_5) -> (vector<16xi32>)  : i32 {
          %mul3A_438 = arith.constant 256 : i32
          %mul3A_439 = arith.muli %scan3A_436, %mul3A_438 : i32
          %add3A_440 = arith.constant 64 : i32
          %add3A_441 = arith.addi %mul3A_439, %add3A_440 : i32
          %get3A_442 = arith.index_cast %add3A_441 : i32 to index
          %get3A_443 = tpu.vector_load %arg8[%get3A_442] {strides = array<i32>} : memref<4096xi32, #tpu.memory_space<vmem>>, vector<16xi32>,
          %add3A_444 = arith.addi %scan3A_437, %get3A_443 : vector<16xi32>
          scf.yield %add3A_444 : vector<16xi32>
        }
        %scan3A_292 = arith.constant 16 : i32
        %swap3A_293 = arith.constant 64 : index
        %swap3A_294 = tpu.vector_load %arg7[%swap3A_293] {strides = array<i32>} : memref<256xi32, #tpu.memory_space<vmem>>, vector<16xi32>,
        tpu.vector_store %arg7[%swap3A_293], %scan3A_291 {strides = array<i32>} : memref<256xi32, #tpu.memory_space<vmem>>, vector<16xi32>,
        %scan3A_295 = arith.constant 0 : i32
        %scan3A_296 = arith.constant 16 : i32
        %scan3A_297 = arith.addi %scan3A_295, %scan3A_296 : i32
        %scan3A_298 = arith.constant 1 : i32
        %scan3A_299 = scf.for %scan3A_436 = %scan3A_295 to %scan3A_297 step %scan3A_298 iter_args(%scan3A_437 = %broadcast_in_dim3A_5) -> (vector<16xi32>)  : i32 {
          %mul3A_438 = arith.constant 256 : i32
          %mul3A_439 = arith.muli %scan3A_436, %mul3A_438 : i32
          %add3A_440 = arith.constant 80 : i32
          %add3A_441 = arith.addi %mul3A_439, %add3A_440 : i32
          %get3A_442 = arith.index_cast %add3A_441 : i32 to index
          %get3A_443 = tpu.vector_load %arg8[%get3A_442] {strides = array<i32>} : memref<4096xi32, #tpu.memory_space<vmem>>, vector<16xi32>,
          %add3A_444 = arith.addi %scan3A_437, %get3A_443 : vector<16xi32>
          scf.yield %add3A_444 : vector<16xi32>
        }
        %scan3A_300 = arith.constant 16 : i32
        %swap3A_301 = arith.constant 80 : index
        %swap3A_302 = tpu.vector_load %arg7[%swap3A_301] {strides = array<i32>} : memref<256xi32, #tpu.memory_space<vmem>>, vector<16xi32>,
        tpu.vector_store %arg7[%swap3A_301], %scan3A_299 {strides = array<i32>} : memref<256xi32, #tpu.memory_space<vmem>>, vector<16xi32>,
        %scan3A_303 = arith.constant 0 : i32
        %scan3A_304 = arith.constant 16 : i32
        %scan3A_305 = arith.addi %scan3A_303, %scan3A_304 : i32
        %scan3A_306 = arith.constant 1 : i32
        %scan3A_307 = scf.for %scan3A_436 = %scan3A_303 to %scan3A_305 step %scan3A_306 iter_args(%scan3A_437 = %broadcast_in_dim3A_5) -> (vector<16xi32>)  : i32 {
          %mul3A_438 = arith.constant 256 : i32
          %mul3A_439 = arith.muli %scan3A_436, %mul3A_438 : i32
          %add3A_440 = arith.constant 96 : i32
          %add3A_441 = arith.addi %mul3A_439, %add3A_440 : i32
          %get3A_442 = arith.index_cast %add3A_441 : i32 to index
          %get3A_443 = tpu.vector_load %arg8[%get3A_442] {strides = array<i32>} : memref<4096xi32, #tpu.memory_space<vmem>>, vector<16xi32>,
          %add3A_444 = arith.addi %scan3A_437, %get3A_443 : vector<16xi32>
          scf.yield %add3A_444 : vector<16xi32>
        }
        %scan3A_308 = arith.constant 16 : i32
        %swap3A_309 = arith.constant 96 : index
        %swap3A_310 = tpu.vector_load %arg7[%swap3A_309] {strides = array<i32>} : memref<256xi32, #tpu.memory_space<vmem>>, vector<16xi32>,
        tpu.vector_store %arg7[%swap3A_309], %scan3A_307 {strides = array<i32>} : memref<256xi32, #tpu.memory_space<vmem>>, vector<16xi32>,
        %scan3A_311 = arith.constant 0 : i32
        %scan3A_312 = arith.constant 16 : i32
        %scan3A_313 = arith.addi %scan3A_311, %scan3A_312 : i32
        %scan3A_314 = arith.constant 1 : i32
        %scan3A_315 = scf.for %scan3A_436 = %scan3A_311 to %scan3A_313 step %scan3A_314 iter_args(%scan3A_437 = %broadcast_in_dim3A_5) -> (vector<16xi32>)  : i32 {
          %mul3A_438 = arith.constant 256 : i32
          %mul3A_439 = arith.muli %scan3A_436, %mul3A_438 : i32
          %add3A_440 = arith.constant 112 : i32
          %add3A_441 = arith.addi %mul3A_439, %add3A_440 : i32
          %get3A_442 = arith.index_cast %add3A_441 : i32 to index
          %get3A_443 = tpu.vector_load %arg8[%get3A_442] {strides = array<i32>} : memref<4096xi32, #tpu.memory_space<vmem>>, vector<16xi32>,
          %add3A_444 = arith.addi %scan3A_437, %get3A_443 : vector<16xi32>
          scf.yield %add3A_444 : vector<16xi32>
        }
        %scan3A_316 = arith.constant 16 : i32
        %swap3A_317 = arith.constant 112 : index
        %swap3A_318 = tpu.vector_load %arg7[%swap3A_317] {strides = array<i32>} : memref<256xi32, #tpu.memory_space<vmem>>, vector<16xi32>,
        tpu.vector_store %arg7[%swap3A_317], %scan3A_315 {strides = array<i32>} : memref<256xi32, #tpu.memory_space<vmem>>, vector<16xi32>,
        %scan3A_319 = arith.constant 0 : i32
        %scan3A_320 = arith.constant 16 : i32
        %scan3A_321 = arith.addi %scan3A_319, %scan3A_320 : i32
        %scan3A_322 = arith.constant 1 : i32
        %scan3A_323 = scf.for %scan3A_436 = %scan3A_319 to %scan3A_321 step %scan3A_322 iter_args(%scan3A_437 = %broadcast_in_dim3A_5) -> (vector<16xi32>)  : i32 {
          %mul3A_438 = arith.constant 256 : i32
          %mul3A_439 = arith.muli %scan3A_436, %mul3A_438 : i32
          %add3A_440 = arith.constant 128 : i32
          %add3A_441 = arith.addi %mul3A_439, %add3A_440 : i32
          %get3A_442 = arith.index_cast %add3A_441 : i32 to index
          %get3A_443 = tpu.vector_load %arg8[%get3A_442] {strides = array<i32>} : memref<4096xi32, #tpu.memory_space<vmem>>, vector<16xi32>,
          %add3A_444 = arith.addi %scan3A_437, %get3A_443 : vector<16xi32>
          scf.yield %add3A_444 : vector<16xi32>
        }
        %scan3A_324 = arith.constant 16 : i32
        %swap3A_325 = arith.constant 128 : index
        %swap3A_326 = tpu.vector_load %arg7[%swap3A_325] {strides = array<i32>} : memref<256xi32, #tpu.memory_space<vmem>>, vector<16xi32>,
        tpu.vector_store %arg7[%swap3A_325], %scan3A_323 {strides = array<i32>} : memref<256xi32, #tpu.memory_space<vmem>>, vector<16xi32>,
        %scan3A_327 = arith.constant 0 : i32
        %scan3A_328 = arith.constant 16 : i32
        %scan3A_329 = arith.addi %scan3A_327, %scan3A_328 : i32
        %scan3A_330 = arith.constant 1 : i32
        %scan3A_331 = scf.for %scan3A_436 = %scan3A_327 to %scan3A_329 step %scan3A_330 iter_args(%scan3A_437 = %broadcast_in_dim3A_5) -> (vector<16xi32>)  : i32 {
          %mul3A_438 = arith.constant 256 : i32
          %mul3A_439 = arith.muli %scan3A_436, %mul3A_438 : i32
          %add3A_440 = arith.constant 144 : i32
          %add3A_441 = arith.addi %mul3A_439, %add3A_440 : i32
          %get3A_442 = arith.index_cast %add3A_441 : i32 to index
          %get3A_443 = tpu.vector_load %arg8[%get3A_442] {strides = array<i32>} : memref<4096xi32, #tpu.memory_space<vmem>>, vector<16xi32>,
          %add3A_444 = arith.addi %scan3A_437, %get3A_443 : vector<16xi32>
          scf.yield %add3A_444 : vector<16xi32>
        }
        %scan3A_332 = arith.constant 16 : i32
        %swap3A_333 = arith.constant 144 : index
        %swap3A_334 = tpu.vector_load %arg7[%swap3A_333] {strides = array<i32>} : memref<256xi32, #tpu.memory_space<vmem>>, vector<16xi32>,
        tpu.vector_store %arg7[%swap3A_333], %scan3A_331 {strides = array<i32>} : memref<256xi32, #tpu.memory_space<vmem>>, vector<16xi32>,
        %scan3A_335 = arith.constant 0 : i32
        %scan3A_336 = arith.constant 16 : i32
        %scan3A_337 = arith.addi %scan3A_335, %scan3A_336 : i32
        %scan3A_338 = arith.constant 1 : i32
        %scan3A_339 = scf.for %scan3A_436 = %scan3A_335 to %scan3A_337 step %scan3A_338 iter_args(%scan3A_437 = %broadcast_in_dim3A_5) -> (vector<16xi32>)  : i32 {
          %mul3A_438 = arith.constant 256 : i32
          %mul3A_439 = arith.muli %scan3A_436, %mul3A_438 : i32
          %add3A_440 = arith.constant 160 : i32
          %add3A_441 = arith.addi %mul3A_439, %add3A_440 : i32
          %get3A_442 = arith.index_cast %add3A_441 : i32 to index
          %get3A_443 = tpu.vector_load %arg8[%get3A_442] {strides = array<i32>} : memref<4096xi32, #tpu.memory_space<vmem>>, vector<16xi32>,
          %add3A_444 = arith.addi %scan3A_437, %get3A_443 : vector<16xi32>
          scf.yield %add3A_444 : vector<16xi32>
        }
        %scan3A_340 = arith.constant 16 : i32
        %swap3A_341 = arith.constant 160 : index
        %swap3A_342 = tpu.vector_load %arg7[%swap3A_341] {strides = array<i32>} : memref<256xi32, #tpu.memory_space<vmem>>, vector<16xi32>,
        tpu.vector_store %arg7[%swap3A_341], %scan3A_339 {strides = array<i32>} : memref<256xi32, #tpu.memory_space<vmem>>, vector<16xi32>,
        %scan3A_343 = arith.constant 0 : i32
        %scan3A_344 = arith.constant 16 : i32
        %scan3A_345 = arith.addi %scan3A_343, %scan3A_344 : i32
        %scan3A_346 = arith.constant 1 : i32
        %scan3A_347 = scf.for %scan3A_436 = %scan3A_343 to %scan3A_345 step %scan3A_346 iter_args(%scan3A_437 = %broadcast_in_dim3A_5) -> (vector<16xi32>)  : i32 {
          %mul3A_438 = arith.constant 256 : i32
          %mul3A_439 = arith.muli %scan3A_436, %mul3A_438 : i32
          %add3A_440 = arith.constant 176 : i32
          %add3A_441 = arith.addi %mul3A_439, %add3A_440 : i32
          %get3A_442 = arith.index_cast %add3A_441 : i32 to index
          %get3A_443 = tpu.vector_load %arg8[%get3A_442] {strides = array<i32>} : memref<4096xi32, #tpu.memory_space<vmem>>, vector<16xi32>,
          %add3A_444 = arith.addi %scan3A_437, %get3A_443 : vector<16xi32>
          scf.yield %add3A_444 : vector<16xi32>
        }
        %scan3A_348 = arith.constant 16 : i32
        %swap3A_349 = arith.constant 176 : index
        %swap3A_350 = tpu.vector_load %arg7[%swap3A_349] {strides = array<i32>} : memref<256xi32, #tpu.memory_space<vmem>>, vector<16xi32>,
        tpu.vector_store %arg7[%swap3A_349], %scan3A_347 {strides = array<i32>} : memref<256xi32, #tpu.memory_space<vmem>>, vector<16xi32>,
        %scan3A_351 = arith.constant 0 : i32
        %scan3A_352 = arith.constant 16 : i32
        %scan3A_353 = arith.addi %scan3A_351, %scan3A_352 : i32
        %scan3A_354 = arith.constant 1 : i32
        %scan3A_355 = scf.for %scan3A_436 = %scan3A_351 to %scan3A_353 step %scan3A_354 iter_args(%scan3A_437 = %broadcast_in_dim3A_5) -> (vector<16xi32>)  : i32 {
          %mul3A_438 = arith.constant 256 : i32
          %mul3A_439 = arith.muli %scan3A_436, %mul3A_438 : i32
          %add3A_440 = arith.constant 192 : i32
          %add3A_441 = arith.addi %mul3A_439, %add3A_440 : i32
          %get3A_442 = arith.index_cast %add3A_441 : i32 to index
          %get3A_443 = tpu.vector_load %arg8[%get3A_442] {strides = array<i32>} : memref<4096xi32, #tpu.memory_space<vmem>>, vector<16xi32>,
          %add3A_444 = arith.addi %scan3A_437, %get3A_443 : vector<16xi32>
          scf.yield %add3A_444 : vector<16xi32>
        }
        %scan3A_356 = arith.constant 16 : i32
        %swap3A_357 = arith.constant 192 : index
        %swap3A_358 = tpu.vector_load %arg7[%swap3A_357] {strides = array<i32>} : memref<256xi32, #tpu.memory_space<vmem>>, vector<16xi32>,
        tpu.vector_store %arg7[%swap3A_357], %scan3A_355 {strides = array<i32>} : memref<256xi32, #tpu.memory_space<vmem>>, vector<16xi32>,
        %scan3A_359 = arith.constant 0 : i32
        %scan3A_360 = arith.constant 16 : i32
        %scan3A_361 = arith.addi %scan3A_359, %scan3A_360 : i32
        %scan3A_362 = arith.constant 1 : i32
        %scan3A_363 = scf.for %scan3A_436 = %scan3A_359 to %scan3A_361 step %scan3A_362 iter_args(%scan3A_437 = %broadcast_in_dim3A_5) -> (vector<16xi32>)  : i32 {
          %mul3A_438 = arith.constant 256 : i32
          %mul3A_439 = arith.muli %scan3A_436, %mul3A_438 : i32
          %add3A_440 = arith.constant 208 : i32
          %add3A_441 = arith.addi %mul3A_439, %add3A_440 : i32
          %get3A_442 = arith.index_cast %add3A_441 : i32 to index
          %get3A_443 = tpu.vector_load %arg8[%get3A_442] {strides = array<i32>} : memref<4096xi32, #tpu.memory_space<vmem>>, vector<16xi32>,
          %add3A_444 = arith.addi %scan3A_437, %get3A_443 : vector<16xi32>
          scf.yield %add3A_444 : vector<16xi32>
        }
        %scan3A_364 = arith.constant 16 : i32
        %swap3A_365 = arith.constant 208 : index
        %swap3A_366 = tpu.vector_load %arg7[%swap3A_365] {strides = array<i32>} : memref<256xi32, #tpu.memory_space<vmem>>, vector<16xi32>,
        tpu.vector_store %arg7[%swap3A_365], %scan3A_363 {strides = array<i32>} : memref<256xi32, #tpu.memory_space<vmem>>, vector<16xi32>,
        %scan3A_367 = arith.constant 0 : i32
        %scan3A_368 = arith.constant 16 : i32
        %scan3A_369 = arith.addi %scan3A_367, %scan3A_368 : i32
        %scan3A_370 = arith.constant 1 : i32
        %scan3A_371 = scf.for %scan3A_436 = %scan3A_367 to %scan3A_369 step %scan3A_370 iter_args(%scan3A_437 = %broadcast_in_dim3A_5) -> (vector<16xi32>)  : i32 {
          %mul3A_438 = arith.constant 256 : i32
          %mul3A_439 = arith.muli %scan3A_436, %mul3A_438 : i32
          %add3A_440 = arith.constant 224 : i32
          %add3A_441 = arith.addi %mul3A_439, %add3A_440 : i32
          %get3A_442 = arith.index_cast %add3A_441 : i32 to index
          %get3A_443 = tpu.vector_load %arg8[%get3A_442] {strides = array<i32>} : memref<4096xi32, #tpu.memory_space<vmem>>, vector<16xi32>,
          %add3A_444 = arith.addi %scan3A_437, %get3A_443 : vector<16xi32>
          scf.yield %add3A_444 : vector<16xi32>
        }
        %scan3A_372 = arith.constant 16 : i32
        %swap3A_373 = arith.constant 224 : index
        %swap3A_374 = tpu.vector_load %arg7[%swap3A_373] {strides = array<i32>} : memref<256xi32, #tpu.memory_space<vmem>>, vector<16xi32>,
        tpu.vector_store %arg7[%swap3A_373], %scan3A_371 {strides = array<i32>} : memref<256xi32, #tpu.memory_space<vmem>>, vector<16xi32>,
        %scan3A_375 = arith.constant 0 : i32
        %scan3A_376 = arith.constant 16 : i32
        %scan3A_377 = arith.addi %scan3A_375, %scan3A_376 : i32
        %scan3A_378 = arith.constant 1 : i32
        %scan3A_379 = scf.for %scan3A_436 = %scan3A_375 to %scan3A_377 step %scan3A_378 iter_args(%scan3A_437 = %broadcast_in_dim3A_5) -> (vector<16xi32>)  : i32 {
          %mul3A_438 = arith.constant 256 : i32
          %mul3A_439 = arith.muli %scan3A_436, %mul3A_438 : i32
          %add3A_440 = arith.constant 240 : i32
          %add3A_441 = arith.addi %mul3A_439, %add3A_440 : i32
          %get3A_442 = arith.index_cast %add3A_441 : i32 to index
          %get3A_443 = tpu.vector_load %arg8[%get3A_442] {strides = array<i32>} : memref<4096xi32, #tpu.memory_space<vmem>>, vector<16xi32>,
          %add3A_444 = arith.addi %scan3A_437, %get3A_443 : vector<16xi32>
          scf.yield %add3A_444 : vector<16xi32>
        }
        %scan3A_380 = arith.constant 16 : i32
        %swap3A_381 = arith.constant 240 : index
        %swap3A_382 = tpu.vector_load %arg7[%swap3A_381] {strides = array<i32>} : memref<256xi32, #tpu.memory_space<vmem>>, vector<16xi32>,
        tpu.vector_store %arg7[%swap3A_381], %scan3A_379 {strides = array<i32>} : memref<256xi32, #tpu.memory_space<vmem>>, vector<16xi32>,
        %scan3A_383 = arith.constant 0 : i32
        %scan3A_384 = arith.constant 0 : i32
        %scan3A_385 = arith.constant 0 : i32
        %scan3A_386 = arith.constant false
        %scan3A_387 = arith.constant 0 : i32
        %scan3A_388 = arith.constant 16 : i32
        %scan3A_389 = arith.addi %scan3A_387, %scan3A_388 : i32
        %scan3A_390 = arith.constant 1 : i32
        %scan3A_391:5 = scf.for %scan3A_436 = %scan3A_387 to %scan3A_389 step %scan3A_390 iter_args(%scan3A_437 = %scan3A_383, %scan3A_438 = %scan3A_384, %scan3A_439 = %scan3A_385, %scan3A_440 = %broadcast_in_dim3A_5, %scan3A_441 = %scan3A_386) -> (i32, i32, i32, vector<16xi32>, i1)  : i32 {
          %sub3A_442 = arith.constant 15 : i32
          %sub3A_443 = arith.subi %sub3A_442, %scan3A_436 : i32
          %mul3A_444 = arith.constant 16 : i32
          %mul3A_445 = arith.muli %sub3A_443, %mul3A_444 : i32
          %get3A_446 = arith.index_cast %mul3A_445 : i32 to index
          %get3A_447 = tpu.vector_load %arg7[%get3A_446] {strides = array<i32>} : memref<256xi32, #tpu.memory_space<vmem>>, vector<16xi32>,
          %reduce_sum3A_448 = arith.constant true
          %reduce_sum3A_449 = vector.broadcast %reduce_sum3A_448 : i1 to vector<16xi1>
          %reduce_sum3A_450 = tpu.scan <sum>, %get3A_447 masked %reduce_sum3A_449 : vector<16xi32>, vector<16xi1> -> vector<16xi32>
          %reduce_sum3A_451 = vector.extract %reduce_sum3A_450[15] : i32 from vector<16xi32>
          %not3A = arith.constant true
          %not3A_452 = arith.xori %scan3A_441, %not3A : i1
          %add3A_453 = arith.addi %scan3A_437, %reduce_sum3A_451 : i32
          %ge3A_454 = arith.cmpi sge, %add3A_453, %squeeze3A_58 : i32
          %and3A = arith.andi %not3A_452, %ge3A_454 : i1
          %select_n3A_455 = arith.select %and3A, %scan3A_437, %scan3A_438 : i32
          %select_n3A_456 = arith.select %and3A, %sub3A_443, %scan3A_439 : i32
          %select_n3A_457 = arith.select %and3A, %get3A_447, %scan3A_440 : vector<16xi32>
          %or3A_458 = arith.ori %scan3A_441, %and3A : i1
          %add3A_459 = arith.addi %scan3A_437, %reduce_sum3A_451 : i32
          %select_n3A_460 = arith.select %or3A_458, %scan3A_437, %add3A_459 : i32
          scf.yield %select_n3A_460, %select_n3A_455, %select_n3A_456, %select_n3A_457, %or3A_458 : i32, i32, i32, vector<16xi32>, i1
        }
        %scan3A_392 = arith.constant 16 : i32
        %sub3A = arith.subi %squeeze3A_58, %scan3A_391#1 : i32
        %rev3A = arith.constant 15 : i32
        %rev3A_393 = vector.broadcast %rev3A : i32 to vector<16xi32>
        %rev3A_394 = tpu.iota {dimensions = array<i32: 0>} : vector<16xi32>
        %rev3A_395 = arith.subi %rev3A_393, %rev3A_394 : vector<16xi32>
        %rev3A_396 = tpu.dynamic_gather %scan3A_391#3[%rev3A_395] in [0] : vector<16xi32>, vector<16xi32> -> vector<16xi32>
        %cumsum3A = arith.constant true
        %cumsum3A_397 = vector.broadcast %cumsum3A : i1 to vector<16xi1>
        %cumsum3A_398 = tpu.scan <sum>, %rev3A_396 masked %cumsum3A_397 : vector<16xi32>, vector<16xi1> -> vector<16xi32>
        %rev3A_399 = arith.constant 15 : i32
        %rev3A_400 = vector.broadcast %rev3A_399 : i32 to vector<16xi32>
        %rev3A_401 = tpu.iota {dimensions = array<i32: 0>} : vector<16xi32>
        %rev3A_402 = arith.subi %rev3A_400, %rev3A_401 : vector<16xi32>
        %rev3A_403 = tpu.dynamic_gather %cumsum3A_398[%rev3A_402] in [0] : vector<16xi32>, vector<16xi32> -> vector<16xi32>
        %ge3A = vector.broadcast %sub3A : i32 to vector<16xi32>
        %ge3A_404 = arith.cmpi sge, %rev3A_403, %ge3A : vector<16xi32>
        %all_reduce_population_count3A = tpu.all_reduce %ge3A_404 {dim = 0 : i64, kind = #tpu.reduction_kind<sum>} : vector<16xi1> -> vector<16xi32>
        %slice3A_405 = vector.extract_strided_slice %all_reduce_population_count3A {offsets = [0], sizes = [1], strides = [1]} : vector<16xi32> to vector<1xi32>
        %squeeze3A_406 = vector.extract %slice3A_405[0] : i32 from vector<1xi32>
        %sub3A_407 = arith.constant 1 : i32
        %sub3A_408 = arith.subi %squeeze3A_406, %sub3A_407 : i32
        %eq3A_409 = vector.broadcast %sub3A_408 : i32 to vector<16xi32>
        %eq3A_410 = arith.cmpi eq, %iota3A, %eq3A_409 : vector<16xi32>
        %jit3A = arith.constant 0 : i32
        %broadcast_in_dim3A_411 = vector.broadcast %jit3A : i32 to vector<16xi32>
        %select_n3A = arith.select %eq3A_410, %rev3A_403, %broadcast_in_dim3A_411 : vector<16xi1>, vector<16xi32>
        %reduce_sum3A = arith.constant true
        %reduce_sum3A_412 = vector.broadcast %reduce_sum3A : i1 to vector<16xi1>
        %reduce_sum3A_413 = tpu.scan <sum>, %select_n3A masked %reduce_sum3A_412 : vector<16xi32>, vector<16xi1> -> vector<16xi32>
        %reduce_sum3A_414 = vector.extract %reduce_sum3A_413[15] : i32 from vector<16xi32>
        %jit3A_415 = arith.constant 0 : i32
        %broadcast_in_dim3A_416 = vector.broadcast %jit3A_415 : i32 to vector<16xi32>
        %select_n3A_417 = arith.select %eq3A_410, %scan3A_391#3, %broadcast_in_dim3A_416 : vector<16xi1>, vector<16xi32>
        %reduce_sum3A_418 = arith.constant true
        %reduce_sum3A_419 = vector.broadcast %reduce_sum3A_418 : i1 to vector<16xi1>
        %reduce_sum3A_420 = tpu.scan <sum>, %select_n3A_417 masked %reduce_sum3A_419 : vector<16xi32>, vector<16xi1> -> vector<16xi32>
        %reduce_sum3A_421 = vector.extract %reduce_sum3A_420[15] : i32 from vector<16xi32>
        %mul3A_422 = arith.constant 16 : i32
        %mul3A_423 = arith.muli %scan3A_391#2, %mul3A_422 : i32
        %add3A = arith.addi %mul3A_423, %sub3A_408 : i32
        %shift_left3A = arith.constant 16 : i32
        %shift_left3A_424 = arith.shli %add3A, %shift_left3A : i32
        %or3A = arith.ori %squeeze3A, %shift_left3A_424 : i32
        %sub3A_425 = arith.subi %reduce_sum3A_414, %reduce_sum3A_421 : i32
        %sub3A_426 = arith.subi %sub3A, %sub3A_425 : i32
        %eq3A_427 = arith.constant 0 : i32
        %eq3A_428 = vector.broadcast %eq3A_427 : i32 to vector<16xi32>
        %eq3A_429 = arith.cmpi eq, %iota3A, %eq3A_428 : vector<16xi32>
        %broadcast_in_dim3A_430 = vector.broadcast %or3A : i32 to vector<16xi32>
        %broadcast_in_dim3A_431 = vector.broadcast %sub3A_426 : i32 to vector<16xi32>
        %select_n3A_432 = arith.select %eq3A_429, %broadcast_in_dim3A_430, %broadcast_in_dim3A_431 : vector<16xi1>, vector<16xi32>
        %swap3A_433 = arith.constant 0 : index
        %swap3A_434 = tpu.vector_load %arg12[%swap3A_433] {strides = array<i32>} : memref<16xi32, #tpu.memory_space<vmem>>, vector<16xi32>,
        tpu.vector_store %arg12[%swap3A_433], %select_n3A_432 {strides = array<i32>} : memref<16xi32, #tpu.memory_space<vmem>>, vector<16xi32>,
        %run_scoped3A_435 = arith.constant 1 : i32
        "tpu.region"() ({
          %run_scoped3A_436 = tpu.sem_alloc : memref<!tpu.dma_semaphore, #tpu.memory_space<semaphore_mem>>
          %dma_start3A = arith.constant 0 : i32
          %dma_start3A_437 = tpu.memref_slice %arg15[%run_scoped3A_435, %dma_start3A] : memref<4x16xi32, #tpu.memory_space<vmem_shared>> -> memref<1x16xi32, #tpu.memory_space<vmem_shared>>
          %dma_start3A_438 = tpu.memref_squeeze %dma_start3A_437 : memref<1x16xi32, #tpu.memory_space<vmem_shared>> -> memref<16xi32, #tpu.memory_space<vmem_shared>>
          %dma_start3A_439 = arith.constant 0 : i32
          %dma_start3A_440 = tpu.memref_slice %arg15[%run_scoped3A_435, %dma_start3A_439] : memref<4x16xi32, #tpu.memory_space<vmem_shared>> -> memref<1x16xi32, #tpu.memory_space<vmem_shared>>
          %dma_start3A_441 = tpu.memref_squeeze %dma_start3A_440 : memref<1x16xi32, #tpu.memory_space<vmem_shared>> -> memref<16xi32, #tpu.memory_space<vmem_shared>>
          tpu.enqueue_dma source(%arg12 : memref<16xi32, #tpu.memory_space<vmem>>) target(%dma_start3A_441 : memref<16xi32, #tpu.memory_space<vmem_shared>>) target_semaphore(%run_scoped3A_436 : memref<!tpu.dma_semaphore, #tpu.memory_space<semaphore_mem>>)
          %dma_wait3A = arith.constant 0 : i32
          %dma_wait3A_442 = tpu.memref_slice %arg15[%run_scoped3A_435, %dma_wait3A] : memref<4x16xi32, #tpu.memory_space<vmem_shared>> -> memref<1x16xi32, #tpu.memory_space<vmem_shared>>
          %dma_wait3A_443 = tpu.memref_squeeze %dma_wait3A_442 : memref<1x16xi32, #tpu.memory_space<vmem_shared>> -> memref<16xi32, #tpu.memory_space<vmem_shared>>
          %dma_wait3A_444 = arith.constant 0 : i32
          %dma_wait3A_445 = tpu.memref_slice %arg15[%run_scoped3A_435, %dma_wait3A_444] : memref<4x16xi32, #tpu.memory_space<vmem_shared>> -> memref<1x16xi32, #tpu.memory_space<vmem_shared>>
          %dma_wait3A_446 = tpu.memref_squeeze %dma_wait3A_445 : memref<1x16xi32, #tpu.memory_space<vmem_shared>> -> memref<16xi32, #tpu.memory_space<vmem_shared>>
          tpu.wait_dma2 semaphore(%run_scoped3A_436 : memref<!tpu.dma_semaphore, #tpu.memory_space<semaphore_mem>>) src(%arg12 : memref<16xi32, #tpu.memory_space<vmem>>) dst(%dma_wait3A_446 : memref<16xi32, #tpu.memory_space<vmem_shared>>)
          tpu.yield
        }) : () -> ()
      } else {
      }
      %barrier3A_110 = arith.constant 0 : index
      tpu.barrier barrier_id(%barrier3A_110)
      %run_scoped3A_111 = arith.constant 1 : i32
      "tpu.region"() ({
        %run_scoped3A_254 = tpu.sem_alloc : memref<!tpu.dma_semaphore, #tpu.memory_space<semaphore_mem>>
        %dma_start3A = arith.constant 0 : i32
        %dma_start3A_255 = tpu.memref_slice %arg15[%run_scoped3A_111, %dma_start3A] : memref<4x16xi32, #tpu.memory_space<vmem_shared>> -> memref<1x16xi32, #tpu.memory_space<vmem_shared>>
        %dma_start3A_256 = tpu.memref_squeeze %dma_start3A_255 : memref<1x16xi32, #tpu.memory_space<vmem_shared>> -> memref<16xi32, #tpu.memory_space<vmem_shared>>
        %dma_start3A_257 = arith.constant 0 : i32
        %dma_start3A_258 = tpu.memref_slice %arg15[%run_scoped3A_111, %dma_start3A_257] : memref<4x16xi32, #tpu.memory_space<vmem_shared>> -> memref<1x16xi32, #tpu.memory_space<vmem_shared>>
        %dma_start3A_259 = tpu.memref_squeeze %dma_start3A_258 : memref<1x16xi32, #tpu.memory_space<vmem_shared>> -> memref<16xi32, #tpu.memory_space<vmem_shared>>
        tpu.enqueue_dma source(%dma_start3A_259 : memref<16xi32, #tpu.memory_space<vmem_shared>>) target(%arg12 : memref<16xi32, #tpu.memory_space<vmem>>) target_semaphore(%run_scoped3A_254 : memref<!tpu.dma_semaphore, #tpu.memory_space<semaphore_mem>>)
        %dma_wait3A = arith.constant 0 : i32
        %dma_wait3A_260 = tpu.memref_slice %arg15[%run_scoped3A_111, %dma_wait3A] : memref<4x16xi32, #tpu.memory_space<vmem_shared>> -> memref<1x16xi32, #tpu.memory_space<vmem_shared>>
        %dma_wait3A_261 = tpu.memref_squeeze %dma_wait3A_260 : memref<1x16xi32, #tpu.memory_space<vmem_shared>> -> memref<16xi32, #tpu.memory_space<vmem_shared>>
        %dma_wait3A_262 = arith.constant 0 : i32
        %dma_wait3A_263 = tpu.memref_slice %arg15[%run_scoped3A_111, %dma_wait3A_262] : memref<4x16xi32, #tpu.memory_space<vmem_shared>> -> memref<1x16xi32, #tpu.memory_space<vmem_shared>>
        %dma_wait3A_264 = tpu.memref_squeeze %dma_wait3A_263 : memref<1x16xi32, #tpu.memory_space<vmem_shared>> -> memref<16xi32, #tpu.memory_space<vmem_shared>>
        tpu.wait_dma2 semaphore(%run_scoped3A_254 : memref<!tpu.dma_semaphore, #tpu.memory_space<semaphore_mem>>) src(%dma_wait3A_264 : memref<16xi32, #tpu.memory_space<vmem_shared>>) dst(%arg12 : memref<16xi32, #tpu.memory_space<vmem>>)
        tpu.yield
      }) : () -> ()
      %get3A_112 = arith.constant 0 : index
      %get3A_113 = tpu.vector_load %arg12[%get3A_112] {strides = array<i32>} : memref<16xi32, #tpu.memory_space<vmem>>, vector<16xi32>,
      %slice3A_114 = vector.extract_strided_slice %get3A_113 {offsets = [0], sizes = [1], strides = [1]} : vector<16xi32> to vector<1xi32>
      %squeeze3A_115 = vector.extract %slice3A_114[0] : i32 from vector<1xi32>
      %slice3A_116 = vector.extract_strided_slice %get3A_113 {offsets = [1], sizes = [1], strides = [1]} : vector<16xi32> to vector<1xi32>
      %squeeze3A_117 = vector.extract %slice3A_116[0] : i32 from vector<1xi32>
      %swap3A_118 = arith.constant 0 : index
      %swap3A_119 = tpu.vector_load %arg6[%swap3A_118] {strides = array<i32>} : memref<272xi32, #tpu.memory_space<vmem>>, vector<16xi32>,
      tpu.vector_store %arg6[%swap3A_118], %broadcast_in_dim3A_5 {strides = array<i32>} : memref<272xi32, #tpu.memory_space<vmem>>, vector<16xi32>,
      %swap3A_120 = arith.constant 16 : index
      %swap3A_121 = tpu.vector_load %arg6[%swap3A_120] {strides = array<i32>} : memref<272xi32, #tpu.memory_space<vmem>>, vector<16xi32>,
      tpu.vector_store %arg6[%swap3A_120], %broadcast_in_dim3A_5 {strides = array<i32>} : memref<272xi32, #tpu.memory_space<vmem>>, vector<16xi32>,
      %swap3A_122 = arith.constant 32 : index
      %swap3A_123 = tpu.vector_load %arg6[%swap3A_122] {strides = array<i32>} : memref<272xi32, #tpu.memory_space<vmem>>, vector<16xi32>,
      tpu.vector_store %arg6[%swap3A_122], %broadcast_in_dim3A_5 {strides = array<i32>} : memref<272xi32, #tpu.memory_space<vmem>>, vector<16xi32>,
      %swap3A_124 = arith.constant 48 : index
      %swap3A_125 = tpu.vector_load %arg6[%swap3A_124] {strides = array<i32>} : memref<272xi32, #tpu.memory_space<vmem>>, vector<16xi32>,
      tpu.vector_store %arg6[%swap3A_124], %broadcast_in_dim3A_5 {strides = array<i32>} : memref<272xi32, #tpu.memory_space<vmem>>, vector<16xi32>,
      %swap3A_126 = arith.constant 64 : index
      %swap3A_127 = tpu.vector_load %arg6[%swap3A_126] {strides = array<i32>} : memref<272xi32, #tpu.memory_space<vmem>>, vector<16xi32>,
      tpu.vector_store %arg6[%swap3A_126], %broadcast_in_dim3A_5 {strides = array<i32>} : memref<272xi32, #tpu.memory_space<vmem>>, vector<16xi32>,
      %swap3A_128 = arith.constant 80 : index
      %swap3A_129 = tpu.vector_load %arg6[%swap3A_128] {strides = array<i32>} : memref<272xi32, #tpu.memory_space<vmem>>, vector<16xi32>,
      tpu.vector_store %arg6[%swap3A_128], %broadcast_in_dim3A_5 {strides = array<i32>} : memref<272xi32, #tpu.memory_space<vmem>>, vector<16xi32>,
      %swap3A_130 = arith.constant 96 : index
      %swap3A_131 = tpu.vector_load %arg6[%swap3A_130] {strides = array<i32>} : memref<272xi32, #tpu.memory_space<vmem>>, vector<16xi32>,
      tpu.vector_store %arg6[%swap3A_130], %broadcast_in_dim3A_5 {strides = array<i32>} : memref<272xi32, #tpu.memory_space<vmem>>, vector<16xi32>,
      %swap3A_132 = arith.constant 112 : index
      %swap3A_133 = tpu.vector_load %arg6[%swap3A_132] {strides = array<i32>} : memref<272xi32, #tpu.memory_space<vmem>>, vector<16xi32>,
      tpu.vector_store %arg6[%swap3A_132], %broadcast_in_dim3A_5 {strides = array<i32>} : memref<272xi32, #tpu.memory_space<vmem>>, vector<16xi32>,
      %swap3A_134 = arith.constant 128 : index
      %swap3A_135 = tpu.vector_load %arg6[%swap3A_134] {strides = array<i32>} : memref<272xi32, #tpu.memory_space<vmem>>, vector<16xi32>,
      tpu.vector_store %arg6[%swap3A_134], %broadcast_in_dim3A_5 {strides = array<i32>} : memref<272xi32, #tpu.memory_space<vmem>>, vector<16xi32>,
      %swap3A_136 = arith.constant 144 : index
      %swap3A_137 = tpu.vector_load %arg6[%swap3A_136] {strides = array<i32>} : memref<272xi32, #tpu.memory_space<vmem>>, vector<16xi32>,
      tpu.vector_store %arg6[%swap3A_136], %broadcast_in_dim3A_5 {strides = array<i32>} : memref<272xi32, #tpu.memory_space<vmem>>, vector<16xi32>,
      %swap3A_138 = arith.constant 160 : index
      %swap3A_139 = tpu.vector_load %arg6[%swap3A_138] {strides = array<i32>} : memref<272xi32, #tpu.memory_space<vmem>>, vector<16xi32>,
      tpu.vector_store %arg6[%swap3A_138], %broadcast_in_dim3A_5 {strides = array<i32>} : memref<272xi32, #tpu.memory_space<vmem>>, vector<16xi32>,
      %swap3A_140 = arith.constant 176 : index
      %swap3A_141 = tpu.vector_load %arg6[%swap3A_140] {strides = array<i32>} : memref<272xi32, #tpu.memory_space<vmem>>, vector<16xi32>,
      tpu.vector_store %arg6[%swap3A_140], %broadcast_in_dim3A_5 {strides = array<i32>} : memref<272xi32, #tpu.memory_space<vmem>>, vector<16xi32>,
      %swap3A_142 = arith.constant 192 : index
      %swap3A_143 = tpu.vector_load %arg6[%swap3A_142] {strides = array<i32>} : memref<272xi32, #tpu.memory_space<vmem>>, vector<16xi32>,
      tpu.vector_store %arg6[%swap3A_142], %broadcast_in_dim3A_5 {strides = array<i32>} : memref<272xi32, #tpu.memory_space<vmem>>, vector<16xi32>,
      %swap3A_144 = arith.constant 208 : index
      %swap3A_145 = tpu.vector_load %arg6[%swap3A_144] {strides = array<i32>} : memref<272xi32, #tpu.memory_space<vmem>>, vector<16xi32>,
      tpu.vector_store %arg6[%swap3A_144], %broadcast_in_dim3A_5 {strides = array<i32>} : memref<272xi32, #tpu.memory_space<vmem>>, vector<16xi32>,
      %swap3A_146 = arith.constant 224 : index
      %swap3A_147 = tpu.vector_load %arg6[%swap3A_146] {strides = array<i32>} : memref<272xi32, #tpu.memory_space<vmem>>, vector<16xi32>,
      tpu.vector_store %arg6[%swap3A_146], %broadcast_in_dim3A_5 {strides = array<i32>} : memref<272xi32, #tpu.memory_space<vmem>>, vector<16xi32>,
      %swap3A_148 = arith.constant 240 : index
      %swap3A_149 = tpu.vector_load %arg6[%swap3A_148] {strides = array<i32>} : memref<272xi32, #tpu.memory_space<vmem>>, vector<16xi32>,
      tpu.vector_store %arg6[%swap3A_148], %broadcast_in_dim3A_5 {strides = array<i32>} : memref<272xi32, #tpu.memory_space<vmem>>, vector<16xi32>,
      %swap3A_150 = arith.constant 256 : index
      %swap3A_151 = tpu.vector_load %arg6[%swap3A_150] {strides = array<i32>} : memref<272xi32, #tpu.memory_space<vmem>>, vector<16xi32>,
      tpu.vector_store %arg6[%swap3A_150], %broadcast_in_dim3A_5 {strides = array<i32>} : memref<272xi32, #tpu.memory_space<vmem>>, vector<16xi32>,
      %scan3A_152 = arith.constant -65536 : i32
      %scan3A_153 = arith.constant 0 : i32
      %scan3A_154 = arith.constant 0 : i32
      %scan3A_155 = arith.constant 8 : i32
      %scan3A_156 = arith.addi %scan3A_154, %scan3A_155 : i32
      %scan3A_157 = arith.constant 1 : i32
      %scan3A_158 = scf.for %scan3A_254 = %scan3A_154 to %scan3A_156 step %scan3A_157 iter_args(%scan3A_255 = %scan3A_153) -> (i32)  : i32 {
        %mul3A_256 = arith.constant 128 : i32
        %mul3A_257 = arith.muli %scan3A_254, %mul3A_256 : i32
        %add3A = arith.constant 0 : i32
        %add3A_258 = arith.addi %mul3A_257, %add3A : i32
        %get3A_259 = arith.index_cast %add3A_258 : i32 to index
        %get3A_260 = tpu.vector_load %arg5[%get3A_259] {strides = array<i32>} : memref<1024xi32, #tpu.memory_space<vmem>>, vector<16xi32>,
        %and3A = vector.broadcast %scan3A_152 : i32 to vector<16xi32>
        %and3A_261 = arith.andi %get3A_260, %and3A : vector<16xi32>
        %eq3A_262 = vector.broadcast %squeeze3A_115 : i32 to vector<16xi32>
        %eq3A_263 = arith.cmpi eq, %and3A_261, %eq3A_262 : vector<16xi32>
        %shift_right_logical3A = arith.constant 8 : i32
        %shift_right_logical3A_264 = vector.broadcast %shift_right_logical3A : i32 to vector<16xi32>
        %shift_right_logical3A_265 = arith.shrui %get3A_260, %shift_right_logical3A_264 : vector<16xi32>
        %and3A_266 = arith.constant 255 : i32
        %and3A_267 = vector.broadcast %and3A_266 : i32 to vector<16xi32>
        %and3A_268 = arith.andi %shift_right_logical3A_265, %and3A_267 : vector<16xi32>
        %add3A_269 = arith.constant 256 : i32
        %add3A_270 = vector.broadcast %add3A_269 : i32 to vector<16xi32>
        %add3A_271 = arith.addi %add3A_270, %iota3A : vector<16xi32>
        %select_n3A = arith.select %eq3A_263, %and3A_268, %add3A_271 : vector<16xi1>, vector<16xi32>
        tpu.vector_store_idx %arg6[%select_n3A], %broadcast_in_dim3A_3 {add = true} : memref<272xi32, #tpu.memory_space<vmem>>[vector<16xi32>], vector<16xi32>,
        %mul3A_272 = arith.constant 128 : i32
        %mul3A_273 = arith.muli %scan3A_254, %mul3A_272 : i32
        %add3A_274 = arith.constant 16 : i32
        %add3A_275 = arith.addi %mul3A_273, %add3A_274 : i32
        %get3A_276 = arith.index_cast %add3A_275 : i32 to index
        %get3A_277 = tpu.vector_load %arg5[%get3A_276] {strides = array<i32>} : memref<1024xi32, #tpu.memory_space<vmem>>, vector<16xi32>,
        %and3A_278 = vector.broadcast %scan3A_152 : i32 to vector<16xi32>
        %and3A_279 = arith.andi %get3A_277, %and3A_278 : vector<16xi32>
        %eq3A_280 = vector.broadcast %squeeze3A_115 : i32 to vector<16xi32>
        %eq3A_281 = arith.cmpi eq, %and3A_279, %eq3A_280 : vector<16xi32>
        %shift_right_logical3A_282 = arith.constant 8 : i32
        %shift_right_logical3A_283 = vector.broadcast %shift_right_logical3A_282 : i32 to vector<16xi32>
        %shift_right_logical3A_284 = arith.shrui %get3A_277, %shift_right_logical3A_283 : vector<16xi32>
        %and3A_285 = arith.constant 255 : i32
        %and3A_286 = vector.broadcast %and3A_285 : i32 to vector<16xi32>
        %and3A_287 = arith.andi %shift_right_logical3A_284, %and3A_286 : vector<16xi32>
        %add3A_288 = arith.constant 256 : i32
        %add3A_289 = vector.broadcast %add3A_288 : i32 to vector<16xi32>
        %add3A_290 = arith.addi %add3A_289, %iota3A : vector<16xi32>
        %select_n3A_291 = arith.select %eq3A_281, %and3A_287, %add3A_290 : vector<16xi1>, vector<16xi32>
        tpu.vector_store_idx %arg6[%select_n3A_291], %broadcast_in_dim3A_3 {add = true} : memref<272xi32, #tpu.memory_space<vmem>>[vector<16xi32>], vector<16xi32>,
        %mul3A_292 = arith.constant 128 : i32
        %mul3A_293 = arith.muli %scan3A_254, %mul3A_292 : i32
        %add3A_294 = arith.constant 32 : i32
        %add3A_295 = arith.addi %mul3A_293, %add3A_294 : i32
        %get3A_296 = arith.index_cast %add3A_295 : i32 to index
        %get3A_297 = tpu.vector_load %arg5[%get3A_296] {strides = array<i32>} : memref<1024xi32, #tpu.memory_space<vmem>>, vector<16xi32>,
        %and3A_298 = vector.broadcast %scan3A_152 : i32 to vector<16xi32>
        %and3A_299 = arith.andi %get3A_297, %and3A_298 : vector<16xi32>
        %eq3A_300 = vector.broadcast %squeeze3A_115 : i32 to vector<16xi32>
        %eq3A_301 = arith.cmpi eq, %and3A_299, %eq3A_300 : vector<16xi32>
        %shift_right_logical3A_302 = arith.constant 8 : i32
        %shift_right_logical3A_303 = vector.broadcast %shift_right_logical3A_302 : i32 to vector<16xi32>
        %shift_right_logical3A_304 = arith.shrui %get3A_297, %shift_right_logical3A_303 : vector<16xi32>
        %and3A_305 = arith.constant 255 : i32
        %and3A_306 = vector.broadcast %and3A_305 : i32 to vector<16xi32>
        %and3A_307 = arith.andi %shift_right_logical3A_304, %and3A_306 : vector<16xi32>
        %add3A_308 = arith.constant 256 : i32
        %add3A_309 = vector.broadcast %add3A_308 : i32 to vector<16xi32>
        %add3A_310 = arith.addi %add3A_309, %iota3A : vector<16xi32>
        %select_n3A_311 = arith.select %eq3A_301, %and3A_307, %add3A_310 : vector<16xi1>, vector<16xi32>
        tpu.vector_store_idx %arg6[%select_n3A_311], %broadcast_in_dim3A_3 {add = true} : memref<272xi32, #tpu.memory_space<vmem>>[vector<16xi32>], vector<16xi32>,
        %mul3A_312 = arith.constant 128 : i32
        %mul3A_313 = arith.muli %scan3A_254, %mul3A_312 : i32
        %add3A_314 = arith.constant 48 : i32
        %add3A_315 = arith.addi %mul3A_313, %add3A_314 : i32
        %get3A_316 = arith.index_cast %add3A_315 : i32 to index
        %get3A_317 = tpu.vector_load %arg5[%get3A_316] {strides = array<i32>} : memref<1024xi32, #tpu.memory_space<vmem>>, vector<16xi32>,
        %and3A_318 = vector.broadcast %scan3A_152 : i32 to vector<16xi32>
        %and3A_319 = arith.andi %get3A_317, %and3A_318 : vector<16xi32>
        %eq3A_320 = vector.broadcast %squeeze3A_115 : i32 to vector<16xi32>
        %eq3A_321 = arith.cmpi eq, %and3A_319, %eq3A_320 : vector<16xi32>
        %shift_right_logical3A_322 = arith.constant 8 : i32
        %shift_right_logical3A_323 = vector.broadcast %shift_right_logical3A_322 : i32 to vector<16xi32>
        %shift_right_logical3A_324 = arith.shrui %get3A_317, %shift_right_logical3A_323 : vector<16xi32>
        %and3A_325 = arith.constant 255 : i32
        %and3A_326 = vector.broadcast %and3A_325 : i32 to vector<16xi32>
        %and3A_327 = arith.andi %shift_right_logical3A_324, %and3A_326 : vector<16xi32>
        %add3A_328 = arith.constant 256 : i32
        %add3A_329 = vector.broadcast %add3A_328 : i32 to vector<16xi32>
        %add3A_330 = arith.addi %add3A_329, %iota3A : vector<16xi32>
        %select_n3A_331 = arith.select %eq3A_321, %and3A_327, %add3A_330 : vector<16xi1>, vector<16xi32>
        tpu.vector_store_idx %arg6[%select_n3A_331], %broadcast_in_dim3A_3 {add = true} : memref<272xi32, #tpu.memory_space<vmem>>[vector<16xi32>], vector<16xi32>,
        %mul3A_332 = arith.constant 128 : i32
        %mul3A_333 = arith.muli %scan3A_254, %mul3A_332 : i32
        %add3A_334 = arith.constant 64 : i32
        %add3A_335 = arith.addi %mul3A_333, %add3A_334 : i32
        %get3A_336 = arith.index_cast %add3A_335 : i32 to index
        %get3A_337 = tpu.vector_load %arg5[%get3A_336] {strides = array<i32>} : memref<1024xi32, #tpu.memory_space<vmem>>, vector<16xi32>,
        %and3A_338 = vector.broadcast %scan3A_152 : i32 to vector<16xi32>
        %and3A_339 = arith.andi %get3A_337, %and3A_338 : vector<16xi32>
        %eq3A_340 = vector.broadcast %squeeze3A_115 : i32 to vector<16xi32>
        %eq3A_341 = arith.cmpi eq, %and3A_339, %eq3A_340 : vector<16xi32>
        %shift_right_logical3A_342 = arith.constant 8 : i32
        %shift_right_logical3A_343 = vector.broadcast %shift_right_logical3A_342 : i32 to vector<16xi32>
        %shift_right_logical3A_344 = arith.shrui %get3A_337, %shift_right_logical3A_343 : vector<16xi32>
        %and3A_345 = arith.constant 255 : i32
        %and3A_346 = vector.broadcast %and3A_345 : i32 to vector<16xi32>
        %and3A_347 = arith.andi %shift_right_logical3A_344, %and3A_346 : vector<16xi32>
        %add3A_348 = arith.constant 256 : i32
        %add3A_349 = vector.broadcast %add3A_348 : i32 to vector<16xi32>
        %add3A_350 = arith.addi %add3A_349, %iota3A : vector<16xi32>
        %select_n3A_351 = arith.select %eq3A_341, %and3A_347, %add3A_350 : vector<16xi1>, vector<16xi32>
        tpu.vector_store_idx %arg6[%select_n3A_351], %broadcast_in_dim3A_3 {add = true} : memref<272xi32, #tpu.memory_space<vmem>>[vector<16xi32>], vector<16xi32>,
        %mul3A_352 = arith.constant 128 : i32
        %mul3A_353 = arith.muli %scan3A_254, %mul3A_352 : i32
        %add3A_354 = arith.constant 80 : i32
        %add3A_355 = arith.addi %mul3A_353, %add3A_354 : i32
        %get3A_356 = arith.index_cast %add3A_355 : i32 to index
        %get3A_357 = tpu.vector_load %arg5[%get3A_356] {strides = array<i32>} : memref<1024xi32, #tpu.memory_space<vmem>>, vector<16xi32>,
        %and3A_358 = vector.broadcast %scan3A_152 : i32 to vector<16xi32>
        %and3A_359 = arith.andi %get3A_357, %and3A_358 : vector<16xi32>
        %eq3A_360 = vector.broadcast %squeeze3A_115 : i32 to vector<16xi32>
        %eq3A_361 = arith.cmpi eq, %and3A_359, %eq3A_360 : vector<16xi32>
        %shift_right_logical3A_362 = arith.constant 8 : i32
        %shift_right_logical3A_363 = vector.broadcast %shift_right_logical3A_362 : i32 to vector<16xi32>
        %shift_right_logical3A_364 = arith.shrui %get3A_357, %shift_right_logical3A_363 : vector<16xi32>
        %and3A_365 = arith.constant 255 : i32
        %and3A_366 = vector.broadcast %and3A_365 : i32 to vector<16xi32>
        %and3A_367 = arith.andi %shift_right_logical3A_364, %and3A_366 : vector<16xi32>
        %add3A_368 = arith.constant 256 : i32
        %add3A_369 = vector.broadcast %add3A_368 : i32 to vector<16xi32>
        %add3A_370 = arith.addi %add3A_369, %iota3A : vector<16xi32>
        %select_n3A_371 = arith.select %eq3A_361, %and3A_367, %add3A_370 : vector<16xi1>, vector<16xi32>
        tpu.vector_store_idx %arg6[%select_n3A_371], %broadcast_in_dim3A_3 {add = true} : memref<272xi32, #tpu.memory_space<vmem>>[vector<16xi32>], vector<16xi32>,
        %mul3A_372 = arith.constant 128 : i32
        %mul3A_373 = arith.muli %scan3A_254, %mul3A_372 : i32
        %add3A_374 = arith.constant 96 : i32
        %add3A_375 = arith.addi %mul3A_373, %add3A_374 : i32
        %get3A_376 = arith.index_cast %add3A_375 : i32 to index
        %get3A_377 = tpu.vector_load %arg5[%get3A_376] {strides = array<i32>} : memref<1024xi32, #tpu.memory_space<vmem>>, vector<16xi32>,
        %and3A_378 = vector.broadcast %scan3A_152 : i32 to vector<16xi32>
        %and3A_379 = arith.andi %get3A_377, %and3A_378 : vector<16xi32>
        %eq3A_380 = vector.broadcast %squeeze3A_115 : i32 to vector<16xi32>
        %eq3A_381 = arith.cmpi eq, %and3A_379, %eq3A_380 : vector<16xi32>
        %shift_right_logical3A_382 = arith.constant 8 : i32
        %shift_right_logical3A_383 = vector.broadcast %shift_right_logical3A_382 : i32 to vector<16xi32>
        %shift_right_logical3A_384 = arith.shrui %get3A_377, %shift_right_logical3A_383 : vector<16xi32>
        %and3A_385 = arith.constant 255 : i32
        %and3A_386 = vector.broadcast %and3A_385 : i32 to vector<16xi32>
        %and3A_387 = arith.andi %shift_right_logical3A_384, %and3A_386 : vector<16xi32>
        %add3A_388 = arith.constant 256 : i32
        %add3A_389 = vector.broadcast %add3A_388 : i32 to vector<16xi32>
        %add3A_390 = arith.addi %add3A_389, %iota3A : vector<16xi32>
        %select_n3A_391 = arith.select %eq3A_381, %and3A_387, %add3A_390 : vector<16xi1>, vector<16xi32>
        tpu.vector_store_idx %arg6[%select_n3A_391], %broadcast_in_dim3A_3 {add = true} : memref<272xi32, #tpu.memory_space<vmem>>[vector<16xi32>], vector<16xi32>,
        %mul3A_392 = arith.constant 128 : i32
        %mul3A_393 = arith.muli %scan3A_254, %mul3A_392 : i32
        %add3A_394 = arith.constant 112 : i32
        %add3A_395 = arith.addi %mul3A_393, %add3A_394 : i32
        %get3A_396 = arith.index_cast %add3A_395 : i32 to index
        %get3A_397 = tpu.vector_load %arg5[%get3A_396] {strides = array<i32>} : memref<1024xi32, #tpu.memory_space<vmem>>, vector<16xi32>,
        %and3A_398 = vector.broadcast %scan3A_152 : i32 to vector<16xi32>
        %and3A_399 = arith.andi %get3A_397, %and3A_398 : vector<16xi32>
        %eq3A_400 = vector.broadcast %squeeze3A_115 : i32 to vector<16xi32>
        %eq3A_401 = arith.cmpi eq, %and3A_399, %eq3A_400 : vector<16xi32>
        %shift_right_logical3A_402 = arith.constant 8 : i32
        %shift_right_logical3A_403 = vector.broadcast %shift_right_logical3A_402 : i32 to vector<16xi32>
        %shift_right_logical3A_404 = arith.shrui %get3A_397, %shift_right_logical3A_403 : vector<16xi32>
        %and3A_405 = arith.constant 255 : i32
        %and3A_406 = vector.broadcast %and3A_405 : i32 to vector<16xi32>
        %and3A_407 = arith.andi %shift_right_logical3A_404, %and3A_406 : vector<16xi32>
        %add3A_408 = arith.constant 256 : i32
        %add3A_409 = vector.broadcast %add3A_408 : i32 to vector<16xi32>
        %add3A_410 = arith.addi %add3A_409, %iota3A : vector<16xi32>
        %select_n3A_411 = arith.select %eq3A_401, %and3A_407, %add3A_410 : vector<16xi1>, vector<16xi32>
        tpu.vector_store_idx %arg6[%select_n3A_411], %broadcast_in_dim3A_3 {add = true} : memref<272xi32, #tpu.memory_space<vmem>>[vector<16xi32>], vector<16xi32>,
        %scan3A_412 = arith.constant 0 : i32
        scf.yield %scan3A_412 : i32
      }
      %scan3A_159 = arith.constant 8 : i32
      %mul3A_160 = arith.constant 256 : i32
      %mul3A_161 = arith.muli %arg1, %mul3A_160 : i32
      %run_scoped3A_162 = arith.constant 2 : i32
      "tpu.region"() ({
        %run_scoped3A_254 = tpu.sem_alloc : memref<!tpu.dma_semaphore, #tpu.memory_space<semaphore_mem>>
        %dma_start3A = arith.constant 0 : i32
        %dma_start3A_255 = tpu.memref_slice %arg6[%dma_start3A] : memref<272xi32, #tpu.memory_space<vmem>> -> memref<256xi32, #tpu.memory_space<vmem>>
        %dma_start3A_256 = tpu.memref_slice %arg13[%run_scoped3A_162, %mul3A_161] : memref<4x4096xi32, #tpu.memory_space<vmem_shared>> -> memref<1x256xi32, #tpu.memory_space<vmem_shared>>
        %dma_start3A_257 = tpu.memref_squeeze %dma_start3A_256 : memref<1x256xi32, #tpu.memory_space<vmem_shared>> -> memref<256xi32, #tpu.memory_space<vmem_shared>>
        %dma_start3A_258 = tpu.memref_slice %arg13[%run_scoped3A_162, %mul3A_161] : memref<4x4096xi32, #tpu.memory_space<vmem_shared>> -> memref<1x256xi32, #tpu.memory_space<vmem_shared>>
        %dma_start3A_259 = tpu.memref_squeeze %dma_start3A_258 : memref<1x256xi32, #tpu.memory_space<vmem_shared>> -> memref<256xi32, #tpu.memory_space<vmem_shared>>
        %dma_start3A_260 = arith.constant 0 : i32
        %dma_start3A_261 = tpu.memref_slice %arg6[%dma_start3A_260] : memref<272xi32, #tpu.memory_space<vmem>> -> memref<256xi32, #tpu.memory_space<vmem>>
        tpu.enqueue_dma source(%dma_start3A_261 : memref<256xi32, #tpu.memory_space<vmem>>) target(%dma_start3A_259 : memref<256xi32, #tpu.memory_space<vmem_shared>>) target_semaphore(%run_scoped3A_254 : memref<!tpu.dma_semaphore, #tpu.memory_space<semaphore_mem>>)
        %dma_wait3A = arith.constant 0 : i32
        %dma_wait3A_262 = tpu.memref_slice %arg6[%dma_wait3A] : memref<272xi32, #tpu.memory_space<vmem>> -> memref<256xi32, #tpu.memory_space<vmem>>
        %dma_wait3A_263 = tpu.memref_slice %arg13[%run_scoped3A_162, %mul3A_161] : memref<4x4096xi32, #tpu.memory_space<vmem_shared>> -> memref<1x256xi32, #tpu.memory_space<vmem_shared>>
        %dma_wait3A_264 = tpu.memref_squeeze %dma_wait3A_263 : memref<1x256xi32, #tpu.memory_space<vmem_shared>> -> memref<256xi32, #tpu.memory_space<vmem_shared>>
        %dma_wait3A_265 = tpu.memref_slice %arg13[%run_scoped3A_162, %mul3A_161] : memref<4x4096xi32, #tpu.memory_space<vmem_shared>> -> memref<1x256xi32, #tpu.memory_space<vmem_shared>>
        %dma_wait3A_266 = tpu.memref_squeeze %dma_wait3A_265 : memref<1x256xi32, #tpu.memory_space<vmem_shared>> -> memref<256xi32, #tpu.memory_space<vmem_shared>>
        %dma_wait3A_267 = arith.constant 0 : i32
        %dma_wait3A_268 = tpu.memref_slice %arg6[%dma_wait3A_267] : memref<272xi32, #tpu.memory_space<vmem>> -> memref<256xi32, #tpu.memory_space<vmem>>
        tpu.wait_dma2 semaphore(%run_scoped3A_254 : memref<!tpu.dma_semaphore, #tpu.memory_space<semaphore_mem>>) src(%dma_wait3A_268 : memref<256xi32, #tpu.memory_space<vmem>>) dst(%dma_wait3A_266 : memref<256xi32, #tpu.memory_space<vmem_shared>>)
        tpu.yield
      }) : () -> ()
      %barrier3A_163 = arith.constant 0 : index
      tpu.barrier barrier_id(%barrier3A_163)
      %eq3A_164 = arith.constant 0 : i32
      %eq3A_165 = arith.cmpi eq, %arg1, %eq3A_164 : i32
      %convert_element_type3A_166 = arith.extui %eq3A_165 : i1 to i32
      %cond3A_167 = arith.constant 0 : i32
      %cond3A_168 = arith.cmpi ne, %convert_element_type3A_166, %cond3A_167 : i32
      scf.if %cond3A_168 {
        %run_scoped3A_254 = arith.constant 2 : i32
        "tpu.region"() ({
          %run_scoped3A_436 = tpu.sem_alloc : memref<!tpu.dma_semaphore, #tpu.memory_space<semaphore_mem>>
          %dma_start3A = arith.constant 0 : i32
          %dma_start3A_437 = tpu.memref_slice %arg13[%run_scoped3A_254, %dma_start3A] : memref<4x4096xi32, #tpu.memory_space<vmem_shared>> -> memref<1x4096xi32, #tpu.memory_space<vmem_shared>>
          %dma_start3A_438 = tpu.memref_squeeze %dma_start3A_437 : memref<1x4096xi32, #tpu.memory_space<vmem_shared>> -> memref<4096xi32, #tpu.memory_space<vmem_shared>>
          %dma_start3A_439 = arith.constant 0 : i32
          %dma_start3A_440 = tpu.memref_slice %arg13[%run_scoped3A_254, %dma_start3A_439] : memref<4x4096xi32, #tpu.memory_space<vmem_shared>> -> memref<1x4096xi32, #tpu.memory_space<vmem_shared>>
          %dma_start3A_441 = tpu.memref_squeeze %dma_start3A_440 : memref<1x4096xi32, #tpu.memory_space<vmem_shared>> -> memref<4096xi32, #tpu.memory_space<vmem_shared>>
          tpu.enqueue_dma source(%dma_start3A_441 : memref<4096xi32, #tpu.memory_space<vmem_shared>>) target(%arg8 : memref<4096xi32, #tpu.memory_space<vmem>>) target_semaphore(%run_scoped3A_436 : memref<!tpu.dma_semaphore, #tpu.memory_space<semaphore_mem>>)
          %dma_wait3A = arith.constant 0 : i32
          %dma_wait3A_442 = tpu.memref_slice %arg13[%run_scoped3A_254, %dma_wait3A] : memref<4x4096xi32, #tpu.memory_space<vmem_shared>> -> memref<1x4096xi32, #tpu.memory_space<vmem_shared>>
          %dma_wait3A_443 = tpu.memref_squeeze %dma_wait3A_442 : memref<1x4096xi32, #tpu.memory_space<vmem_shared>> -> memref<4096xi32, #tpu.memory_space<vmem_shared>>
          %dma_wait3A_444 = arith.constant 0 : i32
          %dma_wait3A_445 = tpu.memref_slice %arg13[%run_scoped3A_254, %dma_wait3A_444] : memref<4x4096xi32, #tpu.memory_space<vmem_shared>> -> memref<1x4096xi32, #tpu.memory_space<vmem_shared>>
          %dma_wait3A_446 = tpu.memref_squeeze %dma_wait3A_445 : memref<1x4096xi32, #tpu.memory_space<vmem_shared>> -> memref<4096xi32, #tpu.memory_space<vmem_shared>>
          tpu.wait_dma2 semaphore(%run_scoped3A_436 : memref<!tpu.dma_semaphore, #tpu.memory_space<semaphore_mem>>) src(%dma_wait3A_446 : memref<4096xi32, #tpu.memory_space<vmem_shared>>) dst(%arg8 : memref<4096xi32, #tpu.memory_space<vmem>>)
          tpu.yield
        }) : () -> ()
        %scan3A_255 = arith.constant 0 : i32
        %scan3A_256 = arith.constant 16 : i32
        %scan3A_257 = arith.addi %scan3A_255, %scan3A_256 : i32
        %scan3A_258 = arith.constant 1 : i32
        %scan3A_259 = scf.for %scan3A_436 = %scan3A_255 to %scan3A_257 step %scan3A_258 iter_args(%scan3A_437 = %broadcast_in_dim3A_5) -> (vector<16xi32>)  : i32 {
          %mul3A_438 = arith.constant 256 : i32
          %mul3A_439 = arith.muli %scan3A_436, %mul3A_438 : i32
          %add3A_440 = arith.constant 0 : i32
          %add3A_441 = arith.addi %mul3A_439, %add3A_440 : i32
          %get3A_442 = arith.index_cast %add3A_441 : i32 to index
          %get3A_443 = tpu.vector_load %arg8[%get3A_442] {strides = array<i32>} : memref<4096xi32, #tpu.memory_space<vmem>>, vector<16xi32>,
          %add3A_444 = arith.addi %scan3A_437, %get3A_443 : vector<16xi32>
          scf.yield %add3A_444 : vector<16xi32>
        }
        %scan3A_260 = arith.constant 16 : i32
        %swap3A_261 = arith.constant 0 : index
        %swap3A_262 = tpu.vector_load %arg7[%swap3A_261] {strides = array<i32>} : memref<256xi32, #tpu.memory_space<vmem>>, vector<16xi32>,
        tpu.vector_store %arg7[%swap3A_261], %scan3A_259 {strides = array<i32>} : memref<256xi32, #tpu.memory_space<vmem>>, vector<16xi32>,
        %scan3A_263 = arith.constant 0 : i32
        %scan3A_264 = arith.constant 16 : i32
        %scan3A_265 = arith.addi %scan3A_263, %scan3A_264 : i32
        %scan3A_266 = arith.constant 1 : i32
        %scan3A_267 = scf.for %scan3A_436 = %scan3A_263 to %scan3A_265 step %scan3A_266 iter_args(%scan3A_437 = %broadcast_in_dim3A_5) -> (vector<16xi32>)  : i32 {
          %mul3A_438 = arith.constant 256 : i32
          %mul3A_439 = arith.muli %scan3A_436, %mul3A_438 : i32
          %add3A_440 = arith.constant 16 : i32
          %add3A_441 = arith.addi %mul3A_439, %add3A_440 : i32
          %get3A_442 = arith.index_cast %add3A_441 : i32 to index
          %get3A_443 = tpu.vector_load %arg8[%get3A_442] {strides = array<i32>} : memref<4096xi32, #tpu.memory_space<vmem>>, vector<16xi32>,
          %add3A_444 = arith.addi %scan3A_437, %get3A_443 : vector<16xi32>
          scf.yield %add3A_444 : vector<16xi32>
        }
        %scan3A_268 = arith.constant 16 : i32
        %swap3A_269 = arith.constant 16 : index
        %swap3A_270 = tpu.vector_load %arg7[%swap3A_269] {strides = array<i32>} : memref<256xi32, #tpu.memory_space<vmem>>, vector<16xi32>,
        tpu.vector_store %arg7[%swap3A_269], %scan3A_267 {strides = array<i32>} : memref<256xi32, #tpu.memory_space<vmem>>, vector<16xi32>,
        %scan3A_271 = arith.constant 0 : i32
        %scan3A_272 = arith.constant 16 : i32
        %scan3A_273 = arith.addi %scan3A_271, %scan3A_272 : i32
        %scan3A_274 = arith.constant 1 : i32
        %scan3A_275 = scf.for %scan3A_436 = %scan3A_271 to %scan3A_273 step %scan3A_274 iter_args(%scan3A_437 = %broadcast_in_dim3A_5) -> (vector<16xi32>)  : i32 {
          %mul3A_438 = arith.constant 256 : i32
          %mul3A_439 = arith.muli %scan3A_436, %mul3A_438 : i32
          %add3A_440 = arith.constant 32 : i32
          %add3A_441 = arith.addi %mul3A_439, %add3A_440 : i32
          %get3A_442 = arith.index_cast %add3A_441 : i32 to index
          %get3A_443 = tpu.vector_load %arg8[%get3A_442] {strides = array<i32>} : memref<4096xi32, #tpu.memory_space<vmem>>, vector<16xi32>,
          %add3A_444 = arith.addi %scan3A_437, %get3A_443 : vector<16xi32>
          scf.yield %add3A_444 : vector<16xi32>
        }
        %scan3A_276 = arith.constant 16 : i32
        %swap3A_277 = arith.constant 32 : index
        %swap3A_278 = tpu.vector_load %arg7[%swap3A_277] {strides = array<i32>} : memref<256xi32, #tpu.memory_space<vmem>>, vector<16xi32>,
        tpu.vector_store %arg7[%swap3A_277], %scan3A_275 {strides = array<i32>} : memref<256xi32, #tpu.memory_space<vmem>>, vector<16xi32>,
        %scan3A_279 = arith.constant 0 : i32
        %scan3A_280 = arith.constant 16 : i32
        %scan3A_281 = arith.addi %scan3A_279, %scan3A_280 : i32
        %scan3A_282 = arith.constant 1 : i32
        %scan3A_283 = scf.for %scan3A_436 = %scan3A_279 to %scan3A_281 step %scan3A_282 iter_args(%scan3A_437 = %broadcast_in_dim3A_5) -> (vector<16xi32>)  : i32 {
          %mul3A_438 = arith.constant 256 : i32
          %mul3A_439 = arith.muli %scan3A_436, %mul3A_438 : i32
          %add3A_440 = arith.constant 48 : i32
          %add3A_441 = arith.addi %mul3A_439, %add3A_440 : i32
          %get3A_442 = arith.index_cast %add3A_441 : i32 to index
          %get3A_443 = tpu.vector_load %arg8[%get3A_442] {strides = array<i32>} : memref<4096xi32, #tpu.memory_space<vmem>>, vector<16xi32>,
          %add3A_444 = arith.addi %scan3A_437, %get3A_443 : vector<16xi32>
          scf.yield %add3A_444 : vector<16xi32>
        }
        %scan3A_284 = arith.constant 16 : i32
        %swap3A_285 = arith.constant 48 : index
        %swap3A_286 = tpu.vector_load %arg7[%swap3A_285] {strides = array<i32>} : memref<256xi32, #tpu.memory_space<vmem>>, vector<16xi32>,
        tpu.vector_store %arg7[%swap3A_285], %scan3A_283 {strides = array<i32>} : memref<256xi32, #tpu.memory_space<vmem>>, vector<16xi32>,
        %scan3A_287 = arith.constant 0 : i32
        %scan3A_288 = arith.constant 16 : i32
        %scan3A_289 = arith.addi %scan3A_287, %scan3A_288 : i32
        %scan3A_290 = arith.constant 1 : i32
        %scan3A_291 = scf.for %scan3A_436 = %scan3A_287 to %scan3A_289 step %scan3A_290 iter_args(%scan3A_437 = %broadcast_in_dim3A_5) -> (vector<16xi32>)  : i32 {
          %mul3A_438 = arith.constant 256 : i32
          %mul3A_439 = arith.muli %scan3A_436, %mul3A_438 : i32
          %add3A_440 = arith.constant 64 : i32
          %add3A_441 = arith.addi %mul3A_439, %add3A_440 : i32
          %get3A_442 = arith.index_cast %add3A_441 : i32 to index
          %get3A_443 = tpu.vector_load %arg8[%get3A_442] {strides = array<i32>} : memref<4096xi32, #tpu.memory_space<vmem>>, vector<16xi32>,
          %add3A_444 = arith.addi %scan3A_437, %get3A_443 : vector<16xi32>
          scf.yield %add3A_444 : vector<16xi32>
        }
        %scan3A_292 = arith.constant 16 : i32
        %swap3A_293 = arith.constant 64 : index
        %swap3A_294 = tpu.vector_load %arg7[%swap3A_293] {strides = array<i32>} : memref<256xi32, #tpu.memory_space<vmem>>, vector<16xi32>,
        tpu.vector_store %arg7[%swap3A_293], %scan3A_291 {strides = array<i32>} : memref<256xi32, #tpu.memory_space<vmem>>, vector<16xi32>,
        %scan3A_295 = arith.constant 0 : i32
        %scan3A_296 = arith.constant 16 : i32
        %scan3A_297 = arith.addi %scan3A_295, %scan3A_296 : i32
        %scan3A_298 = arith.constant 1 : i32
        %scan3A_299 = scf.for %scan3A_436 = %scan3A_295 to %scan3A_297 step %scan3A_298 iter_args(%scan3A_437 = %broadcast_in_dim3A_5) -> (vector<16xi32>)  : i32 {
          %mul3A_438 = arith.constant 256 : i32
          %mul3A_439 = arith.muli %scan3A_436, %mul3A_438 : i32
          %add3A_440 = arith.constant 80 : i32
          %add3A_441 = arith.addi %mul3A_439, %add3A_440 : i32
          %get3A_442 = arith.index_cast %add3A_441 : i32 to index
          %get3A_443 = tpu.vector_load %arg8[%get3A_442] {strides = array<i32>} : memref<4096xi32, #tpu.memory_space<vmem>>, vector<16xi32>,
          %add3A_444 = arith.addi %scan3A_437, %get3A_443 : vector<16xi32>
          scf.yield %add3A_444 : vector<16xi32>
        }
        %scan3A_300 = arith.constant 16 : i32
        %swap3A_301 = arith.constant 80 : index
        %swap3A_302 = tpu.vector_load %arg7[%swap3A_301] {strides = array<i32>} : memref<256xi32, #tpu.memory_space<vmem>>, vector<16xi32>,
        tpu.vector_store %arg7[%swap3A_301], %scan3A_299 {strides = array<i32>} : memref<256xi32, #tpu.memory_space<vmem>>, vector<16xi32>,
        %scan3A_303 = arith.constant 0 : i32
        %scan3A_304 = arith.constant 16 : i32
        %scan3A_305 = arith.addi %scan3A_303, %scan3A_304 : i32
        %scan3A_306 = arith.constant 1 : i32
        %scan3A_307 = scf.for %scan3A_436 = %scan3A_303 to %scan3A_305 step %scan3A_306 iter_args(%scan3A_437 = %broadcast_in_dim3A_5) -> (vector<16xi32>)  : i32 {
          %mul3A_438 = arith.constant 256 : i32
          %mul3A_439 = arith.muli %scan3A_436, %mul3A_438 : i32
          %add3A_440 = arith.constant 96 : i32
          %add3A_441 = arith.addi %mul3A_439, %add3A_440 : i32
          %get3A_442 = arith.index_cast %add3A_441 : i32 to index
          %get3A_443 = tpu.vector_load %arg8[%get3A_442] {strides = array<i32>} : memref<4096xi32, #tpu.memory_space<vmem>>, vector<16xi32>,
          %add3A_444 = arith.addi %scan3A_437, %get3A_443 : vector<16xi32>
          scf.yield %add3A_444 : vector<16xi32>
        }
        %scan3A_308 = arith.constant 16 : i32
        %swap3A_309 = arith.constant 96 : index
        %swap3A_310 = tpu.vector_load %arg7[%swap3A_309] {strides = array<i32>} : memref<256xi32, #tpu.memory_space<vmem>>, vector<16xi32>,
        tpu.vector_store %arg7[%swap3A_309], %scan3A_307 {strides = array<i32>} : memref<256xi32, #tpu.memory_space<vmem>>, vector<16xi32>,
        %scan3A_311 = arith.constant 0 : i32
        %scan3A_312 = arith.constant 16 : i32
        %scan3A_313 = arith.addi %scan3A_311, %scan3A_312 : i32
        %scan3A_314 = arith.constant 1 : i32
        %scan3A_315 = scf.for %scan3A_436 = %scan3A_311 to %scan3A_313 step %scan3A_314 iter_args(%scan3A_437 = %broadcast_in_dim3A_5) -> (vector<16xi32>)  : i32 {
          %mul3A_438 = arith.constant 256 : i32
          %mul3A_439 = arith.muli %scan3A_436, %mul3A_438 : i32
          %add3A_440 = arith.constant 112 : i32
          %add3A_441 = arith.addi %mul3A_439, %add3A_440 : i32
          %get3A_442 = arith.index_cast %add3A_441 : i32 to index
          %get3A_443 = tpu.vector_load %arg8[%get3A_442] {strides = array<i32>} : memref<4096xi32, #tpu.memory_space<vmem>>, vector<16xi32>,
          %add3A_444 = arith.addi %scan3A_437, %get3A_443 : vector<16xi32>
          scf.yield %add3A_444 : vector<16xi32>
        }
        %scan3A_316 = arith.constant 16 : i32
        %swap3A_317 = arith.constant 112 : index
        %swap3A_318 = tpu.vector_load %arg7[%swap3A_317] {strides = array<i32>} : memref<256xi32, #tpu.memory_space<vmem>>, vector<16xi32>,
        tpu.vector_store %arg7[%swap3A_317], %scan3A_315 {strides = array<i32>} : memref<256xi32, #tpu.memory_space<vmem>>, vector<16xi32>,
        %scan3A_319 = arith.constant 0 : i32
        %scan3A_320 = arith.constant 16 : i32
        %scan3A_321 = arith.addi %scan3A_319, %scan3A_320 : i32
        %scan3A_322 = arith.constant 1 : i32
        %scan3A_323 = scf.for %scan3A_436 = %scan3A_319 to %scan3A_321 step %scan3A_322 iter_args(%scan3A_437 = %broadcast_in_dim3A_5) -> (vector<16xi32>)  : i32 {
          %mul3A_438 = arith.constant 256 : i32
          %mul3A_439 = arith.muli %scan3A_436, %mul3A_438 : i32
          %add3A_440 = arith.constant 128 : i32
          %add3A_441 = arith.addi %mul3A_439, %add3A_440 : i32
          %get3A_442 = arith.index_cast %add3A_441 : i32 to index
          %get3A_443 = tpu.vector_load %arg8[%get3A_442] {strides = array<i32>} : memref<4096xi32, #tpu.memory_space<vmem>>, vector<16xi32>,
          %add3A_444 = arith.addi %scan3A_437, %get3A_443 : vector<16xi32>
          scf.yield %add3A_444 : vector<16xi32>
        }
        %scan3A_324 = arith.constant 16 : i32
        %swap3A_325 = arith.constant 128 : index
        %swap3A_326 = tpu.vector_load %arg7[%swap3A_325] {strides = array<i32>} : memref<256xi32, #tpu.memory_space<vmem>>, vector<16xi32>,
        tpu.vector_store %arg7[%swap3A_325], %scan3A_323 {strides = array<i32>} : memref<256xi32, #tpu.memory_space<vmem>>, vector<16xi32>,
        %scan3A_327 = arith.constant 0 : i32
        %scan3A_328 = arith.constant 16 : i32
        %scan3A_329 = arith.addi %scan3A_327, %scan3A_328 : i32
        %scan3A_330 = arith.constant 1 : i32
        %scan3A_331 = scf.for %scan3A_436 = %scan3A_327 to %scan3A_329 step %scan3A_330 iter_args(%scan3A_437 = %broadcast_in_dim3A_5) -> (vector<16xi32>)  : i32 {
          %mul3A_438 = arith.constant 256 : i32
          %mul3A_439 = arith.muli %scan3A_436, %mul3A_438 : i32
          %add3A_440 = arith.constant 144 : i32
          %add3A_441 = arith.addi %mul3A_439, %add3A_440 : i32
          %get3A_442 = arith.index_cast %add3A_441 : i32 to index
          %get3A_443 = tpu.vector_load %arg8[%get3A_442] {strides = array<i32>} : memref<4096xi32, #tpu.memory_space<vmem>>, vector<16xi32>,
          %add3A_444 = arith.addi %scan3A_437, %get3A_443 : vector<16xi32>
          scf.yield %add3A_444 : vector<16xi32>
        }
        %scan3A_332 = arith.constant 16 : i32
        %swap3A_333 = arith.constant 144 : index
        %swap3A_334 = tpu.vector_load %arg7[%swap3A_333] {strides = array<i32>} : memref<256xi32, #tpu.memory_space<vmem>>, vector<16xi32>,
        tpu.vector_store %arg7[%swap3A_333], %scan3A_331 {strides = array<i32>} : memref<256xi32, #tpu.memory_space<vmem>>, vector<16xi32>,
        %scan3A_335 = arith.constant 0 : i32
        %scan3A_336 = arith.constant 16 : i32
        %scan3A_337 = arith.addi %scan3A_335, %scan3A_336 : i32
        %scan3A_338 = arith.constant 1 : i32
        %scan3A_339 = scf.for %scan3A_436 = %scan3A_335 to %scan3A_337 step %scan3A_338 iter_args(%scan3A_437 = %broadcast_in_dim3A_5) -> (vector<16xi32>)  : i32 {
          %mul3A_438 = arith.constant 256 : i32
          %mul3A_439 = arith.muli %scan3A_436, %mul3A_438 : i32
          %add3A_440 = arith.constant 160 : i32
          %add3A_441 = arith.addi %mul3A_439, %add3A_440 : i32
          %get3A_442 = arith.index_cast %add3A_441 : i32 to index
          %get3A_443 = tpu.vector_load %arg8[%get3A_442] {strides = array<i32>} : memref<4096xi32, #tpu.memory_space<vmem>>, vector<16xi32>,
          %add3A_444 = arith.addi %scan3A_437, %get3A_443 : vector<16xi32>
          scf.yield %add3A_444 : vector<16xi32>
        }
        %scan3A_340 = arith.constant 16 : i32
        %swap3A_341 = arith.constant 160 : index
        %swap3A_342 = tpu.vector_load %arg7[%swap3A_341] {strides = array<i32>} : memref<256xi32, #tpu.memory_space<vmem>>, vector<16xi32>,
        tpu.vector_store %arg7[%swap3A_341], %scan3A_339 {strides = array<i32>} : memref<256xi32, #tpu.memory_space<vmem>>, vector<16xi32>,
        %scan3A_343 = arith.constant 0 : i32
        %scan3A_344 = arith.constant 16 : i32
        %scan3A_345 = arith.addi %scan3A_343, %scan3A_344 : i32
        %scan3A_346 = arith.constant 1 : i32
        %scan3A_347 = scf.for %scan3A_436 = %scan3A_343 to %scan3A_345 step %scan3A_346 iter_args(%scan3A_437 = %broadcast_in_dim3A_5) -> (vector<16xi32>)  : i32 {
          %mul3A_438 = arith.constant 256 : i32
          %mul3A_439 = arith.muli %scan3A_436, %mul3A_438 : i32
          %add3A_440 = arith.constant 176 : i32
          %add3A_441 = arith.addi %mul3A_439, %add3A_440 : i32
          %get3A_442 = arith.index_cast %add3A_441 : i32 to index
          %get3A_443 = tpu.vector_load %arg8[%get3A_442] {strides = array<i32>} : memref<4096xi32, #tpu.memory_space<vmem>>, vector<16xi32>,
          %add3A_444 = arith.addi %scan3A_437, %get3A_443 : vector<16xi32>
          scf.yield %add3A_444 : vector<16xi32>
        }
        %scan3A_348 = arith.constant 16 : i32
        %swap3A_349 = arith.constant 176 : index
        %swap3A_350 = tpu.vector_load %arg7[%swap3A_349] {strides = array<i32>} : memref<256xi32, #tpu.memory_space<vmem>>, vector<16xi32>,
        tpu.vector_store %arg7[%swap3A_349], %scan3A_347 {strides = array<i32>} : memref<256xi32, #tpu.memory_space<vmem>>, vector<16xi32>,
        %scan3A_351 = arith.constant 0 : i32
        %scan3A_352 = arith.constant 16 : i32
        %scan3A_353 = arith.addi %scan3A_351, %scan3A_352 : i32
        %scan3A_354 = arith.constant 1 : i32
        %scan3A_355 = scf.for %scan3A_436 = %scan3A_351 to %scan3A_353 step %scan3A_354 iter_args(%scan3A_437 = %broadcast_in_dim3A_5) -> (vector<16xi32>)  : i32 {
          %mul3A_438 = arith.constant 256 : i32
          %mul3A_439 = arith.muli %scan3A_436, %mul3A_438 : i32
          %add3A_440 = arith.constant 192 : i32
          %add3A_441 = arith.addi %mul3A_439, %add3A_440 : i32
          %get3A_442 = arith.index_cast %add3A_441 : i32 to index
          %get3A_443 = tpu.vector_load %arg8[%get3A_442] {strides = array<i32>} : memref<4096xi32, #tpu.memory_space<vmem>>, vector<16xi32>,
          %add3A_444 = arith.addi %scan3A_437, %get3A_443 : vector<16xi32>
          scf.yield %add3A_444 : vector<16xi32>
        }
        %scan3A_356 = arith.constant 16 : i32
        %swap3A_357 = arith.constant 192 : index
        %swap3A_358 = tpu.vector_load %arg7[%swap3A_357] {strides = array<i32>} : memref<256xi32, #tpu.memory_space<vmem>>, vector<16xi32>,
        tpu.vector_store %arg7[%swap3A_357], %scan3A_355 {strides = array<i32>} : memref<256xi32, #tpu.memory_space<vmem>>, vector<16xi32>,
        %scan3A_359 = arith.constant 0 : i32
        %scan3A_360 = arith.constant 16 : i32
        %scan3A_361 = arith.addi %scan3A_359, %scan3A_360 : i32
        %scan3A_362 = arith.constant 1 : i32
        %scan3A_363 = scf.for %scan3A_436 = %scan3A_359 to %scan3A_361 step %scan3A_362 iter_args(%scan3A_437 = %broadcast_in_dim3A_5) -> (vector<16xi32>)  : i32 {
          %mul3A_438 = arith.constant 256 : i32
          %mul3A_439 = arith.muli %scan3A_436, %mul3A_438 : i32
          %add3A_440 = arith.constant 208 : i32
          %add3A_441 = arith.addi %mul3A_439, %add3A_440 : i32
          %get3A_442 = arith.index_cast %add3A_441 : i32 to index
          %get3A_443 = tpu.vector_load %arg8[%get3A_442] {strides = array<i32>} : memref<4096xi32, #tpu.memory_space<vmem>>, vector<16xi32>,
          %add3A_444 = arith.addi %scan3A_437, %get3A_443 : vector<16xi32>
          scf.yield %add3A_444 : vector<16xi32>
        }
        %scan3A_364 = arith.constant 16 : i32
        %swap3A_365 = arith.constant 208 : index
        %swap3A_366 = tpu.vector_load %arg7[%swap3A_365] {strides = array<i32>} : memref<256xi32, #tpu.memory_space<vmem>>, vector<16xi32>,
        tpu.vector_store %arg7[%swap3A_365], %scan3A_363 {strides = array<i32>} : memref<256xi32, #tpu.memory_space<vmem>>, vector<16xi32>,
        %scan3A_367 = arith.constant 0 : i32
        %scan3A_368 = arith.constant 16 : i32
        %scan3A_369 = arith.addi %scan3A_367, %scan3A_368 : i32
        %scan3A_370 = arith.constant 1 : i32
        %scan3A_371 = scf.for %scan3A_436 = %scan3A_367 to %scan3A_369 step %scan3A_370 iter_args(%scan3A_437 = %broadcast_in_dim3A_5) -> (vector<16xi32>)  : i32 {
          %mul3A_438 = arith.constant 256 : i32
          %mul3A_439 = arith.muli %scan3A_436, %mul3A_438 : i32
          %add3A_440 = arith.constant 224 : i32
          %add3A_441 = arith.addi %mul3A_439, %add3A_440 : i32
          %get3A_442 = arith.index_cast %add3A_441 : i32 to index
          %get3A_443 = tpu.vector_load %arg8[%get3A_442] {strides = array<i32>} : memref<4096xi32, #tpu.memory_space<vmem>>, vector<16xi32>,
          %add3A_444 = arith.addi %scan3A_437, %get3A_443 : vector<16xi32>
          scf.yield %add3A_444 : vector<16xi32>
        }
        %scan3A_372 = arith.constant 16 : i32
        %swap3A_373 = arith.constant 224 : index
        %swap3A_374 = tpu.vector_load %arg7[%swap3A_373] {strides = array<i32>} : memref<256xi32, #tpu.memory_space<vmem>>, vector<16xi32>,
        tpu.vector_store %arg7[%swap3A_373], %scan3A_371 {strides = array<i32>} : memref<256xi32, #tpu.memory_space<vmem>>, vector<16xi32>,
        %scan3A_375 = arith.constant 0 : i32
        %scan3A_376 = arith.constant 16 : i32
        %scan3A_377 = arith.addi %scan3A_375, %scan3A_376 : i32
        %scan3A_378 = arith.constant 1 : i32
        %scan3A_379 = scf.for %scan3A_436 = %scan3A_375 to %scan3A_377 step %scan3A_378 iter_args(%scan3A_437 = %broadcast_in_dim3A_5) -> (vector<16xi32>)  : i32 {
          %mul3A_438 = arith.constant 256 : i32
          %mul3A_439 = arith.muli %scan3A_436, %mul3A_438 : i32
          %add3A_440 = arith.constant 240 : i32
          %add3A_441 = arith.addi %mul3A_439, %add3A_440 : i32
          %get3A_442 = arith.index_cast %add3A_441 : i32 to index
          %get3A_443 = tpu.vector_load %arg8[%get3A_442] {strides = array<i32>} : memref<4096xi32, #tpu.memory_space<vmem>>, vector<16xi32>,
          %add3A_444 = arith.addi %scan3A_437, %get3A_443 : vector<16xi32>
          scf.yield %add3A_444 : vector<16xi32>
        }
        %scan3A_380 = arith.constant 16 : i32
        %swap3A_381 = arith.constant 240 : index
        %swap3A_382 = tpu.vector_load %arg7[%swap3A_381] {strides = array<i32>} : memref<256xi32, #tpu.memory_space<vmem>>, vector<16xi32>,
        tpu.vector_store %arg7[%swap3A_381], %scan3A_379 {strides = array<i32>} : memref<256xi32, #tpu.memory_space<vmem>>, vector<16xi32>,
        %scan3A_383 = arith.constant 0 : i32
        %scan3A_384 = arith.constant 0 : i32
        %scan3A_385 = arith.constant 0 : i32
        %scan3A_386 = arith.constant false
        %scan3A_387 = arith.constant 0 : i32
        %scan3A_388 = arith.constant 16 : i32
        %scan3A_389 = arith.addi %scan3A_387, %scan3A_388 : i32
        %scan3A_390 = arith.constant 1 : i32
        %scan3A_391:5 = scf.for %scan3A_436 = %scan3A_387 to %scan3A_389 step %scan3A_390 iter_args(%scan3A_437 = %scan3A_383, %scan3A_438 = %scan3A_384, %scan3A_439 = %scan3A_385, %scan3A_440 = %broadcast_in_dim3A_5, %scan3A_441 = %scan3A_386) -> (i32, i32, i32, vector<16xi32>, i1)  : i32 {
          %sub3A_442 = arith.constant 15 : i32
          %sub3A_443 = arith.subi %sub3A_442, %scan3A_436 : i32
          %mul3A_444 = arith.constant 16 : i32
          %mul3A_445 = arith.muli %sub3A_443, %mul3A_444 : i32
          %get3A_446 = arith.index_cast %mul3A_445 : i32 to index
          %get3A_447 = tpu.vector_load %arg7[%get3A_446] {strides = array<i32>} : memref<256xi32, #tpu.memory_space<vmem>>, vector<16xi32>,
          %reduce_sum3A_448 = arith.constant true
          %reduce_sum3A_449 = vector.broadcast %reduce_sum3A_448 : i1 to vector<16xi1>
          %reduce_sum3A_450 = tpu.scan <sum>, %get3A_447 masked %reduce_sum3A_449 : vector<16xi32>, vector<16xi1> -> vector<16xi32>
          %reduce_sum3A_451 = vector.extract %reduce_sum3A_450[15] : i32 from vector<16xi32>
          %not3A = arith.constant true
          %not3A_452 = arith.xori %scan3A_441, %not3A : i1
          %add3A_453 = arith.addi %scan3A_437, %reduce_sum3A_451 : i32
          %ge3A_454 = arith.cmpi sge, %add3A_453, %squeeze3A_117 : i32
          %and3A = arith.andi %not3A_452, %ge3A_454 : i1
          %select_n3A_455 = arith.select %and3A, %scan3A_437, %scan3A_438 : i32
          %select_n3A_456 = arith.select %and3A, %sub3A_443, %scan3A_439 : i32
          %select_n3A_457 = arith.select %and3A, %get3A_447, %scan3A_440 : vector<16xi32>
          %or3A_458 = arith.ori %scan3A_441, %and3A : i1
          %add3A_459 = arith.addi %scan3A_437, %reduce_sum3A_451 : i32
          %select_n3A_460 = arith.select %or3A_458, %scan3A_437, %add3A_459 : i32
          scf.yield %select_n3A_460, %select_n3A_455, %select_n3A_456, %select_n3A_457, %or3A_458 : i32, i32, i32, vector<16xi32>, i1
        }
        %scan3A_392 = arith.constant 16 : i32
        %sub3A = arith.subi %squeeze3A_117, %scan3A_391#1 : i32
        %rev3A = arith.constant 15 : i32
        %rev3A_393 = vector.broadcast %rev3A : i32 to vector<16xi32>
        %rev3A_394 = tpu.iota {dimensions = array<i32: 0>} : vector<16xi32>
        %rev3A_395 = arith.subi %rev3A_393, %rev3A_394 : vector<16xi32>
        %rev3A_396 = tpu.dynamic_gather %scan3A_391#3[%rev3A_395] in [0] : vector<16xi32>, vector<16xi32> -> vector<16xi32>
        %cumsum3A = arith.constant true
        %cumsum3A_397 = vector.broadcast %cumsum3A : i1 to vector<16xi1>
        %cumsum3A_398 = tpu.scan <sum>, %rev3A_396 masked %cumsum3A_397 : vector<16xi32>, vector<16xi1> -> vector<16xi32>
        %rev3A_399 = arith.constant 15 : i32
        %rev3A_400 = vector.broadcast %rev3A_399 : i32 to vector<16xi32>
        %rev3A_401 = tpu.iota {dimensions = array<i32: 0>} : vector<16xi32>
        %rev3A_402 = arith.subi %rev3A_400, %rev3A_401 : vector<16xi32>
        %rev3A_403 = tpu.dynamic_gather %cumsum3A_398[%rev3A_402] in [0] : vector<16xi32>, vector<16xi32> -> vector<16xi32>
        %ge3A = vector.broadcast %sub3A : i32 to vector<16xi32>
        %ge3A_404 = arith.cmpi sge, %rev3A_403, %ge3A : vector<16xi32>
        %all_reduce_population_count3A = tpu.all_reduce %ge3A_404 {dim = 0 : i64, kind = #tpu.reduction_kind<sum>} : vector<16xi1> -> vector<16xi32>
        %slice3A_405 = vector.extract_strided_slice %all_reduce_population_count3A {offsets = [0], sizes = [1], strides = [1]} : vector<16xi32> to vector<1xi32>
        %squeeze3A_406 = vector.extract %slice3A_405[0] : i32 from vector<1xi32>
        %sub3A_407 = arith.constant 1 : i32
        %sub3A_408 = arith.subi %squeeze3A_406, %sub3A_407 : i32
        %eq3A_409 = vector.broadcast %sub3A_408 : i32 to vector<16xi32>
        %eq3A_410 = arith.cmpi eq, %iota3A, %eq3A_409 : vector<16xi32>
        %jit3A = arith.constant 0 : i32
        %broadcast_in_dim3A_411 = vector.broadcast %jit3A : i32 to vector<16xi32>
        %select_n3A = arith.select %eq3A_410, %rev3A_403, %broadcast_in_dim3A_411 : vector<16xi1>, vector<16xi32>
        %reduce_sum3A = arith.constant true
        %reduce_sum3A_412 = vector.broadcast %reduce_sum3A : i1 to vector<16xi1>
        %reduce_sum3A_413 = tpu.scan <sum>, %select_n3A masked %reduce_sum3A_412 : vector<16xi32>, vector<16xi1> -> vector<16xi32>
        %reduce_sum3A_414 = vector.extract %reduce_sum3A_413[15] : i32 from vector<16xi32>
        %jit3A_415 = arith.constant 0 : i32
        %broadcast_in_dim3A_416 = vector.broadcast %jit3A_415 : i32 to vector<16xi32>
        %select_n3A_417 = arith.select %eq3A_410, %scan3A_391#3, %broadcast_in_dim3A_416 : vector<16xi1>, vector<16xi32>
        %reduce_sum3A_418 = arith.constant true
        %reduce_sum3A_419 = vector.broadcast %reduce_sum3A_418 : i1 to vector<16xi1>
        %reduce_sum3A_420 = tpu.scan <sum>, %select_n3A_417 masked %reduce_sum3A_419 : vector<16xi32>, vector<16xi1> -> vector<16xi32>
        %reduce_sum3A_421 = vector.extract %reduce_sum3A_420[15] : i32 from vector<16xi32>
        %mul3A_422 = arith.constant 16 : i32
        %mul3A_423 = arith.muli %scan3A_391#2, %mul3A_422 : i32
        %add3A = arith.addi %mul3A_423, %sub3A_408 : i32
        %shift_left3A = arith.constant 8 : i32
        %shift_left3A_424 = arith.shli %add3A, %shift_left3A : i32
        %or3A = arith.ori %squeeze3A_115, %shift_left3A_424 : i32
        %sub3A_425 = arith.subi %reduce_sum3A_414, %reduce_sum3A_421 : i32
        %sub3A_426 = arith.subi %sub3A, %sub3A_425 : i32
        %eq3A_427 = arith.constant 0 : i32
        %eq3A_428 = vector.broadcast %eq3A_427 : i32 to vector<16xi32>
        %eq3A_429 = arith.cmpi eq, %iota3A, %eq3A_428 : vector<16xi32>
        %broadcast_in_dim3A_430 = vector.broadcast %or3A : i32 to vector<16xi32>
        %broadcast_in_dim3A_431 = vector.broadcast %sub3A_426 : i32 to vector<16xi32>
        %select_n3A_432 = arith.select %eq3A_429, %broadcast_in_dim3A_430, %broadcast_in_dim3A_431 : vector<16xi1>, vector<16xi32>
        %swap3A_433 = arith.constant 0 : index
        %swap3A_434 = tpu.vector_load %arg12[%swap3A_433] {strides = array<i32>} : memref<16xi32, #tpu.memory_space<vmem>>, vector<16xi32>,
        tpu.vector_store %arg12[%swap3A_433], %select_n3A_432 {strides = array<i32>} : memref<16xi32, #tpu.memory_space<vmem>>, vector<16xi32>,
        %run_scoped3A_435 = arith.constant 2 : i32
        "tpu.region"() ({
          %run_scoped3A_436 = tpu.sem_alloc : memref<!tpu.dma_semaphore, #tpu.memory_space<semaphore_mem>>
          %dma_start3A = arith.constant 0 : i32
          %dma_start3A_437 = tpu.memref_slice %arg15[%run_scoped3A_435, %dma_start3A] : memref<4x16xi32, #tpu.memory_space<vmem_shared>> -> memref<1x16xi32, #tpu.memory_space<vmem_shared>>
          %dma_start3A_438 = tpu.memref_squeeze %dma_start3A_437 : memref<1x16xi32, #tpu.memory_space<vmem_shared>> -> memref<16xi32, #tpu.memory_space<vmem_shared>>
          %dma_start3A_439 = arith.constant 0 : i32
          %dma_start3A_440 = tpu.memref_slice %arg15[%run_scoped3A_435, %dma_start3A_439] : memref<4x16xi32, #tpu.memory_space<vmem_shared>> -> memref<1x16xi32, #tpu.memory_space<vmem_shared>>
          %dma_start3A_441 = tpu.memref_squeeze %dma_start3A_440 : memref<1x16xi32, #tpu.memory_space<vmem_shared>> -> memref<16xi32, #tpu.memory_space<vmem_shared>>
          tpu.enqueue_dma source(%arg12 : memref<16xi32, #tpu.memory_space<vmem>>) target(%dma_start3A_441 : memref<16xi32, #tpu.memory_space<vmem_shared>>) target_semaphore(%run_scoped3A_436 : memref<!tpu.dma_semaphore, #tpu.memory_space<semaphore_mem>>)
          %dma_wait3A = arith.constant 0 : i32
          %dma_wait3A_442 = tpu.memref_slice %arg15[%run_scoped3A_435, %dma_wait3A] : memref<4x16xi32, #tpu.memory_space<vmem_shared>> -> memref<1x16xi32, #tpu.memory_space<vmem_shared>>
          %dma_wait3A_443 = tpu.memref_squeeze %dma_wait3A_442 : memref<1x16xi32, #tpu.memory_space<vmem_shared>> -> memref<16xi32, #tpu.memory_space<vmem_shared>>
          %dma_wait3A_444 = arith.constant 0 : i32
          %dma_wait3A_445 = tpu.memref_slice %arg15[%run_scoped3A_435, %dma_wait3A_444] : memref<4x16xi32, #tpu.memory_space<vmem_shared>> -> memref<1x16xi32, #tpu.memory_space<vmem_shared>>
          %dma_wait3A_446 = tpu.memref_squeeze %dma_wait3A_445 : memref<1x16xi32, #tpu.memory_space<vmem_shared>> -> memref<16xi32, #tpu.memory_space<vmem_shared>>
          tpu.wait_dma2 semaphore(%run_scoped3A_436 : memref<!tpu.dma_semaphore, #tpu.memory_space<semaphore_mem>>) src(%arg12 : memref<16xi32, #tpu.memory_space<vmem>>) dst(%dma_wait3A_446 : memref<16xi32, #tpu.memory_space<vmem_shared>>)
          tpu.yield
        }) : () -> ()
      } else {
      }
      %barrier3A_169 = arith.constant 0 : index
      tpu.barrier barrier_id(%barrier3A_169)
      %run_scoped3A_170 = arith.constant 2 : i32
      "tpu.region"() ({
        %run_scoped3A_254 = tpu.sem_alloc : memref<!tpu.dma_semaphore, #tpu.memory_space<semaphore_mem>>
        %dma_start3A = arith.constant 0 : i32
        %dma_start3A_255 = tpu.memref_slice %arg15[%run_scoped3A_170, %dma_start3A] : memref<4x16xi32, #tpu.memory_space<vmem_shared>> -> memref<1x16xi32, #tpu.memory_space<vmem_shared>>
        %dma_start3A_256 = tpu.memref_squeeze %dma_start3A_255 : memref<1x16xi32, #tpu.memory_space<vmem_shared>> -> memref<16xi32, #tpu.memory_space<vmem_shared>>
        %dma_start3A_257 = arith.constant 0 : i32
        %dma_start3A_258 = tpu.memref_slice %arg15[%run_scoped3A_170, %dma_start3A_257] : memref<4x16xi32, #tpu.memory_space<vmem_shared>> -> memref<1x16xi32, #tpu.memory_space<vmem_shared>>
        %dma_start3A_259 = tpu.memref_squeeze %dma_start3A_258 : memref<1x16xi32, #tpu.memory_space<vmem_shared>> -> memref<16xi32, #tpu.memory_space<vmem_shared>>
        tpu.enqueue_dma source(%dma_start3A_259 : memref<16xi32, #tpu.memory_space<vmem_shared>>) target(%arg12 : memref<16xi32, #tpu.memory_space<vmem>>) target_semaphore(%run_scoped3A_254 : memref<!tpu.dma_semaphore, #tpu.memory_space<semaphore_mem>>)
        %dma_wait3A = arith.constant 0 : i32
        %dma_wait3A_260 = tpu.memref_slice %arg15[%run_scoped3A_170, %dma_wait3A] : memref<4x16xi32, #tpu.memory_space<vmem_shared>> -> memref<1x16xi32, #tpu.memory_space<vmem_shared>>
        %dma_wait3A_261 = tpu.memref_squeeze %dma_wait3A_260 : memref<1x16xi32, #tpu.memory_space<vmem_shared>> -> memref<16xi32, #tpu.memory_space<vmem_shared>>
        %dma_wait3A_262 = arith.constant 0 : i32
        %dma_wait3A_263 = tpu.memref_slice %arg15[%run_scoped3A_170, %dma_wait3A_262] : memref<4x16xi32, #tpu.memory_space<vmem_shared>> -> memref<1x16xi32, #tpu.memory_space<vmem_shared>>
        %dma_wait3A_264 = tpu.memref_squeeze %dma_wait3A_263 : memref<1x16xi32, #tpu.memory_space<vmem_shared>> -> memref<16xi32, #tpu.memory_space<vmem_shared>>
        tpu.wait_dma2 semaphore(%run_scoped3A_254 : memref<!tpu.dma_semaphore, #tpu.memory_space<semaphore_mem>>) src(%dma_wait3A_264 : memref<16xi32, #tpu.memory_space<vmem_shared>>) dst(%arg12 : memref<16xi32, #tpu.memory_space<vmem>>)
        tpu.yield
      }) : () -> ()
      %get3A_171 = arith.constant 0 : index
      %get3A_172 = tpu.vector_load %arg12[%get3A_171] {strides = array<i32>} : memref<16xi32, #tpu.memory_space<vmem>>, vector<16xi32>,
      %slice3A_173 = vector.extract_strided_slice %get3A_172 {offsets = [0], sizes = [1], strides = [1]} : vector<16xi32> to vector<1xi32>
      %squeeze3A_174 = vector.extract %slice3A_173[0] : i32 from vector<1xi32>
      %slice3A_175 = vector.extract_strided_slice %get3A_172 {offsets = [1], sizes = [1], strides = [1]} : vector<16xi32> to vector<1xi32>
      %squeeze3A_176 = vector.extract %slice3A_175[0] : i32 from vector<1xi32>
      %swap3A_177 = arith.constant 0 : index
      %swap3A_178 = tpu.vector_load %arg6[%swap3A_177] {strides = array<i32>} : memref<272xi32, #tpu.memory_space<vmem>>, vector<16xi32>,
      tpu.vector_store %arg6[%swap3A_177], %broadcast_in_dim3A_5 {strides = array<i32>} : memref<272xi32, #tpu.memory_space<vmem>>, vector<16xi32>,
      %swap3A_179 = arith.constant 16 : index
      %swap3A_180 = tpu.vector_load %arg6[%swap3A_179] {strides = array<i32>} : memref<272xi32, #tpu.memory_space<vmem>>, vector<16xi32>,
      tpu.vector_store %arg6[%swap3A_179], %broadcast_in_dim3A_5 {strides = array<i32>} : memref<272xi32, #tpu.memory_space<vmem>>, vector<16xi32>,
      %swap3A_181 = arith.constant 32 : index
      %swap3A_182 = tpu.vector_load %arg6[%swap3A_181] {strides = array<i32>} : memref<272xi32, #tpu.memory_space<vmem>>, vector<16xi32>,
      tpu.vector_store %arg6[%swap3A_181], %broadcast_in_dim3A_5 {strides = array<i32>} : memref<272xi32, #tpu.memory_space<vmem>>, vector<16xi32>,
      %swap3A_183 = arith.constant 48 : index
      %swap3A_184 = tpu.vector_load %arg6[%swap3A_183] {strides = array<i32>} : memref<272xi32, #tpu.memory_space<vmem>>, vector<16xi32>,
      tpu.vector_store %arg6[%swap3A_183], %broadcast_in_dim3A_5 {strides = array<i32>} : memref<272xi32, #tpu.memory_space<vmem>>, vector<16xi32>,
      %swap3A_185 = arith.constant 64 : index
      %swap3A_186 = tpu.vector_load %arg6[%swap3A_185] {strides = array<i32>} : memref<272xi32, #tpu.memory_space<vmem>>, vector<16xi32>,
      tpu.vector_store %arg6[%swap3A_185], %broadcast_in_dim3A_5 {strides = array<i32>} : memref<272xi32, #tpu.memory_space<vmem>>, vector<16xi32>,
      %swap3A_187 = arith.constant 80 : index
      %swap3A_188 = tpu.vector_load %arg6[%swap3A_187] {strides = array<i32>} : memref<272xi32, #tpu.memory_space<vmem>>, vector<16xi32>,
      tpu.vector_store %arg6[%swap3A_187], %broadcast_in_dim3A_5 {strides = array<i32>} : memref<272xi32, #tpu.memory_space<vmem>>, vector<16xi32>,
      %swap3A_189 = arith.constant 96 : index
      %swap3A_190 = tpu.vector_load %arg6[%swap3A_189] {strides = array<i32>} : memref<272xi32, #tpu.memory_space<vmem>>, vector<16xi32>,
      tpu.vector_store %arg6[%swap3A_189], %broadcast_in_dim3A_5 {strides = array<i32>} : memref<272xi32, #tpu.memory_space<vmem>>, vector<16xi32>,
      %swap3A_191 = arith.constant 112 : index
      %swap3A_192 = tpu.vector_load %arg6[%swap3A_191] {strides = array<i32>} : memref<272xi32, #tpu.memory_space<vmem>>, vector<16xi32>,
      tpu.vector_store %arg6[%swap3A_191], %broadcast_in_dim3A_5 {strides = array<i32>} : memref<272xi32, #tpu.memory_space<vmem>>, vector<16xi32>,
      %swap3A_193 = arith.constant 128 : index
      %swap3A_194 = tpu.vector_load %arg6[%swap3A_193] {strides = array<i32>} : memref<272xi32, #tpu.memory_space<vmem>>, vector<16xi32>,
      tpu.vector_store %arg6[%swap3A_193], %broadcast_in_dim3A_5 {strides = array<i32>} : memref<272xi32, #tpu.memory_space<vmem>>, vector<16xi32>,
      %swap3A_195 = arith.constant 144 : index
      %swap3A_196 = tpu.vector_load %arg6[%swap3A_195] {strides = array<i32>} : memref<272xi32, #tpu.memory_space<vmem>>, vector<16xi32>,
      tpu.vector_store %arg6[%swap3A_195], %broadcast_in_dim3A_5 {strides = array<i32>} : memref<272xi32, #tpu.memory_space<vmem>>, vector<16xi32>,
      %swap3A_197 = arith.constant 160 : index
      %swap3A_198 = tpu.vector_load %arg6[%swap3A_197] {strides = array<i32>} : memref<272xi32, #tpu.memory_space<vmem>>, vector<16xi32>,
      tpu.vector_store %arg6[%swap3A_197], %broadcast_in_dim3A_5 {strides = array<i32>} : memref<272xi32, #tpu.memory_space<vmem>>, vector<16xi32>,
      %swap3A_199 = arith.constant 176 : index
      %swap3A_200 = tpu.vector_load %arg6[%swap3A_199] {strides = array<i32>} : memref<272xi32, #tpu.memory_space<vmem>>, vector<16xi32>,
      tpu.vector_store %arg6[%swap3A_199], %broadcast_in_dim3A_5 {strides = array<i32>} : memref<272xi32, #tpu.memory_space<vmem>>, vector<16xi32>,
      %swap3A_201 = arith.constant 192 : index
      %swap3A_202 = tpu.vector_load %arg6[%swap3A_201] {strides = array<i32>} : memref<272xi32, #tpu.memory_space<vmem>>, vector<16xi32>,
      tpu.vector_store %arg6[%swap3A_201], %broadcast_in_dim3A_5 {strides = array<i32>} : memref<272xi32, #tpu.memory_space<vmem>>, vector<16xi32>,
      %swap3A_203 = arith.constant 208 : index
      %swap3A_204 = tpu.vector_load %arg6[%swap3A_203] {strides = array<i32>} : memref<272xi32, #tpu.memory_space<vmem>>, vector<16xi32>,
      tpu.vector_store %arg6[%swap3A_203], %broadcast_in_dim3A_5 {strides = array<i32>} : memref<272xi32, #tpu.memory_space<vmem>>, vector<16xi32>,
      %swap3A_205 = arith.constant 224 : index
      %swap3A_206 = tpu.vector_load %arg6[%swap3A_205] {strides = array<i32>} : memref<272xi32, #tpu.memory_space<vmem>>, vector<16xi32>,
      tpu.vector_store %arg6[%swap3A_205], %broadcast_in_dim3A_5 {strides = array<i32>} : memref<272xi32, #tpu.memory_space<vmem>>, vector<16xi32>,
      %swap3A_207 = arith.constant 240 : index
      %swap3A_208 = tpu.vector_load %arg6[%swap3A_207] {strides = array<i32>} : memref<272xi32, #tpu.memory_space<vmem>>, vector<16xi32>,
      tpu.vector_store %arg6[%swap3A_207], %broadcast_in_dim3A_5 {strides = array<i32>} : memref<272xi32, #tpu.memory_space<vmem>>, vector<16xi32>,
      %swap3A_209 = arith.constant 256 : index
      %swap3A_210 = tpu.vector_load %arg6[%swap3A_209] {strides = array<i32>} : memref<272xi32, #tpu.memory_space<vmem>>, vector<16xi32>,
      tpu.vector_store %arg6[%swap3A_209], %broadcast_in_dim3A_5 {strides = array<i32>} : memref<272xi32, #tpu.memory_space<vmem>>, vector<16xi32>,
      %scan3A_211 = arith.constant -256 : i32
      %scan3A_212 = arith.constant 0 : i32
      %scan3A_213 = arith.constant 0 : i32
      %scan3A_214 = arith.constant 8 : i32
      %scan3A_215 = arith.addi %scan3A_213, %scan3A_214 : i32
      %scan3A_216 = arith.constant 1 : i32
      %scan3A_217 = scf.for %scan3A_254 = %scan3A_213 to %scan3A_215 step %scan3A_216 iter_args(%scan3A_255 = %scan3A_212) -> (i32)  : i32 {
        %mul3A_256 = arith.constant 128 : i32
        %mul3A_257 = arith.muli %scan3A_254, %mul3A_256 : i32
        %add3A = arith.constant 0 : i32
        %add3A_258 = arith.addi %mul3A_257, %add3A : i32
        %get3A_259 = arith.index_cast %add3A_258 : i32 to index
        %get3A_260 = tpu.vector_load %arg5[%get3A_259] {strides = array<i32>} : memref<1024xi32, #tpu.memory_space<vmem>>, vector<16xi32>,
        %and3A = vector.broadcast %scan3A_211 : i32 to vector<16xi32>
        %and3A_261 = arith.andi %get3A_260, %and3A : vector<16xi32>
        %eq3A_262 = vector.broadcast %squeeze3A_174 : i32 to vector<16xi32>
        %eq3A_263 = arith.cmpi eq, %and3A_261, %eq3A_262 : vector<16xi32>
        %shift_right_logical3A = arith.constant 0 : i32
        %shift_right_logical3A_264 = vector.broadcast %shift_right_logical3A : i32 to vector<16xi32>
        %shift_right_logical3A_265 = arith.shrui %get3A_260, %shift_right_logical3A_264 : vector<16xi32>
        %and3A_266 = arith.constant 255 : i32
        %and3A_267 = vector.broadcast %and3A_266 : i32 to vector<16xi32>
        %and3A_268 = arith.andi %shift_right_logical3A_265, %and3A_267 : vector<16xi32>
        %add3A_269 = arith.constant 256 : i32
        %add3A_270 = vector.broadcast %add3A_269 : i32 to vector<16xi32>
        %add3A_271 = arith.addi %add3A_270, %iota3A : vector<16xi32>
        %select_n3A = arith.select %eq3A_263, %and3A_268, %add3A_271 : vector<16xi1>, vector<16xi32>
        tpu.vector_store_idx %arg6[%select_n3A], %broadcast_in_dim3A_3 {add = true} : memref<272xi32, #tpu.memory_space<vmem>>[vector<16xi32>], vector<16xi32>,
        %mul3A_272 = arith.constant 128 : i32
        %mul3A_273 = arith.muli %scan3A_254, %mul3A_272 : i32
        %add3A_274 = arith.constant 16 : i32
        %add3A_275 = arith.addi %mul3A_273, %add3A_274 : i32
        %get3A_276 = arith.index_cast %add3A_275 : i32 to index
        %get3A_277 = tpu.vector_load %arg5[%get3A_276] {strides = array<i32>} : memref<1024xi32, #tpu.memory_space<vmem>>, vector<16xi32>,
        %and3A_278 = vector.broadcast %scan3A_211 : i32 to vector<16xi32>
        %and3A_279 = arith.andi %get3A_277, %and3A_278 : vector<16xi32>
        %eq3A_280 = vector.broadcast %squeeze3A_174 : i32 to vector<16xi32>
        %eq3A_281 = arith.cmpi eq, %and3A_279, %eq3A_280 : vector<16xi32>
        %shift_right_logical3A_282 = arith.constant 0 : i32
        %shift_right_logical3A_283 = vector.broadcast %shift_right_logical3A_282 : i32 to vector<16xi32>
        %shift_right_logical3A_284 = arith.shrui %get3A_277, %shift_right_logical3A_283 : vector<16xi32>
        %and3A_285 = arith.constant 255 : i32
        %and3A_286 = vector.broadcast %and3A_285 : i32 to vector<16xi32>
        %and3A_287 = arith.andi %shift_right_logical3A_284, %and3A_286 : vector<16xi32>
        %add3A_288 = arith.constant 256 : i32
        %add3A_289 = vector.broadcast %add3A_288 : i32 to vector<16xi32>
        %add3A_290 = arith.addi %add3A_289, %iota3A : vector<16xi32>
        %select_n3A_291 = arith.select %eq3A_281, %and3A_287, %add3A_290 : vector<16xi1>, vector<16xi32>
        tpu.vector_store_idx %arg6[%select_n3A_291], %broadcast_in_dim3A_3 {add = true} : memref<272xi32, #tpu.memory_space<vmem>>[vector<16xi32>], vector<16xi32>,
        %mul3A_292 = arith.constant 128 : i32
        %mul3A_293 = arith.muli %scan3A_254, %mul3A_292 : i32
        %add3A_294 = arith.constant 32 : i32
        %add3A_295 = arith.addi %mul3A_293, %add3A_294 : i32
        %get3A_296 = arith.index_cast %add3A_295 : i32 to index
        %get3A_297 = tpu.vector_load %arg5[%get3A_296] {strides = array<i32>} : memref<1024xi32, #tpu.memory_space<vmem>>, vector<16xi32>,
        %and3A_298 = vector.broadcast %scan3A_211 : i32 to vector<16xi32>
        %and3A_299 = arith.andi %get3A_297, %and3A_298 : vector<16xi32>
        %eq3A_300 = vector.broadcast %squeeze3A_174 : i32 to vector<16xi32>
        %eq3A_301 = arith.cmpi eq, %and3A_299, %eq3A_300 : vector<16xi32>
        %shift_right_logical3A_302 = arith.constant 0 : i32
        %shift_right_logical3A_303 = vector.broadcast %shift_right_logical3A_302 : i32 to vector<16xi32>
        %shift_right_logical3A_304 = arith.shrui %get3A_297, %shift_right_logical3A_303 : vector<16xi32>
        %and3A_305 = arith.constant 255 : i32
        %and3A_306 = vector.broadcast %and3A_305 : i32 to vector<16xi32>
        %and3A_307 = arith.andi %shift_right_logical3A_304, %and3A_306 : vector<16xi32>
        %add3A_308 = arith.constant 256 : i32
        %add3A_309 = vector.broadcast %add3A_308 : i32 to vector<16xi32>
        %add3A_310 = arith.addi %add3A_309, %iota3A : vector<16xi32>
        %select_n3A_311 = arith.select %eq3A_301, %and3A_307, %add3A_310 : vector<16xi1>, vector<16xi32>
        tpu.vector_store_idx %arg6[%select_n3A_311], %broadcast_in_dim3A_3 {add = true} : memref<272xi32, #tpu.memory_space<vmem>>[vector<16xi32>], vector<16xi32>,
        %mul3A_312 = arith.constant 128 : i32
        %mul3A_313 = arith.muli %scan3A_254, %mul3A_312 : i32
        %add3A_314 = arith.constant 48 : i32
        %add3A_315 = arith.addi %mul3A_313, %add3A_314 : i32
        %get3A_316 = arith.index_cast %add3A_315 : i32 to index
        %get3A_317 = tpu.vector_load %arg5[%get3A_316] {strides = array<i32>} : memref<1024xi32, #tpu.memory_space<vmem>>, vector<16xi32>,
        %and3A_318 = vector.broadcast %scan3A_211 : i32 to vector<16xi32>
        %and3A_319 = arith.andi %get3A_317, %and3A_318 : vector<16xi32>
        %eq3A_320 = vector.broadcast %squeeze3A_174 : i32 to vector<16xi32>
        %eq3A_321 = arith.cmpi eq, %and3A_319, %eq3A_320 : vector<16xi32>
        %shift_right_logical3A_322 = arith.constant 0 : i32
        %shift_right_logical3A_323 = vector.broadcast %shift_right_logical3A_322 : i32 to vector<16xi32>
        %shift_right_logical3A_324 = arith.shrui %get3A_317, %shift_right_logical3A_323 : vector<16xi32>
        %and3A_325 = arith.constant 255 : i32
        %and3A_326 = vector.broadcast %and3A_325 : i32 to vector<16xi32>
        %and3A_327 = arith.andi %shift_right_logical3A_324, %and3A_326 : vector<16xi32>
        %add3A_328 = arith.constant 256 : i32
        %add3A_329 = vector.broadcast %add3A_328 : i32 to vector<16xi32>
        %add3A_330 = arith.addi %add3A_329, %iota3A : vector<16xi32>
        %select_n3A_331 = arith.select %eq3A_321, %and3A_327, %add3A_330 : vector<16xi1>, vector<16xi32>
        tpu.vector_store_idx %arg6[%select_n3A_331], %broadcast_in_dim3A_3 {add = true} : memref<272xi32, #tpu.memory_space<vmem>>[vector<16xi32>], vector<16xi32>,
        %mul3A_332 = arith.constant 128 : i32
        %mul3A_333 = arith.muli %scan3A_254, %mul3A_332 : i32
        %add3A_334 = arith.constant 64 : i32
        %add3A_335 = arith.addi %mul3A_333, %add3A_334 : i32
        %get3A_336 = arith.index_cast %add3A_335 : i32 to index
        %get3A_337 = tpu.vector_load %arg5[%get3A_336] {strides = array<i32>} : memref<1024xi32, #tpu.memory_space<vmem>>, vector<16xi32>,
        %and3A_338 = vector.broadcast %scan3A_211 : i32 to vector<16xi32>
        %and3A_339 = arith.andi %get3A_337, %and3A_338 : vector<16xi32>
        %eq3A_340 = vector.broadcast %squeeze3A_174 : i32 to vector<16xi32>
        %eq3A_341 = arith.cmpi eq, %and3A_339, %eq3A_340 : vector<16xi32>
        %shift_right_logical3A_342 = arith.constant 0 : i32
        %shift_right_logical3A_343 = vector.broadcast %shift_right_logical3A_342 : i32 to vector<16xi32>
        %shift_right_logical3A_344 = arith.shrui %get3A_337, %shift_right_logical3A_343 : vector<16xi32>
        %and3A_345 = arith.constant 255 : i32
        %and3A_346 = vector.broadcast %and3A_345 : i32 to vector<16xi32>
        %and3A_347 = arith.andi %shift_right_logical3A_344, %and3A_346 : vector<16xi32>
        %add3A_348 = arith.constant 256 : i32
        %add3A_349 = vector.broadcast %add3A_348 : i32 to vector<16xi32>
        %add3A_350 = arith.addi %add3A_349, %iota3A : vector<16xi32>
        %select_n3A_351 = arith.select %eq3A_341, %and3A_347, %add3A_350 : vector<16xi1>, vector<16xi32>
        tpu.vector_store_idx %arg6[%select_n3A_351], %broadcast_in_dim3A_3 {add = true} : memref<272xi32, #tpu.memory_space<vmem>>[vector<16xi32>], vector<16xi32>,
        %mul3A_352 = arith.constant 128 : i32
        %mul3A_353 = arith.muli %scan3A_254, %mul3A_352 : i32
        %add3A_354 = arith.constant 80 : i32
        %add3A_355 = arith.addi %mul3A_353, %add3A_354 : i32
        %get3A_356 = arith.index_cast %add3A_355 : i32 to index
        %get3A_357 = tpu.vector_load %arg5[%get3A_356] {strides = array<i32>} : memref<1024xi32, #tpu.memory_space<vmem>>, vector<16xi32>,
        %and3A_358 = vector.broadcast %scan3A_211 : i32 to vector<16xi32>
        %and3A_359 = arith.andi %get3A_357, %and3A_358 : vector<16xi32>
        %eq3A_360 = vector.broadcast %squeeze3A_174 : i32 to vector<16xi32>
        %eq3A_361 = arith.cmpi eq, %and3A_359, %eq3A_360 : vector<16xi32>
        %shift_right_logical3A_362 = arith.constant 0 : i32
        %shift_right_logical3A_363 = vector.broadcast %shift_right_logical3A_362 : i32 to vector<16xi32>
        %shift_right_logical3A_364 = arith.shrui %get3A_357, %shift_right_logical3A_363 : vector<16xi32>
        %and3A_365 = arith.constant 255 : i32
        %and3A_366 = vector.broadcast %and3A_365 : i32 to vector<16xi32>
        %and3A_367 = arith.andi %shift_right_logical3A_364, %and3A_366 : vector<16xi32>
        %add3A_368 = arith.constant 256 : i32
        %add3A_369 = vector.broadcast %add3A_368 : i32 to vector<16xi32>
        %add3A_370 = arith.addi %add3A_369, %iota3A : vector<16xi32>
        %select_n3A_371 = arith.select %eq3A_361, %and3A_367, %add3A_370 : vector<16xi1>, vector<16xi32>
        tpu.vector_store_idx %arg6[%select_n3A_371], %broadcast_in_dim3A_3 {add = true} : memref<272xi32, #tpu.memory_space<vmem>>[vector<16xi32>], vector<16xi32>,
        %mul3A_372 = arith.constant 128 : i32
        %mul3A_373 = arith.muli %scan3A_254, %mul3A_372 : i32
        %add3A_374 = arith.constant 96 : i32
        %add3A_375 = arith.addi %mul3A_373, %add3A_374 : i32
        %get3A_376 = arith.index_cast %add3A_375 : i32 to index
        %get3A_377 = tpu.vector_load %arg5[%get3A_376] {strides = array<i32>} : memref<1024xi32, #tpu.memory_space<vmem>>, vector<16xi32>,
        %and3A_378 = vector.broadcast %scan3A_211 : i32 to vector<16xi32>
        %and3A_379 = arith.andi %get3A_377, %and3A_378 : vector<16xi32>
        %eq3A_380 = vector.broadcast %squeeze3A_174 : i32 to vector<16xi32>
        %eq3A_381 = arith.cmpi eq, %and3A_379, %eq3A_380 : vector<16xi32>
        %shift_right_logical3A_382 = arith.constant 0 : i32
        %shift_right_logical3A_383 = vector.broadcast %shift_right_logical3A_382 : i32 to vector<16xi32>
        %shift_right_logical3A_384 = arith.shrui %get3A_377, %shift_right_logical3A_383 : vector<16xi32>
        %and3A_385 = arith.constant 255 : i32
        %and3A_386 = vector.broadcast %and3A_385 : i32 to vector<16xi32>
        %and3A_387 = arith.andi %shift_right_logical3A_384, %and3A_386 : vector<16xi32>
        %add3A_388 = arith.constant 256 : i32
        %add3A_389 = vector.broadcast %add3A_388 : i32 to vector<16xi32>
        %add3A_390 = arith.addi %add3A_389, %iota3A : vector<16xi32>
        %select_n3A_391 = arith.select %eq3A_381, %and3A_387, %add3A_390 : vector<16xi1>, vector<16xi32>
        tpu.vector_store_idx %arg6[%select_n3A_391], %broadcast_in_dim3A_3 {add = true} : memref<272xi32, #tpu.memory_space<vmem>>[vector<16xi32>], vector<16xi32>,
        %mul3A_392 = arith.constant 128 : i32
        %mul3A_393 = arith.muli %scan3A_254, %mul3A_392 : i32
        %add3A_394 = arith.constant 112 : i32
        %add3A_395 = arith.addi %mul3A_393, %add3A_394 : i32
        %get3A_396 = arith.index_cast %add3A_395 : i32 to index
        %get3A_397 = tpu.vector_load %arg5[%get3A_396] {strides = array<i32>} : memref<1024xi32, #tpu.memory_space<vmem>>, vector<16xi32>,
        %and3A_398 = vector.broadcast %scan3A_211 : i32 to vector<16xi32>
        %and3A_399 = arith.andi %get3A_397, %and3A_398 : vector<16xi32>
        %eq3A_400 = vector.broadcast %squeeze3A_174 : i32 to vector<16xi32>
        %eq3A_401 = arith.cmpi eq, %and3A_399, %eq3A_400 : vector<16xi32>
        %shift_right_logical3A_402 = arith.constant 0 : i32
        %shift_right_logical3A_403 = vector.broadcast %shift_right_logical3A_402 : i32 to vector<16xi32>
        %shift_right_logical3A_404 = arith.shrui %get3A_397, %shift_right_logical3A_403 : vector<16xi32>
        %and3A_405 = arith.constant 255 : i32
        %and3A_406 = vector.broadcast %and3A_405 : i32 to vector<16xi32>
        %and3A_407 = arith.andi %shift_right_logical3A_404, %and3A_406 : vector<16xi32>
        %add3A_408 = arith.constant 256 : i32
        %add3A_409 = vector.broadcast %add3A_408 : i32 to vector<16xi32>
        %add3A_410 = arith.addi %add3A_409, %iota3A : vector<16xi32>
        %select_n3A_411 = arith.select %eq3A_401, %and3A_407, %add3A_410 : vector<16xi1>, vector<16xi32>
        tpu.vector_store_idx %arg6[%select_n3A_411], %broadcast_in_dim3A_3 {add = true} : memref<272xi32, #tpu.memory_space<vmem>>[vector<16xi32>], vector<16xi32>,
        %scan3A_412 = arith.constant 0 : i32
        scf.yield %scan3A_412 : i32
      }
      %scan3A_218 = arith.constant 8 : i32
      %mul3A_219 = arith.constant 256 : i32
      %mul3A_220 = arith.muli %arg1, %mul3A_219 : i32
      %run_scoped3A_221 = arith.constant 3 : i32
      "tpu.region"() ({
        %run_scoped3A_254 = tpu.sem_alloc : memref<!tpu.dma_semaphore, #tpu.memory_space<semaphore_mem>>
        %dma_start3A = arith.constant 0 : i32
        %dma_start3A_255 = tpu.memref_slice %arg6[%dma_start3A] : memref<272xi32, #tpu.memory_space<vmem>> -> memref<256xi32, #tpu.memory_space<vmem>>
        %dma_start3A_256 = tpu.memref_slice %arg13[%run_scoped3A_221, %mul3A_220] : memref<4x4096xi32, #tpu.memory_space<vmem_shared>> -> memref<1x256xi32, #tpu.memory_space<vmem_shared>>
        %dma_start3A_257 = tpu.memref_squeeze %dma_start3A_256 : memref<1x256xi32, #tpu.memory_space<vmem_shared>> -> memref<256xi32, #tpu.memory_space<vmem_shared>>
        %dma_start3A_258 = tpu.memref_slice %arg13[%run_scoped3A_221, %mul3A_220] : memref<4x4096xi32, #tpu.memory_space<vmem_shared>> -> memref<1x256xi32, #tpu.memory_space<vmem_shared>>
        %dma_start3A_259 = tpu.memref_squeeze %dma_start3A_258 : memref<1x256xi32, #tpu.memory_space<vmem_shared>> -> memref<256xi32, #tpu.memory_space<vmem_shared>>
        %dma_start3A_260 = arith.constant 0 : i32
        %dma_start3A_261 = tpu.memref_slice %arg6[%dma_start3A_260] : memref<272xi32, #tpu.memory_space<vmem>> -> memref<256xi32, #tpu.memory_space<vmem>>
        tpu.enqueue_dma source(%dma_start3A_261 : memref<256xi32, #tpu.memory_space<vmem>>) target(%dma_start3A_259 : memref<256xi32, #tpu.memory_space<vmem_shared>>) target_semaphore(%run_scoped3A_254 : memref<!tpu.dma_semaphore, #tpu.memory_space<semaphore_mem>>)
        %dma_wait3A = arith.constant 0 : i32
        %dma_wait3A_262 = tpu.memref_slice %arg6[%dma_wait3A] : memref<272xi32, #tpu.memory_space<vmem>> -> memref<256xi32, #tpu.memory_space<vmem>>
        %dma_wait3A_263 = tpu.memref_slice %arg13[%run_scoped3A_221, %mul3A_220] : memref<4x4096xi32, #tpu.memory_space<vmem_shared>> -> memref<1x256xi32, #tpu.memory_space<vmem_shared>>
        %dma_wait3A_264 = tpu.memref_squeeze %dma_wait3A_263 : memref<1x256xi32, #tpu.memory_space<vmem_shared>> -> memref<256xi32, #tpu.memory_space<vmem_shared>>
        %dma_wait3A_265 = tpu.memref_slice %arg13[%run_scoped3A_221, %mul3A_220] : memref<4x4096xi32, #tpu.memory_space<vmem_shared>> -> memref<1x256xi32, #tpu.memory_space<vmem_shared>>
        %dma_wait3A_266 = tpu.memref_squeeze %dma_wait3A_265 : memref<1x256xi32, #tpu.memory_space<vmem_shared>> -> memref<256xi32, #tpu.memory_space<vmem_shared>>
        %dma_wait3A_267 = arith.constant 0 : i32
        %dma_wait3A_268 = tpu.memref_slice %arg6[%dma_wait3A_267] : memref<272xi32, #tpu.memory_space<vmem>> -> memref<256xi32, #tpu.memory_space<vmem>>
        tpu.wait_dma2 semaphore(%run_scoped3A_254 : memref<!tpu.dma_semaphore, #tpu.memory_space<semaphore_mem>>) src(%dma_wait3A_268 : memref<256xi32, #tpu.memory_space<vmem>>) dst(%dma_wait3A_266 : memref<256xi32, #tpu.memory_space<vmem_shared>>)
        tpu.yield
      }) : () -> ()
      %barrier3A_222 = arith.constant 0 : index
      tpu.barrier barrier_id(%barrier3A_222)
      %eq3A_223 = arith.constant 0 : i32
      %eq3A_224 = arith.cmpi eq, %arg1, %eq3A_223 : i32
      %convert_element_type3A_225 = arith.extui %eq3A_224 : i1 to i32
      %cond3A_226 = arith.constant 0 : i32
      %cond3A_227 = arith.cmpi ne, %convert_element_type3A_225, %cond3A_226 : i32
      scf.if %cond3A_227 {
        %run_scoped3A_254 = arith.constant 3 : i32
        "tpu.region"() ({
          %run_scoped3A_436 = tpu.sem_alloc : memref<!tpu.dma_semaphore, #tpu.memory_space<semaphore_mem>>
          %dma_start3A = arith.constant 0 : i32
          %dma_start3A_437 = tpu.memref_slice %arg13[%run_scoped3A_254, %dma_start3A] : memref<4x4096xi32, #tpu.memory_space<vmem_shared>> -> memref<1x4096xi32, #tpu.memory_space<vmem_shared>>
          %dma_start3A_438 = tpu.memref_squeeze %dma_start3A_437 : memref<1x4096xi32, #tpu.memory_space<vmem_shared>> -> memref<4096xi32, #tpu.memory_space<vmem_shared>>
          %dma_start3A_439 = arith.constant 0 : i32
          %dma_start3A_440 = tpu.memref_slice %arg13[%run_scoped3A_254, %dma_start3A_439] : memref<4x4096xi32, #tpu.memory_space<vmem_shared>> -> memref<1x4096xi32, #tpu.memory_space<vmem_shared>>
          %dma_start3A_441 = tpu.memref_squeeze %dma_start3A_440 : memref<1x4096xi32, #tpu.memory_space<vmem_shared>> -> memref<4096xi32, #tpu.memory_space<vmem_shared>>
          tpu.enqueue_dma source(%dma_start3A_441 : memref<4096xi32, #tpu.memory_space<vmem_shared>>) target(%arg8 : memref<4096xi32, #tpu.memory_space<vmem>>) target_semaphore(%run_scoped3A_436 : memref<!tpu.dma_semaphore, #tpu.memory_space<semaphore_mem>>)
          %dma_wait3A = arith.constant 0 : i32
          %dma_wait3A_442 = tpu.memref_slice %arg13[%run_scoped3A_254, %dma_wait3A] : memref<4x4096xi32, #tpu.memory_space<vmem_shared>> -> memref<1x4096xi32, #tpu.memory_space<vmem_shared>>
          %dma_wait3A_443 = tpu.memref_squeeze %dma_wait3A_442 : memref<1x4096xi32, #tpu.memory_space<vmem_shared>> -> memref<4096xi32, #tpu.memory_space<vmem_shared>>
          %dma_wait3A_444 = arith.constant 0 : i32
          %dma_wait3A_445 = tpu.memref_slice %arg13[%run_scoped3A_254, %dma_wait3A_444] : memref<4x4096xi32, #tpu.memory_space<vmem_shared>> -> memref<1x4096xi32, #tpu.memory_space<vmem_shared>>
          %dma_wait3A_446 = tpu.memref_squeeze %dma_wait3A_445 : memref<1x4096xi32, #tpu.memory_space<vmem_shared>> -> memref<4096xi32, #tpu.memory_space<vmem_shared>>
          tpu.wait_dma2 semaphore(%run_scoped3A_436 : memref<!tpu.dma_semaphore, #tpu.memory_space<semaphore_mem>>) src(%dma_wait3A_446 : memref<4096xi32, #tpu.memory_space<vmem_shared>>) dst(%arg8 : memref<4096xi32, #tpu.memory_space<vmem>>)
          tpu.yield
        }) : () -> ()
        %scan3A_255 = arith.constant 0 : i32
        %scan3A_256 = arith.constant 16 : i32
        %scan3A_257 = arith.addi %scan3A_255, %scan3A_256 : i32
        %scan3A_258 = arith.constant 1 : i32
        %scan3A_259 = scf.for %scan3A_436 = %scan3A_255 to %scan3A_257 step %scan3A_258 iter_args(%scan3A_437 = %broadcast_in_dim3A_5) -> (vector<16xi32>)  : i32 {
          %mul3A_438 = arith.constant 256 : i32
          %mul3A_439 = arith.muli %scan3A_436, %mul3A_438 : i32
          %add3A_440 = arith.constant 0 : i32
          %add3A_441 = arith.addi %mul3A_439, %add3A_440 : i32
          %get3A_442 = arith.index_cast %add3A_441 : i32 to index
          %get3A_443 = tpu.vector_load %arg8[%get3A_442] {strides = array<i32>} : memref<4096xi32, #tpu.memory_space<vmem>>, vector<16xi32>,
          %add3A_444 = arith.addi %scan3A_437, %get3A_443 : vector<16xi32>
          scf.yield %add3A_444 : vector<16xi32>
        }
        %scan3A_260 = arith.constant 16 : i32
        %swap3A_261 = arith.constant 0 : index
        %swap3A_262 = tpu.vector_load %arg7[%swap3A_261] {strides = array<i32>} : memref<256xi32, #tpu.memory_space<vmem>>, vector<16xi32>,
        tpu.vector_store %arg7[%swap3A_261], %scan3A_259 {strides = array<i32>} : memref<256xi32, #tpu.memory_space<vmem>>, vector<16xi32>,
        %scan3A_263 = arith.constant 0 : i32
        %scan3A_264 = arith.constant 16 : i32
        %scan3A_265 = arith.addi %scan3A_263, %scan3A_264 : i32
        %scan3A_266 = arith.constant 1 : i32
        %scan3A_267 = scf.for %scan3A_436 = %scan3A_263 to %scan3A_265 step %scan3A_266 iter_args(%scan3A_437 = %broadcast_in_dim3A_5) -> (vector<16xi32>)  : i32 {
          %mul3A_438 = arith.constant 256 : i32
          %mul3A_439 = arith.muli %scan3A_436, %mul3A_438 : i32
          %add3A_440 = arith.constant 16 : i32
          %add3A_441 = arith.addi %mul3A_439, %add3A_440 : i32
          %get3A_442 = arith.index_cast %add3A_441 : i32 to index
          %get3A_443 = tpu.vector_load %arg8[%get3A_442] {strides = array<i32>} : memref<4096xi32, #tpu.memory_space<vmem>>, vector<16xi32>,
          %add3A_444 = arith.addi %scan3A_437, %get3A_443 : vector<16xi32>
          scf.yield %add3A_444 : vector<16xi32>
        }
        %scan3A_268 = arith.constant 16 : i32
        %swap3A_269 = arith.constant 16 : index
        %swap3A_270 = tpu.vector_load %arg7[%swap3A_269] {strides = array<i32>} : memref<256xi32, #tpu.memory_space<vmem>>, vector<16xi32>,
        tpu.vector_store %arg7[%swap3A_269], %scan3A_267 {strides = array<i32>} : memref<256xi32, #tpu.memory_space<vmem>>, vector<16xi32>,
        %scan3A_271 = arith.constant 0 : i32
        %scan3A_272 = arith.constant 16 : i32
        %scan3A_273 = arith.addi %scan3A_271, %scan3A_272 : i32
        %scan3A_274 = arith.constant 1 : i32
        %scan3A_275 = scf.for %scan3A_436 = %scan3A_271 to %scan3A_273 step %scan3A_274 iter_args(%scan3A_437 = %broadcast_in_dim3A_5) -> (vector<16xi32>)  : i32 {
          %mul3A_438 = arith.constant 256 : i32
          %mul3A_439 = arith.muli %scan3A_436, %mul3A_438 : i32
          %add3A_440 = arith.constant 32 : i32
          %add3A_441 = arith.addi %mul3A_439, %add3A_440 : i32
          %get3A_442 = arith.index_cast %add3A_441 : i32 to index
          %get3A_443 = tpu.vector_load %arg8[%get3A_442] {strides = array<i32>} : memref<4096xi32, #tpu.memory_space<vmem>>, vector<16xi32>,
          %add3A_444 = arith.addi %scan3A_437, %get3A_443 : vector<16xi32>
          scf.yield %add3A_444 : vector<16xi32>
        }
        %scan3A_276 = arith.constant 16 : i32
        %swap3A_277 = arith.constant 32 : index
        %swap3A_278 = tpu.vector_load %arg7[%swap3A_277] {strides = array<i32>} : memref<256xi32, #tpu.memory_space<vmem>>, vector<16xi32>,
        tpu.vector_store %arg7[%swap3A_277], %scan3A_275 {strides = array<i32>} : memref<256xi32, #tpu.memory_space<vmem>>, vector<16xi32>,
        %scan3A_279 = arith.constant 0 : i32
        %scan3A_280 = arith.constant 16 : i32
        %scan3A_281 = arith.addi %scan3A_279, %scan3A_280 : i32
        %scan3A_282 = arith.constant 1 : i32
        %scan3A_283 = scf.for %scan3A_436 = %scan3A_279 to %scan3A_281 step %scan3A_282 iter_args(%scan3A_437 = %broadcast_in_dim3A_5) -> (vector<16xi32>)  : i32 {
          %mul3A_438 = arith.constant 256 : i32
          %mul3A_439 = arith.muli %scan3A_436, %mul3A_438 : i32
          %add3A_440 = arith.constant 48 : i32
          %add3A_441 = arith.addi %mul3A_439, %add3A_440 : i32
          %get3A_442 = arith.index_cast %add3A_441 : i32 to index
          %get3A_443 = tpu.vector_load %arg8[%get3A_442] {strides = array<i32>} : memref<4096xi32, #tpu.memory_space<vmem>>, vector<16xi32>,
          %add3A_444 = arith.addi %scan3A_437, %get3A_443 : vector<16xi32>
          scf.yield %add3A_444 : vector<16xi32>
        }
        %scan3A_284 = arith.constant 16 : i32
        %swap3A_285 = arith.constant 48 : index
        %swap3A_286 = tpu.vector_load %arg7[%swap3A_285] {strides = array<i32>} : memref<256xi32, #tpu.memory_space<vmem>>, vector<16xi32>,
        tpu.vector_store %arg7[%swap3A_285], %scan3A_283 {strides = array<i32>} : memref<256xi32, #tpu.memory_space<vmem>>, vector<16xi32>,
        %scan3A_287 = arith.constant 0 : i32
        %scan3A_288 = arith.constant 16 : i32
        %scan3A_289 = arith.addi %scan3A_287, %scan3A_288 : i32
        %scan3A_290 = arith.constant 1 : i32
        %scan3A_291 = scf.for %scan3A_436 = %scan3A_287 to %scan3A_289 step %scan3A_290 iter_args(%scan3A_437 = %broadcast_in_dim3A_5) -> (vector<16xi32>)  : i32 {
          %mul3A_438 = arith.constant 256 : i32
          %mul3A_439 = arith.muli %scan3A_436, %mul3A_438 : i32
          %add3A_440 = arith.constant 64 : i32
          %add3A_441 = arith.addi %mul3A_439, %add3A_440 : i32
          %get3A_442 = arith.index_cast %add3A_441 : i32 to index
          %get3A_443 = tpu.vector_load %arg8[%get3A_442] {strides = array<i32>} : memref<4096xi32, #tpu.memory_space<vmem>>, vector<16xi32>,
          %add3A_444 = arith.addi %scan3A_437, %get3A_443 : vector<16xi32>
          scf.yield %add3A_444 : vector<16xi32>
        }
        %scan3A_292 = arith.constant 16 : i32
        %swap3A_293 = arith.constant 64 : index
        %swap3A_294 = tpu.vector_load %arg7[%swap3A_293] {strides = array<i32>} : memref<256xi32, #tpu.memory_space<vmem>>, vector<16xi32>,
        tpu.vector_store %arg7[%swap3A_293], %scan3A_291 {strides = array<i32>} : memref<256xi32, #tpu.memory_space<vmem>>, vector<16xi32>,
        %scan3A_295 = arith.constant 0 : i32
        %scan3A_296 = arith.constant 16 : i32
        %scan3A_297 = arith.addi %scan3A_295, %scan3A_296 : i32
        %scan3A_298 = arith.constant 1 : i32
        %scan3A_299 = scf.for %scan3A_436 = %scan3A_295 to %scan3A_297 step %scan3A_298 iter_args(%scan3A_437 = %broadcast_in_dim3A_5) -> (vector<16xi32>)  : i32 {
          %mul3A_438 = arith.constant 256 : i32
          %mul3A_439 = arith.muli %scan3A_436, %mul3A_438 : i32
          %add3A_440 = arith.constant 80 : i32
          %add3A_441 = arith.addi %mul3A_439, %add3A_440 : i32
          %get3A_442 = arith.index_cast %add3A_441 : i32 to index
          %get3A_443 = tpu.vector_load %arg8[%get3A_442] {strides = array<i32>} : memref<4096xi32, #tpu.memory_space<vmem>>, vector<16xi32>,
          %add3A_444 = arith.addi %scan3A_437, %get3A_443 : vector<16xi32>
          scf.yield %add3A_444 : vector<16xi32>
        }
        %scan3A_300 = arith.constant 16 : i32
        %swap3A_301 = arith.constant 80 : index
        %swap3A_302 = tpu.vector_load %arg7[%swap3A_301] {strides = array<i32>} : memref<256xi32, #tpu.memory_space<vmem>>, vector<16xi32>,
        tpu.vector_store %arg7[%swap3A_301], %scan3A_299 {strides = array<i32>} : memref<256xi32, #tpu.memory_space<vmem>>, vector<16xi32>,
        %scan3A_303 = arith.constant 0 : i32
        %scan3A_304 = arith.constant 16 : i32
        %scan3A_305 = arith.addi %scan3A_303, %scan3A_304 : i32
        %scan3A_306 = arith.constant 1 : i32
        %scan3A_307 = scf.for %scan3A_436 = %scan3A_303 to %scan3A_305 step %scan3A_306 iter_args(%scan3A_437 = %broadcast_in_dim3A_5) -> (vector<16xi32>)  : i32 {
          %mul3A_438 = arith.constant 256 : i32
          %mul3A_439 = arith.muli %scan3A_436, %mul3A_438 : i32
          %add3A_440 = arith.constant 96 : i32
          %add3A_441 = arith.addi %mul3A_439, %add3A_440 : i32
          %get3A_442 = arith.index_cast %add3A_441 : i32 to index
          %get3A_443 = tpu.vector_load %arg8[%get3A_442] {strides = array<i32>} : memref<4096xi32, #tpu.memory_space<vmem>>, vector<16xi32>,
          %add3A_444 = arith.addi %scan3A_437, %get3A_443 : vector<16xi32>
          scf.yield %add3A_444 : vector<16xi32>
        }
        %scan3A_308 = arith.constant 16 : i32
        %swap3A_309 = arith.constant 96 : index
        %swap3A_310 = tpu.vector_load %arg7[%swap3A_309] {strides = array<i32>} : memref<256xi32, #tpu.memory_space<vmem>>, vector<16xi32>,
        tpu.vector_store %arg7[%swap3A_309], %scan3A_307 {strides = array<i32>} : memref<256xi32, #tpu.memory_space<vmem>>, vector<16xi32>,
        %scan3A_311 = arith.constant 0 : i32
        %scan3A_312 = arith.constant 16 : i32
        %scan3A_313 = arith.addi %scan3A_311, %scan3A_312 : i32
        %scan3A_314 = arith.constant 1 : i32
        %scan3A_315 = scf.for %scan3A_436 = %scan3A_311 to %scan3A_313 step %scan3A_314 iter_args(%scan3A_437 = %broadcast_in_dim3A_5) -> (vector<16xi32>)  : i32 {
          %mul3A_438 = arith.constant 256 : i32
          %mul3A_439 = arith.muli %scan3A_436, %mul3A_438 : i32
          %add3A_440 = arith.constant 112 : i32
          %add3A_441 = arith.addi %mul3A_439, %add3A_440 : i32
          %get3A_442 = arith.index_cast %add3A_441 : i32 to index
          %get3A_443 = tpu.vector_load %arg8[%get3A_442] {strides = array<i32>} : memref<4096xi32, #tpu.memory_space<vmem>>, vector<16xi32>,
          %add3A_444 = arith.addi %scan3A_437, %get3A_443 : vector<16xi32>
          scf.yield %add3A_444 : vector<16xi32>
        }
        %scan3A_316 = arith.constant 16 : i32
        %swap3A_317 = arith.constant 112 : index
        %swap3A_318 = tpu.vector_load %arg7[%swap3A_317] {strides = array<i32>} : memref<256xi32, #tpu.memory_space<vmem>>, vector<16xi32>,
        tpu.vector_store %arg7[%swap3A_317], %scan3A_315 {strides = array<i32>} : memref<256xi32, #tpu.memory_space<vmem>>, vector<16xi32>,
        %scan3A_319 = arith.constant 0 : i32
        %scan3A_320 = arith.constant 16 : i32
        %scan3A_321 = arith.addi %scan3A_319, %scan3A_320 : i32
        %scan3A_322 = arith.constant 1 : i32
        %scan3A_323 = scf.for %scan3A_436 = %scan3A_319 to %scan3A_321 step %scan3A_322 iter_args(%scan3A_437 = %broadcast_in_dim3A_5) -> (vector<16xi32>)  : i32 {
          %mul3A_438 = arith.constant 256 : i32
          %mul3A_439 = arith.muli %scan3A_436, %mul3A_438 : i32
          %add3A_440 = arith.constant 128 : i32
          %add3A_441 = arith.addi %mul3A_439, %add3A_440 : i32
          %get3A_442 = arith.index_cast %add3A_441 : i32 to index
          %get3A_443 = tpu.vector_load %arg8[%get3A_442] {strides = array<i32>} : memref<4096xi32, #tpu.memory_space<vmem>>, vector<16xi32>,
          %add3A_444 = arith.addi %scan3A_437, %get3A_443 : vector<16xi32>
          scf.yield %add3A_444 : vector<16xi32>
        }
        %scan3A_324 = arith.constant 16 : i32
        %swap3A_325 = arith.constant 128 : index
        %swap3A_326 = tpu.vector_load %arg7[%swap3A_325] {strides = array<i32>} : memref<256xi32, #tpu.memory_space<vmem>>, vector<16xi32>,
        tpu.vector_store %arg7[%swap3A_325], %scan3A_323 {strides = array<i32>} : memref<256xi32, #tpu.memory_space<vmem>>, vector<16xi32>,
        %scan3A_327 = arith.constant 0 : i32
        %scan3A_328 = arith.constant 16 : i32
        %scan3A_329 = arith.addi %scan3A_327, %scan3A_328 : i32
        %scan3A_330 = arith.constant 1 : i32
        %scan3A_331 = scf.for %scan3A_436 = %scan3A_327 to %scan3A_329 step %scan3A_330 iter_args(%scan3A_437 = %broadcast_in_dim3A_5) -> (vector<16xi32>)  : i32 {
          %mul3A_438 = arith.constant 256 : i32
          %mul3A_439 = arith.muli %scan3A_436, %mul3A_438 : i32
          %add3A_440 = arith.constant 144 : i32
          %add3A_441 = arith.addi %mul3A_439, %add3A_440 : i32
          %get3A_442 = arith.index_cast %add3A_441 : i32 to index
          %get3A_443 = tpu.vector_load %arg8[%get3A_442] {strides = array<i32>} : memref<4096xi32, #tpu.memory_space<vmem>>, vector<16xi32>,
          %add3A_444 = arith.addi %scan3A_437, %get3A_443 : vector<16xi32>
          scf.yield %add3A_444 : vector<16xi32>
        }
        %scan3A_332 = arith.constant 16 : i32
        %swap3A_333 = arith.constant 144 : index
        %swap3A_334 = tpu.vector_load %arg7[%swap3A_333] {strides = array<i32>} : memref<256xi32, #tpu.memory_space<vmem>>, vector<16xi32>,
        tpu.vector_store %arg7[%swap3A_333], %scan3A_331 {strides = array<i32>} : memref<256xi32, #tpu.memory_space<vmem>>, vector<16xi32>,
        %scan3A_335 = arith.constant 0 : i32
        %scan3A_336 = arith.constant 16 : i32
        %scan3A_337 = arith.addi %scan3A_335, %scan3A_336 : i32
        %scan3A_338 = arith.constant 1 : i32
        %scan3A_339 = scf.for %scan3A_436 = %scan3A_335 to %scan3A_337 step %scan3A_338 iter_args(%scan3A_437 = %broadcast_in_dim3A_5) -> (vector<16xi32>)  : i32 {
          %mul3A_438 = arith.constant 256 : i32
          %mul3A_439 = arith.muli %scan3A_436, %mul3A_438 : i32
          %add3A_440 = arith.constant 160 : i32
          %add3A_441 = arith.addi %mul3A_439, %add3A_440 : i32
          %get3A_442 = arith.index_cast %add3A_441 : i32 to index
          %get3A_443 = tpu.vector_load %arg8[%get3A_442] {strides = array<i32>} : memref<4096xi32, #tpu.memory_space<vmem>>, vector<16xi32>,
          %add3A_444 = arith.addi %scan3A_437, %get3A_443 : vector<16xi32>
          scf.yield %add3A_444 : vector<16xi32>
        }
        %scan3A_340 = arith.constant 16 : i32
        %swap3A_341 = arith.constant 160 : index
        %swap3A_342 = tpu.vector_load %arg7[%swap3A_341] {strides = array<i32>} : memref<256xi32, #tpu.memory_space<vmem>>, vector<16xi32>,
        tpu.vector_store %arg7[%swap3A_341], %scan3A_339 {strides = array<i32>} : memref<256xi32, #tpu.memory_space<vmem>>, vector<16xi32>,
        %scan3A_343 = arith.constant 0 : i32
        %scan3A_344 = arith.constant 16 : i32
        %scan3A_345 = arith.addi %scan3A_343, %scan3A_344 : i32
        %scan3A_346 = arith.constant 1 : i32
        %scan3A_347 = scf.for %scan3A_436 = %scan3A_343 to %scan3A_345 step %scan3A_346 iter_args(%scan3A_437 = %broadcast_in_dim3A_5) -> (vector<16xi32>)  : i32 {
          %mul3A_438 = arith.constant 256 : i32
          %mul3A_439 = arith.muli %scan3A_436, %mul3A_438 : i32
          %add3A_440 = arith.constant 176 : i32
          %add3A_441 = arith.addi %mul3A_439, %add3A_440 : i32
          %get3A_442 = arith.index_cast %add3A_441 : i32 to index
          %get3A_443 = tpu.vector_load %arg8[%get3A_442] {strides = array<i32>} : memref<4096xi32, #tpu.memory_space<vmem>>, vector<16xi32>,
          %add3A_444 = arith.addi %scan3A_437, %get3A_443 : vector<16xi32>
          scf.yield %add3A_444 : vector<16xi32>
        }
        %scan3A_348 = arith.constant 16 : i32
        %swap3A_349 = arith.constant 176 : index
        %swap3A_350 = tpu.vector_load %arg7[%swap3A_349] {strides = array<i32>} : memref<256xi32, #tpu.memory_space<vmem>>, vector<16xi32>,
        tpu.vector_store %arg7[%swap3A_349], %scan3A_347 {strides = array<i32>} : memref<256xi32, #tpu.memory_space<vmem>>, vector<16xi32>,
        %scan3A_351 = arith.constant 0 : i32
        %scan3A_352 = arith.constant 16 : i32
        %scan3A_353 = arith.addi %scan3A_351, %scan3A_352 : i32
        %scan3A_354 = arith.constant 1 : i32
        %scan3A_355 = scf.for %scan3A_436 = %scan3A_351 to %scan3A_353 step %scan3A_354 iter_args(%scan3A_437 = %broadcast_in_dim3A_5) -> (vector<16xi32>)  : i32 {
          %mul3A_438 = arith.constant 256 : i32
          %mul3A_439 = arith.muli %scan3A_436, %mul3A_438 : i32
          %add3A_440 = arith.constant 192 : i32
          %add3A_441 = arith.addi %mul3A_439, %add3A_440 : i32
          %get3A_442 = arith.index_cast %add3A_441 : i32 to index
          %get3A_443 = tpu.vector_load %arg8[%get3A_442] {strides = array<i32>} : memref<4096xi32, #tpu.memory_space<vmem>>, vector<16xi32>,
          %add3A_444 = arith.addi %scan3A_437, %get3A_443 : vector<16xi32>
          scf.yield %add3A_444 : vector<16xi32>
        }
        %scan3A_356 = arith.constant 16 : i32
        %swap3A_357 = arith.constant 192 : index
        %swap3A_358 = tpu.vector_load %arg7[%swap3A_357] {strides = array<i32>} : memref<256xi32, #tpu.memory_space<vmem>>, vector<16xi32>,
        tpu.vector_store %arg7[%swap3A_357], %scan3A_355 {strides = array<i32>} : memref<256xi32, #tpu.memory_space<vmem>>, vector<16xi32>,
        %scan3A_359 = arith.constant 0 : i32
        %scan3A_360 = arith.constant 16 : i32
        %scan3A_361 = arith.addi %scan3A_359, %scan3A_360 : i32
        %scan3A_362 = arith.constant 1 : i32
        %scan3A_363 = scf.for %scan3A_436 = %scan3A_359 to %scan3A_361 step %scan3A_362 iter_args(%scan3A_437 = %broadcast_in_dim3A_5) -> (vector<16xi32>)  : i32 {
          %mul3A_438 = arith.constant 256 : i32
          %mul3A_439 = arith.muli %scan3A_436, %mul3A_438 : i32
          %add3A_440 = arith.constant 208 : i32
          %add3A_441 = arith.addi %mul3A_439, %add3A_440 : i32
          %get3A_442 = arith.index_cast %add3A_441 : i32 to index
          %get3A_443 = tpu.vector_load %arg8[%get3A_442] {strides = array<i32>} : memref<4096xi32, #tpu.memory_space<vmem>>, vector<16xi32>,
          %add3A_444 = arith.addi %scan3A_437, %get3A_443 : vector<16xi32>
          scf.yield %add3A_444 : vector<16xi32>
        }
        %scan3A_364 = arith.constant 16 : i32
        %swap3A_365 = arith.constant 208 : index
        %swap3A_366 = tpu.vector_load %arg7[%swap3A_365] {strides = array<i32>} : memref<256xi32, #tpu.memory_space<vmem>>, vector<16xi32>,
        tpu.vector_store %arg7[%swap3A_365], %scan3A_363 {strides = array<i32>} : memref<256xi32, #tpu.memory_space<vmem>>, vector<16xi32>,
        %scan3A_367 = arith.constant 0 : i32
        %scan3A_368 = arith.constant 16 : i32
        %scan3A_369 = arith.addi %scan3A_367, %scan3A_368 : i32
        %scan3A_370 = arith.constant 1 : i32
        %scan3A_371 = scf.for %scan3A_436 = %scan3A_367 to %scan3A_369 step %scan3A_370 iter_args(%scan3A_437 = %broadcast_in_dim3A_5) -> (vector<16xi32>)  : i32 {
          %mul3A_438 = arith.constant 256 : i32
          %mul3A_439 = arith.muli %scan3A_436, %mul3A_438 : i32
          %add3A_440 = arith.constant 224 : i32
          %add3A_441 = arith.addi %mul3A_439, %add3A_440 : i32
          %get3A_442 = arith.index_cast %add3A_441 : i32 to index
          %get3A_443 = tpu.vector_load %arg8[%get3A_442] {strides = array<i32>} : memref<4096xi32, #tpu.memory_space<vmem>>, vector<16xi32>,
          %add3A_444 = arith.addi %scan3A_437, %get3A_443 : vector<16xi32>
          scf.yield %add3A_444 : vector<16xi32>
        }
        %scan3A_372 = arith.constant 16 : i32
        %swap3A_373 = arith.constant 224 : index
        %swap3A_374 = tpu.vector_load %arg7[%swap3A_373] {strides = array<i32>} : memref<256xi32, #tpu.memory_space<vmem>>, vector<16xi32>,
        tpu.vector_store %arg7[%swap3A_373], %scan3A_371 {strides = array<i32>} : memref<256xi32, #tpu.memory_space<vmem>>, vector<16xi32>,
        %scan3A_375 = arith.constant 0 : i32
        %scan3A_376 = arith.constant 16 : i32
        %scan3A_377 = arith.addi %scan3A_375, %scan3A_376 : i32
        %scan3A_378 = arith.constant 1 : i32
        %scan3A_379 = scf.for %scan3A_436 = %scan3A_375 to %scan3A_377 step %scan3A_378 iter_args(%scan3A_437 = %broadcast_in_dim3A_5) -> (vector<16xi32>)  : i32 {
          %mul3A_438 = arith.constant 256 : i32
          %mul3A_439 = arith.muli %scan3A_436, %mul3A_438 : i32
          %add3A_440 = arith.constant 240 : i32
          %add3A_441 = arith.addi %mul3A_439, %add3A_440 : i32
          %get3A_442 = arith.index_cast %add3A_441 : i32 to index
          %get3A_443 = tpu.vector_load %arg8[%get3A_442] {strides = array<i32>} : memref<4096xi32, #tpu.memory_space<vmem>>, vector<16xi32>,
          %add3A_444 = arith.addi %scan3A_437, %get3A_443 : vector<16xi32>
          scf.yield %add3A_444 : vector<16xi32>
        }
        %scan3A_380 = arith.constant 16 : i32
        %swap3A_381 = arith.constant 240 : index
        %swap3A_382 = tpu.vector_load %arg7[%swap3A_381] {strides = array<i32>} : memref<256xi32, #tpu.memory_space<vmem>>, vector<16xi32>,
        tpu.vector_store %arg7[%swap3A_381], %scan3A_379 {strides = array<i32>} : memref<256xi32, #tpu.memory_space<vmem>>, vector<16xi32>,
        %scan3A_383 = arith.constant 0 : i32
        %scan3A_384 = arith.constant 0 : i32
        %scan3A_385 = arith.constant 0 : i32
        %scan3A_386 = arith.constant false
        %scan3A_387 = arith.constant 0 : i32
        %scan3A_388 = arith.constant 16 : i32
        %scan3A_389 = arith.addi %scan3A_387, %scan3A_388 : i32
        %scan3A_390 = arith.constant 1 : i32
        %scan3A_391:5 = scf.for %scan3A_436 = %scan3A_387 to %scan3A_389 step %scan3A_390 iter_args(%scan3A_437 = %scan3A_383, %scan3A_438 = %scan3A_384, %scan3A_439 = %scan3A_385, %scan3A_440 = %broadcast_in_dim3A_5, %scan3A_441 = %scan3A_386) -> (i32, i32, i32, vector<16xi32>, i1)  : i32 {
          %sub3A_442 = arith.constant 15 : i32
          %sub3A_443 = arith.subi %sub3A_442, %scan3A_436 : i32
          %mul3A_444 = arith.constant 16 : i32
          %mul3A_445 = arith.muli %sub3A_443, %mul3A_444 : i32
          %get3A_446 = arith.index_cast %mul3A_445 : i32 to index
          %get3A_447 = tpu.vector_load %arg7[%get3A_446] {strides = array<i32>} : memref<256xi32, #tpu.memory_space<vmem>>, vector<16xi32>,
          %reduce_sum3A_448 = arith.constant true
          %reduce_sum3A_449 = vector.broadcast %reduce_sum3A_448 : i1 to vector<16xi1>
          %reduce_sum3A_450 = tpu.scan <sum>, %get3A_447 masked %reduce_sum3A_449 : vector<16xi32>, vector<16xi1> -> vector<16xi32>
          %reduce_sum3A_451 = vector.extract %reduce_sum3A_450[15] : i32 from vector<16xi32>
          %not3A = arith.constant true
          %not3A_452 = arith.xori %scan3A_441, %not3A : i1
          %add3A_453 = arith.addi %scan3A_437, %reduce_sum3A_451 : i32
          %ge3A_454 = arith.cmpi sge, %add3A_453, %squeeze3A_176 : i32
          %and3A = arith.andi %not3A_452, %ge3A_454 : i1
          %select_n3A_455 = arith.select %and3A, %scan3A_437, %scan3A_438 : i32
          %select_n3A_456 = arith.select %and3A, %sub3A_443, %scan3A_439 : i32
          %select_n3A_457 = arith.select %and3A, %get3A_447, %scan3A_440 : vector<16xi32>
          %or3A_458 = arith.ori %scan3A_441, %and3A : i1
          %add3A_459 = arith.addi %scan3A_437, %reduce_sum3A_451 : i32
          %select_n3A_460 = arith.select %or3A_458, %scan3A_437, %add3A_459 : i32
          scf.yield %select_n3A_460, %select_n3A_455, %select_n3A_456, %select_n3A_457, %or3A_458 : i32, i32, i32, vector<16xi32>, i1
        }
        %scan3A_392 = arith.constant 16 : i32
        %sub3A = arith.subi %squeeze3A_176, %scan3A_391#1 : i32
        %rev3A = arith.constant 15 : i32
        %rev3A_393 = vector.broadcast %rev3A : i32 to vector<16xi32>
        %rev3A_394 = tpu.iota {dimensions = array<i32: 0>} : vector<16xi32>
        %rev3A_395 = arith.subi %rev3A_393, %rev3A_394 : vector<16xi32>
        %rev3A_396 = tpu.dynamic_gather %scan3A_391#3[%rev3A_395] in [0] : vector<16xi32>, vector<16xi32> -> vector<16xi32>
        %cumsum3A = arith.constant true
        %cumsum3A_397 = vector.broadcast %cumsum3A : i1 to vector<16xi1>
        %cumsum3A_398 = tpu.scan <sum>, %rev3A_396 masked %cumsum3A_397 : vector<16xi32>, vector<16xi1> -> vector<16xi32>
        %rev3A_399 = arith.constant 15 : i32
        %rev3A_400 = vector.broadcast %rev3A_399 : i32 to vector<16xi32>
        %rev3A_401 = tpu.iota {dimensions = array<i32: 0>} : vector<16xi32>
        %rev3A_402 = arith.subi %rev3A_400, %rev3A_401 : vector<16xi32>
        %rev3A_403 = tpu.dynamic_gather %cumsum3A_398[%rev3A_402] in [0] : vector<16xi32>, vector<16xi32> -> vector<16xi32>
        %ge3A = vector.broadcast %sub3A : i32 to vector<16xi32>
        %ge3A_404 = arith.cmpi sge, %rev3A_403, %ge3A : vector<16xi32>
        %all_reduce_population_count3A = tpu.all_reduce %ge3A_404 {dim = 0 : i64, kind = #tpu.reduction_kind<sum>} : vector<16xi1> -> vector<16xi32>
        %slice3A_405 = vector.extract_strided_slice %all_reduce_population_count3A {offsets = [0], sizes = [1], strides = [1]} : vector<16xi32> to vector<1xi32>
        %squeeze3A_406 = vector.extract %slice3A_405[0] : i32 from vector<1xi32>
        %sub3A_407 = arith.constant 1 : i32
        %sub3A_408 = arith.subi %squeeze3A_406, %sub3A_407 : i32
        %eq3A_409 = vector.broadcast %sub3A_408 : i32 to vector<16xi32>
        %eq3A_410 = arith.cmpi eq, %iota3A, %eq3A_409 : vector<16xi32>
        %jit3A = arith.constant 0 : i32
        %broadcast_in_dim3A_411 = vector.broadcast %jit3A : i32 to vector<16xi32>
        %select_n3A = arith.select %eq3A_410, %rev3A_403, %broadcast_in_dim3A_411 : vector<16xi1>, vector<16xi32>
        %reduce_sum3A = arith.constant true
        %reduce_sum3A_412 = vector.broadcast %reduce_sum3A : i1 to vector<16xi1>
        %reduce_sum3A_413 = tpu.scan <sum>, %select_n3A masked %reduce_sum3A_412 : vector<16xi32>, vector<16xi1> -> vector<16xi32>
        %reduce_sum3A_414 = vector.extract %reduce_sum3A_413[15] : i32 from vector<16xi32>
        %jit3A_415 = arith.constant 0 : i32
        %broadcast_in_dim3A_416 = vector.broadcast %jit3A_415 : i32 to vector<16xi32>
        %select_n3A_417 = arith.select %eq3A_410, %scan3A_391#3, %broadcast_in_dim3A_416 : vector<16xi1>, vector<16xi32>
        %reduce_sum3A_418 = arith.constant true
        %reduce_sum3A_419 = vector.broadcast %reduce_sum3A_418 : i1 to vector<16xi1>
        %reduce_sum3A_420 = tpu.scan <sum>, %select_n3A_417 masked %reduce_sum3A_419 : vector<16xi32>, vector<16xi1> -> vector<16xi32>
        %reduce_sum3A_421 = vector.extract %reduce_sum3A_420[15] : i32 from vector<16xi32>
        %mul3A_422 = arith.constant 16 : i32
        %mul3A_423 = arith.muli %scan3A_391#2, %mul3A_422 : i32
        %add3A = arith.addi %mul3A_423, %sub3A_408 : i32
        %shift_left3A = arith.constant 0 : i32
        %shift_left3A_424 = arith.shli %add3A, %shift_left3A : i32
        %or3A = arith.ori %squeeze3A_174, %shift_left3A_424 : i32
        %sub3A_425 = arith.subi %reduce_sum3A_414, %reduce_sum3A_421 : i32
        %sub3A_426 = arith.subi %sub3A, %sub3A_425 : i32
        %eq3A_427 = arith.constant 0 : i32
        %eq3A_428 = vector.broadcast %eq3A_427 : i32 to vector<16xi32>
        %eq3A_429 = arith.cmpi eq, %iota3A, %eq3A_428 : vector<16xi32>
        %broadcast_in_dim3A_430 = vector.broadcast %or3A : i32 to vector<16xi32>
        %broadcast_in_dim3A_431 = vector.broadcast %sub3A_426 : i32 to vector<16xi32>
        %select_n3A_432 = arith.select %eq3A_429, %broadcast_in_dim3A_430, %broadcast_in_dim3A_431 : vector<16xi1>, vector<16xi32>
        %swap3A_433 = arith.constant 0 : index
        %swap3A_434 = tpu.vector_load %arg12[%swap3A_433] {strides = array<i32>} : memref<16xi32, #tpu.memory_space<vmem>>, vector<16xi32>,
        tpu.vector_store %arg12[%swap3A_433], %select_n3A_432 {strides = array<i32>} : memref<16xi32, #tpu.memory_space<vmem>>, vector<16xi32>,
        %run_scoped3A_435 = arith.constant 3 : i32
        "tpu.region"() ({
          %run_scoped3A_436 = tpu.sem_alloc : memref<!tpu.dma_semaphore, #tpu.memory_space<semaphore_mem>>
          %dma_start3A = arith.constant 0 : i32
          %dma_start3A_437 = tpu.memref_slice %arg15[%run_scoped3A_435, %dma_start3A] : memref<4x16xi32, #tpu.memory_space<vmem_shared>> -> memref<1x16xi32, #tpu.memory_space<vmem_shared>>
          %dma_start3A_438 = tpu.memref_squeeze %dma_start3A_437 : memref<1x16xi32, #tpu.memory_space<vmem_shared>> -> memref<16xi32, #tpu.memory_space<vmem_shared>>
          %dma_start3A_439 = arith.constant 0 : i32
          %dma_start3A_440 = tpu.memref_slice %arg15[%run_scoped3A_435, %dma_start3A_439] : memref<4x16xi32, #tpu.memory_space<vmem_shared>> -> memref<1x16xi32, #tpu.memory_space<vmem_shared>>
          %dma_start3A_441 = tpu.memref_squeeze %dma_start3A_440 : memref<1x16xi32, #tpu.memory_space<vmem_shared>> -> memref<16xi32, #tpu.memory_space<vmem_shared>>
          tpu.enqueue_dma source(%arg12 : memref<16xi32, #tpu.memory_space<vmem>>) target(%dma_start3A_441 : memref<16xi32, #tpu.memory_space<vmem_shared>>) target_semaphore(%run_scoped3A_436 : memref<!tpu.dma_semaphore, #tpu.memory_space<semaphore_mem>>)
          %dma_wait3A = arith.constant 0 : i32
          %dma_wait3A_442 = tpu.memref_slice %arg15[%run_scoped3A_435, %dma_wait3A] : memref<4x16xi32, #tpu.memory_space<vmem_shared>> -> memref<1x16xi32, #tpu.memory_space<vmem_shared>>
          %dma_wait3A_443 = tpu.memref_squeeze %dma_wait3A_442 : memref<1x16xi32, #tpu.memory_space<vmem_shared>> -> memref<16xi32, #tpu.memory_space<vmem_shared>>
          %dma_wait3A_444 = arith.constant 0 : i32
          %dma_wait3A_445 = tpu.memref_slice %arg15[%run_scoped3A_435, %dma_wait3A_444] : memref<4x16xi32, #tpu.memory_space<vmem_shared>> -> memref<1x16xi32, #tpu.memory_space<vmem_shared>>
          %dma_wait3A_446 = tpu.memref_squeeze %dma_wait3A_445 : memref<1x16xi32, #tpu.memory_space<vmem_shared>> -> memref<16xi32, #tpu.memory_space<vmem_shared>>
          tpu.wait_dma2 semaphore(%run_scoped3A_436 : memref<!tpu.dma_semaphore, #tpu.memory_space<semaphore_mem>>) src(%arg12 : memref<16xi32, #tpu.memory_space<vmem>>) dst(%dma_wait3A_446 : memref<16xi32, #tpu.memory_space<vmem_shared>>)
          tpu.yield
        }) : () -> ()
      } else {
      }
      %barrier3A_228 = arith.constant 0 : index
      tpu.barrier barrier_id(%barrier3A_228)
      %run_scoped3A_229 = arith.constant 3 : i32
      "tpu.region"() ({
        %run_scoped3A_254 = tpu.sem_alloc : memref<!tpu.dma_semaphore, #tpu.memory_space<semaphore_mem>>
        %dma_start3A = arith.constant 0 : i32
        %dma_start3A_255 = tpu.memref_slice %arg15[%run_scoped3A_229, %dma_start3A] : memref<4x16xi32, #tpu.memory_space<vmem_shared>> -> memref<1x16xi32, #tpu.memory_space<vmem_shared>>
        %dma_start3A_256 = tpu.memref_squeeze %dma_start3A_255 : memref<1x16xi32, #tpu.memory_space<vmem_shared>> -> memref<16xi32, #tpu.memory_space<vmem_shared>>
        %dma_start3A_257 = arith.constant 0 : i32
        %dma_start3A_258 = tpu.memref_slice %arg15[%run_scoped3A_229, %dma_start3A_257] : memref<4x16xi32, #tpu.memory_space<vmem_shared>> -> memref<1x16xi32, #tpu.memory_space<vmem_shared>>
        %dma_start3A_259 = tpu.memref_squeeze %dma_start3A_258 : memref<1x16xi32, #tpu.memory_space<vmem_shared>> -> memref<16xi32, #tpu.memory_space<vmem_shared>>
        tpu.enqueue_dma source(%dma_start3A_259 : memref<16xi32, #tpu.memory_space<vmem_shared>>) target(%arg12 : memref<16xi32, #tpu.memory_space<vmem>>) target_semaphore(%run_scoped3A_254 : memref<!tpu.dma_semaphore, #tpu.memory_space<semaphore_mem>>)
        %dma_wait3A = arith.constant 0 : i32
        %dma_wait3A_260 = tpu.memref_slice %arg15[%run_scoped3A_229, %dma_wait3A] : memref<4x16xi32, #tpu.memory_space<vmem_shared>> -> memref<1x16xi32, #tpu.memory_space<vmem_shared>>
        %dma_wait3A_261 = tpu.memref_squeeze %dma_wait3A_260 : memref<1x16xi32, #tpu.memory_space<vmem_shared>> -> memref<16xi32, #tpu.memory_space<vmem_shared>>
        %dma_wait3A_262 = arith.constant 0 : i32
        %dma_wait3A_263 = tpu.memref_slice %arg15[%run_scoped3A_229, %dma_wait3A_262] : memref<4x16xi32, #tpu.memory_space<vmem_shared>> -> memref<1x16xi32, #tpu.memory_space<vmem_shared>>
        %dma_wait3A_264 = tpu.memref_squeeze %dma_wait3A_263 : memref<1x16xi32, #tpu.memory_space<vmem_shared>> -> memref<16xi32, #tpu.memory_space<vmem_shared>>
        tpu.wait_dma2 semaphore(%run_scoped3A_254 : memref<!tpu.dma_semaphore, #tpu.memory_space<semaphore_mem>>) src(%dma_wait3A_264 : memref<16xi32, #tpu.memory_space<vmem_shared>>) dst(%arg12 : memref<16xi32, #tpu.memory_space<vmem>>)
        tpu.yield
      }) : () -> ()
      %get3A_230 = arith.constant 0 : index
      %get3A_231 = tpu.vector_load %arg12[%get3A_230] {strides = array<i32>} : memref<16xi32, #tpu.memory_space<vmem>>, vector<16xi32>,
      %slice3A_232 = vector.extract_strided_slice %get3A_231 {offsets = [0], sizes = [1], strides = [1]} : vector<16xi32> to vector<1xi32>
      %squeeze3A_233 = vector.extract %slice3A_232[0] : i32 from vector<1xi32>
      %slice3A_234 = vector.extract_strided_slice %get3A_231 {offsets = [1], sizes = [1], strides = [1]} : vector<16xi32> to vector<1xi32>
      %squeeze3A_235 = vector.extract %slice3A_234[0] : i32 from vector<1xi32>
      %broadcast_in_dim3A_236 = arith.constant 0.000000e+00 : f32
      %broadcast_in_dim3A_237 = vector.broadcast %broadcast_in_dim3A_236 : f32 to vector<16xf32>
      %scan3A_238 = arith.constant 0 : i32
      %scan3A_239 = arith.constant 8 : i32
      %scan3A_240 = arith.addi %scan3A_238, %scan3A_239 : i32
      %scan3A_241 = arith.constant 1 : i32
      %scan3A_242 = scf.for %scan3A_254 = %scan3A_238 to %scan3A_240 step %scan3A_241 iter_args(%scan3A_255 = %broadcast_in_dim3A_237) -> (vector<16xf32>)  : i32 {
        %mul3A_256 = arith.constant 128 : i32
        %mul3A_257 = arith.muli %scan3A_254, %mul3A_256 : i32
        %add3A = arith.constant 0 : i32
        %add3A_258 = arith.addi %mul3A_257, %add3A : i32
        %get3A_259 = arith.index_cast %add3A_258 : i32 to index
        %get3A_260 = tpu.vector_load %arg5[%get3A_259] {strides = array<i32>} : memref<1024xi32, #tpu.memory_space<vmem>>, vector<16xi32>,
        %gt3A = vector.broadcast %squeeze3A_233 : i32 to vector<16xi32>
        %gt3A_261 = arith.cmpi sgt, %get3A_260, %gt3A : vector<16xi32>
        %get3A_262 = arith.index_cast %add3A_258 : i32 to index
        %get3A_263 = tpu.vector_load %arg4[%get3A_262] {strides = array<i32>} : memref<1024xf32, #tpu.memory_space<vmem>>, vector<16xf32>,
        %jit3A = arith.constant 0.000000e+00 : f32
        %broadcast_in_dim3A_264 = vector.broadcast %jit3A : f32 to vector<16xf32>
        %select_n3A = arith.select %gt3A_261, %get3A_263, %broadcast_in_dim3A_264 : vector<16xi1>, vector<16xf32>
        %add3A_265 = arith.addf %scan3A_255, %select_n3A : vector<16xf32>
        %mul3A_266 = arith.constant 128 : i32
        %mul3A_267 = arith.muli %scan3A_254, %mul3A_266 : i32
        %add3A_268 = arith.constant 16 : i32
        %add3A_269 = arith.addi %mul3A_267, %add3A_268 : i32
        %get3A_270 = arith.index_cast %add3A_269 : i32 to index
        %get3A_271 = tpu.vector_load %arg5[%get3A_270] {strides = array<i32>} : memref<1024xi32, #tpu.memory_space<vmem>>, vector<16xi32>,
        %gt3A_272 = vector.broadcast %squeeze3A_233 : i32 to vector<16xi32>
        %gt3A_273 = arith.cmpi sgt, %get3A_271, %gt3A_272 : vector<16xi32>
        %get3A_274 = arith.index_cast %add3A_269 : i32 to index
        %get3A_275 = tpu.vector_load %arg4[%get3A_274] {strides = array<i32>} : memref<1024xf32, #tpu.memory_space<vmem>>, vector<16xf32>,
        %jit3A_276 = arith.constant 0.000000e+00 : f32
        %broadcast_in_dim3A_277 = vector.broadcast %jit3A_276 : f32 to vector<16xf32>
        %select_n3A_278 = arith.select %gt3A_273, %get3A_275, %broadcast_in_dim3A_277 : vector<16xi1>, vector<16xf32>
        %add3A_279 = arith.addf %add3A_265, %select_n3A_278 : vector<16xf32>
        %mul3A_280 = arith.constant 128 : i32
        %mul3A_281 = arith.muli %scan3A_254, %mul3A_280 : i32
        %add3A_282 = arith.constant 32 : i32
        %add3A_283 = arith.addi %mul3A_281, %add3A_282 : i32
        %get3A_284 = arith.index_cast %add3A_283 : i32 to index
        %get3A_285 = tpu.vector_load %arg5[%get3A_284] {strides = array<i32>} : memref<1024xi32, #tpu.memory_space<vmem>>, vector<16xi32>,
        %gt3A_286 = vector.broadcast %squeeze3A_233 : i32 to vector<16xi32>
        %gt3A_287 = arith.cmpi sgt, %get3A_285, %gt3A_286 : vector<16xi32>
        %get3A_288 = arith.index_cast %add3A_283 : i32 to index
        %get3A_289 = tpu.vector_load %arg4[%get3A_288] {strides = array<i32>} : memref<1024xf32, #tpu.memory_space<vmem>>, vector<16xf32>,
        %jit3A_290 = arith.constant 0.000000e+00 : f32
        %broadcast_in_dim3A_291 = vector.broadcast %jit3A_290 : f32 to vector<16xf32>
        %select_n3A_292 = arith.select %gt3A_287, %get3A_289, %broadcast_in_dim3A_291 : vector<16xi1>, vector<16xf32>
        %add3A_293 = arith.addf %add3A_279, %select_n3A_292 : vector<16xf32>
        %mul3A_294 = arith.constant 128 : i32
        %mul3A_295 = arith.muli %scan3A_254, %mul3A_294 : i32
        %add3A_296 = arith.constant 48 : i32
        %add3A_297 = arith.addi %mul3A_295, %add3A_296 : i32
        %get3A_298 = arith.index_cast %add3A_297 : i32 to index
        %get3A_299 = tpu.vector_load %arg5[%get3A_298] {strides = array<i32>} : memref<1024xi32, #tpu.memory_space<vmem>>, vector<16xi32>,
        %gt3A_300 = vector.broadcast %squeeze3A_233 : i32 to vector<16xi32>
        %gt3A_301 = arith.cmpi sgt, %get3A_299, %gt3A_300 : vector<16xi32>
        %get3A_302 = arith.index_cast %add3A_297 : i32 to index
        %get3A_303 = tpu.vector_load %arg4[%get3A_302] {strides = array<i32>} : memref<1024xf32, #tpu.memory_space<vmem>>, vector<16xf32>,
        %jit3A_304 = arith.constant 0.000000e+00 : f32
        %broadcast_in_dim3A_305 = vector.broadcast %jit3A_304 : f32 to vector<16xf32>
        %select_n3A_306 = arith.select %gt3A_301, %get3A_303, %broadcast_in_dim3A_305 : vector<16xi1>, vector<16xf32>
        %add3A_307 = arith.addf %add3A_293, %select_n3A_306 : vector<16xf32>
        %mul3A_308 = arith.constant 128 : i32
        %mul3A_309 = arith.muli %scan3A_254, %mul3A_308 : i32
        %add3A_310 = arith.constant 64 : i32
        %add3A_311 = arith.addi %mul3A_309, %add3A_310 : i32
        %get3A_312 = arith.index_cast %add3A_311 : i32 to index
        %get3A_313 = tpu.vector_load %arg5[%get3A_312] {strides = array<i32>} : memref<1024xi32, #tpu.memory_space<vmem>>, vector<16xi32>,
        %gt3A_314 = vector.broadcast %squeeze3A_233 : i32 to vector<16xi32>
        %gt3A_315 = arith.cmpi sgt, %get3A_313, %gt3A_314 : vector<16xi32>
        %get3A_316 = arith.index_cast %add3A_311 : i32 to index
        %get3A_317 = tpu.vector_load %arg4[%get3A_316] {strides = array<i32>} : memref<1024xf32, #tpu.memory_space<vmem>>, vector<16xf32>,
        %jit3A_318 = arith.constant 0.000000e+00 : f32
        %broadcast_in_dim3A_319 = vector.broadcast %jit3A_318 : f32 to vector<16xf32>
        %select_n3A_320 = arith.select %gt3A_315, %get3A_317, %broadcast_in_dim3A_319 : vector<16xi1>, vector<16xf32>
        %add3A_321 = arith.addf %add3A_307, %select_n3A_320 : vector<16xf32>
        %mul3A_322 = arith.constant 128 : i32
        %mul3A_323 = arith.muli %scan3A_254, %mul3A_322 : i32
        %add3A_324 = arith.constant 80 : i32
        %add3A_325 = arith.addi %mul3A_323, %add3A_324 : i32
        %get3A_326 = arith.index_cast %add3A_325 : i32 to index
        %get3A_327 = tpu.vector_load %arg5[%get3A_326] {strides = array<i32>} : memref<1024xi32, #tpu.memory_space<vmem>>, vector<16xi32>,
        %gt3A_328 = vector.broadcast %squeeze3A_233 : i32 to vector<16xi32>
        %gt3A_329 = arith.cmpi sgt, %get3A_327, %gt3A_328 : vector<16xi32>
        %get3A_330 = arith.index_cast %add3A_325 : i32 to index
        %get3A_331 = tpu.vector_load %arg4[%get3A_330] {strides = array<i32>} : memref<1024xf32, #tpu.memory_space<vmem>>, vector<16xf32>,
        %jit3A_332 = arith.constant 0.000000e+00 : f32
        %broadcast_in_dim3A_333 = vector.broadcast %jit3A_332 : f32 to vector<16xf32>
        %select_n3A_334 = arith.select %gt3A_329, %get3A_331, %broadcast_in_dim3A_333 : vector<16xi1>, vector<16xf32>
        %add3A_335 = arith.addf %add3A_321, %select_n3A_334 : vector<16xf32>
        %mul3A_336 = arith.constant 128 : i32
        %mul3A_337 = arith.muli %scan3A_254, %mul3A_336 : i32
        %add3A_338 = arith.constant 96 : i32
        %add3A_339 = arith.addi %mul3A_337, %add3A_338 : i32
        %get3A_340 = arith.index_cast %add3A_339 : i32 to index
        %get3A_341 = tpu.vector_load %arg5[%get3A_340] {strides = array<i32>} : memref<1024xi32, #tpu.memory_space<vmem>>, vector<16xi32>,
        %gt3A_342 = vector.broadcast %squeeze3A_233 : i32 to vector<16xi32>
        %gt3A_343 = arith.cmpi sgt, %get3A_341, %gt3A_342 : vector<16xi32>
        %get3A_344 = arith.index_cast %add3A_339 : i32 to index
        %get3A_345 = tpu.vector_load %arg4[%get3A_344] {strides = array<i32>} : memref<1024xf32, #tpu.memory_space<vmem>>, vector<16xf32>,
        %jit3A_346 = arith.constant 0.000000e+00 : f32
        %broadcast_in_dim3A_347 = vector.broadcast %jit3A_346 : f32 to vector<16xf32>
        %select_n3A_348 = arith.select %gt3A_343, %get3A_345, %broadcast_in_dim3A_347 : vector<16xi1>, vector<16xf32>
        %add3A_349 = arith.addf %add3A_335, %select_n3A_348 : vector<16xf32>
        %mul3A_350 = arith.constant 128 : i32
        %mul3A_351 = arith.muli %scan3A_254, %mul3A_350 : i32
        %add3A_352 = arith.constant 112 : i32
        %add3A_353 = arith.addi %mul3A_351, %add3A_352 : i32
        %get3A_354 = arith.index_cast %add3A_353 : i32 to index
        %get3A_355 = tpu.vector_load %arg5[%get3A_354] {strides = array<i32>} : memref<1024xi32, #tpu.memory_space<vmem>>, vector<16xi32>,
        %gt3A_356 = vector.broadcast %squeeze3A_233 : i32 to vector<16xi32>
        %gt3A_357 = arith.cmpi sgt, %get3A_355, %gt3A_356 : vector<16xi32>
        %get3A_358 = arith.index_cast %add3A_353 : i32 to index
        %get3A_359 = tpu.vector_load %arg4[%get3A_358] {strides = array<i32>} : memref<1024xf32, #tpu.memory_space<vmem>>, vector<16xf32>,
        %jit3A_360 = arith.constant 0.000000e+00 : f32
        %broadcast_in_dim3A_361 = vector.broadcast %jit3A_360 : f32 to vector<16xf32>
        %select_n3A_362 = arith.select %gt3A_357, %get3A_359, %broadcast_in_dim3A_361 : vector<16xi1>, vector<16xf32>
        %add3A_363 = arith.addf %add3A_349, %select_n3A_362 : vector<16xf32>
        scf.yield %add3A_363 : vector<16xf32>
      }
      %scan3A_243 = arith.constant 8 : i32
      %swap3A_244 = arith.constant 0 : index
      %swap3A_245 = tpu.vector_load %arg9[%swap3A_244] {strides = array<i32>} : memref<16xf32, #tpu.memory_space<vmem>>, vector<16xf32>,
      tpu.vector_store %arg9[%swap3A_244], %scan3A_242 {strides = array<i32>} : memref<16xf32, #tpu.memory_space<vmem>>, vector<16xf32>,
      %mul3A_246 = arith.constant 16 : i32
      %mul3A_247 = arith.muli %arg1, %mul3A_246 : i32
      "tpu.region"() ({
        %run_scoped3A_254 = tpu.sem_alloc : memref<!tpu.dma_semaphore, #tpu.memory_space<semaphore_mem>>
        %dma_start3A = tpu.memref_slice %arg14[%mul3A_247] : memref<256xf32, #tpu.memory_space<vmem_shared>> -> memref<16xf32, #tpu.memory_space<vmem_shared>>
        %dma_start3A_255 = tpu.memref_slice %arg14[%mul3A_247] : memref<256xf32, #tpu.memory_space<vmem_shared>> -> memref<16xf32, #tpu.memory_space<vmem_shared>>
        tpu.enqueue_dma source(%arg9 : memref<16xf32, #tpu.memory_space<vmem>>) target(%dma_start3A_255 : memref<16xf32, #tpu.memory_space<vmem_shared>>) target_semaphore(%run_scoped3A_254 : memref<!tpu.dma_semaphore, #tpu.memory_space<semaphore_mem>>)
        %dma_wait3A = tpu.memref_slice %arg14[%mul3A_247] : memref<256xf32, #tpu.memory_space<vmem_shared>> -> memref<16xf32, #tpu.memory_space<vmem_shared>>
        %dma_wait3A_256 = tpu.memref_slice %arg14[%mul3A_247] : memref<256xf32, #tpu.memory_space<vmem_shared>> -> memref<16xf32, #tpu.memory_space<vmem_shared>>
        tpu.wait_dma2 semaphore(%run_scoped3A_254 : memref<!tpu.dma_semaphore, #tpu.memory_space<semaphore_mem>>) src(%arg9 : memref<16xf32, #tpu.memory_space<vmem>>) dst(%dma_wait3A_256 : memref<16xf32, #tpu.memory_space<vmem_shared>>)
        tpu.yield
      }) : () -> ()
      %barrier3A_248 = arith.constant 0 : index
      tpu.barrier barrier_id(%barrier3A_248)
      %eq3A_249 = arith.constant 0 : i32
      %eq3A_250 = arith.cmpi eq, %arg1, %eq3A_249 : i32
      %convert_element_type3A_251 = arith.extui %eq3A_250 : i1 to i32
      %cond3A_252 = arith.constant 0 : i32
      %cond3A_253 = arith.cmpi ne, %convert_element_type3A_251, %cond3A_252 : i32
      scf.if %cond3A_253 {
        "tpu.region"() ({
          %run_scoped3A_273 = tpu.sem_alloc : memref<!tpu.dma_semaphore, #tpu.memory_space<semaphore_mem>>
          tpu.enqueue_dma source(%arg14 : memref<256xf32, #tpu.memory_space<vmem_shared>>) target(%arg10 : memref<256xf32, #tpu.memory_space<vmem>>) target_semaphore(%run_scoped3A_273 : memref<!tpu.dma_semaphore, #tpu.memory_space<semaphore_mem>>)
          tpu.wait_dma2 semaphore(%run_scoped3A_273 : memref<!tpu.dma_semaphore, #tpu.memory_space<semaphore_mem>>) src(%arg14 : memref<256xf32, #tpu.memory_space<vmem_shared>>) dst(%arg10 : memref<256xf32, #tpu.memory_space<vmem>>)
          tpu.yield
        }) : () -> ()
        %scan3A_254 = arith.constant 0 : i32
        %scan3A_255 = arith.constant 16 : i32
        %scan3A_256 = arith.addi %scan3A_254, %scan3A_255 : i32
        %scan3A_257 = arith.constant 1 : i32
        %scan3A_258 = scf.for %scan3A_273 = %scan3A_254 to %scan3A_256 step %scan3A_257 iter_args(%scan3A_274 = %broadcast_in_dim3A_237) -> (vector<16xf32>)  : i32 {
          %mul3A_275 = arith.constant 16 : i32
          %mul3A_276 = arith.muli %scan3A_273, %mul3A_275 : i32
          %get3A_277 = arith.index_cast %mul3A_276 : i32 to index
          %get3A_278 = tpu.vector_load %arg10[%get3A_277] {strides = array<i32>} : memref<256xf32, #tpu.memory_space<vmem>>, vector<16xf32>,
          %add3A_279 = arith.addf %scan3A_274, %get3A_278 : vector<16xf32>
          scf.yield %add3A_279 : vector<16xf32>
        }
        %scan3A_259 = arith.constant 16 : i32
        %reduce_sum3A = arith.constant true
        %reduce_sum3A_260 = vector.broadcast %reduce_sum3A : i1 to vector<16xi1>
        %reduce_sum3A_261 = tpu.scan <sum>, %scan3A_258 masked %reduce_sum3A_260 : vector<16xf32>, vector<16xi1> -> vector<16xf32>
        %reduce_sum3A_262 = vector.extract %reduce_sum3A_261[15] : f32 from vector<16xf32>
        %broadcast_in_dim3A_263 = vector.broadcast %squeeze3A_233 : i32 to vector<16xi32>
        %bitcast_convert_type3A = tpu.bitcast %broadcast_in_dim3A_263 : vector<16xi32> -> vector<16xf32>
        %broadcast_in_dim3A_264 = vector.broadcast %squeeze3A_235 : i32 to vector<16xi32>
        %convert_element_type3A_265 = arith.sitofp %broadcast_in_dim3A_264 : vector<16xi32> to vector<16xf32>
        %mul3A_266 = arith.mulf %convert_element_type3A_265, %bitcast_convert_type3A : vector<16xf32>
        %add3A = vector.broadcast %reduce_sum3A_262 : f32 to vector<16xf32>
        %add3A_267 = arith.addf %add3A, %mul3A_266 : vector<16xf32>
        %mul3A_268 = arith.constant 8.71991651E-5 : f32
        %mul3A_269 = vector.broadcast %mul3A_268 : f32 to vector<16xf32>
        %mul3A_270 = arith.mulf %add3A_267, %mul3A_269 : vector<16xf32>
        %swap3A_271 = arith.constant 0 : index
        %swap3A_272 = tpu.vector_load %arg11[%swap3A_271] {strides = array<i32>} : memref<16xf32, #tpu.memory_space<vmem>>, vector<16xf32>,
        tpu.vector_store %arg11[%swap3A_271], %mul3A_270 {strides = array<i32>} : memref<16xf32, #tpu.memory_space<vmem>>, vector<16xf32>,
        "tpu.region"() ({
          %run_scoped3A_273 = tpu.sem_alloc : memref<!tpu.dma_semaphore, #tpu.memory_space<semaphore_mem>>
          tpu.enqueue_dma source(%arg11 : memref<16xf32, #tpu.memory_space<vmem>>) target(%arg3 : memref<16xf32, #tpu.memory_space<hbm>>) target_semaphore(%run_scoped3A_273 : memref<!tpu.dma_semaphore, #tpu.memory_space<semaphore_mem>>)
          tpu.wait_dma2 semaphore(%run_scoped3A_273 : memref<!tpu.dma_semaphore, #tpu.memory_space<semaphore_mem>>) src(%arg11 : memref<16xf32, #tpu.memory_space<vmem>>) dst(%arg3 : memref<16xf32, #tpu.memory_space<hbm>>)
          tpu.yield
        }) : () -> ()
      } else {
      }
    } else {
    }
    return
  }
}

module attributes {stable_mosaic.version = 14 : i64} {
  func.func @_focal_stage(%arg0: i32, %arg1: memref<2048x1000xf32, #tpu.memory_space<vmem>>, %arg2: memref<2048xi32, #tpu.memory_space<vmem>>, %arg3: memref<2048xf32, #tpu.memory_space<vmem>>) attributes {dimension_semantics = [#tpu.dimension_semantics<arbitrary>], iteration_bounds = array<i64: 8>, scalar_prefetch = 0 : i64, scratch_operands = 0 : i64, tpu.core_type = #tpu.core_type<tc>, window_params = [{transform_indices = @transform_0, window_bounds = array<i64: 2048, 1000>}, {transform_indices = @transform_1, window_bounds = array<i64: 2048>}, {transform_indices = @transform_2, window_bounds = array<i64: 2048>}]} {
    %get3A = arith.constant 0 : index
    %get3A_0 = arith.constant 0 : index
    %get3A_1 = vector.load %arg1[%get3A, %get3A_0] : memref<2048x1000xf32, #tpu.memory_space<vmem>>, vector<2048x1000xf32>
    %get3A_2 = arith.constant 0 : index
    %get3A_3 = vector.load %arg2[%get3A_2] : memref<2048xi32, #tpu.memory_space<vmem>>, vector<2048xi32>
    %reshape3A = vector.shape_cast %get3A_3 : vector<2048xi32> to vector<2048x1xi32>
    %exp3A = math.exp %get3A_1 : vector<2048x1000xf32>
    %reduce_sum3A = arith.constant dense<0.000000e+00> : vector<2048xf32>
    %reduce_sum3A_4 = vector.multi_reduction <add>, %exp3A, %reduce_sum3A [1] : vector<2048x1000xf32> to vector<2048xf32>
    %broadcast_in_dim3A = vector.shape_cast %reduce_sum3A_4 : vector<2048xf32> to vector<2048x1xf32>
    %log3A = math.log %broadcast_in_dim3A : vector<2048x1xf32>
    %iota3A = tpu.iota {dimensions = array<i32: 1>} : vector<2048x1000xi32>
    %eq3A = vector.broadcast %reshape3A : vector<2048x1xi32> to vector<2048x1000xi32>
    %eq3A_5 = arith.cmpi eq, %iota3A, %eq3A : vector<2048x1000xi32>
    %jit3A = arith.constant 0.000000e+00 : f32
    %broadcast_in_dim3A_6 = vector.broadcast %jit3A : f32 to vector<2048x1000xf32>
    %select_n3A = arith.select %eq3A_5, %get3A_1, %broadcast_in_dim3A_6 : vector<2048x1000xi1>, vector<2048x1000xf32>
    %reduce_sum3A_7 = arith.constant dense<0.000000e+00> : vector<2048xf32>
    %reduce_sum3A_8 = vector.multi_reduction <add>, %select_n3A, %reduce_sum3A_7 [1] : vector<2048x1000xf32> to vector<2048xf32>
    %broadcast_in_dim3A_9 = vector.shape_cast %reduce_sum3A_8 : vector<2048xf32> to vector<2048x1xf32>
    %sub3A = arith.subf %log3A, %broadcast_in_dim3A_9 : vector<2048x1xf32>
    %squeeze3A = vector.shape_cast %sub3A : vector<2048x1xf32> to vector<2048xf32>
    %neg3A = arith.constant 0.000000e+00 : f32
    %neg3A_10 = vector.broadcast %neg3A : f32 to vector<2048xf32>
    %neg3A_11 = arith.subf %neg3A_10, %squeeze3A : vector<2048xf32>
    %exp3A_12 = math.exp %neg3A_11 : vector<2048xf32>
    %sub3A_13 = arith.constant 1.000000e+00 : f32
    %sub3A_14 = vector.broadcast %sub3A_13 : f32 to vector<2048xf32>
    %sub3A_15 = arith.subf %sub3A_14, %exp3A_12 : vector<2048xf32>
    %pow3A = arith.constant 2.000000e+00 : f32
    %pow3A_16 = vector.broadcast %pow3A : f32 to vector<2048xf32>
    %pow3A_17 = math.powf %sub3A_15, %pow3A_16 : vector<2048xf32>
    %mul3A = arith.constant 1.000000e+00 : f32
    %mul3A_18 = vector.broadcast %mul3A : f32 to vector<2048xf32>
    %mul3A_19 = arith.mulf %mul3A_18, %pow3A_17 : vector<2048xf32>
    %mul3A_20 = arith.mulf %mul3A_19, %squeeze3A : vector<2048xf32>
    %max3A = arith.constant 0.000000e+00 : f32
    %max3A_21 = vector.broadcast %max3A : f32 to vector<2048xf32>
    %max3A_22 = arith.maximumf %mul3A_20, %max3A_21 : vector<2048xf32>
    %swap3A = arith.constant 0 : index
    %swap3A_23 = vector.load %arg3[%swap3A] : memref<2048xf32, #tpu.memory_space<vmem>>, vector<2048xf32>
    tpu.vector_store %arg3[%swap3A], %max3A_22 {strides = array<i32>} : memref<2048xf32, #tpu.memory_space<vmem>>, vector<2048xf32>,
    return
  }
  func.func @transform_0(%arg0: i32) -> (i32, i32) {
    %c0_i32 = arith.constant 0 : i32
    %c0_i32_0 = arith.constant 0 : i32
    return %arg0, %c0_i32 : i32, i32
  }
  func.func @transform_1(%arg0: i32) -> i32 {
    %c0_i32 = arith.constant 0 : i32
    return %arg0 : i32
  }
  func.func @transform_2(%arg0: i32) -> i32 {
    %c0_i32 = arith.constant 0 : i32
    return %arg0 : i32
  }
}

</mosaic_0001>

<sc_bundles>
// kernel: kernel.4.cloned.1.call-start
scs
__scs_entry_jumppad:
0x0: {  	(pc) =	sbr.rel $0x88, $3  }
0x1: {  	(tag) =	ssettag $0x0;
	lr =	simm.s32 $0x1  }
0x2: {  	[smem:$0x3F9F] =	sst lr;
	_ =	strace $0xD0000000  }
0x3: {  	_ = 	snop  }
0x4: {  	_ = 	snop  }
0x5: {  	_ = 	snop  }
0x6: {  	_ = 	snop  }
0x7: {  	_ = 	snop  }
__scs_overlays_trampoline_lowered:
0x8: {  	[smem:$0x3FAE] =	sst s0  }
0x9: {  	[smem:$0x3FAF] =	sst s1  }
0xa: {  	[smem:$0x3FB0] =	sst s2  }
0xb: {  	[smem:$0x3FB1] =	sst s3  }
0xc: {  	[smem:$0x3FB2] =	sst s4  }
0xd: {  	[smem:$0x3FB3] =	sst s5  }
0xe: {  	[smem:$0x3FB4] =	sst s6  }
0xf: {  	[smem:$0x3FB5] =	sst s7  }
0x10: {  	[smem:$0x3FB6] =	sst s8  }
0x11: {  	[smem:$0x3FB7] =	sst s9;
	s0 =	simm.s32 @!p0 $0x0  }
0x12: {  	s1 =	sld [smem:$0x3F9D];
	s0 =	simm.s32 @p0 $0x1  }
0x13: {  	[smem:$0x3FB8] =	sst s0;
	s0 =	simm.s32 @!p1 $0x0  }
0x14: {  	s2 =	sld [smem:$0x3F9C];
	s0 =	simm.s32 @p1 $0x1  }
0x15: {  	[smem:$0x3FB9] =	sst s0;
	s0 =	simm.s32 @!p2 $0x0  }
0x16: {  	s3 =	sld [smem:$0x3FDB];
	s0 =	simm.s32 @p2 $0x1  }
0x17: {  	s4 =	simm.s32 $0x1BF5;
	[smem:$0x3FBB] =	sst s0  }
0x18: {  	s0 =	sld [smem:$0x3F9E];
	_ =	swait.ge [sflag:s4], $0x0  }
0x19: {  	s7 =	sld [smem:$0x3F9F]  }
0x1a: {  	s8 =	sadd.s32 $0xFFFFE003, lr  }
0x1b: {  	s9 =	sadd.s32 $0xFFFFFEF7, lr;
	s5 =	simm.s32 $0xFFFFFFFF;
	p2 =	slt.u32 s8, $0xFFFFF086  }
0x1c: {  	p1 =	slt.u32 s9, $0xF7A;
	s5 =	simm.s32 @!p2 $0x0  }
0x1d: {  	s5 =	simm.s32 @p1 $0x1;
	p0 =	seq.s32 s7, s2  }
0x1e: {  	s7 =	smul.u32 @!p0 $0xF7A, s2;
	p2 =	seq.s32 @!p0 s5, $0x0  }
0x1f: {  	s9 =	smul.u32 $0xF7A, s1;
	s8 =	simm.s32 @!p0 $0x1BF5;
	p2 =	por !p2, p0  }
0x20: {  	[sflag:s8] =	ssyncset.s32 @!p0 $0xFFFFF086;
	s6 =	sadd.s32 @!p0 s3, s7;
	s7 =	simm.s32 @!p0 $0x108  }
0x21: {  	s3 =	sadd.s32 s3, s9;
	s6 =	sadd.s32 @!p0 $0x88, s6;
	s7 =	simm.s32 @p2 $0x1082  }
0x22: {  	[simem:s7], [sflag:s8] =	dma.local @!p0 [hbm:s6], $0xF7A  }
0x23: {  	s9 =	sor.u32 $0xD0000000, s2;
	s6 =	simm.s32 $0x108;
	_ =	swait.ge @!p0 [sflag:s8], $0x0  }
0x24: {  	s3 =	sadd.s32 $0x88, s3;
	s6 =	simm.s32 @!p1 $0x1082;
	[sflag:s4] =	ssyncset.s32 $0xFFFFF086  }
0x25: {  	[simem:s6], [sflag:s4] =	dma.local [hbm:s3], $0xF7A  }
0x26: {  	[smem:$0x3F9F] =	sst s1;
	(tag) =	ssettag s2;
	_ =	strace s9  }
0x27: {  	s1 =	sld [smem:$0x3FAF]  }
0x28: {  	s2 =	sld [smem:$0x3FB0]  }
0x29: {  	s4 =	sld [smem:$0x3FB2]  }
0x2a: {  	p0 =	seq.s32 s5, $0x0;
	s5 =	sld [smem:$0x3FB3]  }
0x2b: {  	s6 =	sld [smem:$0x3FB4]  }
0x2c: {  	s7 =	sld [smem:$0x3FB5]  }
0x2d: {  	s3 =	simm.s32 $0x108;
	s8 =	sld [smem:$0x3FB6]  }
0x2e: {  	s3 =	simm.s32 @!p0 $0x1082;
	s9 =	sld [smem:$0x3FB7]  }
0x2f: {  	lr =	sadd.s32 s0, s3;
	s0 =	sld [smem:$0x3FAE]  }
0x30: {  	s3 =	sld [smem:$0x3FB1]  }
0x31: {  	[smem:$0x3FBA] =	sst s10  }
0x32: {  	s10 =	sld [smem:$0x3FB8];
	_ =	sdelay $0x3  }
0x33: {  	p0 =	seq.s32 s10, $0x1;
	s10 =	sld [smem:$0x3FBA];
	_ =	sdelay $0x3  }
0x34: {  	[smem:$0x3FBA] =	sst s10  }
0x35: {  	s10 =	sld [smem:$0x3FB9];
	_ =	sdelay $0x3  }
0x36: {  	p1 =	seq.s32 s10, $0x1;
	s10 =	sld [smem:$0x3FBA];
	_ =	sdelay $0x3  }
0x37: {  	[smem:$0x3FBA] =	sst s10  }
0x38: {  	s10 =	sld [smem:$0x3FBB]  }
0x39: {  	_ = 	snop;
	(pc) =	sbr.ind lr, $3  }
0x3a: {  	_ = 	snop  }
0x3b: {  	_ = 	snop  }
0x3c: {  	p2 =	seq.s32 s10, $0x1;
	s10 =	sld [smem:$0x3FBA]  }
0x3d: {  	_ =	shalt  }
0x3e: {  	_ =	shalt  }
0x3f: {  	_ =	shalt  }
0x40: {  	_ =	shalt  }
0x41: {  	_ =	shalt  }
0x42: {  	_ =	shalt  }
0x43: {  	_ =	shalt  }
0x44: {  	_ =	shalt  }
0x45: {  	_ =	shalt  }
0x46: {  	_ =	shalt  }
0x47: {  	_ =	shalt  }
0x48: {  	_ =	shalt  }
0x49: {  	_ =	shalt  }
0x4a: {  	_ =	shalt  }
0x4b: {  	_ =	shalt  }
0x4c: {  	_ =	shalt  }
0x4d: {  	_ =	shalt  }
0x4e: {  	_ =	shalt  }
0x4f: {  	_ =	shalt  }
0x50: {  	_ =	shalt  }
0x51: {  	_ =	shalt  }
0x52: {  	_ =	shalt  }
0x53: {  	_ =	shalt  }
0x54: {  	_ =	shalt  }
0x55: {  	_ =	shalt  }
0x56: {  	_ =	shalt  }
0x57: {  	_ =	shalt  }
0x58: {  	_ =	shalt  }
0x59: {  	_ =	shalt  }
0x5a: {  	_ =	shalt  }
0x5b: {  	_ =	shalt  }
0x5c: {  	_ =	shalt  }
0x5d: {  	_ =	shalt  }
0x5e: {  	_ =	shalt  }
0x5f: {  	_ =	shalt  }
0x60: {  	_ =	shalt  }
0x61: {  	_ =	shalt  }
0x62: {  	_ =	shalt  }
0x63: {  	_ =	shalt  }
0x64: {  	_ =	shalt  }
0x65: {  	_ =	shalt  }
0x66: {  	_ =	shalt  }
0x67: {  	_ =	shalt  }
0x68: {  	_ =	shalt  }
0x69: {  	_ =	shalt  }
0x6a: {  	_ =	shalt  }
0x6b: {  	_ =	shalt  }
0x6c: {  	_ =	shalt  }
0x6d: {  	_ =	shalt  }
0x6e: {  	_ =	shalt  }
0x6f: {  	_ =	shalt  }
0x70: {  	_ =	shalt  }
0x71: {  	_ =	shalt  }
0x72: {  	_ =	shalt  }
0x73: {  	_ =	shalt  }
0x74: {  	_ =	shalt  }
0x75: {  	_ =	shalt  }
0x76: {  	_ =	shalt  }
0x77: {  	_ =	shalt  }
0x78: {  	_ =	shalt  }
0x79: {  	_ =	shalt  }
0x7a: {  	_ =	shalt  }
0x7b: {  	_ =	shalt  }
0x7c: {  	_ =	shalt  }
0x7d: {  	_ =	shalt  }
0x7e: {  	_ =	shalt  }
0x7f: {  	_ =	shalt  }
0x80: {  	_ =	shalt  }
0x81: {  	_ =	shalt  }
0x82: {  	_ =	shalt  }
0x83: {  	_ =	shalt  }
0x84: {  	_ =	shalt  }
0x85: {  	_ =	shalt  }
0x86: {  	_ =	shalt  }
0x87: {  	_ =	shalt  }
.Lfunc_end0:
.L_simem_size_0:
called_computation_lowered:
.L_overlay_start_0:
0x88: {  	s2 =	sld [smem:$0x3FD9]  }
0x89: {  	s3 =	sld [smem:$0x3FFE];
	_ =	sdelay $0x1  }
0x8a: {  	s1 =	srdreg.scid  }
0x8b: {  	s0 =	sand.u32 $0x1, s1  }
0x8c: {  	s17 =	sshll.u32 s0, $0xA;
	s2 =	sadd.s32 s3, s2  }
0x8d: {  	s2 =	sadd.s32 s2, s17  }
0x8e: {  	[smem:$0x3FC6] =	sst s2  }
0x8f: {  	_ = 	snop  }
0x90: {  	s2 =	sld [smem:$0x3FD0];
	(tm) =	ssettm $0x1  }
0x91: {  	s18 =	sld [smem:$0x3FFB];
	_ =	sdelay $0x3  }
0x92: {  	_ =	strace s18  }
0x93: {  	s3 =	sld [smem:$0x3FFC];
	_ =	sdelay $0x3  }
0x94: {  	_ =	strace s3  }
0x95: {  	s3 =	sld [smem:$0x3FFD];
	_ =	sdelay $0x3  }
0x96: {  	_ =	strace s3  }
0x97: {  	_ =	strace $0x8FFFFFFF  }
0x98: {  	s19 =	sld [smem:$0x3FDB];
	_ =	sdelay $0x1  }
0x99: {  	s4 =	simm.s32 $_scs_section_size  }
0x9a: {  	s5 =	simm.s32 $_size__tile_overlayer_lowered;
	s6 =	simm.s32 $_tile_overlayer_lowered  }
0x9b: {  	s22 =	simm.s32 $0x1BFF;
	s21 =	sshll.u32 s6, $0x1;
	s3 =	sadd.s32 s4, s19  }
0x9c: {  	s7 =	simm.s32 $0x0;
	s20 =	sshll.u32 s5, $0x1;
	s5 =	sadd.s32 s21, s3  }
0x9d: {  	[timem:s7], [sflag:s22] =	dma.local [hbm:s5], s20  }
0x9e: {  	_ =	swait.ge [sflag:s22], s20  }
0x9f: {  	s4 =	ssub.s32 $0x0, s20;
	[sflag:s22] =	ssyncset.done $0x0  }
0xa0: {  	[sflag:s22] =	ssyncadd.s32 s4;
	_ =	sdelay $0x1  }
0xa1: {  	s23 =	simm.s32 $0x1B8B  }
0xa2: {  	_ =	swait.ge [sflag:s23], $0x1  }
0xa3: {  	[sflag:s23] =	ssyncset.done $0x0  }
0xa4: {  	s25 =	simm.s32 $0x1B8E;
	s24 =	sld [smem:$0x3FFE];
	[sflag:s23] =	ssyncadd.s32 $0xFFFFFFFF  }
0xa5: {  	s26 =	simm.s32 $execute0_lowered;
	[smem:$0x3FD2] =	sst s25  }
0xa6: {  	s5 =	sshll.u32 s26, $0x1;
	_ =	strace $0x80000046;
	[dreg:$0x1] =	wrdreg $0xFFFFFFFF  }
0xa7: {  	s28 =	simm.s32 $_size_execute0_lowered;
	s3 =	sadd.s32 s3, s5;
	[dreg:$0x0] =	wrdreg $0x0  }
0xa8: {  	s5 =	sshll.u32 s28, $0x1;
	[dreg:$0x2] =	wrdreg s3  }
0xa9: {  	[dreg:$0x3] =	wrdreg s5  }
0xaa: {  	[dreg:$0x4] =	wrdreg $0xC0  }
0xab: {  	_ =	task [dreg:s7], $0x5FFFF  }
0xac: {  	[dreg:$0x1] =	wrdreg $0xFFFFFFFF  }
0xad: {  	[dreg:$0x0] =	wrdreg $0x60  }
0xae: {  	[dreg:$0x2] =	wrdreg s24  }
0xaf: {  	[dreg:$0x3] =	wrdreg s2  }
0xb0: {  	[dreg:$0x4] =	wrdreg $0x21100  }
0xb1: {  	[dreg:$0x5] =	wrdreg $0x1D000  }
0xb2: {  	[dreg:$0x6] =	wrdreg $0x21000  }
0xb3: {  	[dreg:$0x7] =	wrdreg $0x9  }
0xb4: {  	_ =	task.clear_ibuf [dreg:s7], $0x8FFFF;
	_ =	strace $0x90000046  }
0xb5: {  	s29 =	simm.s32 $0x9;
	_ =	strace $0x80000048  }
0xb6: {  	_ =	swait.ge [sflag:s29], $0x1  }
0xb7: {  	[sflag:s29] =	ssyncadd.s32 $0xFFFFFFFF  }
0xb8: {  	_ =	strace $0x90000048  }
0xb9: {  	_ =	sfence  }
0xba: {  	s30 =	sld [smem:$0x0];
	_ =	sdelay $0x2  }
0xbb: {  	s31 =	sshll.u32 s1, $0xD;
	s1 =	sshrl.u32 s1, $0x2  }
0xbc: {  	s3 =	sand.u32 $0x4000, s31;
	s1 =	sadd.s32 s1, s30  }
0xbd: {  	s0 =	sor.u32 s3, s0;
	s1 =	sshll.u32 s1, $0x11  }
0xbe: {  	s0 =	sor.u32 s1, s0  }
0xbf: {  	s0 =	sadd.s32 $0x8F2B, s0  }
0xc0: {  	[sflag:s0] =	ssyncadd.remote.s32 $0x1  }
0xc1: {  	_ =	sfence.sel $0xFFFF  }
0xc2: {  	[dreg:$0x0] =	wrdreg $0xFFFFFFFF;
	(pc) =	sbr.abs _section_cstart, $3  }
0xc3: {  	[dreg:$0x1] =	wrdreg $0xFFFFFFFF  }
0xc4: {  	_ =	task.clear_ibuf [dreg:s7], $0x2FFFF;
	_ =	strace $0x9FFFFFFF  }
0xc5: {  	(tm) =	ssettm $0x7FFFFFFF  }
tec
execute0_lowered:
.L_overlay_start_1:
0x0: {  	(tag) =	ssettag $0x1  }
0x1: {  	s7 =	srdreg.scid  }
0x2: {  	s5 =	rddreg [dreg:$0x0];
	s8 =	sand.u32 $0x1, s7  }
0x3: {  	s1 =	rddreg [dreg:$0x1];
	p1 =	seq.s32 s8, $0x1  }
.Ltmp0:
0x4: {  	s3 =	rddreg [dreg:$0x2];
	(pc) =	sbr.rel @p1 .LBB2_26-.Ltmp0, $4  }
0x5: {  	s4 =	rddreg [dreg:$0x3]  }
0x6: {  	s2 =	rddreg [dreg:$0x4];
	s6 =	simm.s32 $0x0  }
0x7: {  	[smem:$0x7FF] =	sst s6;
	s7 =	stileid.u32  }
0x8: {  	s0 =	rddreg [dreg:$0x5];
	_ =	strace $0x80000047;
	p2 =	sne.s32 s7, $0x0  }
0x9: {  	s5 =	sadd.s32 $0x800, s5;
	s8 =	sshll.u32 s7, $0x7  }
0xa: {  	s5 =	sadd.s32 s5, s8  }
0xb: {  	[tilespmem:s6], [sflag:$0x1] =	stream.linear.gather [hbm4b:s5+s6], $0x400, $0x38;
	[tilespmem:$0x2118] =	vst v63  }
0xc: {  	s5 =	simm.s32 $0x1  }
0xd: {  	_ =	swait.ge [sflag:s5], $0x400  }
0xe: {  	[sflag:s5] =	ssyncset.done $0x0  }
0xf: {  	v1 =	vimm.s32 $0x0;
	[sflag:s5] =	ssyncadd.s32 $0xFFFFFC00  }
0x10: {  	[tilespmem:$0x800] =	vst v1  }
0x11: {  	[tilespmem:$0x810] =	vst v1  }
0x12: {  	[tilespmem:$0x820] =	vst v1  }
0x13: {  	[tilespmem:$0x830] =	vst v1  }
0x14: {  	[tilespmem:$0x840] =	vst v1  }
0x15: {  	[tilespmem:$0x850] =	vst v1  }
0x16: {  	[tilespmem:$0x860] =	vst v1  }
0x17: {  	[tilespmem:$0x870] =	vst v1  }
0x18: {  	[tilespmem:$0x880] =	vst v1;
	v0 =	vld [tilespmem:$0x0]  }
0x19: {  	[tilespmem:$0x890] =	vst v1  }
0x1a: {  	[tilespmem:$0x8A0] =	vst v1  }
0x1b: {  	[tilespmem:$0x8B0] =	vst v1  }
0x1c: {  	[tilespmem:$0x8C0] =	vst v1  }
0x1d: {  	[tilespmem:$0x8D0] =	vst v1;
	v2 =	vshrl.u32 v0, $0x18  }
0x1e: {  	[tilespmem:$0x8E0] =	vst v1  }
0x1f: {  	[tilespmem:$0x8F0] =	vst v1  }
0x20: {  	[tilespmem:$0x900] =	vst v1  }
0x21: {  	s8 =	simm.s32 $0x800;
	[tilespmem:$0x400] =	vst v0;
	v0 =	vimm.s32 $0x1  }
0x22: {  	[tilespmem:v2+s8+$0x0] =	vst.idx.add.s32.msk $0xffff, v0  }
0x23: {  	v2 =	vld [tilespmem:$0x10];
	_ =	sdelay $0x4  }
0x24: {  	v3 =	vshrl.u32 v2, $0x18;
	_ =	sdelay $0x3  }
0x25: {  	[tilespmem:$0x410] =	vst v2  }
0x26: {  	[tilespmem:v3+s8+$0x0] =	vst.idx.add.s32.msk $0xffff, v0  }
0x27: {  	v2 =	vld [tilespmem:$0x20];
	_ =	sdelay $0x4  }
0x28: {  	v3 =	vshrl.u32 v2, $0x18;
	_ =	sdelay $0x3  }
0x29: {  	[tilespmem:$0x420] =	vst v2  }
0x2a: {  	[tilespmem:v3+s8+$0x0] =	vst.idx.add.s32.msk $0xffff, v0  }
0x2b: {  	v2 =	vld [tilespmem:$0x30];
	_ =	sdelay $0x4  }
0x2c: {  	v3 =	vshrl.u32 v2, $0x18;
	_ =	sdelay $0x3  }
0x2d: {  	[tilespmem:$0x430] =	vst v2  }
0x2e: {  	[tilespmem:v3+s8+$0x0] =	vst.idx.add.s32.msk $0xffff, v0  }
0x2f: {  	v2 =	vld [tilespmem:$0x40];
	_ =	sdelay $0x4  }
0x30: {  	v3 =	vshrl.u32 v2, $0x18;
	_ =	sdelay $0x3  }
0x31: {  	[tilespmem:$0x440] =	vst v2  }
0x32: {  	[tilespmem:v3+s8+$0x0] =	vst.idx.add.s32.msk $0xffff, v0  }
0x33: {  	v2 =	vld [tilespmem:$0x50];
	_ =	sdelay $0x4  }
0x34: {  	v3 =	vshrl.u32 v2, $0x18;
	_ =	sdelay $0x3  }
0x35: {  	[tilespmem:$0x450] =	vst v2  }
0x36: {  	[tilespmem:v3+s8+$0x0] =	vst.idx.add.s32.msk $0xffff, v0  }
0x37: {  	v2 =	vld [tilespmem:$0x60];
	_ =	sdelay $0x4  }
0x38: {  	v3 =	vshrl.u32 v2, $0x18;
	_ =	sdelay $0x3  }
0x39: {  	[tilespmem:$0x460] =	vst v2  }
0x3a: {  	[tilespmem:v3+s8+$0x0] =	vst.idx.add.s32.msk $0xffff, v0  }
0x3b: {  	v2 =	vld [tilespmem:$0x70];
	_ =	sdelay $0x4  }
0x3c: {  	v3 =	vshrl.u32 v2, $0x18;
	_ =	sdelay $0x3  }
0x3d: {  	[tilespmem:$0x470] =	vst v2  }
0x3e: {  	[tilespmem:v3+s8+$0x0] =	vst.idx.add.s32.msk $0xffff, v0  }
0x3f: {  	v2 =	vld [tilespmem:$0x80];
	_ =	sdelay $0x4  }
0x40: {  	v3 =	vshrl.u32 v2, $0x18;
	_ =	sdelay $0x3  }
0x41: {  	[tilespmem:$0x480] =	vst v2  }
0x42: {  	[tilespmem:v3+s8+$0x0] =	vst.idx.add.s32.msk $0xffff, v0  }
0x43: {  	v2 =	vld [tilespmem:$0x90];
	_ =	sdelay $0x4  }
0x44: {  	v3 =	vshrl.u32 v2, $0x18;
	_ =	sdelay $0x3  }
0x45: {  	[tilespmem:$0x490] =	vst v2  }
0x46: {  	[tilespmem:v3+s8+$0x0] =	vst.idx.add.s32.msk $0xffff, v0  }
0x47: {  	v2 =	vld [tilespmem:$0xA0];
	_ =	sdelay $0x4  }
0x48: {  	v3 =	vshrl.u32 v2, $0x18;
	_ =	sdelay $0x3  }
0x49: {  	[tilespmem:$0x4A0] =	vst v2  }
0x4a: {  	[tilespmem:v3+s8+$0x0] =	vst.idx.add.s32.msk $0xffff, v0  }
0x4b: {  	v2 =	vld [tilespmem:$0xB0];
	_ =	sdelay $0x4  }
0x4c: {  	v3 =	vshrl.u32 v2, $0x18;
	_ =	sdelay $0x3  }
0x4d: {  	[tilespmem:$0x4B0] =	vst v2  }
0x4e: {  	[tilespmem:v3+s8+$0x0] =	vst.idx.add.s32.msk $0xffff, v0  }
0x4f: {  	v2 =	vld [tilespmem:$0xC0];
	_ =	sdelay $0x4  }
0x50: {  	v3 =	vshrl.u32 v2, $0x18;
	_ =	sdelay $0x3  }
0x51: {  	[tilespmem:$0x4C0] =	vst v2  }
0x52: {  	[tilespmem:v3+s8+$0x0] =	vst.idx.add.s32.msk $0xffff, v0  }
0x53: {  	v2 =	vld [tilespmem:$0xD0];
	_ =	sdelay $0x4  }
0x54: {  	v3 =	vshrl.u32 v2, $0x18;
	_ =	sdelay $0x3  }
0x55: {  	[tilespmem:$0x4D0] =	vst v2  }
0x56: {  	[tilespmem:v3+s8+$0x0] =	vst.idx.add.s32.msk $0xffff, v0  }
0x57: {  	v2 =	vld [tilespmem:$0xE0];
	_ =	sdelay $0x4  }
0x58: {  	v3 =	vshrl.u32 v2, $0x18;
	_ =	sdelay $0x3  }
0x59: {  	[tilespmem:$0x4E0] =	vst v2  }
0x5a: {  	[tilespmem:v3+s8+$0x0] =	vst.idx.add.s32.msk $0xffff, v0  }
0x5b: {  	v2 =	vld [tilespmem:$0xF0];
	_ =	sdelay $0x4  }
0x5c: {  	v3 =	vshrl.u32 v2, $0x18;
	_ =	sdelay $0x3  }
0x5d: {  	[tilespmem:$0x4F0] =	vst v2  }
0x5e: {  	[tilespmem:v3+s8+$0x0] =	vst.idx.add.s32.msk $0xffff, v0  }
0x5f: {  	v2 =	vld [tilespmem:$0x100];
	_ =	sdelay $0x4  }
0x60: {  	v3 =	vshrl.u32 v2, $0x18;
	_ =	sdelay $0x3  }
0x61: {  	[tilespmem:$0x500] =	vst v2  }
0x62: {  	[tilespmem:v3+s8+$0x0] =	vst.idx.add.s32.msk $0xffff, v0  }
0x63: {  	v2 =	vld [tilespmem:$0x110];
	_ =	sdelay $0x4  }
0x64: {  	v3 =	vshrl.u32 v2, $0x18;
	_ =	sdelay $0x3  }
0x65: {  	[tilespmem:$0x510] =	vst v2  }
0x66: {  	[tilespmem:v3+s8+$0x0] =	vst.idx.add.s32.msk $0xffff, v0  }
0x67: {  	v2 =	vld [tilespmem:$0x120];
	_ =	sdelay $0x4  }
0x68: {  	v3 =	vshrl.u32 v2, $0x18;
	_ =	sdelay $0x3  }
0x69: {  	[tilespmem:$0x520] =	vst v2  }
0x6a: {  	[tilespmem:v3+s8+$0x0] =	vst.idx.add.s32.msk $0xffff, v0  }
0x6b: {  	v2 =	vld [tilespmem:$0x130];
	_ =	sdelay $0x4  }
0x6c: {  	v3 =	vshrl.u32 v2, $0x18;
	_ =	sdelay $0x3  }
0x6d: {  	[tilespmem:$0x530] =	vst v2  }
0x6e: {  	[tilespmem:v3+s8+$0x0] =	vst.idx.add.s32.msk $0xffff, v0  }
0x6f: {  	v2 =	vld [tilespmem:$0x140];
	_ =	sdelay $0x4  }
0x70: {  	v3 =	vshrl.u32 v2, $0x18;
	_ =	sdelay $0x3  }
0x71: {  	[tilespmem:$0x540] =	vst v2  }
0x72: {  	[tilespmem:v3+s8+$0x0] =	vst.idx.add.s32.msk $0xffff, v0  }
0x73: {  	v2 =	vld [tilespmem:$0x150];
	_ =	sdelay $0x4  }
0x74: {  	v3 =	vshrl.u32 v2, $0x18;
	_ =	sdelay $0x3  }
0x75: {  	[tilespmem:$0x550] =	vst v2  }
0x76: {  	[tilespmem:v3+s8+$0x0] =	vst.idx.add.s32.msk $0xffff, v0  }
0x77: {  	v2 =	vld [tilespmem:$0x160];
	_ =	sdelay $0x4  }
0x78: {  	v3 =	vshrl.u32 v2, $0x18;
	_ =	sdelay $0x3  }
0x79: {  	[tilespmem:$0x560] =	vst v2  }
0x7a: {  	[tilespmem:v3+s8+$0x0] =	vst.idx.add.s32.msk $0xffff, v0  }
0x7b: {  	v2 =	vld [tilespmem:$0x170];
	_ =	sdelay $0x4  }
0x7c: {  	v3 =	vshrl.u32 v2, $0x18;
	_ =	sdelay $0x3  }
0x7d: {  	[tilespmem:$0x570] =	vst v2  }
0x7e: {  	[tilespmem:v3+s8+$0x0] =	vst.idx.add.s32.msk $0xffff, v0  }
0x7f: {  	v2 =	vld [tilespmem:$0x180];
	_ =	sdelay $0x4  }
0x80: {  	v3 =	vshrl.u32 v2, $0x18;
	_ =	sdelay $0x3  }
0x81: {  	[tilespmem:$0x580] =	vst v2  }
0x82: {  	[tilespmem:v3+s8+$0x0] =	vst.idx.add.s32.msk $0xffff, v0  }
0x83: {  	v2 =	vld [tilespmem:$0x190];
	_ =	sdelay $0x4  }
0x84: {  	v3 =	vshrl.u32 v2, $0x18;
	_ =	sdelay $0x3  }
0x85: {  	[tilespmem:$0x590] =	vst v2  }
0x86: {  	[tilespmem:v3+s8+$0x0] =	vst.idx.add.s32.msk $0xffff, v0  }
0x87: {  	v2 =	vld [tilespmem:$0x1A0];
	_ =	sdelay $0x4  }
0x88: {  	v3 =	vshrl.u32 v2, $0x18;
	_ =	sdelay $0x3  }
0x89: {  	[tilespmem:$0x5A0] =	vst v2  }
0x8a: {  	[tilespmem:v3+s8+$0x0] =	vst.idx.add.s32.msk $0xffff, v0  }
0x8b: {  	v2 =	vld [tilespmem:$0x1B0];
	_ =	sdelay $0x4  }
0x8c: {  	v3 =	vshrl.u32 v2, $0x18;
	_ =	sdelay $0x3  }
0x8d: {  	[tilespmem:$0x5B0] =	vst v2  }
0x8e: {  	[tilespmem:v3+s8+$0x0] =	vst.idx.add.s32.msk $0xffff, v0  }
0x8f: {  	v2 =	vld [tilespmem:$0x1C0];
	_ =	sdelay $0x4  }
0x90: {  	v3 =	vshrl.u32 v2, $0x18;
	_ =	sdelay $0x3  }
0x91: {  	[tilespmem:$0x5C0] =	vst v2  }
0x92: {  	[tilespmem:v3+s8+$0x0] =	vst.idx.add.s32.msk $0xffff, v0  }
0x93: {  	v2 =	vld [tilespmem:$0x1D0];
	_ =	sdelay $0x4  }
0x94: {  	v3 =	vshrl.u32 v2, $0x18;
	_ =	sdelay $0x3  }
0x95: {  	[tilespmem:$0x5D0] =	vst v2  }
0x96: {  	[tilespmem:v3+s8+$0x0] =	vst.idx.add.s32.msk $0xffff, v0  }
0x97: {  	v2 =	vld [tilespmem:$0x1E0];
	_ =	sdelay $0x4  }
0x98: {  	v3 =	vshrl.u32 v2, $0x18;
	_ =	sdelay $0x3  }
0x99: {  	[tilespmem:$0x5E0] =	vst v2  }
0x9a: {  	[tilespmem:v3+s8+$0x0] =	vst.idx.add.s32.msk $0xffff, v0  }
0x9b: {  	v2 =	vld [tilespmem:$0x1F0];
	_ =	sdelay $0x4  }
0x9c: {  	v3 =	vshrl.u32 v2, $0x18;
	_ =	sdelay $0x3  }
0x9d: {  	[tilespmem:$0x5F0] =	vst v2  }
0x9e: {  	[tilespmem:v3+s8+$0x0] =	vst.idx.add.s32.msk $0xffff, v0  }
0x9f: {  	v2 =	vld [tilespmem:$0x200];
	_ =	sdelay $0x4  }
0xa0: {  	v3 =	vshrl.u32 v2, $0x18;
	_ =	sdelay $0x3  }
0xa1: {  	[tilespmem:$0x600] =	vst v2  }
0xa2: {  	[tilespmem:v3+s8+$0x0] =	vst.idx.add.s32.msk $0xffff, v0  }
0xa3: {  	v2 =	vld [tilespmem:$0x210];
	_ =	sdelay $0x4  }
0xa4: {  	v3 =	vshrl.u32 v2, $0x18;
	_ =	sdelay $0x3  }
0xa5: {  	[tilespmem:$0x610] =	vst v2  }
0xa6: {  	[tilespmem:v3+s8+$0x0] =	vst.idx.add.s32.msk $0xffff, v0  }
0xa7: {  	v2 =	vld [tilespmem:$0x220];
	_ =	sdelay $0x4  }
0xa8: {  	v3 =	vshrl.u32 v2, $0x18;
	_ =	sdelay $0x3  }
0xa9: {  	[tilespmem:$0x620] =	vst v2  }
0xaa: {  	[tilespmem:v3+s8+$0x0] =	vst.idx.add.s32.msk $0xffff, v0  }
0xab: {  	v2 =	vld [tilespmem:$0x230];
	_ =	sdelay $0x4  }
0xac: {  	v3 =	vshrl.u32 v2, $0x18;
	_ =	sdelay $0x3  }
0xad: {  	[tilespmem:$0x630] =	vst v2  }
0xae: {  	[tilespmem:v3+s8+$0x0] =	vst.idx.add.s32.msk $0xffff, v0  }
0xaf: {  	v2 =	vld [tilespmem:$0x240];
	_ =	sdelay $0x4  }
0xb0: {  	v3 =	vshrl.u32 v2, $0x18;
	_ =	sdelay $0x3  }
0xb1: {  	[tilespmem:$0x640] =	vst v2  }
0xb2: {  	[tilespmem:v3+s8+$0x0] =	vst.idx.add.s32.msk $0xffff, v0  }
0xb3: {  	v2 =	vld [tilespmem:$0x250];
	_ =	sdelay $0x4  }
0xb4: {  	v3 =	vshrl.u32 v2, $0x18;
	_ =	sdelay $0x3  }
0xb5: {  	[tilespmem:$0x650] =	vst v2  }
0xb6: {  	[tilespmem:v3+s8+$0x0] =	vst.idx.add.s32.msk $0xffff, v0  }
0xb7: {  	v2 =	vld [tilespmem:$0x260];
	_ =	sdelay $0x4  }
0xb8: {  	v3 =	vshrl.u32 v2, $0x18;
	_ =	sdelay $0x3  }
0xb9: {  	[tilespmem:$0x660] =	vst v2  }
0xba: {  	[tilespmem:v3+s8+$0x0] =	vst.idx.add.s32.msk $0xffff, v0  }
0xbb: {  	v2 =	vld [tilespmem:$0x270];
	_ =	sdelay $0x4  }
0xbc: {  	v3 =	vshrl.u32 v2, $0x18;
	_ =	sdelay $0x3  }
0xbd: {  	[tilespmem:$0x670] =	vst v2  }
0xbe: {  	[tilespmem:v3+s8+$0x0] =	vst.idx.add.s32.msk $0xffff, v0  }
0xbf: {  	v2 =	vld [tilespmem:$0x280];
	_ =	sdelay $0x4  }
0xc0: {  	v3 =	vshrl.u32 v2, $0x18;
	_ =	sdelay $0x3  }
0xc1: {  	[tilespmem:$0x680] =	vst v2  }
0xc2: {  	[tilespmem:v3+s8+$0x0] =	vst.idx.add.s32.msk $0xffff, v0  }
0xc3: {  	v2 =	vld [tilespmem:$0x290];
	_ =	sdelay $0x4  }
0xc4: {  	v3 =	vshrl.u32 v2, $0x18;
	_ =	sdelay $0x3  }
0xc5: {  	[tilespmem:$0x690] =	vst v2  }
0xc6: {  	[tilespmem:v3+s8+$0x0] =	vst.idx.add.s32.msk $0xffff, v0  }
0xc7: {  	v2 =	vld [tilespmem:$0x2A0];
	_ =	sdelay $0x4  }
0xc8: {  	v3 =	vshrl.u32 v2, $0x18;
	_ =	sdelay $0x3  }
0xc9: {  	[tilespmem:$0x6A0] =	vst v2  }
0xca: {  	[tilespmem:v3+s8+$0x0] =	vst.idx.add.s32.msk $0xffff, v0  }
0xcb: {  	v2 =	vld [tilespmem:$0x2B0];
	_ =	sdelay $0x4  }
0xcc: {  	v3 =	vshrl.u32 v2, $0x18;
	_ =	sdelay $0x3  }
0xcd: {  	[tilespmem:$0x6B0] =	vst v2  }
0xce: {  	[tilespmem:v3+s8+$0x0] =	vst.idx.add.s32.msk $0xffff, v0  }
0xcf: {  	v2 =	vld [tilespmem:$0x2C0];
	_ =	sdelay $0x4  }
0xd0: {  	v3 =	vshrl.u32 v2, $0x18;
	_ =	sdelay $0x3  }
0xd1: {  	[tilespmem:$0x6C0] =	vst v2  }
0xd2: {  	[tilespmem:v3+s8+$0x0] =	vst.idx.add.s32.msk $0xffff, v0  }
0xd3: {  	v2 =	vld [tilespmem:$0x2D0];
	_ =	sdelay $0x4  }
0xd4: {  	v3 =	vshrl.u32 v2, $0x18;
	_ =	sdelay $0x3  }
0xd5: {  	[tilespmem:$0x6D0] =	vst v2  }
0xd6: {  	[tilespmem:v3+s8+$0x0] =	vst.idx.add.s32.msk $0xffff, v0  }
0xd7: {  	v2 =	vld [tilespmem:$0x2E0];
	_ =	sdelay $0x4  }
0xd8: {  	v3 =	vshrl.u32 v2, $0x18;
	_ =	sdelay $0x3  }
0xd9: {  	[tilespmem:$0x6E0] =	vst v2  }
0xda: {  	[tilespmem:v3+s8+$0x0] =	vst.idx.add.s32.msk $0xffff, v0  }
0xdb: {  	v2 =	vld [tilespmem:$0x2F0];
	_ =	sdelay $0x4  }
0xdc: {  	v3 =	vshrl.u32 v2, $0x18;
	_ =	sdelay $0x3  }
0xdd: {  	[tilespmem:$0x6F0] =	vst v2  }
0xde: {  	[tilespmem:v3+s8+$0x0] =	vst.idx.add.s32.msk $0xffff, v0  }
0xdf: {  	v2 =	vld [tilespmem:$0x300];
	_ =	sdelay $0x4  }
0xe0: {  	v3 =	vshrl.u32 v2, $0x18;
	_ =	sdelay $0x3  }
0xe1: {  	[tilespmem:$0x700] =	vst v2  }
0xe2: {  	[tilespmem:v3+s8+$0x0] =	vst.idx.add.s32.msk $0xffff, v0  }
0xe3: {  	v2 =	vld [tilespmem:$0x310];
	_ =	sdelay $0x4  }
0xe4: {  	v3 =	vshrl.u32 v2, $0x18;
	_ =	sdelay $0x3  }
0xe5: {  	[tilespmem:$0x710] =	vst v2  }
0xe6: {  	[tilespmem:v3+s8+$0x0] =	vst.idx.add.s32.msk $0xffff, v0  }
0xe7: {  	v2 =	vld [tilespmem:$0x320];
	_ =	sdelay $0x4  }
0xe8: {  	v3 =	vshrl.u32 v2, $0x18;
	_ =	sdelay $0x3  }
0xe9: {  	[tilespmem:$0x720] =	vst v2  }
0xea: {  	[tilespmem:v3+s8+$0x0] =	vst.idx.add.s32.msk $0xffff, v0  }
0xeb: {  	v2 =	vld [tilespmem:$0x330];
	_ =	sdelay $0x4  }
0xec: {  	v3 =	vshrl.u32 v2, $0x18;
	_ =	sdelay $0x3  }
0xed: {  	[tilespmem:$0x730] =	vst v2  }
0xee: {  	[tilespmem:v3+s8+$0x0] =	vst.idx.add.s32.msk $0xffff, v0  }
0xef: {  	v2 =	vld [tilespmem:$0x340];
	_ =	sdelay $0x4  }
0xf0: {  	v3 =	vshrl.u32 v2, $0x18;
	_ =	sdelay $0x3  }
0xf1: {  	[tilespmem:$0x740] =	vst v2  }
0xf2: {  	[tilespmem:v3+s8+$0x0] =	vst.idx.add.s32.msk $0xffff, v0  }
0xf3: {  	v2 =	vld [tilespmem:$0x350];
	_ =	sdelay $0x4  }
0xf4: {  	v3 =	vshrl.u32 v2, $0x18;
	_ =	sdelay $0x3  }
0xf5: {  	[tilespmem:$0x750] =	vst v2  }
0xf6: {  	[tilespmem:v3+s8+$0x0] =	vst.idx.add.s32.msk $0xffff, v0  }
0xf7: {  	v2 =	vld [tilespmem:$0x360];
	_ =	sdelay $0x4  }
0xf8: {  	v3 =	vshrl.u32 v2, $0x18;
	_ =	sdelay $0x3  }
0xf9: {  	[tilespmem:$0x760] =	vst v2  }
0xfa: {  	[tilespmem:v3+s8+$0x0] =	vst.idx.add.s32.msk $0xffff, v0  }
0xfb: {  	v2 =	vld [tilespmem:$0x370];
	_ =	sdelay $0x4  }
0xfc: {  	v3 =	vshrl.u32 v2, $0x18;
	_ =	sdelay $0x3  }
0xfd: {  	[tilespmem:$0x770] =	vst v2  }
0xfe: {  	[tilespmem:v3+s8+$0x0] =	vst.idx.add.s32.msk $0xffff, v0  }
0xff: {  	v2 =	vld [tilespmem:$0x380];
	_ =	sdelay $0x4  }
0x100: {  	v3 =	vshrl.u32 v2, $0x18;
	_ =	sdelay $0x3  }
0x101: {  	[tilespmem:$0x780] =	vst v2  }
0x102: {  	[tilespmem:v3+s8+$0x0] =	vst.idx.add.s32.msk $0xffff, v0  }
0x103: {  	v2 =	vld [tilespmem:$0x390];
	_ =	sdelay $0x4  }
0x104: {  	v3 =	vshrl.u32 v2, $0x18;
	_ =	sdelay $0x3  }
0x105: {  	[tilespmem:$0x790] =	vst v2  }
0x106: {  	[tilespmem:v3+s8+$0x0] =	vst.idx.add.s32.msk $0xffff, v0  }
0x107: {  	v2 =	vld [tilespmem:$0x3A0];
	_ =	sdelay $0x4  }
0x108: {  	v3 =	vshrl.u32 v2, $0x18;
	_ =	sdelay $0x3  }
0x109: {  	[tilespmem:$0x7A0] =	vst v2  }
0x10a: {  	[tilespmem:v3+s8+$0x0] =	vst.idx.add.s32.msk $0xffff, v0  }
0x10b: {  	v2 =	vld [tilespmem:$0x3B0];
	_ =	sdelay $0x4  }
0x10c: {  	v3 =	vshrl.u32 v2, $0x18;
	_ =	sdelay $0x3  }
0x10d: {  	[tilespmem:$0x7B0] =	vst v2  }
0x10e: {  	[tilespmem:v3+s8+$0x0] =	vst.idx.add.s32.msk $0xffff, v0  }
0x10f: {  	v2 =	vld [tilespmem:$0x3C0];
	_ =	sdelay $0x4  }
0x110: {  	v3 =	vshrl.u32 v2, $0x18;
	_ =	sdelay $0x3  }
0x111: {  	[tilespmem:$0x7C0] =	vst v2  }
0x112: {  	[tilespmem:v3+s8+$0x0] =	vst.idx.add.s32.msk $0xffff, v0  }
0x113: {  	v2 =	vld [tilespmem:$0x3D0];
	_ =	sdelay $0x4  }
0x114: {  	v3 =	vshrl.u32 v2, $0x18;
	_ =	sdelay $0x3  }
0x115: {  	[tilespmem:$0x7D0] =	vst v2  }
0x116: {  	[tilespmem:v3+s8+$0x0] =	vst.idx.add.s32.msk $0xffff, v0  }
0x117: {  	v2 =	vld [tilespmem:$0x3E0];
	_ =	sdelay $0x4  }
0x118: {  	v3 =	vshrl.u32 v2, $0x18;
	_ =	sdelay $0x3  }
0x119: {  	[tilespmem:$0x7E0] =	vst v2  }
0x11a: {  	[tilespmem:v3+s8+$0x0] =	vst.idx.add.s32.msk $0xffff, v0  }
0x11b: {  	v2 =	vld [tilespmem:$0x3F0];
	_ =	sdelay $0x4  }
0x11c: {  	v3 =	vshrl.u32 v2, $0x18;
	_ =	sdelay $0x3  }
0x11d: {  	s31 =	sshll.u32 s7, $0xA;
	[tilespmem:$0x7F0] =	vst v2  }
0x11e: {  	s9 =	simm.s32 $0x80;
	s10 =	simm.s32 $0x200;
	s6 =	sadd.s32 s31, s4;
	[tilespmem:v3+s8+$0x0] =	vst.idx.add.s32.msk $0xffff, v0  }
0x11f: {  	[spmem:s6] =	stream.strided.scatter [tilespmem:s8], [sflag:$0x1], $0x100, s10, s9, $0x38;
	[tilespmem:$0x2118] =	vst v63  }
.Ltmp1:
0x120: {  	_ =	swait.ge [sflag:s5], $0x100;
	(pc) =	sbr.rel @p2 .LBB2_5-.Ltmp1, $4  }
0x121: {  	[sflag:s5] =	ssyncset.done $0x0  }
0x122: {  	s12 =	sshll.u32 s7, $0x4;
	s7 =	simm.s32 @!p2 $0x0;
	[sflag:s5] =	ssyncadd.s32 $0xFFFFFF00  }
0x123: {  	s7 =	simm.s32 @p2 $0x1;
	[bflag:$0x0] =	sbarrier.arrive $0xFFFF  }
0x124: {  	[smem:$0x7FD] =	sst s7  }
0x125: {  	s7 =	simm.s32 $0xA80  }
0x126: {  	[tilespmem:s7], [sflag:$0x1] =	stream.strided.gather [spmem:s4], $0x1000, s10, s9, $0x38;
	[tilespmem:$0x2118] =	vst v63  }
0x127: {  	_ =	swait.ge [sflag:s5], $0x1000  }
0x128: {  	[sflag:s5] =	ssyncset.done $0x0  }
0x129: {  	[sflag:s5] =	ssyncadd.s32 $0xFFFFF000  }
0x12a: {  	v2 =	vld [tilespmem:$0xF90];
	_ =	sdelay $0x4  }
0x12b: {  	[tilespmem:$0x1F810] =	vst v2;
	v2 =	vld [tilespmem:$0x1090];
	_ =	sdelay $0x4  }
0x12c: {  	[tilespmem:$0x1F820] =	vst v2;
	v2 =	vld [tilespmem:$0x1190];
	_ =	sdelay $0x4  }
0x12d: {  	[tilespmem:$0x1F830] =	vst v2;
	v2 =	vld [tilespmem:$0x1290];
	_ =	sdelay $0x4  }
0x12e: {  	[tilespmem:$0x1F840] =	vst v2;
	v2 =	vld [tilespmem:$0x1390];
	_ =	sdelay $0x4  }
0x12f: {  	[tilespmem:$0x1F850] =	vst v2;
	v2 =	vld [tilespmem:$0x1490];
	_ =	sdelay $0x4  }
0x130: {  	[tilespmem:$0x1F860] =	vst v2;
	v2 =	vld [tilespmem:$0x1590]  }
0x131: {  	v14 =	vld [tilespmem:$0xA80]  }
0x132: {  	v11 =	vld [tilespmem:$0xB80]  }
0x133: {  	v15 =	vld [tilespmem:$0xC80]  }
0x134: {  	v17 =	vld [tilespmem:$0xD80]  }
0x135: {  	[tilespmem:$0x1F880] =	vst v2;
	v2 =	vld [tilespmem:$0x1690]  }
0x136: {  	v19 =	vld [tilespmem:$0xE80]  }
0x137: {  	v20 =	vld [tilespmem:$0xF80]  }
0x138: {  	v23 =	vld [tilespmem:$0x1080]  }
0x139: {  	v61 =	vld [tilespmem:$0x1180]  }
0x13a: {  	[tilespmem:$0x1F8A0] =	vst v2;
	v2 =	vld [tilespmem:$0x1790]  }
0x13b: {  	v26 =	vld [tilespmem:$0x1280]  }
0x13c: {  	v29 =	vld [tilespmem:$0x1380]  }
0x13d: {  	v30 =	vld [tilespmem:$0x1480]  }
0x13e: {  	v32 =	vld [tilespmem:$0x1580]  }
0x13f: {  	[tilespmem:$0x1F8C0] =	vst v2;
	v2 =	vld [tilespmem:$0x1890]  }
0x140: {  	v38 =	vld [tilespmem:$0x1680]  }
0x141: {  	v42 =	vld [tilespmem:$0x1780]  }
0x142: {  	v46 =	vld [tilespmem:$0x1880]  }
0x143: {  	v50 =	vld [tilespmem:$0x1980]  }
0x144: {  	[tilespmem:$0x1F8E0] =	vst v2;
	v2 =	vld [tilespmem:$0x1990]  }
0x145: {  	v39 =	vld [tilespmem:$0xA90]  }
0x146: {  	v33 =	vld [tilespmem:$0xB90]  }
0x147: {  	v43 =	vld [tilespmem:$0xC90]  }
0x148: {  	v51 =	vld [tilespmem:$0xD90]  }
0x149: {  	v57 =	vld [tilespmem:$0xE90];
	[tilespmem:$0x1F900] =	vst v2  }
0x14a: {  	v12 =	vld [tilespmem:$0xAA0]  }
0x14b: {  	v8 =	vld [tilespmem:$0xBA0]  }
0x14c: {  	v13 =	vld [tilespmem:$0xCA0]  }
0x14d: {  	v21 =	vld [tilespmem:$0xDA0]  }
0x14e: {  	v25 =	vld [tilespmem:$0xEA0]  }
0x14f: {  	v31 =	vld [tilespmem:$0xFA0]  }
0x150: {  	v44 =	vld [tilespmem:$0x10A0]  }
0x151: {  	v52 =	vld [tilespmem:$0x11A0]  }
0x152: {  	v58 =	vld [tilespmem:$0x12A0]  }
0x153: {  	v2 =	vld [tilespmem:$0x13A0]  }
0x154: {  	v3 =	vld [tilespmem:$0xAB0]  }
0x155: {  	v4 =	vld [tilespmem:$0xCB0]  }
0x156: {  	v5 =	vld [tilespmem:$0xDB0]  }
0x157: {  	v6 =	vld [tilespmem:$0xEB0]  }
0x158: {  	v9 =	vld [tilespmem:$0xFB0]  }
0x159: {  	v18 =	vld [tilespmem:$0x10B0]  }
0x15a: {  	v24 =	vld [tilespmem:$0x11B0]  }
0x15b: {  	v27 =	vld [tilespmem:$0x12B0]  }
0x15c: {  	v34 =	vld [tilespmem:$0x13B0]  }
0x15d: {  	v47 =	vld [tilespmem:$0x14B0]  }
0x15e: {  	v56 =	vld [tilespmem:$0x15B0]  }
0x15f: {  	v63 =	vld [tilespmem:$0x16B0]  }
0x160: {  	v7 =	vld [tilespmem:$0x17B0]  }
0x161: {  	v40 =	vld [tilespmem:$0xAD0]  }
0x162: {  	v35 =	vld [tilespmem:$0xBD0]  }
0x163: {  	v45 =	vld [tilespmem:$0xCD0]  }
0x164: {  	v53 =	vld [tilespmem:$0xDD0]  }
0x165: {  	v59 =	vld [tilespmem:$0xED0]  }
0x166: {  	v10 =	vld [tilespmem:$0xAE0]  }
0x167: {  	v16 =	vld [tilespmem:$0xCE0]  }
0x168: {  	v22 =	vld [tilespmem:$0xDE0]  }
0x169: {  	v28 =	vld [tilespmem:$0xEE0]  }
0x16a: {  	v36 =	vld [tilespmem:$0xFE0]  }
0x16b: {  	v48 =	vld [tilespmem:$0x10E0]  }
0x16c: {  	v54 =	vld [tilespmem:$0x11E0]  }
0x16d: {  	v37 =	vld [tilespmem:$0x12E0]  }
0x16e: {  	v62 =	vld [tilespmem:$0x13E0]  }
0x16f: {  	v11 =	vadd.s32 v14, v11;
	v41 =	vld [tilespmem:$0x14E0]  }
0x170: {  	v11 =	vadd.s32 v11, v15;
	v49 =	vld [tilespmem:$0x15E0]  }
0x171: {  	v11 =	vadd.s32 v11, v17;
	v55 =	vld [tilespmem:$0x16E0]  }
0x172: {  	v11 =	vadd.s32 v11, v19;
	v60 =	vld [tilespmem:$0x17E0]  }
0x173: {  	v11 =	vadd.s32 v11, v20;
	v17 =	vld [tilespmem:$0x1920]  }
0x174: {  	v11 =	vadd.s32 v11, v23;
	v19 =	vld [tilespmem:$0x1A20]  }
0x175: {  	v11 =	vadd.s32 v11, v61;
	v20 =	vld [tilespmem:$0xB30]  }
0x176: {  	v11 =	vadd.s32 v11, v26;
	v61 =	vld [tilespmem:$0xC30]  }
0x177: {  	v11 =	vadd.s32 v11, v29;
	v23 =	vld [tilespmem:$0xD30]  }
0x178: {  	v11 =	vadd.s32 v11, v30;
	v26 =	vld [tilespmem:$0xE30]  }
0x179: {  	v11 =	vadd.s32 v11, v32;
	v29 =	vld [tilespmem:$0xF30]  }
0x17a: {  	v11 =	vadd.s32 v11, v38;
	v30 =	vld [tilespmem:$0x1030]  }
0x17b: {  	v11 =	vadd.s32 v11, v42;
	v32 =	vld [tilespmem:$0x1130]  }
0x17c: {  	v11 =	vadd.s32 v11, v46;
	v38 =	vld [tilespmem:$0x1230]  }
0x17d: {  	v11 =	vadd.s32 v11, v50;
	v50 =	vld [tilespmem:$0x1430]  }
0x17e: {  	v15 =	vld [tilespmem:$0x1F860]  }
0x17f: {  	v14 =	vld [tilespmem:$0xF40]  }
0x180: {  	[tilespmem:$0x1F870] =	vst v2;
	v2 =	vld [tilespmem:$0x14A0]  }
0x181: {  	[tilespmem:$0x1F920] =	vst v7;
	v7 =	vld [tilespmem:$0x18B0]  }
0x182: {  	[tilespmem:$0x1FA90] =	vst v62;
	v62 =	vld [tilespmem:$0x18E0]  }
0x183: {  	[tilespmem:$0x1FAC0] =	vst v41;
	v41 =	vld [tilespmem:$0x19E0]  }
0x184: {  	[tilespmem:$0x1FAF0] =	vst v49;
	v49 =	vld [tilespmem:$0xAF0]  }
0x185: {  	[tilespmem:$0x1FB20] =	vst v55;
	v55 =	vld [tilespmem:$0xBF0]  }
0x186: {  	[tilespmem:$0x1FB50] =	vst v60;
	v60 =	vld [tilespmem:$0xCF0]  }
0x187: {  	[tilespmem:$0x1FA60] =	vst v37;
	v37 =	vld [tilespmem:$0xC10]  }
0x188: {  	v8 =	vadd.s32 v12, v8;
	v12 =	vld [tilespmem:$0xD40]  }
0x189: {  	[tilespmem:$0x1FE70] =	vst v20;
	v20 =	vld [tilespmem:$0x1F8A0]  }
0x18a: {  	[tilespmem:$0x1FE90] =	vst v23;
	v23 =	vld [tilespmem:$0x1F8C0]  }
0x18b: {  	[tilespmem:$0x1FFC0] =	vst v17;
	v17 =	vld [tilespmem:$0x1F870]  }
0x18c: {  	v35 =	vadd.s32 v40, v35;
	v8 =	vadd.s32 v8, v13;
	v13 =	vld [tilespmem:$0xE40]  }
0x18d: {  	v42 =	vadd.s32 v39, v33;
	v39 =	vadd.s32 v35, v45;
	v35 =	vld [tilespmem:$0x1FAF0]  }
0x18e: {  	v46 =	vadd.s32 v42, v43;
	v42 =	vadd.s32 v39, v53;
	v39 =	vld [tilespmem:$0xC50]  }
0x18f: {  	[tilespmem:$0x1F890] =	vst v2;
	v2 =	vld [tilespmem:$0x15A0]  }
0x190: {  	[tilespmem:$0x1F940] =	vst v7;
	v7 =	vld [tilespmem:$0x19B0]  }
0x191: {  	[tilespmem:$0x1FB70] =	vst v62;
	v62 =	vld [tilespmem:$0xDF0]  }
0x192: {  	[tilespmem:$0x1FBA0] =	vst v41;
	v41 =	vld [tilespmem:$0xEF0]  }
0x193: {  	[tilespmem:$0x1FB80] =	vst v49;
	v49 =	vld [tilespmem:$0xFF0]  }
0x194: {  	[tilespmem:$0x1FB90] =	vst v55;
	v55 =	vld [tilespmem:$0x10F0]  }
0x195: {  	[tilespmem:$0x1FBB0] =	vst v60;
	v60 =	vld [tilespmem:$0x11F0]  }
0x196: {  	[tilespmem:$0x1FFD0] =	vst v19;
	v19 =	vld [tilespmem:$0x1F890]  }
0x197: {  	[tilespmem:$0x1FEF0] =	vst v30;
	v30 =	vld [tilespmem:$0x1F940]  }
0x198: {  	[tilespmem:$0x1F8B0] =	vst v2;
	v2 =	vld [tilespmem:$0x16A0]  }
0x199: {  	[tilespmem:$0x1F970] =	vst v7;
	v7 =	vld [tilespmem:$0xAC0]  }
0x19a: {  	[tilespmem:$0x1FBE0] =	vst v62;
	v62 =	vld [tilespmem:$0x12F0]  }
0x19b: {  	[tilespmem:$0x1FC00] =	vst v41;
	v41 =	vld [tilespmem:$0x13F0]  }
0x19c: {  	[tilespmem:$0x1FC20] =	vst v49;
	v49 =	vld [tilespmem:$0x14F0]  }
0x19d: {  	[tilespmem:$0x1FC40] =	vst v55;
	v55 =	vld [tilespmem:$0x15F0]  }
0x19e: {  	[tilespmem:$0x1FC60] =	vst v60;
	v60 =	vld [tilespmem:$0x16F0]  }
0x19f: {  	v8 =	vadd.s32 v8, v21;
	v21 =	vld [tilespmem:$0x1F8B0]  }
0x1a0: {  	v33 =	vld [tilespmem:$0x1F970]  }
0x1a1: {  	[tilespmem:$0x1F8D0] =	vst v2;
	v2 =	vld [tilespmem:$0x17A0]  }
0x1a2: {  	[tilespmem:$0x1F950] =	vst v7;
	v7 =	vld [tilespmem:$0xBC0]  }
0x1a3: {  	[tilespmem:$0x1FC90] =	vst v62;
	v62 =	vld [tilespmem:$0x17F0]  }
0x1a4: {  	[tilespmem:$0x1FCC0] =	vst v41;
	v41 =	vld [tilespmem:$0x18F0]  }
0x1a5: {  	[tilespmem:$0x1FCF0] =	vst v49;
	v49 =	vld [tilespmem:$0x19F0]  }
0x1a6: {  	[tilespmem:$0x1FD20] =	vst v55;
	v55 =	vld [tilespmem:$0xB00]  }
0x1a7: {  	[tilespmem:$0x1FD50] =	vst v60;
	v60 =	vld [tilespmem:$0xC00]  }
0x1a8: {  	[tilespmem:$0x1F8F0] =	vst v2;
	v2 =	vld [tilespmem:$0x18A0]  }
0x1a9: {  	[tilespmem:$0x1F960] =	vst v7;
	v7 =	vld [tilespmem:$0xCC0]  }
0x1aa: {  	[tilespmem:$0x1FD80] =	vst v62;
	v62 =	vld [tilespmem:$0xD00]  }
0x1ab: {  	[tilespmem:$0x1FDB0] =	vst v41;
	v41 =	vld [tilespmem:$0xE00]  }
0x1ac: {  	[tilespmem:$0x1FDE0] =	vst v49;
	v49 =	vld [tilespmem:$0xF00]  }
0x1ad: {  	[tilespmem:$0x1FBC0] =	vst v55;
	v55 =	vld [tilespmem:$0x1000]  }
0x1ae: {  	[tilespmem:$0x1FBD0] =	vst v60;
	v60 =	vld [tilespmem:$0x1100]  }
0x1af: {  	[tilespmem:$0x1FEB0] =	vst v26;
	v26 =	vld [tilespmem:$0x1F8F0]  }
0x1b0: {  	[tilespmem:$0x1FF10] =	vst v32;
	v32 =	vld [tilespmem:$0x1F960]  }
0x1b1: {  	[tilespmem:$0x1F910] =	vst v2;
	v2 =	vld [tilespmem:$0x19A0]  }
0x1b2: {  	[tilespmem:$0x1F980] =	vst v7;
	v7 =	vld [tilespmem:$0xDC0]  }
0x1b3: {  	[tilespmem:$0x1FBF0] =	vst v62;
	v62 =	vld [tilespmem:$0x1200]  }
0x1b4: {  	[tilespmem:$0x1FC10] =	vst v41;
	v41 =	vld [tilespmem:$0x1300]  }
0x1b5: {  	[tilespmem:$0x1FC30] =	vst v49;
	v49 =	vld [tilespmem:$0x1400]  }
0x1b6: {  	[tilespmem:$0x1FC50] =	vst v55;
	v55 =	vld [tilespmem:$0x1500]  }
0x1b7: {  	[tilespmem:$0x1FC70] =	vst v60;
	v60 =	vld [tilespmem:$0x1600]  }
0x1b8: {  	[tilespmem:$0x1F930] =	vst v2;
	v2 =	vld [tilespmem:$0xBB0]  }
0x1b9: {  	[tilespmem:$0x1F990] =	vst v7;
	v7 =	vld [tilespmem:$0xEC0]  }
0x1ba: {  	[tilespmem:$0x1FCA0] =	vst v62;
	v62 =	vld [tilespmem:$0x1700]  }
0x1bb: {  	[tilespmem:$0x1FCD0] =	vst v41;
	v41 =	vld [tilespmem:$0x1800]  }
0x1bc: {  	[tilespmem:$0x1FD60] =	vst v60;
	v60 =	vld [tilespmem:$0x1010]  }
0x1bd: {  	[tilespmem:$0x1FD00] =	vst v49;
	v49 =	vld [tilespmem:$0x1900]  }
0x1be: {  	[tilespmem:$0x1FD30] =	vst v55;
	v55 =	vld [tilespmem:$0x1A00]  }
0x1bf: {  	[tilespmem:$0x1FED0] =	vst v29;
	v29 =	vld [tilespmem:$0x1F930]  }
0x1c0: {  	[tilespmem:$0x1FF30] =	vst v38;
	v38 =	vld [tilespmem:$0x1F990]  }
0x1c1: {  	[tilespmem:$0x1FC80] =	vst v60;
	v60 =	vld [tilespmem:$0x1110]  }
0x1c2: {  	[tilespmem:$0x1F9A0] =	vst v7;
	v7 =	vld [tilespmem:$0xFC0]  }
0x1c3: {  	[tilespmem:$0x1FDC0] =	vst v41;
	v41 =	vld [tilespmem:$0xB10]  }
0x1c4: {  	[tilespmem:$0x1FDF0] =	vst v49;
	v49 =	vld [tilespmem:$0xD10]  }
0x1c5: {  	[tilespmem:$0x1FE10] =	vst v55;
	v55 =	vld [tilespmem:$0xE10]  }
0x1c6: {  	[tilespmem:$0x1FCB0] =	vst v60;
	v60 =	vld [tilespmem:$0x1210]  }
0x1c7: {  	[tilespmem:$0x1F9B0] =	vst v7;
	v7 =	vld [tilespmem:$0x10C0]  }
0x1c8: {  	[tilespmem:$0x1FD90] =	vst v62;
	v62 =	vld [tilespmem:$0xF10]  }
0x1c9: {  	v2 =	vadd.s32 v3, v2;
	v3 =	vld [tilespmem:$0x1530]  }
0x1ca: {  	v2 =	vadd.s32 v2, v4;
	v4 =	vld [tilespmem:$0x1F810]  }
0x1cb: {  	[tilespmem:$0x1FCE0] =	vst v60;
	v60 =	vld [tilespmem:$0x1310]  }
0x1cc: {  	[tilespmem:$0x1F9C0] =	vst v7;
	v7 =	vld [tilespmem:$0x11C0]  }
0x1cd: {  	v40 =	vld [tilespmem:$0x1F9A0]  }
0x1ce: {  	v2 =	vadd.s32 v2, v5;
	v5 =	vld [tilespmem:$0x1730]  }
0x1cf: {  	[tilespmem:$0x1FFF0] =	vst v11;
	v2 =	vadd.s32 v2, v6;
	v6 =	vld [tilespmem:$0x1F830]  }
0x1d0: {  	[tilespmem:$0x1FD10] =	vst v60;
	v60 =	vld [tilespmem:$0x1410]  }
0x1d1: {  	v11 =	vadd.s32 v46, v51;
	[tilespmem:$0x1F9E0] =	vst v7;
	v7 =	vld [tilespmem:$0x12C0]  }
0x1d2: {  	[tilespmem:$0x1FF80] =	vst v3;
	v3 =	vadd.s32 v11, v57;
	v57 =	vld [tilespmem:$0x1630]  }
0x1d3: {  	v2 =	vadd.s32 v2, v9;
	v11 =	vld [tilespmem:$0xC40]  }
0x1d4: {  	v2 =	vadd.s32 v2, v18;
	v18 =	vld [tilespmem:$0x1F880]  }
0x1d5: {  	[tilespmem:$0x1FD40] =	vst v60;
	v60 =	vld [tilespmem:$0x1510]  }
0x1d6: {  	[tilespmem:$0x1FA00] =	vst v7;
	v7 =	vld [tilespmem:$0x13C0]  }
0x1d7: {  	v3 =	vadd.s32 v3, v4;
	v4 =	vadd.s32 v8, v25;
	v8 =	vld [tilespmem:$0x1A30]  }
0x1d8: {  	v2 =	vadd.s32 v2, v24;
	v24 =	vld [tilespmem:$0x1F8D0]  }
0x1d9: {  	v25 =	vld [tilespmem:$0x1F8E0]  }
0x1da: {  	[tilespmem:$0x1FD70] =	vst v60;
	v60 =	vld [tilespmem:$0x1610]  }
0x1db: {  	[tilespmem:$0x1FA20] =	vst v7;
	v7 =	vld [tilespmem:$0x14C0]  }
0x1dc: {  	v43 =	vld [tilespmem:$0x1F9B0]  }
0x1dd: {  	[tilespmem:$0x1FFB0] =	vst v5;
	v5 =	vld [tilespmem:$0x1F820]  }
0x1de: {  	v2 =	vadd.s32 v2, v27;
	v27 =	vld [tilespmem:$0x1F920]  }
0x1df: {  	[tilespmem:$0x1FDA0] =	vst v60;
	v60 =	vld [tilespmem:$0x1710]  }
0x1e0: {  	[tilespmem:$0x1FA40] =	vst v7;
	v7 =	vld [tilespmem:$0x15C0]  }
0x1e1: {  	v2 =	vadd.s32 v2, v34;
	v34 =	vld [tilespmem:$0x1F980]  }
0x1e2: {  	v3 =	vadd.s32 v3, v5;
	v5 =	vadd.s32 v4, v31;
	v4 =	vld [tilespmem:$0x1830]  }
0x1e3: {  	v2 =	vadd.s32 v2, v47;
	v31 =	vld [tilespmem:$0x1F950]  }
0x1e4: {  	v2 =	vadd.s32 v2, v56;
	[tilespmem:$0x1FDD0] =	vst v60;
	v60 =	vld [tilespmem:$0x1810]  }
0x1e5: {  	v2 =	vadd.s32 v2, v63;
	[tilespmem:$0x1FA70] =	vst v7;
	v7 =	vld [tilespmem:$0x16C0]  }
0x1e6: {  	v2 =	vadd.s32 v2, v27;
	v3 =	vadd.s32 v3, v6;
	v6 =	vld [tilespmem:$0x1930]  }
0x1e7: {  	v5 =	vadd.s32 v5, v44;
	v2 =	vadd.s32 v2, v30;
	v44 =	vld [tilespmem:$0x1F9C0]  }
0x1e8: {  	v2 =	vadd.s32 v2, v33;
	v33 =	vld [tilespmem:$0xB50]  }
0x1e9: {  	[tilespmem:$0x1FE00] =	vst v60;
	v60 =	vld [tilespmem:$0x1910]  }
0x1ea: {  	v5 =	vadd.s32 v5, v52;
	[tilespmem:$0x1FAA0] =	vst v7;
	v7 =	vld [tilespmem:$0x17C0]  }
0x1eb: {  	v5 =	vadd.s32 v5, v58;
	v58 =	vld [tilespmem:$0x1FA60]  }
0x1ec: {  	v5 =	vadd.s32 v5, v17;
	v17 =	vld [tilespmem:$0x1140]  }
0x1ed: {  	v46 =	vld [tilespmem:$0x1F9E0]  }
0x1ee: {  	[tilespmem:$0x1FE20] =	vst v60;
	v60 =	vld [tilespmem:$0x1A10]  }
0x1ef: {  	[tilespmem:$0x1FAD0] =	vst v7;
	v7 =	vld [tilespmem:$0x18C0]  }
0x1f0: {  	v5 =	vadd.s32 v5, v19;
	v19 =	vld [tilespmem:$0x1340]  }
0x1f1: {  	[tilespmem:$0x1FFE0] =	vst v6;
	v6 =	vld [tilespmem:$0x1F840]  }
0x1f2: {  	v5 =	vadd.s32 v5, v21;
	v21 =	vld [tilespmem:$0x1640]  }
0x1f3: {  	[tilespmem:$0x1FE50] =	vst v60;
	v60 =	vld [tilespmem:$0xB20]  }
0x1f4: {  	[tilespmem:$0x1FB00] =	vst v7;
	v7 =	vld [tilespmem:$0x19C0]  }
0x1f5: {  	v5 =	vadd.s32 v5, v24;
	v24 =	vld [tilespmem:$0x1940]  }
0x1f6: {  	v9 =	vadd.s32 v5, v26;
	v5 =	vld [tilespmem:$0x1F900]  }
0x1f7: {  	v3 =	vadd.s32 v3, v6;
	v6 =	vld [tilespmem:$0x1F850]  }
0x1f8: {  	[tilespmem:$0x1FE30] =	vst v60;
	v60 =	vld [tilespmem:$0xC20]  }
0x1f9: {  	[tilespmem:$0x1FB30] =	vst v7;
	v7 =	vld [tilespmem:$0xFD0]  }
0x1fa: {  	[tilespmem:$0x1FF60] =	vst v50;
	v50 =	vld [tilespmem:$0x1FA00]  }
0x1fb: {  	v52 =	vld [tilespmem:$0x1FA20]  }
0x1fc: {  	v3 =	vadd.s32 v3, v6;
	v6 =	vld [tilespmem:$0xB40]  }
0x1fd: {  	[tilespmem:$0x1FE40] =	vst v60;
	v60 =	vld [tilespmem:$0xD20]  }
0x1fe: {  	[tilespmem:$0x1F9D0] =	vst v7;
	v7 =	vld [tilespmem:$0x10D0]  }
0x1ff: {  	v3 =	vadd.s32 v3, v15;
	v15 =	vld [tilespmem:$0x1040]  }
0x200: {  	v3 =	vadd.s32 v3, v18;
	v18 =	vld [tilespmem:$0x1240]  }
0x201: {  	v3 =	vadd.s32 v3, v20;
	v20 =	vld [tilespmem:$0x1440]  }
0x202: {  	[tilespmem:$0x1FE60] =	vst v60;
	v60 =	vld [tilespmem:$0xE20]  }
0x203: {  	[tilespmem:$0x1F9F0] =	vst v7;
	v7 =	vld [tilespmem:$0x11D0]  }
0x204: {  	v3 =	vadd.s32 v3, v23;
	v23 =	vld [tilespmem:$0x1840]  }
0x205: {  	v3 =	vadd.s32 v3, v25;
	v25 =	vld [tilespmem:$0x1A40]  }
0x206: {  	v6 =	vadd.s32 v6, v11;
	v11 =	vld [tilespmem:$0x1260]  }
0x207: {  	[tilespmem:$0x1FE80] =	vst v60;
	v60 =	vld [tilespmem:$0xF20]  }
0x208: {  	[tilespmem:$0x1FA10] =	vst v7;
	v7 =	vld [tilespmem:$0x12D0]  }
0x209: {  	v5 =	vadd.s32 v3, v5;
	v3 =	vld [tilespmem:$0x1F910]  }
0x20a: {  	v6 =	vadd.s32 v6, v12;
	v12 =	vld [tilespmem:$0x1360]  }
0x20b: {  	v6 =	vadd.s32 v6, v13;
	v13 =	vld [tilespmem:$0x1460]  }
0x20c: {  	[tilespmem:$0x1FEA0] =	vst v60;
	v60 =	vld [tilespmem:$0x1020]  }
0x20d: {  	[tilespmem:$0x1FA30] =	vst v7;
	v7 =	vld [tilespmem:$0x13D0]  }
0x20e: {  	v6 =	vadd.s32 v6, v14;
	v14 =	vld [tilespmem:$0x1560]  }
0x20f: {  	v6 =	vadd.s32 v6, v15;
	v15 =	vld [tilespmem:$0x1660]  }
0x210: {  	v6 =	vadd.s32 v6, v17;
	v17 =	vld [tilespmem:$0x1760]  }
0x211: {  	[tilespmem:$0x1FEC0] =	vst v60;
	v60 =	vld [tilespmem:$0x1120]  }
0x212: {  	[tilespmem:$0x1FA50] =	vst v7;
	v7 =	vld [tilespmem:$0x14D0]  }
0x213: {  	v3 =	vadd.s32 v9, v3;
	v9 =	vadd.s32 v31, v32;
	v31 =	vld [tilespmem:$0x1FAC0]  }
0x214: {  	v6 =	vadd.s32 v6, v18;
	v18 =	vld [tilespmem:$0x1860]  }
0x215: {  	v6 =	vadd.s32 v6, v19;
	v19 =	vld [tilespmem:$0x1960]  }
0x216: {  	[tilespmem:$0x1FEE0] =	vst v60;
	v60 =	vld [tilespmem:$0x1220]  }
0x217: {  	[tilespmem:$0x1FA80] =	vst v7;
	v7 =	vld [tilespmem:$0x15D0]  }
0x218: {  	v3 =	vadd.s32 v3, v29;
	v9 =	vadd.s32 v9, v34;
	v29 =	vld [tilespmem:$0x1FAA0]  }
0x219: {  	v9 =	vadd.s32 v9, v38;
	v6 =	vadd.s32 v6, v20;
	v20 =	vld [tilespmem:$0x1A60]  }
0x21a: {  	v9 =	vadd.s32 v9, v40;
	v40 =	vld [tilespmem:$0x1FB20]  }
0x21b: {  	[tilespmem:$0x1FF00] =	vst v60;
	v60 =	vld [tilespmem:$0x1320]  }
0x21c: {  	v9 =	vadd.s32 v9, v43;
	[tilespmem:$0x1FAB0] =	vst v7;
	v7 =	vld [tilespmem:$0x16D0]  }
0x21d: {  	v43 =	vld [tilespmem:$0xE50];
	v9 =	vadd.s32 v9, v44  }
0x21e: {  	v9 =	vadd.s32 v9, v46;
	v46 =	vld [tilespmem:$0x1FB50]  }
0x21f: {  	v32 =	vld [tilespmem:$0x1FAD0]  }
0x220: {  	[tilespmem:$0x1FF20] =	vst v60;
	v60 =	vld [tilespmem:$0x1420]  }
0x221: {  	[tilespmem:$0x1FAE0] =	vst v7;
	v7 =	vld [tilespmem:$0x17D0]  }
0x222: {  	v9 =	vadd.s32 v9, v50;
	v50 =	vld [tilespmem:$0x1FB80]  }
0x223: {  	v9 =	vadd.s32 v9, v52;
	v52 =	vld [tilespmem:$0x1FBA0]  }
0x224: {  	v44 =	vld [tilespmem:$0x1FB30]  }
0x225: {  	[tilespmem:$0x1FF40] =	vst v60;
	v60 =	vld [tilespmem:$0x1520]  }
0x226: {  	[tilespmem:$0x1FB10] =	vst v7;
	v7 =	vld [tilespmem:$0x18D0]  }
0x227: {  	v45 =	vld [tilespmem:$0x1F9D0]  }
0x228: {  	v47 =	vld [tilespmem:$0x1F9F0]  }
0x229: {  	v51 =	vld [tilespmem:$0x1FA10]  }
0x22a: {  	[tilespmem:$0x1FF50] =	vst v60;
	v60 =	vld [tilespmem:$0x1620]  }
0x22b: {  	[tilespmem:$0x1FB40] =	vst v7;
	v7 =	vld [tilespmem:$0x19D0]  }
0x22c: {  	v53 =	vld [tilespmem:$0x1FA30]  }
0x22d: {  	v56 =	vld [tilespmem:$0x1FA50]  }
0x22e: {  	v63 =	vld [tilespmem:$0x1FA80]  }
0x22f: {  	[tilespmem:$0x1FF70] =	vst v60;
	v60 =	vld [tilespmem:$0x1720]  }
0x230: {  	[tilespmem:$0x1FB60] =	vst v7;
	v7 =	vld [tilespmem:$0xBE0]  }
0x231: {  	v30 =	vld [tilespmem:$0x1FAB0]  }
0x232: {  	v34 =	vld [tilespmem:$0x1FAE0]  }
0x233: {  	v38 =	vld [tilespmem:$0x1FB10]  }
0x234: {  	[tilespmem:$0x1FF90] =	vst v60;
	v60 =	vld [tilespmem:$0x1820]  }
0x235: {  	v7 =	vadd.s32 v10, v7;
	v10 =	vadd.s32 v42, v59;
	v59 =	vld [tilespmem:$0x1FA70]  }
0x236: {  	v42 =	vld [tilespmem:$0xD50]  }
0x237: {  	v7 =	vadd.s32 v7, v16;
	v16 =	vld [tilespmem:$0x1540]  }
0x238: {  	v10 =	vadd.s32 v10, v45;
	v45 =	vld [tilespmem:$0x1FB40]  }
0x239: {  	v7 =	vadd.s32 v7, v22;
	v22 =	vld [tilespmem:$0x1740]  }
0x23a: {  	v10 =	vadd.s32 v10, v47;
	v47 =	vld [tilespmem:$0x1FB60]  }
0x23b: {  	v7 =	vadd.s32 v7, v28;
	v28 =	vld [tilespmem:$0x1FA90]  }
0x23c: {  	v10 =	vadd.s32 v10, v51;
	v51 =	vld [tilespmem:$0x1FB90]  }
0x23d: {  	v7 =	vadd.s32 v7, v36;
	v36 =	vld [tilespmem:$0x1FB00]  }
0x23e: {  	v10 =	vadd.s32 v10, v53;
	v53 =	vld [tilespmem:$0x1FBB0]  }
0x23f: {  	[tilespmem:$0x1FFA0] =	vst v60;
	v60 =	vld [tilespmem:$0x1330]  }
0x240: {  	v7 =	vadd.s32 v7, v48;
	v48 =	vld [tilespmem:$0x1FB70]  }
0x241: {  	v10 =	vadd.s32 v10, v56;
	v56 =	vld [tilespmem:$0x1FBD0]  }
0x242: {  	v7 =	vadd.s32 v7, v54;
	v54 =	vld [tilespmem:$0x1FA40]  }
0x243: {  	v10 =	vadd.s32 v10, v63;
	v63 =	vadd.s32 v41, v37;
	v37 =	vld [tilespmem:$0x1FC10]  }
0x244: {  	v41 =	vld [tilespmem:$0x1FC20]  }
0x245: {  	v6 =	vadd.s32 v6, v16;
	v16 =	vld [tilespmem:$0xB70]  }
0x246: {  	v7 =	vadd.s32 v7, v58;
	v58 =	vld [tilespmem:$0x1FBE0]  }
0x247: {  	v10 =	vadd.s32 v10, v30;
	v30 =	vld [tilespmem:$0x1650]  }
0x248: {  	v10 =	vadd.s32 v10, v34;
	v34 =	vld [tilespmem:$0x1350]  }
0x249: {  	v7 =	vadd.s32 v7, v28;
	v28 =	vadd.s32 v63, v49;
	v49 =	vld [tilespmem:$0x1FC80]  }
0x24a: {  	v63 =	vld [tilespmem:$0x1FD30]  }
0x24b: {  	v26 =	vadd.s32 v10, v38;
	v38 =	vld [tilespmem:$0x1050]  }
0x24c: {  	v7 =	vadd.s32 v7, v31;
	v31 =	vld [tilespmem:$0x1550]  }
0x24d: {  	v28 =	vadd.s32 v28, v55;
	v55 =	vld [tilespmem:$0x1FCE0]  }
0x24e: {  	v7 =	vadd.s32 v7, v35;
	v35 =	vld [tilespmem:$0x1250]  }
0x24f: {  	v28 =	vadd.s32 v28, v62;
	v62 =	vld [tilespmem:$0x1FD20]  }
0x250: {  	v7 =	vadd.s32 v7, v40;
	v40 =	vld [tilespmem:$0xF50]  }
0x251: {  	v9 =	vadd.s32 v9, v54;
	v54 =	vld [tilespmem:$0x1FBC0]  }
0x252: {  	v9 =	vadd.s32 v9, v59;
	v59 =	vld [tilespmem:$0x1FBF0]  }
0x253: {  	v7 =	vadd.s32 v7, v46;
	v46 =	vld [tilespmem:$0x1FC50]  }
0x254: {  	v7 =	vadd.s32 v7, v48;
	v48 =	vld [tilespmem:$0x1FC70]  }
0x255: {  	v9 =	vadd.s32 v9, v29;
	v29 =	vld [tilespmem:$0x1750]  }
0x256: {  	v28 =	vadd.s32 v28, v49;
	v49 =	vld [tilespmem:$0x1FD50]  }
0x257: {  	v9 =	vadd.s32 v9, v32;
	v32 =	vld [tilespmem:$0x1FC00]  }
0x258: {  	v7 =	vadd.s32 v7, v52;
	v52 =	vld [tilespmem:$0x1FCB0]  }
0x259: {  	v9 =	vadd.s32 v9, v36;
	v36 =	vld [tilespmem:$0x1150]  }
0x25a: {  	[tilespmem:$0x9E0] =	vst v7;
	v7 =	vld [tilespmem:$0x1770]  }
0x25b: {  	v10 =	vadd.s32 v9, v44;
	v44 =	vld [tilespmem:$0x1FC30]  }
0x25c: {  	v9 =	vadd.s32 v26, v45;
	v45 =	vld [tilespmem:$0x1FC40]  }
0x25d: {  	v26 =	vadd.s32 v50, v51;
	v50 =	vld [tilespmem:$0x1FC90]  }
0x25e: {  	v51 =	vld [tilespmem:$0x1FCA0]  }
0x25f: {  	v27 =	vadd.s32 v54, v56;
	v54 =	vld [tilespmem:$0x1FCD0]  }
0x260: {  	v56 =	vld [tilespmem:$0x1FCF0]  }
0x261: {  	v9 =	vadd.s32 v9, v47;
	v47 =	vld [tilespmem:$0x1FC60]  }
0x262: {  	v26 =	vadd.s32 v26, v53;
	v53 =	vld [tilespmem:$0x1FCC0]  }
0x263: {  	v27 =	vadd.s32 v27, v59;
	v59 =	vld [tilespmem:$0x1FD10]  }
0x264: {  	v26 =	vadd.s32 v26, v58;
	v58 =	vld [tilespmem:$0x1FD00]  }
0x265: {  	v26 =	vadd.s32 v26, v32;
	v32 =	vld [tilespmem:$0x1450]  }
0x266: {  	v28 =	vadd.s32 v28, v52;
	v52 =	vld [tilespmem:$0x1FD80]  }
0x267: {  	v26 =	vadd.s32 v26, v41;
	v28 =	vadd.s32 v28, v55;
	v55 =	vld [tilespmem:$0x1FDB0]  }
0x268: {  	v27 =	vadd.s32 v27, v37;
	v26 =	vadd.s32 v26, v45;
	v45 =	vld [tilespmem:$0xB60]  }
0x269: {  	v27 =	vadd.s32 v27, v44;
	v44 =	vadd.s32 v28, v59;
	v28 =	vld [tilespmem:$0x1A50]  }
0x26a: {  	v27 =	vadd.s32 v27, v46;
	v46 =	vld [tilespmem:$0xC60]  }
0x26b: {  	v26 =	vadd.s32 v26, v47;
	v47 =	vld [tilespmem:$0xD60]  }
0x26c: {  	v59 =	vld [tilespmem:$0x1FDE0]  }
0x26d: {  	v37 =	vadd.s32 v26, v50;
	v26 =	vld [tilespmem:$0x1850]  }
0x26e: {  	v27 =	vadd.s32 v27, v48;
	v48 =	vld [tilespmem:$0x1FD40]  }
0x26f: {  	v50 =	vld [tilespmem:$0x1FD60]  }
0x270: {  	v27 =	vadd.s32 v27, v51;
	v51 =	vld [tilespmem:$0x1FD70]  }
0x271: {  	v37 =	vadd.s32 v37, v53;
	v53 =	vld [tilespmem:$0x1FD90]  }
0x272: {  	v41 =	vadd.s32 v27, v54;
	v54 =	vld [tilespmem:$0x1FDA0]  }
0x273: {  	v37 =	vadd.s32 v37, v56;
	v56 =	vld [tilespmem:$0x1FDC0]  }
0x274: {  	v41 =	vadd.s32 v41, v58;
	v58 =	vld [tilespmem:$0x1FDD0]  }
0x275: {  	v37 =	vadd.s32 v37, v62;
	v62 =	vld [tilespmem:$0x1FDF0]  }
0x276: {  	v41 =	vadd.s32 v41, v63;
	v63 =	vld [tilespmem:$0x1FE00]  }
0x277: {  	v37 =	vadd.s32 v37, v49;
	v49 =	vld [tilespmem:$0xF60]  }
0x278: {  	v44 =	vadd.s32 v44, v48;
	v48 =	vld [tilespmem:$0xE60]  }
0x279: {  	v41 =	vadd.s32 v41, v50;
	v37 =	vadd.s32 v37, v52;
	v52 =	vld [tilespmem:$0x1FE10]  }
0x27a: {  	v41 =	vadd.s32 v41, v53;
	v37 =	vadd.s32 v37, v55;
	v53 =	vld [tilespmem:$0x1FE20]  }
0x27b: {  	v37 =	vadd.s32 v37, v59;
	v59 =	vld [tilespmem:$0x1FE70]  }
0x27c: {  	v44 =	vadd.s32 v44, v51;
	v55 =	vld [tilespmem:$0x1FE40]  }
0x27d: {  	v44 =	vadd.s32 v44, v54;
	v54 =	vld [tilespmem:$0x1FE30]  }
0x27e: {  	v41 =	vadd.s32 v41, v56;
	v44 =	vadd.s32 v44, v58;
	v58 =	vld [tilespmem:$0x1FE60]  }
0x27f: {  	v51 =	vld [tilespmem:$0x1060];
	v41 =	vadd.s32 v41, v62  }
0x280: {  	v41 =	vadd.s32 v41, v52;
	v52 =	vadd.s32 v59, v61;
	v61 =	vld [tilespmem:$0x1FE80]  }
0x281: {  	v62 =	vld [tilespmem:$0x1FE90]  }
0x282: {  	v44 =	vadd.s32 v44, v63;
	v63 =	vld [tilespmem:$0x1FEA0];
	v50 =	vadd.s32 v54, v55  }
0x283: {  	v50 =	vadd.s32 v50, v58;
	v58 =	vld [tilespmem:$0x1FEB0]  }
0x284: {  	v59 =	vld [tilespmem:$0x1FEC0]  }
0x285: {  	v50 =	vadd.s32 v50, v61;
	v61 =	vld [tilespmem:$0x1FED0]  }
0x286: {  	v52 =	vadd.s32 v52, v62;
	v62 =	vld [tilespmem:$0x1FEE0]  }
0x287: {  	v50 =	vadd.s32 v50, v63;
	v63 =	vld [tilespmem:$0x1FEF0]  }
0x288: {  	v52 =	vadd.s32 v52, v58;
	v58 =	vld [tilespmem:$0x1FF00]  }
0x289: {  	v50 =	vadd.s32 v50, v59;
	v59 =	vld [tilespmem:$0x1FF10]  }
0x28a: {  	v52 =	vadd.s32 v52, v61;
	v61 =	vld [tilespmem:$0x1FF20]  }
0x28b: {  	v50 =	vadd.s32 v50, v62;
	v62 =	vld [tilespmem:$0x1FF30]  }
0x28c: {  	v56 =	vld [tilespmem:$0x1FE50]  }
0x28d: {  	v52 =	vadd.s32 v52, v63;
	v63 =	vld [tilespmem:$0x1FF40]  }
0x28e: {  	v50 =	vadd.s32 v50, v58;
	v52 =	vadd.s32 v52, v59;
	v59 =	vld [tilespmem:$0x1FF60]  }
0x28f: {  	v50 =	vadd.s32 v50, v61;
	v61 =	vld [tilespmem:$0x1FF80]  }
0x290: {  	v58 =	vld [tilespmem:$0x1FF50];
	v52 =	vadd.s32 v52, v62  }
0x291: {  	v52 =	vadd.s32 v52, v60;
	v60 =	vld [tilespmem:$0x1FF70]  }
0x292: {  	v62 =	vld [tilespmem:$0x1FF90]  }
0x293: {  	v44 =	vadd.s32 v44, v53;
	v53 =	vld [tilespmem:$0x1160];
	v52 =	vadd.s32 v52, v59  }
0x294: {  	v55 =	vld [tilespmem:$0x1070];
	v50 =	vadd.s32 v50, v63;
	v52 =	vadd.s32 v52, v61  }
0x295: {  	v50 =	vadd.s32 v50, v58;
	v52 =	vadd.s32 v52, v57;
	v57 =	vld [tilespmem:$0x1FFB0]  }
0x296: {  	v63 =	vld [tilespmem:$0x1FFA0];
	v50 =	vadd.s32 v50, v60  }
0x297: {  	v6 =	vadd.s32 v6, v21;
	v50 =	vadd.s32 v50, v62;
	v62 =	vld [tilespmem:$0x1FFE0]  }
0x298: {  	v6 =	vadd.s32 v6, v22;
	v58 =	vld [tilespmem:$0xC70]  }
0x299: {  	v6 =	vadd.s32 v6, v23;
	v59 =	vld [tilespmem:$0x1FFC0]  }
0x29a: {  	v6 =	vadd.s32 v6, v24;
	v60 =	vld [tilespmem:$0xD70];
	v52 =	vadd.s32 v52, v57  }
0x29b: {  	v6 =	vadd.s32 v6, v25;
	v61 =	vld [tilespmem:$0x1FFD0];
	v4 =	vadd.s32 v52, v4  }
0x29c: {  	v44 =	vadd.s32 v44, v56;
	v50 =	vadd.s32 v50, v63;
	v63 =	vld [tilespmem:$0xE70];
	v4 =	vadd.s32 v4, v62  }
0x29d: {  	v54 =	vadd.s32 v45, v46;
	v52 =	vld [tilespmem:$0xF70];
	v4 =	vadd.s32 v4, v8;
	v8 =	vadd.s32 v33, v39  }
0x29e: {  	v56 =	vld [tilespmem:$0x1FFF0];
	v25 =	vadd.s32 v54, v47;
	v16 =	vadd.s32 v16, v58;
	v8 =	vadd.s32 v8, v42  }
0x29f: {  	v50 =	vadd.s32 v50, v59;
	v16 =	vadd.s32 v16, v60;
	v57 =	vld [tilespmem:$0x1170];
	v8 =	vadd.s32 v8, v43  }
0x2a0: {  	[tilespmem:$0x990] =	vst v5;
	v58 =	vld [tilespmem:$0x1270];
	v50 =	vadd.s32 v50, v61;
	v5 =	vadd.s32 v8, v40;
	v8 =	vadd.s32 v25, v48  }
0x2a1: {  	[tilespmem:$0x9A0] =	vst v3;
	v59 =	vld [tilespmem:$0x1370];
	v3 =	vadd.s32 v5, v38;
	v5 =	vadd.s32 v8, v49;
	v8 =	vadd.s32 v16, v63  }
0x2a2: {  	[tilespmem:$0x9B0] =	vst v2;
	v2 =	vadd.s32 v3, v36;
	v3 =	vadd.s32 v5, v51;
	v5 =	vadd.s32 v8, v52;
	v8 =	vld [tilespmem:$0x1470]  }
0x2a3: {  	[tilespmem:$0xA40] =	vst v6;
	v60 =	vld [tilespmem:$0x1570];
	v2 =	vadd.s32 v2, v35;
	v3 =	vadd.s32 v3, v53;
	v5 =	vadd.s32 v5, v55  }
0x2a4: {  	[tilespmem:$0x9C0] =	vst v10;
	v61 =	vld [tilespmem:$0x1670];
	v2 =	vadd.s32 v2, v34;
	v3 =	vadd.s32 v3, v11;
	v5 =	vadd.s32 v5, v57  }
0x2a5: {  	[tilespmem:$0x9D0] =	vst v9;
	v27 =	vld [tilespmem:$0x1950];
	v2 =	vadd.s32 v2, v32;
	v3 =	vadd.s32 v3, v12;
	v5 =	vadd.s32 v5, v58  }
0x2a6: {  	[tilespmem:$0x9F0] =	vst v37;
	v62 =	vld [tilespmem:$0x1870];
	v2 =	vadd.s32 v2, v31;
	v3 =	vadd.s32 v3, v13;
	v5 =	vadd.s32 v5, v59  }
0x2a7: {  	[tilespmem:$0xA00] =	vst v41;
	v2 =	vadd.s32 v2, v30;
	v3 =	vadd.s32 v3, v14;
	v5 =	vadd.s32 v5, v8;
	v8 =	vld [tilespmem:$0x1970]  }
0x2a8: {  	[tilespmem:$0xA10] =	vst v44;
	v63 =	vld [tilespmem:$0x1A70];
	v2 =	vadd.s32 v2, v29;
	v3 =	vadd.s32 v3, v15;
	v5 =	vadd.s32 v5, v60  }
0x2a9: {  	[tilespmem:$0x980] =	vst v56;
	v2 =	vadd.s32 v2, v26;
	v3 =	vadd.s32 v3, v17;
	v5 =	vadd.s32 v5, v61  }
0x2aa: {  	[tilespmem:$0xA30] =	vst v4;
	v2 =	vadd.s32 v2, v27;
	v3 =	vadd.s32 v3, v18;
	v4 =	vadd.s32 v5, v7  }
0x2ab: {  	[tilespmem:$0xA20] =	vst v50;
	v2 =	vadd.s32 v2, v28;
	v3 =	vadd.s32 v3, v19;
	v4 =	vadd.s32 v4, v62  }
0x2ac: {  	[tilespmem:$0xA50] =	vst v2;
	v2 =	vadd.s32 v3, v20;
	v3 =	vadd.s32 v4, v8  }
0x2ad: {  	[tilespmem:$0xA60] =	vst v2;
	v2 =	vadd.s32 v3, v63  }
0x2ae: {  	s28 =	simm.s32 $0xA70;
	[tilespmem:$0xA70] =	vst v2  }
0x2af: {  	v4 =	vld [tilespmem:s28+$0x0];
	_ =	sdelay $0x4  }
0x2b0: {  	(xrf0) =	vadd.scan.msk.s32 $0xffff, v4;
	_ =	sdelay $0x5  }
0x2b1: {  	v2, _, _ =	vpop (xrf0)  }
0x2b2: {  	(v2sf) =	vpush v2, $0xF  }
0x2b3: {  	s29 =	simm.s32 $0xA60  }
0x2b4: {  	s30 =	simm.s32 $0xA50;
	v5 =	vld [tilespmem:s29+$0x0]  }
0x2b5: {  	v2 =	vld [tilespmem:s30+$0x0];
	_ =	sdelay $0x3  }
0x2b6: {  	(xrf0) =	vadd.scan.msk.s32 $0xffff, v5  }
0x2b7: {  	(xrf0) =	vadd.scan.msk.s32 $0xffff, v2;
	_ =	sdelay $0x4  }
0x2b8: {  	s31 =	simm.s32 $0xA40;
	v6, _, _ =	vpop (xrf0)  }
0x2b9: {  	v3 =	vld [tilespmem:s31+$0x0];
	(v2sf) =	vpush v6, $0xF;
	v7, _, _ =	vpop (xrf0)  }
0x2ba: {  	s15 =	spop (v2sf);
	(v2sf) =	vpush v7, $0xF;
	_ =	sdelay $0x2  }
0x2bb: {  	s16 =	simm.s32 $0x0;
	p2 =	por $0x0, $0x0  }
0x2bc: {  	s13 =	simm.s32 $0xF;
	s11 =	simm.s32 $0xC;
	s14 =	simm.s32 $0xA30;
	(xrf0) =	vadd.scan.msk.s32 $0xffff, v3  }
0x2bd: {  	s18 =	simm.s32 $0xA;
	s19 =	simm.s32 $0xA20;
	s10 =	simm.s32 $0xE;
	v6 =	vld [tilespmem:s14+$0x0]  }
0x2be: {  	s9 =	simm.s32 $0xD;
	s7 =	simm.s32 $0xB;
	p1 =	por !p2, !p2  }
0x2bf: {  	s14 =	simm.s32 $0x0;
	v7 =	vimm.s32 $0x0;
	s17 =	sadd.s32 $0x0, s15;
	s15 =	simm.s32 $0x0  }
.LBB2_3:
0x2c0: {  	s20 =	smov.u32 s16;
	p3 =	sne.s32 s18, $0x0  }
0x2c1: {  	p4 =	sgt.s32 s17, $0x2CCB;
	s21 =	smov.u32 s7;
	s7 =	smov.u32 s18  }
0x2c2: {  	v9 =	vmov v6;
	s18 =	sadd.s32 $0xFFFFFFFF, s18;
	s22 =	smov.u32 s16;
	s16 =	smov.u32 s17;
	(xrf0) =	vadd.scan.msk.s32 $0xffff, v6;
	v8, _, _ =	vpop (xrf0)  }
.Ltmp2:
0x2c3: {  	p5 =	por !p4, !p1;
	p2 =	por p2, p4;
	v6 =	vld [tilespmem:s19+$0x0];
	(v2sf) =	vpush v8, $0xF;
	(pc) =	sbr.rel @p3 .LBB2_3-.Ltmp2, $4  }
0x2c4: {  	p1 =	por !p2, !p2;
	p4 =	por !p5, !p5;
	s16 =	smov.u32 @p2 s20  }
0x2c5: {  	s15 =	smov.u32 @p4 s22;
	s14 =	smov.u32 @p4 s13;
	v7 =	vpsel p4, v4, v7;
	v4 =	vmovc v5;
	v5 =	vmovc v2;
	v2 =	vmov v3;
	v3 =	vmov v9;
	s13 =	smov.u32 s10  }
0x2c6: {  	s10 =	smov.u32 s9;
	s9 =	smov.u32 s11;
	s17 =	spop (v2sf)  }
0x2c7: {  	s19 =	sadd.s32 $0xFFFFFFF0, s19;
	s11 =	smov.u32 s21;
	s17 =	sadd.s32 s16, s17  }
0x2c8: {  	(xrf0) =	vadd.scan.msk.s32 $0xffff, v6;
	_ =	sdelay $0x1  }
0x2c9: {  	v8, _, _ =	vpop (xrf0);
	p0 =	sgt.s32 s17, $0x2CCB  }
0x2ca: {  	(v2sf) =	vpush v8, $0xF;
	p2 =	por p2, p0  }
0x2cb: {  	s18 =	spop (v2sf);
	s17 =	smov.u32 @p2 s16  }
0x2cc: {  	s18 =	sadd.s32 s17, s18  }
0x2cd: {  	p5 =	sgt.s32 s18, $0x2CCB;
	v59, _, _ =	vpop (xrf0)  }
0x2ce: {  	p6 =	por p2, p5;
	p2 =	por !p2, !p2;
	(v2sf) =	vpush v59, $0xF  }
0x2cf: {  	s21 =	simm.s32 @!p2 $0x0  }
0x2d0: {  	s21 =	simm.s32 @p2 $0x1  }
0x2d1: {  	[smem:$0x7FA] =	sst s21  }
0x2d2: {  	s21 =	sld [smem:$0x7FA];
	_ =	sdelay $0x1  }
0x2d3: {  	p1 =	por !p0, !p1  }
0x2d4: {  	s18 =	smov.u32 @p6 s17;
	s19 =	spop (v2sf);
	p0 =	seq.s32 s21, $0x1  }
0x2d5: {  	s19 =	sadd.s32 s18, s19;
	p0 =	por !p5, !p0  }
0x2d6: {  	p4 =	sgt.s32 s19, $0x2CCB;
	s21 =	simm.s32 @!p0 $0x0  }
0x2d7: {  	p3 =	por p6, p4;
	p6 =	por !p6, !p6;
	s21 =	simm.s32 @p0 $0x1  }
0x2d8: {  	s19 =	smov.u32 @p3 s18;
	s20 =	spop (v2sf);
	[smem:$0x7FB] =	sst s21  }
0x2d9: {  	p0 =	por !p1, !p1;
	s20 =	sadd.s32 s19, s20;
	s30 =	sld [smem:$0x7FB]  }
0x2da: {  	p6 =	por !p4, !p6;
	s22 =	simm.s32 @!p0 $0x0;
	p2 =	sgt.s32 s20, $0x2CCB  }
0x2db: {  	s22 =	simm.s32 @p0 $0x1;
	p5 =	por p3, p2;
	p3 =	por !p3, !p3  }
0x2dc: {  	s20 =	smov.u32 @p5 s19;
	p4 =	seq.s32 s30, $0x1;
	s29 =	spop (v2sf)  }
0x2dd: {  	v4 =	vpsel p0, v4, v7;
	p2 =	por !p2, !p3;
	p0 =	por !p4, !p4;
	s21 =	sadd.s32 s20, s29  }
0x2de: {  	v60 =	vlaneseq.u32;
	p3 =	por !p6, !p6;
	p6 =	por !p5, !p5;
	v4 =	vpsel p0, v5, v4;
	p1 =	sgt.s32 s21, $0x2CCB  }
0x2df: {  	v61 =	vmul.u32 $0xFFFFFFFF, v60;
	p4 =	por !p2, !p2;
	v2 =	vpsel p3, v2, v4;
	p1 =	por !p1, !p6  }
0x2e0: {  	v2 =	vpsel p4, v3, v2;
	p5 =	por !p1, !p1  }
0x2e1: {  	v3 =	vadd.s32 $0xF, v61;
	v2 =	vpsel p5, v6, v2  }
0x2e2: {  	[smem:$0x7FC] =	sst s22;
	v4 =	vperm.xlane v2, v3  }
0x2e3: {  	s31 =	sld [smem:$0x7FC]  }
0x2e4: {  	(xrf0) =	vadd.scan.msk.s32 $0xffff, v4;
	_ =	sdelay $0x1  }
0x2e5: {  	p1 =	seq.s32 s31, $0x1  }
0x2e6: {  	s15 =	smov.u32 @p1 s16  }
0x2e7: {  	s15 =	smov.u32 @p0 s17  }
0x2e8: {  	s15 =	smov.u32 @p3 s18  }
0x2e9: {  	s15 =	smov.u32 @p4 s19;
	v4, _, _ =	vpop (xrf0)  }
0x2ea: {  	s15 =	smov.u32 @p5 s20;
	v3 =	vperm.xlane v4, v3  }
0x2eb: {  	s15 =	ssub.s32 $0x2CCC, s15  }
0x2ec: {  	vm0 =	vge.s32 v3, s15  }
0x2ed: {  	v62 =	vmpcnt.ones.xlane vm0;
	_ =	sdelay $0x1  }
0x2ee: {  	(v2sf) =	vpush v62, $0x0;
	_ =	sdelay $0xe  }
0x2ef: {  	s22 =	spop (v2sf)  }
0x2f0: {  	s16 =	sadd.s32 $0xFFFFFFFF, s22  }
0x2f1: {  	v63 =	vmov s16  }
0x2f2: {  	vm14 =	veq.s32 v63, v60  }
0x2f3: {  	v3 =	vnsel vm14, $0x0, v3  }
0x2f4: {  	v2 =	vnsel vm14, $0x0, v2;
	(xrf0) =	vadd.scan.msk.s32 $0xffff, v3  }
0x2f5: {  	(xrf0) =	vadd.scan.msk.s32 $0xffff, v2;
	_ =	sdelay $0x4  }
0x2f6: {  	v2, _, _ =	vpop (xrf0)  }
0x2f7: {  	(v2sf) =	vpush v2, $0xF;
	v2, _, _ =	vpop (xrf0)  }
0x2f8: {  	(v2sf) =	vpush v2, $0xF;
	_ =	sdelay $0xa  }
0x2f9: {  	s14 =	smov.u32 @p1 s13  }
0x2fa: {  	s14 =	smov.u32 @p0 s10  }
0x2fb: {  	s14 =	smov.u32 @p3 s9  }
0x2fc: {  	s14 =	smov.u32 @p4 s11;
	s23 =	spop (v2sf)  }
0x2fd: {  	s14 =	smov.u32 @p5 s7;
	s24 =	spop (v2sf);
	s9 =	ssub.s32 s15, s23  }
0x2fe: {  	s25 =	sshll.u32 s14, $0x1C;
	s26 =	sshll.u32 s16, $0x18;
	s7 =	sadd.s32 s24, s9  }
0x2ff: {  	vm15 =	veq.s32 v60, $0x0;
	s28 =	sadd.s32 s25, s26;
	v2 =	vmov s7  }
0x300: {  	v2 =	vsel vm15, s28, v2  }
0x301: {  	s30 =	simm.s32 $0x1;
	s29 =	simm.s32 $0x1C80;
	[tilespmem:$0x1C80] =	vst v2  }
0x302: {  	[spmem:s3] =	stream.linear.scatter [tilespmem:s29], [sflag:$0x1], $0x80, $0x38;
	[tilespmem:$0x2118] =	vst v63  }
0x303: {  	_ =	swait.ge [sflag:s30], $0x80  }
0x304: {  	s31 =	sld [smem:$0x7FD];
	_ =	sdelay $0x1  }
0x305: {  	[sflag:s30] =	ssyncset.done $0x0  }
0x306: {  	[sflag:s30] =	ssyncadd.s32 $0xFFFFFF80;
	p2 =	seq.s32 s31, $0x1  }
.LBB2_5:
0x307: {  	[bflag:$0x0] =	sbarrier.arrive $0xFFFF;
	s7 =	simm.s32 $0x1C80  }
0x308: {  	[tilespmem:s7], [sflag:$0x1] =	stream.linear.gather [spmem:s3], $0x80, $0x38;
	[tilespmem:$0x2118] =	vst v63  }
0x309: {  	_ =	swait.ge [sflag:s5], $0x80  }
0x30a: {  	[sflag:s5] =	ssyncset.done $0x0  }
0x30b: {  	[sflag:s5] =	ssyncadd.s32 $0xFFFFFF80  }
0x30c: {  	[tilespmem:$0x800] =	vst v1  }
0x30d: {  	[tilespmem:$0x810] =	vst v1  }
0x30e: {  	[tilespmem:$0x820] =	vst v1  }
0x30f: {  	[tilespmem:$0x830] =	vst v1  }
0x310: {  	[tilespmem:$0x840] =	vst v1  }
0x311: {  	[tilespmem:$0x850] =	vst v1  }
0x312: {  	[tilespmem:$0x860] =	vst v1  }
0x313: {  	[tilespmem:$0x870] =	vst v1  }
0x314: {  	[tilespmem:$0x880] =	vst v1  }
0x315: {  	[tilespmem:$0x890] =	vst v1  }
0x316: {  	[tilespmem:$0x8A0] =	vst v1  }
0x317: {  	v2 =	vld [tilespmem:$0x1C80];
	[tilespmem:$0x8B0] =	vst v1  }
0x318: {  	[tilespmem:$0x8C0] =	vst v1  }
0x319: {  	s14 =	sadd.s32 $0x80, s6;
	s15 =	sadd.s32 $0x80, s4;
	[tilespmem:$0x8D0] =	vst v1  }
0x31a: {  	s11 =	sadd.s32 $0x80, s3;
	s10 =	sadd.s32 $0x100, s6;
	s9 =	sadd.s32 $0x100, s4;
	[tilespmem:$0x8E0] =	vst v1  }
0x31b: {  	s6 =	sadd.s32 $0x180, s6;
	v3 =	vlaneseq.u32;
	s7 =	sadd.s32 $0x100, s3;
	s5 =	sadd.s32 $0x180, s4;
	[tilespmem:$0x8F0] =	vst v1  }
0x31c: {  	v3 =	vor.u32 $0x100, v3;
	s4 =	sadd.s32 $0x180, s3;
	s3 =	sadd.s32 s12, s2;
	s12 =	simm.s32 $0x0;
	[tilespmem:$0x900] =	vst v1;
	v1 =	vbroadcast v2, $0x0  }
.LBB2_6:
0x31d: {  	s13 =	sshra.s32 s12, $0x2  }
0x31e: {  	v4 =	vld [tilespmem:s13+$0x400];
	_ =	sdelay $0x4  }
0x31f: {  	v5 =	vand.u32 $0xFF000000, v4;
	v4 =	vshrl.u32 v4, $0x10  }
0x320: {  	vm0 =	veq.s32 v5, v1;
	v4 =	vand.u32 $0xFF, v4  }
0x321: {  	v4 =	vsel vm0, v4, v3;
	_ =	sdelay $0x4  }
0x322: {  	[tilespmem:v4+s8+$0x0] =	vst.idx.add.s32.msk $0xffff, v0  }
0x323: {  	v4 =	vld [tilespmem:s13+$0x410];
	_ =	sdelay $0x4  }
0x324: {  	v5 =	vand.u32 $0xFF000000, v4;
	v4 =	vshrl.u32 v4, $0x10  }
0x325: {  	vm9 =	veq.s32 v5, v1;
	v4 =	vand.u32 $0xFF, v4  }
0x326: {  	v4 =	vsel vm9, v4, v3;
	_ =	sdelay $0x4  }
0x327: {  	[tilespmem:v4+s8+$0x0] =	vst.idx.add.s32.msk $0xffff, v0  }
0x328: {  	v4 =	vld [tilespmem:s13+$0x420];
	_ =	sdelay $0x4  }
0x329: {  	v5 =	vand.u32 $0xFF000000, v4;
	v4 =	vshrl.u32 v4, $0x10  }
0x32a: {  	vm10 =	veq.s32 v5, v1;
	v4 =	vand.u32 $0xFF, v4  }
0x32b: {  	v4 =	vsel vm10, v4, v3;
	_ =	sdelay $0x4  }
0x32c: {  	[tilespmem:v4+s8+$0x0] =	vst.idx.add.s32.msk $0xffff, v0  }
0x32d: {  	v4 =	vld [tilespmem:s13+$0x430];
	_ =	sdelay $0x4  }
0x32e: {  	v5 =	vand.u32 $0xFF000000, v4;
	v4 =	vshrl.u32 v4, $0x10  }
0x32f: {  	vm11 =	veq.s32 v5, v1;
	v4 =	vand.u32 $0xFF, v4  }
0x330: {  	v4 =	vsel vm11, v4, v3;
	_ =	sdelay $0x4  }
0x331: {  	[tilespmem:v4+s8+$0x0] =	vst.idx.add.s32.msk $0xffff, v0  }
0x332: {  	v4 =	vld [tilespmem:s13+$0x440];
	_ =	sdelay $0x4  }
0x333: {  	v5 =	vand.u32 $0xFF000000, v4;
	v4 =	vshrl.u32 v4, $0x10  }
0x334: {  	vm12 =	veq.s32 v5, v1;
	v4 =	vand.u32 $0xFF, v4  }
0x335: {  	v4 =	vsel vm12, v4, v3;
	_ =	sdelay $0x4  }
0x336: {  	[tilespmem:v4+s8+$0x0] =	vst.idx.add.s32.msk $0xffff, v0  }
0x337: {  	v4 =	vld [tilespmem:s13+$0x450];
	_ =	sdelay $0x4  }
0x338: {  	v5 =	vand.u32 $0xFF000000, v4;
	v4 =	vshrl.u32 v4, $0x10  }
0x339: {  	vm13 =	veq.s32 v5, v1;
	v4 =	vand.u32 $0xFF, v4  }
0x33a: {  	v4 =	vsel vm13, v4, v3;
	_ =	sdelay $0x4  }
0x33b: {  	[tilespmem:v4+s8+$0x0] =	vst.idx.add.s32.msk $0xffff, v0  }
0x33c: {  	v4 =	vld [tilespmem:s13+$0x460];
	_ =	sdelay $0x4  }
0x33d: {  	v5 =	vand.u32 $0xFF000000, v4;
	v4 =	vshrl.u32 v4, $0x10  }
0x33e: {  	vm14 =	veq.s32 v5, v1;
	v4 =	vand.u32 $0xFF, v4  }
0x33f: {  	v4 =	vsel vm14, v4, v3;
	_ =	sdelay $0x4  }
0x340: {  	[tilespmem:v4+s8+$0x0] =	vst.idx.add.s32.msk $0xffff, v0  }
0x341: {  	v4 =	vld [tilespmem:s13+$0x470];
	_ =	sdelay $0x4  }
0x342: {  	v5 =	vand.u32 $0xFF000000, v4;
	v4 =	vshrl.u32 v4, $0x10  }
0x343: {  	vm15 =	veq.s32 v5, v1;
	v4 =	vand.u32 $0xFF, v4  }
0x344: {  	p0 =	sne.s32 s12, $0xE00;
	v4 =	vsel vm15, v4, v3  }
.Ltmp3:
0x345: {  	_ = 	snop;
	(pc) =	sbr.rel @p0 .LBB2_6-.Ltmp3, $2  }
0x346: {  	_ =	sdelay $0x2  }
0x347: {  	s12 =	sadd.s32 $0x200, s12;
	[tilespmem:v4+s8+$0x0] =	vst.idx.add.s32.msk $0xffff, v0  }
0x348: {  	(v2sf) =	vpush v2, $0x0  }
0x349: {  	(v2sf) =	vpush v2, $0x1;
	_ =	sdelay $0xb  }
0x34a: {  	s16 =	simm.s32 $0x80;
	s17 =	simm.s32 $0x200;
	s8 =	simm.s32 $0x800  }
0x34b: {  	[spmem:s14] =	stream.strided.scatter [tilespmem:s8], [sflag:$0x1], $0x100, s17, s16, $0x38;
	[tilespmem:$0x2118] =	vst v63  }
0x34c: {  	s13 =	spop (v2sf)  }
0x34d: {  	s12 =	simm.s32 $0x1;
	s14 =	spop (v2sf)  }
.Ltmp4:
0x34e: {  	_ =	swait.ge [sflag:s12], $0x100;
	(pc) =	sbr.rel @p2 .LBB2_11-.Ltmp4, $3  }
0x34f: {  	[sflag:s12] =	ssyncset.done $0x0  }
0x350: {  	[sflag:s12] =	ssyncadd.s32 $0xFFFFFF00  }
0x351: {  	[bflag:$0x0] =	sbarrier.arrive $0xFFFF;
	_ =	sdelay $0x1  }
0x352: {  	s18 =	simm.s32 $0xA80  }
0x353: {  	[tilespmem:s18], [sflag:$0x1] =	stream.strided.gather [spmem:s15], $0x1000, s17, s16, $0x38;
	[tilespmem:$0x2118] =	vst v63  }
0x354: {  	_ =	swait.ge [sflag:s12], $0x1000  }
0x355: {  	[sflag:s12] =	ssyncset.done $0x0  }
0x356: {  	[sflag:s12] =	ssyncadd.s32 $0xFFFFF000  }
0x357: {  	v0 =	vld [tilespmem:$0x1090];
	_ =	sdelay $0x3  }
0x358: {  	v12 =	vld [tilespmem:$0xA80]  }
0x359: {  	[tilespmem:$0x1F060] =	vst v0;
	v0 =	vld [tilespmem:$0x1190]  }
0x35a: {  	v9 =	vld [tilespmem:$0xB80]  }
0x35b: {  	v13 =	vld [tilespmem:$0xC80]  }
0x35c: {  	v15 =	vld [tilespmem:$0xD80]  }
0x35d: {  	v17 =	vld [tilespmem:$0xE80]  }
0x35e: {  	[tilespmem:$0x1F070] =	vst v0;
	v0 =	vld [tilespmem:$0x1290]  }
0x35f: {  	v18 =	vld [tilespmem:$0xF80]  }
0x360: {  	v21 =	vld [tilespmem:$0x1080]  }
0x361: {  	v59 =	vld [tilespmem:$0x1180]  }
0x362: {  	v62 =	vld [tilespmem:$0x1280]  }
0x363: {  	[tilespmem:$0x1F080] =	vst v0;
	v0 =	vld [tilespmem:$0x1390]  }
0x364: {  	v24 =	vld [tilespmem:$0x1380]  }
0x365: {  	v27 =	vld [tilespmem:$0x1480]  }
0x366: {  	v28 =	vld [tilespmem:$0x1580]  }
0x367: {  	v30 =	vld [tilespmem:$0x1680]  }
0x368: {  	[tilespmem:$0x1F090] =	vst v0;
	v0 =	vld [tilespmem:$0x1490]  }
0x369: {  	v36 =	vld [tilespmem:$0x1780]  }
0x36a: {  	v40 =	vld [tilespmem:$0x1880]  }
0x36b: {  	v48 =	vld [tilespmem:$0x1980]  }
0x36c: {  	v37 =	vld [tilespmem:$0xA90]  }
0x36d: {  	[tilespmem:$0x1F0A0] =	vst v0;
	v0 =	vld [tilespmem:$0x1590]  }
0x36e: {  	v31 =	vld [tilespmem:$0xB90]  }
0x36f: {  	v41 =	vld [tilespmem:$0xC90]  }
0x370: {  	v47 =	vld [tilespmem:$0xD90]  }
0x371: {  	v54 =	vld [tilespmem:$0xE90]  }
0x372: {  	v61 =	vld [tilespmem:$0xF90];
	[tilespmem:$0x1F0C0] =	vst v0  }
0x373: {  	v0 =	vld [tilespmem:$0x1690]  }
0x374: {  	v10 =	vld [tilespmem:$0xAA0]  }
0x375: {  	v6 =	vld [tilespmem:$0xBA0]  }
0x376: {  	v11 =	vld [tilespmem:$0xCA0]  }
0x377: {  	v19 =	vld [tilespmem:$0xDA0]  }
0x378: {  	v23 =	vld [tilespmem:$0xEA0]  }
0x379: {  	v29 =	vld [tilespmem:$0xFA0]  }
0x37a: {  	v42 =	vld [tilespmem:$0x10A0]  }
0x37b: {  	v50 =	vld [tilespmem:$0x11A0]  }
0x37c: {  	v56 =	vld [tilespmem:$0x12A0]  }
0x37d: {  	v1 =	vld [tilespmem:$0xAB0]  }
0x37e: {  	v2 =	vld [tilespmem:$0xCB0]  }
0x37f: {  	v3 =	vld [tilespmem:$0xDB0]  }
0x380: {  	v4 =	vld [tilespmem:$0xEB0]  }
0x381: {  	v7 =	vld [tilespmem:$0xFB0]  }
0x382: {  	v16 =	vld [tilespmem:$0x10B0]  }
0x383: {  	v22 =	vld [tilespmem:$0x11B0]  }
0x384: {  	v25 =	vld [tilespmem:$0x12B0]  }
0x385: {  	v32 =	vld [tilespmem:$0x13B0]  }
0x386: {  	v45 =	vld [tilespmem:$0x14B0]  }
0x387: {  	v51 =	vld [tilespmem:$0x15B0]  }
0x388: {  	v57 =	vld [tilespmem:$0x16B0]  }
0x389: {  	v5 =	vld [tilespmem:$0x17B0]  }
0x38a: {  	v38 =	vld [tilespmem:$0xAD0]  }
0x38b: {  	v33 =	vld [tilespmem:$0xBD0]  }
0x38c: {  	v43 =	vld [tilespmem:$0xCD0]  }
0x38d: {  	v49 =	vld [tilespmem:$0xDD0]  }
0x38e: {  	v55 =	vld [tilespmem:$0xED0]  }
0x38f: {  	v8 =	vld [tilespmem:$0xAE0]  }
0x390: {  	v14 =	vld [tilespmem:$0xCE0]  }
0x391: {  	v20 =	vld [tilespmem:$0xDE0]  }
0x392: {  	v26 =	vld [tilespmem:$0xEE0]  }
0x393: {  	v34 =	vld [tilespmem:$0xFE0]  }
0x394: {  	v46 =	vld [tilespmem:$0x10E0]  }
0x395: {  	v52 =	vld [tilespmem:$0x11E0]  }
0x396: {  	v58 =	vld [tilespmem:$0x12E0]  }
0x397: {  	v35 =	vld [tilespmem:$0x13E0]  }
0x398: {  	v44 =	vld [tilespmem:$0x14E0]  }
0x399: {  	v53 =	vld [tilespmem:$0x15E0]  }
0x39a: {  	v9 =	vadd.s32 v12, v9;
	v60 =	vld [tilespmem:$0x16E0]  }
0x39b: {  	v9 =	vadd.s32 v9, v13;
	v63 =	vld [tilespmem:$0x17E0]  }
0x39c: {  	v9 =	vadd.s32 v9, v15;
	v39 =	vld [tilespmem:$0x18E0]  }
0x39d: {  	v9 =	vadd.s32 v9, v17;
	v17 =	vld [tilespmem:$0x1920]  }
0x39e: {  	v9 =	vadd.s32 v9, v18;
	v18 =	vld [tilespmem:$0x1A20]  }
0x39f: {  	v9 =	vadd.s32 v9, v21;
	v21 =	vld [tilespmem:$0xB30]  }
0x3a0: {  	v9 =	vadd.s32 v9, v59;
	v59 =	vld [tilespmem:$0xC30]  }
0x3a1: {  	v9 =	vadd.s32 v9, v62;
	v62 =	vld [tilespmem:$0xD30]  }
0x3a2: {  	v9 =	vadd.s32 v9, v24;
	v24 =	vld [tilespmem:$0xE30]  }
0x3a3: {  	v9 =	vadd.s32 v9, v27;
	v27 =	vld [tilespmem:$0xF30]  }
0x3a4: {  	v9 =	vadd.s32 v9, v28;
	v28 =	vld [tilespmem:$0x1030]  }
0x3a5: {  	v9 =	vadd.s32 v9, v30;
	v30 =	vld [tilespmem:$0x1130]  }
0x3a6: {  	v12 =	vld [tilespmem:$0xF40]  }
0x3a7: {  	v13 =	vld [tilespmem:$0x1040]  }
0x3a8: {  	v15 =	vld [tilespmem:$0x1140]  }
0x3a9: {  	[tilespmem:$0x1F0E0] =	vst v0;
	v0 =	vld [tilespmem:$0x1790]  }
0x3aa: {  	[tilespmem:$0x1F160] =	vst v5;
	v5 =	vld [tilespmem:$0x18B0]  }
0x3ab: {  	[tilespmem:$0x1F2F0] =	vst v44;
	v44 =	vld [tilespmem:$0x19E0]  }
0x3ac: {  	[tilespmem:$0x1F320] =	vst v53;
	v53 =	vld [tilespmem:$0xAF0]  }
0x3ad: {  	[tilespmem:$0x1F350] =	vst v60;
	v60 =	vld [tilespmem:$0xBF0]  }
0x3ae: {  	[tilespmem:$0x1F380] =	vst v63;
	v63 =	vld [tilespmem:$0xCF0]  }
0x3af: {  	[tilespmem:$0x1F3A0] =	vst v39;
	v39 =	vld [tilespmem:$0xDF0]  }
0x3b0: {  	[tilespmem:$0x1F2C0] =	vst v35;
	v35 =	vld [tilespmem:$0xC10]  }
0x3b1: {  	[tilespmem:$0x1F6A0] =	vst v21;
	v21 =	vld [tilespmem:$0x1430]  }
0x3b2: {  	v9 =	vadd.s32 v9, v36;
	v6 =	vadd.s32 v10, v6;
	v10 =	vld [tilespmem:$0xD40]  }
0x3b3: {  	v9 =	vadd.s32 v9, v40;
	[tilespmem:$0x1F7D0] =	vst v17;
	v17 =	vadd.s32 v37, v31;
	v6 =	vadd.s32 v6, v11;
	v11 =	vld [tilespmem:$0xE40]  }
0x3b4: {  	v9 =	vadd.s32 v9, v48;
	[tilespmem:$0x1F7E0] =	vst v18;
	v18 =	vadd.s32 v17, v41;
	v17 =	vld [tilespmem:$0x1340]  }
0x3b5: {  	[tilespmem:$0x1F800] =	vst v9;
	v9 =	vadd.s32 v18, v47;
	v18 =	vld [tilespmem:$0x1440]  }
0x3b6: {  	v6 =	vadd.s32 v6, v19;
	v19 =	vld [tilespmem:$0x1640]  }
0x3b7: {  	[tilespmem:$0x1F100] =	vst v0;
	v0 =	vld [tilespmem:$0x1890]  }
0x3b8: {  	[tilespmem:$0x1F180] =	vst v5;
	v5 =	vld [tilespmem:$0x19B0]  }
0x3b9: {  	[tilespmem:$0x1F3D0] =	vst v44;
	v44 =	vld [tilespmem:$0xEF0]  }
0x3ba: {  	[tilespmem:$0x1F3B0] =	vst v53;
	v53 =	vld [tilespmem:$0xFF0]  }
0x3bb: {  	[tilespmem:$0x1F3C0] =	vst v60;
	v60 =	vld [tilespmem:$0x10F0]  }
0x3bc: {  	[tilespmem:$0x1F3E0] =	vst v63;
	v63 =	vld [tilespmem:$0x11F0]  }
0x3bd: {  	[tilespmem:$0x1F410] =	vst v39;
	v39 =	vld [tilespmem:$0x12F0]  }
0x3be: {  	[tilespmem:$0x1F780] =	vst v21;
	v21 =	vld [tilespmem:$0x1840]  }
0x3bf: {  	[tilespmem:$0x1F120] =	vst v0;
	v0 =	vld [tilespmem:$0x1990]  }
0x3c0: {  	[tilespmem:$0x1F1B0] =	vst v5;
	v5 =	vld [tilespmem:$0xAC0]  }
0x3c1: {  	[tilespmem:$0x1F430] =	vst v44;
	v44 =	vld [tilespmem:$0x13F0]  }
0x3c2: {  	[tilespmem:$0x1F450] =	vst v53;
	v53 =	vld [tilespmem:$0x14F0]  }
0x3c3: {  	[tilespmem:$0x1F470] =	vst v60;
	v60 =	vld [tilespmem:$0x15F0]  }
0x3c4: {  	[tilespmem:$0x1F490] =	vst v63;
	v63 =	vld [tilespmem:$0x16F0]  }
0x3c5: {  	[tilespmem:$0x1F4C0] =	vst v39;
	v39 =	vld [tilespmem:$0x17F0]  }
0x3c6: {  	[tilespmem:$0x1F140] =	vst v0;
	v0 =	vld [tilespmem:$0x13A0]  }
0x3c7: {  	[tilespmem:$0x1F190] =	vst v5;
	v5 =	vld [tilespmem:$0xBC0]  }
0x3c8: {  	[tilespmem:$0x1F4F0] =	vst v44;
	v44 =	vld [tilespmem:$0x18F0]  }
0x3c9: {  	[tilespmem:$0x1F520] =	vst v53;
	v53 =	vld [tilespmem:$0x19F0]  }
0x3ca: {  	[tilespmem:$0x1F550] =	vst v60;
	v60 =	vld [tilespmem:$0xB00]  }
0x3cb: {  	[tilespmem:$0x1F580] =	vst v63;
	v63 =	vld [tilespmem:$0xC00]  }
0x3cc: {  	[tilespmem:$0x1F5B0] =	vst v39;
	v39 =	vld [tilespmem:$0xD00]  }
0x3cd: {  	[tilespmem:$0x1F0B0] =	vst v0;
	v0 =	vld [tilespmem:$0x14A0]  }
0x3ce: {  	[tilespmem:$0x1F1A0] =	vst v5;
	v5 =	vld [tilespmem:$0xCC0]  }
0x3cf: {  	[tilespmem:$0x1F5E0] =	vst v44;
	v44 =	vld [tilespmem:$0xE00]  }
0x3d0: {  	[tilespmem:$0x1F610] =	vst v53;
	v53 =	vld [tilespmem:$0xF00]  }
0x3d1: {  	[tilespmem:$0x1F3F0] =	vst v60;
	v60 =	vld [tilespmem:$0x1000]  }
0x3d2: {  	[tilespmem:$0x1F400] =	vst v63;
	v63 =	vld [tilespmem:$0x1100]  }
0x3d3: {  	[tilespmem:$0x1F420] =	vst v39;
	v39 =	vld [tilespmem:$0x1200]  }
0x3d4: {  	[tilespmem:$0x1F6D0] =	vst v24;
	v24 =	vld [tilespmem:$0x1F1A0]  }
0x3d5: {  	[tilespmem:$0x1F0D0] =	vst v0;
	v0 =	vld [tilespmem:$0x15A0]  }
0x3d6: {  	[tilespmem:$0x1F1C0] =	vst v5;
	v5 =	vld [tilespmem:$0xDC0]  }
0x3d7: {  	[tilespmem:$0x1F440] =	vst v44;
	v44 =	vld [tilespmem:$0x1300]  }
0x3d8: {  	[tilespmem:$0x1F4A0] =	vst v63;
	v63 =	vld [tilespmem:$0x1600]  }
0x3d9: {  	[tilespmem:$0x1F460] =	vst v53;
	v53 =	vld [tilespmem:$0x1400]  }
0x3da: {  	[tilespmem:$0x1F480] =	vst v60;
	v60 =	vld [tilespmem:$0x1500]  }
0x3db: {  	[tilespmem:$0x1F4D0] =	vst v39;
	v39 =	vld [tilespmem:$0x1700]  }
0x3dc: {  	[tilespmem:$0x1F6F0] =	vst v27;
	v27 =	vld [tilespmem:$0x1F1C0]  }
0x3dd: {  	[tilespmem:$0x1F590] =	vst v63;
	v63 =	vld [tilespmem:$0x1010]  }
0x3de: {  	[tilespmem:$0x1F0F0] =	vst v0;
	v0 =	vld [tilespmem:$0x16A0]  }
0x3df: {  	[tilespmem:$0x1F1D0] =	vst v5;
	v5 =	vld [tilespmem:$0xEC0]  }
0x3e0: {  	[tilespmem:$0x1F500] =	vst v44;
	v44 =	vld [tilespmem:$0x1800]  }
0x3e1: {  	[tilespmem:$0x1F530] =	vst v53;
	v53 =	vld [tilespmem:$0x1900]  }
0x3e2: {  	[tilespmem:$0x1F4B0] =	vst v63;
	v63 =	vld [tilespmem:$0x1110]  }
0x3e3: {  	[tilespmem:$0x1F110] =	vst v0;
	v0 =	vld [tilespmem:$0x17A0]  }
0x3e4: {  	[tilespmem:$0x1F1E0] =	vst v5;
	v5 =	vld [tilespmem:$0xFC0]  }
0x3e5: {  	[tilespmem:$0x1F560] =	vst v60;
	v60 =	vld [tilespmem:$0x1A00]  }
0x3e6: {  	[tilespmem:$0x1F5C0] =	vst v39;
	v39 =	vld [tilespmem:$0xB10]  }
0x3e7: {  	[tilespmem:$0x1F4E0] =	vst v63;
	v63 =	vld [tilespmem:$0x1210]  }
0x3e8: {  	[tilespmem:$0x1F130] =	vst v0;
	v0 =	vld [tilespmem:$0x18A0]  }
0x3e9: {  	[tilespmem:$0x1F1F0] =	vst v5;
	v5 =	vld [tilespmem:$0x10C0]  }
0x3ea: {  	[tilespmem:$0x1F5F0] =	vst v44;
	v44 =	vld [tilespmem:$0xD10]  }
0x3eb: {  	[tilespmem:$0x1F620] =	vst v53;
	v53 =	vld [tilespmem:$0xE10]  }
0x3ec: {  	[tilespmem:$0x1F510] =	vst v63;
	v63 =	vld [tilespmem:$0x1310]  }
0x3ed: {  	[tilespmem:$0x1F150] =	vst v0;
	v0 =	vld [tilespmem:$0x19A0]  }
0x3ee: {  	[tilespmem:$0x1F200] =	vst v5;
	v5 =	vld [tilespmem:$0x11C0]  }
0x3ef: {  	[tilespmem:$0x1F640] =	vst v60;
	v60 =	vld [tilespmem:$0xF10]  }
0x3f0: {  	v31 =	vld [tilespmem:$0x1F1E0]  }
0x3f1: {  	[tilespmem:$0x1F540] =	vst v63;
	v63 =	vld [tilespmem:$0x1410]  }
0x3f2: {  	[tilespmem:$0x1F170] =	vst v0;
	v0 =	vld [tilespmem:$0xBB0]  }
0x3f3: {  	[tilespmem:$0x1F220] =	vst v5;
	v5 =	vld [tilespmem:$0x12C0]  }
0x3f4: {  	[tilespmem:$0x1F710] =	vst v28;
	v28 =	vadd.s32 v38, v33;
	v33 =	vld [tilespmem:$0x1F1F0]  }
0x3f5: {  	v36 =	vld [tilespmem:$0x1F200]  }
0x3f6: {  	[tilespmem:$0x1F570] =	vst v63;
	v63 =	vld [tilespmem:$0x1510]  }
0x3f7: {  	v0 =	vadd.s32 v1, v0;
	v1 =	vld [tilespmem:$0x1530]  }
0x3f8: {  	[tilespmem:$0x1F240] =	vst v5;
	v5 =	vld [tilespmem:$0x13C0];
	v0 =	vadd.s32 v0, v2  }
0x3f9: {  	v0 =	vadd.s32 v0, v3;
	v3 =	vld [tilespmem:$0x1F060]  }
0x3fa: {  	v0 =	vadd.s32 v0, v4;
	v4 =	vld [tilespmem:$0x1F070]  }
0x3fb: {  	v38 =	vld [tilespmem:$0x1F220];
	[tilespmem:$0x1F5A0] =	vst v63  }
0x3fc: {  	v63 =	vld [tilespmem:$0x1610];
	[tilespmem:$0x1F7A0] =	vst v1;
	v1 =	vadd.s32 v9, v54  }
0x3fd: {  	[tilespmem:$0x1F260] =	vst v5;
	v5 =	vld [tilespmem:$0x14C0];
	v1 =	vadd.s32 v1, v61  }
0x3fe: {  	v2 =	vadd.s32 v6, v23;
	v6 =	vld [tilespmem:$0x1A30];
	v1 =	vadd.s32 v1, v3  }
0x3ff: {  	v1 =	vadd.s32 v1, v4;
	v4 =	vld [tilespmem:$0x1930]  }
0x400: {  	v41 =	vld [tilespmem:$0x1F240]  }
0x401: {  	[tilespmem:$0x1F5D0] =	vst v63;
	v63 =	vld [tilespmem:$0x1710]  }
0x402: {  	[tilespmem:$0x1F280] =	vst v5;
	v5 =	vld [tilespmem:$0x15C0]  }
0x403: {  	v23 =	vld [tilespmem:$0x1A40]  }
0x404: {  	[tilespmem:$0x1F7F0] =	vst v4;
	v4 =	vld [tilespmem:$0x1F080]  }
0x405: {  	v0 =	vadd.s32 v0, v7;
	v7 =	vld [tilespmem:$0x1F0A0]  }
0x406: {  	[tilespmem:$0x1F600] =	vst v63;
	v63 =	vld [tilespmem:$0x1810]  }
0x407: {  	[tilespmem:$0x1F2A0] =	vst v5;
	v5 =	vld [tilespmem:$0x16C0]  }
0x408: {  	v54 =	vld [tilespmem:$0x1630]  }
0x409: {  	v1 =	vadd.s32 v1, v4;
	v4 =	vld [tilespmem:$0x1F090]  }
0x40a: {  	v9 =	vld [tilespmem:$0xC40]  }
0x40b: {  	[tilespmem:$0x1F630] =	vst v63;
	v63 =	vld [tilespmem:$0x1910]  }
0x40c: {  	[tilespmem:$0x1F2D0] =	vst v5;
	v5 =	vld [tilespmem:$0x17C0]  }
0x40d: {  	v0 =	vadd.s32 v0, v16;
	v16 =	vld [tilespmem:$0x1240]  }
0x40e: {  	v61 =	vld [tilespmem:$0x1730];
	v1 =	vadd.s32 v1, v4  }
0x40f: {  	v1 =	vadd.s32 v1, v7;
	v7 =	vld [tilespmem:$0x1F0B0]  }
0x410: {  	v3 =	vadd.s32 v2, v29;
	[tilespmem:$0x1F650] =	vst v63;
	v63 =	vld [tilespmem:$0x1A10]  }
0x411: {  	v3 =	vadd.s32 v3, v42;
	[tilespmem:$0x1F300] =	vst v5;
	v5 =	vld [tilespmem:$0x18C0]  }
0x412: {  	v0 =	vadd.s32 v0, v22;
	v22 =	vld [tilespmem:$0x1940];
	v3 =	vadd.s32 v3, v50  }
0x413: {  	[tilespmem:$0x1F730] =	vst v30;
	v30 =	vadd.s32 v28, v43;
	v43 =	vld [tilespmem:$0x1F260];
	v3 =	vadd.s32 v3, v56  }
0x414: {  	v3 =	vadd.s32 v3, v7;
	v7 =	vld [tilespmem:$0x1F0C0]  }
0x415: {  	[tilespmem:$0x1F680] =	vst v63;
	v63 =	vld [tilespmem:$0xB20]  }
0x416: {  	[tilespmem:$0x1F330] =	vst v5;
	v5 =	vld [tilespmem:$0x19C0]  }
0x417: {  	v2 =	vld [tilespmem:$0x1830]  }
0x418: {  	v0 =	vadd.s32 v0, v25;
	v25 =	vld [tilespmem:$0x1F1B0]  }
0x419: {  	v1 =	vadd.s32 v1, v7;
	v7 =	vld [tilespmem:$0x1F0D0]  }
0x41a: {  	[tilespmem:$0x1F660] =	vst v63;
	v63 =	vld [tilespmem:$0xC20]  }
0x41b: {  	[tilespmem:$0x1F360] =	vst v5;
	v5 =	vld [tilespmem:$0xFD0]  }
0x41c: {  	v29 =	vld [tilespmem:$0x1F1D0]  }
0x41d: {  	v0 =	vadd.s32 v0, v32;
	v32 =	vadd.s32 v30, v49;
	v30 =	vld [tilespmem:$0x1F350]  }
0x41e: {  	v3 =	vadd.s32 v3, v7;
	v7 =	vld [tilespmem:$0x1F0E0]  }
0x41f: {  	[tilespmem:$0x1F670] =	vst v63;
	v63 =	vld [tilespmem:$0xD20]  }
0x420: {  	[tilespmem:$0x1F210] =	vst v5;
	v5 =	vld [tilespmem:$0x10D0]  }
0x421: {  	v50 =	vld [tilespmem:$0x1F2C0]  }
0x422: {  	v48 =	vld [tilespmem:$0x1F2A0]  }
0x423: {  	v1 =	vadd.s32 v1, v7;
	v7 =	vld [tilespmem:$0x1F0F0]  }
0x424: {  	[tilespmem:$0x1F690] =	vst v63;
	v63 =	vld [tilespmem:$0xE20]  }
0x425: {  	v0 =	vadd.s32 v0, v45;
	[tilespmem:$0x1F230] =	vst v5;
	v5 =	vld [tilespmem:$0x11D0]  }
0x426: {  	v0 =	vadd.s32 v0, v51;
	v51 =	vld [tilespmem:$0x1F2D0]  }
0x427: {  	v4 =	vld [tilespmem:$0xB40]  }
0x428: {  	v3 =	vadd.s32 v3, v7;
	v7 =	vld [tilespmem:$0x1F100]  }
0x429: {  	[tilespmem:$0x1F6B0] =	vst v63;
	v63 =	vld [tilespmem:$0xF20]  }
0x42a: {  	[tilespmem:$0x1F250] =	vst v5;
	v5 =	vld [tilespmem:$0x12D0]  }
0x42b: {  	v56 =	vld [tilespmem:$0x1F300]  }
0x42c: {  	v4 =	vadd.s32 v4, v9;
	v9 =	vld [tilespmem:$0x1260]  }
0x42d: {  	v1 =	vadd.s32 v1, v7;
	v7 =	vld [tilespmem:$0x1F110]  }
0x42e: {  	[tilespmem:$0x1F6C0] =	vst v63;
	v63 =	vld [tilespmem:$0x1020]  }
0x42f: {  	[tilespmem:$0x1F270] =	vst v5;
	v5 =	vld [tilespmem:$0x13D0]  }
0x430: {  	v4 =	vadd.s32 v4, v10;
	v10 =	vld [tilespmem:$0x1360]  }
0x431: {  	v4 =	vadd.s32 v4, v11;
	v11 =	vld [tilespmem:$0x1460]  }
0x432: {  	v3 =	vadd.s32 v3, v7;
	v7 =	vld [tilespmem:$0x1F120]  }
0x433: {  	[tilespmem:$0x1F6E0] =	vst v63;
	v63 =	vld [tilespmem:$0x1120]  }
0x434: {  	[tilespmem:$0x1F290] =	vst v5;
	v5 =	vld [tilespmem:$0x14D0]  }
0x435: {  	v28 =	vld [tilespmem:$0x1F330]  }
0x436: {  	v4 =	vadd.s32 v4, v12;
	v12 =	vld [tilespmem:$0x1560]  }
0x437: {  	v1 =	vadd.s32 v1, v7;
	v7 =	vld [tilespmem:$0x1F130]  }
0x438: {  	[tilespmem:$0x1F700] =	vst v63;
	v63 =	vld [tilespmem:$0x1220]  }
0x439: {  	[tilespmem:$0x1F2B0] =	vst v5;
	v5 =	vld [tilespmem:$0x15D0]  }
0x43a: {  	v4 =	vadd.s32 v4, v13;
	v13 =	vld [tilespmem:$0x1660]  }
0x43b: {  	v4 =	vadd.s32 v4, v15;
	v15 =	vld [tilespmem:$0x1760]  }
0x43c: {  	v7 =	vadd.s32 v3, v7;
	v3 =	vld [tilespmem:$0x1F140]  }
0x43d: {  	[tilespmem:$0x1F720] =	vst v63;
	v63 =	vld [tilespmem:$0x1320]  }
0x43e: {  	[tilespmem:$0x1F2E0] =	vst v5;
	v5 =	vld [tilespmem:$0x16D0]  }
0x43f: {  	v4 =	vadd.s32 v4, v16;
	v16 =	vld [tilespmem:$0x1860]  }
0x440: {  	v4 =	vadd.s32 v4, v17;
	v17 =	vld [tilespmem:$0x1960]  }
0x441: {  	v3 =	vadd.s32 v1, v3;
	v1 =	vld [tilespmem:$0x1F150]  }
0x442: {  	[tilespmem:$0x1F740] =	vst v63;
	v63 =	vld [tilespmem:$0x1420]  }
0x443: {  	[tilespmem:$0x1F310] =	vst v5;
	v5 =	vld [tilespmem:$0x17D0]  }
0x444: {  	v4 =	vadd.s32 v4, v18;
	v18 =	vld [tilespmem:$0x1A60]  }
0x445: {  	v37 =	vld [tilespmem:$0x1F210]  }
0x446: {  	v1 =	vadd.s32 v7, v1;
	v7 =	vld [tilespmem:$0x1F160]  }
0x447: {  	[tilespmem:$0x1F760] =	vst v63;
	v63 =	vld [tilespmem:$0x1520]  }
0x448: {  	[tilespmem:$0x1F340] =	vst v5;
	v5 =	vld [tilespmem:$0x18D0]  }
0x449: {  	v40 =	vld [tilespmem:$0x1F230]  }
0x44a: {  	v0 =	vadd.s32 v0, v57;
	v42 =	vld [tilespmem:$0x1F250]  }
0x44b: {  	v0 =	vadd.s32 v0, v7;
	v7 =	vld [tilespmem:$0x1F170]  }
0x44c: {  	[tilespmem:$0x1F770] =	vst v63;
	v63 =	vld [tilespmem:$0x1620]  }
0x44d: {  	[tilespmem:$0x1F370] =	vst v5;
	v5 =	vld [tilespmem:$0x19D0]  }
0x44e: {  	v45 =	vld [tilespmem:$0x1F270]  }
0x44f: {  	v47 =	vld [tilespmem:$0x1F290]  }
0x450: {  	v1 =	vadd.s32 v1, v7;
	v7 =	vld [tilespmem:$0x1F180]  }
0x451: {  	[tilespmem:$0x1F790] =	vst v63;
	v63 =	vld [tilespmem:$0x1720]  }
0x452: {  	[tilespmem:$0x1F390] =	vst v5;
	v5 =	vld [tilespmem:$0xBE0]  }
0x453: {  	v49 =	vld [tilespmem:$0x1F2B0]  }
0x454: {  	v57 =	vld [tilespmem:$0x1F310]  }
0x455: {  	v0 =	vadd.s32 v0, v7;
	v7 =	vld [tilespmem:$0x1F190]  }
0x456: {  	[tilespmem:$0x1F7B0] =	vst v63;
	v63 =	vld [tilespmem:$0x1820]  }
0x457: {  	v5 =	vadd.s32 v8, v5;
	v8 =	vadd.s32 v32, v55;
	v55 =	vld [tilespmem:$0x1F2F0]  }
0x458: {  	v32 =	vld [tilespmem:$0x1F360]  }
0x459: {  	v5 =	vadd.s32 v5, v14;
	v14 =	vld [tilespmem:$0x1540]  }
0x45a: {  	v8 =	vadd.s32 v8, v37;
	v37 =	vld [tilespmem:$0xC50]  }
0x45b: {  	v5 =	vadd.s32 v5, v20;
	v20 =	vld [tilespmem:$0x1740]  }
0x45c: {  	v8 =	vadd.s32 v8, v40;
	v40 =	vld [tilespmem:$0xD50]  }
0x45d: {  	v5 =	vadd.s32 v5, v26;
	v8 =	vadd.s32 v8, v42;
	v42 =	vld [tilespmem:$0x1F3A0]  }
0x45e: {  	v5 =	vadd.s32 v5, v34;
	v34 =	vld [tilespmem:$0x1F390]  }
0x45f: {  	v8 =	vadd.s32 v8, v45;
	v45 =	vld [tilespmem:$0x1F3C0]  }
0x460: {  	[tilespmem:$0x1F7C0] =	vst v63;
	v63 =	vld [tilespmem:$0x1230]  }
0x461: {  	v5 =	vadd.s32 v5, v46;
	v46 =	vld [tilespmem:$0x1F280]  }
0x462: {  	v7 =	vadd.s32 v7, v24;
	v8 =	vadd.s32 v8, v47;
	v47 =	vld [tilespmem:$0x1F3E0]  }
0x463: {  	v7 =	vadd.s32 v7, v27;
	v27 =	vld [tilespmem:$0x1750]  }
0x464: {  	v5 =	vadd.s32 v5, v52;
	v52 =	vld [tilespmem:$0x1F2E0]  }
0x465: {  	v7 =	vadd.s32 v7, v29;
	v29 =	vld [tilespmem:$0x1F340]  }
0x466: {  	v8 =	vadd.s32 v8, v49;
	v49 =	vld [tilespmem:$0x1F400]  }
0x467: {  	v7 =	vadd.s32 v7, v31;
	v31 =	vld [tilespmem:$0xB50]  }
0x468: {  	v5 =	vadd.s32 v5, v58;
	v58 =	vld [tilespmem:$0x1F320]  }
0x469: {  	v7 =	vadd.s32 v7, v33;
	v33 =	vld [tilespmem:$0x1F380]  }
0x46a: {  	v5 =	vadd.s32 v5, v50;
	v50 =	vld [tilespmem:$0x1F410]  }
0x46b: {  	v7 =	vadd.s32 v7, v36;
	v36 =	vld [tilespmem:$0x1050]  }
0x46c: {  	v5 =	vadd.s32 v5, v55;
	v55 =	vld [tilespmem:$0x1F430]  }
0x46d: {  	[tilespmem:$0x1F750] =	vst v63;
	v63 =	vld [tilespmem:$0x1330]  }
0x46e: {  	v7 =	vadd.s32 v7, v38;
	v38 =	vld [tilespmem:$0xF50]  }
0x46f: {  	v7 =	vadd.s32 v7, v41;
	v41 =	vld [tilespmem:$0xE50]  }
0x470: {  	v8 =	vadd.s32 v8, v52;
	v52 =	vadd.s32 v39, v35;
	v35 =	vld [tilespmem:$0x1F470]  }
0x471: {  	v39 =	vld [tilespmem:$0x1F480]  }
0x472: {  	v7 =	vadd.s32 v7, v43;
	v43 =	vld [tilespmem:$0x1F3B0]  }
0x473: {  	v8 =	vadd.s32 v8, v57;
	v57 =	vld [tilespmem:$0x1F450]  }
0x474: {  	v5 =	vadd.s32 v5, v58;
	v58 =	vld [tilespmem:$0x1F460]  }
0x475: {  	v26 =	vadd.s32 v52, v44;
	v44 =	vld [tilespmem:$0x1F4B0]  }
0x476: {  	v52 =	vld [tilespmem:$0x1F530]  }
0x477: {  	v7 =	vadd.s32 v7, v46;
	v46 =	vld [tilespmem:$0x1F3D0]  }
0x478: {  	v5 =	vadd.s32 v5, v30;
	v30 =	vld [tilespmem:$0x1450]  }
0x479: {  	v24 =	vadd.s32 v8, v29;
	v29 =	vld [tilespmem:$0x1550]  }
0x47a: {  	v26 =	vadd.s32 v26, v53;
	v53 =	vld [tilespmem:$0x1F540]  }
0x47b: {  	v7 =	vadd.s32 v7, v48;
	v48 =	vld [tilespmem:$0x1F3F0]  }
0x47c: {  	v5 =	vadd.s32 v5, v33;
	v33 =	vld [tilespmem:$0x1250]  }
0x47d: {  	v26 =	vadd.s32 v26, v60;
	v60 =	vld [tilespmem:$0x1F590]  }
0x47e: {  	v7 =	vadd.s32 v7, v51;
	v51 =	vld [tilespmem:$0x1F420]  }
0x47f: {  	v5 =	vadd.s32 v5, v42;
	v42 =	vld [tilespmem:$0x1F490]  }
0x480: {  	v7 =	vadd.s32 v7, v56;
	v56 =	vld [tilespmem:$0x1F440]  }
0x481: {  	v7 =	vadd.s32 v7, v28;
	v28 =	vld [tilespmem:$0x1650]  }
0x482: {  	v26 =	vadd.s32 v26, v44;
	v44 =	vld [tilespmem:$0xC60]  }
0x483: {  	v8 =	vadd.s32 v7, v32;
	v7 =	vld [tilespmem:$0x1F370]  }
0x484: {  	v32 =	vld [tilespmem:$0x1350]  }
0x485: {  	v5 =	vadd.s32 v5, v46;
	v46 =	vld [tilespmem:$0x1F4D0]  }
0x486: {  	v0 =	vadd.s32 v0, v25;
	v25 =	vadd.s32 v48, v49;
	v48 =	vld [tilespmem:$0x1F4F0]  }
0x487: {  	v49 =	vld [tilespmem:$0x1F500]  }
0x488: {  	[tilespmem:$0x9E0] =	vst v5;
	v5 =	vld [tilespmem:$0x1770]  }
0x489: {  	v25 =	vadd.s32 v25, v51;
	v51 =	vld [tilespmem:$0x1F520]  }
0x48a: {  	v25 =	vadd.s32 v25, v56;
	v56 =	vld [tilespmem:$0x1F560]  }
0x48b: {  	v25 =	vadd.s32 v25, v58;
	v58 =	vld [tilespmem:$0x1F580]  }
0x48c: {  	v7 =	vadd.s32 v24, v7;
	v24 =	vadd.s32 v43, v45;
	v43 =	vld [tilespmem:$0x1F4A0]  }
0x48d: {  	v45 =	vld [tilespmem:$0x1F4C0]  }
0x48e: {  	v7 =	vadd.s32 v7, v34;
	v34 =	vld [tilespmem:$0x1150]  }
0x48f: {  	v24 =	vadd.s32 v24, v47;
	v47 =	vld [tilespmem:$0x1F4E0]  }
0x490: {  	v24 =	vadd.s32 v24, v50;
	v50 =	vld [tilespmem:$0x1F510]  }
0x491: {  	[tilespmem:$0x9D0] =	vst v7;
	v7 =	vld [tilespmem:$0x1670]  }
0x492: {  	v24 =	vadd.s32 v24, v55;
	v55 =	vld [tilespmem:$0x1F550]  }
0x493: {  	v25 =	vadd.s32 v25, v39;
	v24 =	vadd.s32 v24, v57;
	v57 =	vld [tilespmem:$0x1F570]  }
0x494: {  	v25 =	vadd.s32 v25, v43;
	v43 =	vld [tilespmem:$0xB60]  }
0x495: {  	v24 =	vadd.s32 v24, v35;
	v25 =	vadd.s32 v25, v46;
	v46 =	vld [tilespmem:$0xE60]  }
0x496: {  	v24 =	vadd.s32 v24, v42;
	v26 =	vadd.s32 v26, v47;
	v47 =	vld [tilespmem:$0xF60]  }
0x497: {  	v35 =	vadd.s32 v24, v45;
	v24 =	vld [tilespmem:$0x1850]  }
0x498: {  	v39 =	vadd.s32 v25, v49;
	v25 =	vld [tilespmem:$0x1950]  }
0x499: {  	v49 =	vld [tilespmem:$0x1F5B0]  }
0x49a: {  	v26 =	vadd.s32 v26, v50;
	v50 =	vld [tilespmem:$0x1F5C0]  }
0x49b: {  	v45 =	vld [tilespmem:$0xD60]  }
0x49c: {  	v35 =	vadd.s32 v35, v48;
	v48 =	vld [tilespmem:$0x1F5A0]  }
0x49d: {  	v39 =	vadd.s32 v39, v52;
	v52 =	vld [tilespmem:$0x1F5E0]  }
0x49e: {  	v42 =	vadd.s32 v26, v53;
	v53 =	vld [tilespmem:$0x1F5F0]  }
0x49f: {  	v35 =	vadd.s32 v35, v51;
	v51 =	vld [tilespmem:$0x1F5D0]  }
0x4a0: {  	v39 =	vadd.s32 v39, v56;
	v56 =	vld [tilespmem:$0x1F610]  }
0x4a1: {  	v42 =	vadd.s32 v42, v57;
	v57 =	vld [tilespmem:$0x1F620]  }
0x4a2: {  	v35 =	vadd.s32 v35, v55;
	v55 =	vld [tilespmem:$0x1F600]  }
0x4a3: {  	v39 =	vadd.s32 v39, v60;
	v60 =	vld [tilespmem:$0x1F640]  }
0x4a4: {  	v35 =	vadd.s32 v35, v58;
	v58 =	vld [tilespmem:$0x1F630]  }
0x4a5: {  	v35 =	vadd.s32 v35, v49;
	v49 =	vld [tilespmem:$0x1060]  }
0x4a6: {  	v39 =	vadd.s32 v39, v50;
	v35 =	vadd.s32 v35, v52;
	v52 =	vld [tilespmem:$0x1F650]  }
0x4a7: {  	v39 =	vadd.s32 v39, v53;
	v53 =	vld [tilespmem:$0x1F660]  }
0x4a8: {  	v42 =	vadd.s32 v42, v48;
	v35 =	vadd.s32 v35, v56;
	v56 =	vld [tilespmem:$0x1F680]  }
0x4a9: {  	v42 =	vadd.s32 v42, v51;
	v39 =	vadd.s32 v39, v57;
	v57 =	vld [tilespmem:$0x1F690]  }
0x4aa: {  	v42 =	vadd.s32 v42, v55;
	v55 =	vld [tilespmem:$0x1F670]  }
0x4ab: {  	v42 =	vadd.s32 v42, v58;
	v58 =	vld [tilespmem:$0x1F6A0]  }
0x4ac: {  	v51 =	vld [tilespmem:$0x1160]  }
0x4ad: {  	v39 =	vadd.s32 v39, v60;
	v60 =	vld [tilespmem:$0x1F6B0]  }
0x4ae: {  	v42 =	vadd.s32 v42, v52;
	v52 =	vld [tilespmem:$0x1F7F0]  }
0x4af: {  	v42 =	vadd.s32 v42, v56;
	v56 =	vld [tilespmem:$0x1F6D0];
	v48 =	vadd.s32 v53, v55  }
0x4b0: {  	v48 =	vadd.s32 v48, v57;
	v50 =	vadd.s32 v58, v59;
	v57 =	vld [tilespmem:$0x1F6E0]  }
0x4b1: {  	v50 =	vadd.s32 v50, v62;
	v62 =	vld [tilespmem:$0x1F6C0]  }
0x4b2: {  	v58 =	vld [tilespmem:$0x1F6F0]  }
0x4b3: {  	v48 =	vadd.s32 v48, v60;
	v60 =	vld [tilespmem:$0x1F710]  }
0x4b4: {  	v59 =	vld [tilespmem:$0x1F700]  }
0x4b5: {  	v50 =	vadd.s32 v50, v56;
	v56 =	vld [tilespmem:$0x1F730]  }
0x4b6: {  	v48 =	vadd.s32 v48, v62;
	v62 =	vld [tilespmem:$0x1F720]  }
0x4b7: {  	v50 =	vadd.s32 v50, v58;
	v58 =	vld [tilespmem:$0x1F750]  }
0x4b8: {  	v50 =	vadd.s32 v50, v60;
	v60 =	vld [tilespmem:$0x1F770]  }
0x4b9: {  	v48 =	vadd.s32 v48, v57;
	v57 =	vld [tilespmem:$0x1F740]  }
0x4ba: {  	v48 =	vadd.s32 v48, v59;
	v59 =	vld [tilespmem:$0x1F760]  }
0x4bb: {  	v48 =	vadd.s32 v48, v62;
	v62 =	vld [tilespmem:$0x1F780]  }
0x4bc: {  	v50 =	vadd.s32 v50, v56;
	v56 =	vld [tilespmem:$0x1F7A0]  }
0x4bd: {  	v50 =	vadd.s32 v50, v58;
	v58 =	vld [tilespmem:$0xB70]  }
0x4be: {  	v50 =	vadd.s32 v50, v63;
	v63 =	vld [tilespmem:$0x1F790]  }
0x4bf: {  	v4 =	vadd.s32 v4, v14;
	v48 =	vadd.s32 v48, v57;
	v57 =	vld [tilespmem:$0x1F7B0]  }
0x4c0: {  	v4 =	vadd.s32 v4, v19;
	v48 =	vadd.s32 v48, v59;
	v59 =	vld [tilespmem:$0x1F7C0];
	v50 =	vadd.s32 v50, v62  }
0x4c1: {  	v4 =	vadd.s32 v4, v20;
	v48 =	vadd.s32 v48, v60;
	v60 =	vld [tilespmem:$0xC70];
	v50 =	vadd.s32 v50, v56  }
0x4c2: {  	v4 =	vadd.s32 v4, v21;
	v62 =	vld [tilespmem:$0xD70];
	v50 =	vadd.s32 v50, v54  }
0x4c3: {  	v4 =	vadd.s32 v4, v22;
	v50 =	vadd.s32 v50, v61;
	v61 =	vld [tilespmem:$0x1F7D0]  }
0x4c4: {  	v55 =	vadd.s32 v43, v44;
	v48 =	vadd.s32 v48, v63;
	v63 =	vld [tilespmem:$0x1F7E0];
	v2 =	vadd.s32 v50, v2  }
0x4c5: {  	v4 =	vadd.s32 v4, v23;
	v53 =	vld [tilespmem:$0xE70];
	v23 =	vadd.s32 v55, v45;
	v2 =	vadd.s32 v2, v52  }
0x4c6: {  	v48 =	vadd.s32 v48, v57;
	v54 =	vld [tilespmem:$0xF70];
	v2 =	vadd.s32 v2, v6;
	v6 =	vadd.s32 v31, v37  }
0x4c7: {  	v56 =	vld [tilespmem:$0x1070];
	v48 =	vadd.s32 v48, v59;
	v14 =	vadd.s32 v58, v60;
	v6 =	vadd.s32 v6, v40  }
0x4c8: {  	v58 =	vld [tilespmem:$0x1170];
	v14 =	vadd.s32 v14, v62;
	v48 =	vadd.s32 v48, v61;
	v6 =	vadd.s32 v6, v41  }
0x4c9: {  	[tilespmem:$0x990] =	vst v3;
	v59 =	vld [tilespmem:$0x1270];
	v48 =	vadd.s32 v48, v63;
	v3 =	vadd.s32 v6, v38;
	v6 =	vadd.s32 v23, v46  }
0x4ca: {  	[tilespmem:$0x9A0] =	vst v1;
	v60 =	vld [tilespmem:$0x1370];
	v1 =	vadd.s32 v3, v36;
	v3 =	vadd.s32 v6, v47;
	v6 =	vadd.s32 v14, v53  }
0x4cb: {  	[tilespmem:$0x9B0] =	vst v0;
	v0 =	vadd.s32 v1, v34;
	v1 =	vadd.s32 v3, v49;
	v3 =	vadd.s32 v6, v54;
	v6 =	vld [tilespmem:$0x1470]  }
0x4cc: {  	v61 =	vld [tilespmem:$0x1570];
	v0 =	vadd.s32 v0, v33;
	v1 =	vadd.s32 v1, v51;
	v3 =	vadd.s32 v3, v56  }
0x4cd: {  	[tilespmem:$0xA40] =	vst v4;
	v57 =	vld [tilespmem:$0x1F800];
	v0 =	vadd.s32 v0, v32;
	v1 =	vadd.s32 v1, v9;
	v3 =	vadd.s32 v3, v58  }
0x4ce: {  	[tilespmem:$0x9C0] =	vst v8;
	v26 =	vld [tilespmem:$0x1A50];
	v0 =	vadd.s32 v0, v30;
	v1 =	vadd.s32 v1, v10;
	v3 =	vadd.s32 v3, v59  }
0x4cf: {  	[tilespmem:$0x9F0] =	vst v35;
	v62 =	vld [tilespmem:$0x1870];
	v0 =	vadd.s32 v0, v29;
	v1 =	vadd.s32 v1, v11;
	v3 =	vadd.s32 v3, v60  }
0x4d0: {  	[tilespmem:$0xA00] =	vst v39;
	v0 =	vadd.s32 v0, v28;
	v1 =	vadd.s32 v1, v12;
	v3 =	vadd.s32 v3, v6;
	v6 =	vld [tilespmem:$0x1970]  }
0x4d1: {  	[tilespmem:$0xA10] =	vst v42;
	v63 =	vld [tilespmem:$0x1A70];
	v0 =	vadd.s32 v0, v27;
	v1 =	vadd.s32 v1, v13;
	v3 =	vadd.s32 v3, v61  }
0x4d2: {  	[tilespmem:$0x980] =	vst v57;
	v0 =	vadd.s32 v0, v24;
	v1 =	vadd.s32 v1, v15;
	v3 =	vadd.s32 v3, v7  }
0x4d3: {  	[tilespmem:$0xA30] =	vst v2;
	v0 =	vadd.s32 v0, v25;
	v1 =	vadd.s32 v1, v16;
	v2 =	vadd.s32 v3, v5  }
0x4d4: {  	[tilespmem:$0xA20] =	vst v48;
	v0 =	vadd.s32 v0, v26;
	v1 =	vadd.s32 v1, v17;
	v2 =	vadd.s32 v2, v62  }
0x4d5: {  	[tilespmem:$0xA50] =	vst v0;
	v0 =	vadd.s32 v1, v18;
	v1 =	vadd.s32 v2, v6  }
0x4d6: {  	[tilespmem:$0xA60] =	vst v0;
	v0 =	vadd.s32 v1, v63  }
0x4d7: {  	s28 =	simm.s32 $0xA70;
	[tilespmem:$0xA70] =	vst v0  }
0x4d8: {  	v2 =	vld [tilespmem:s28+$0x0];
	_ =	sdelay $0x4  }
0x4d9: {  	(xrf0) =	vadd.scan.msk.s32 $0xffff, v2;
	_ =	sdelay $0x5  }
0x4da: {  	v0, _, _ =	vpop (xrf0)  }
0x4db: {  	(v2sf) =	vpush v0, $0xF  }
0x4dc: {  	s29 =	simm.s32 $0xA60  }
0x4dd: {  	s30 =	simm.s32 $0xA50;
	v3 =	vld [tilespmem:s29+$0x0]  }
0x4de: {  	v0 =	vld [tilespmem:s30+$0x0];
	_ =	sdelay $0x3  }
0x4df: {  	(xrf0) =	vadd.scan.msk.s32 $0xffff, v3  }
0x4e0: {  	(xrf0) =	vadd.scan.msk.s32 $0xffff, v0;
	_ =	sdelay $0x4  }
0x4e1: {  	s31 =	simm.s32 $0xA40;
	v4, _, _ =	vpop (xrf0)  }
0x4e2: {  	v1 =	vld [tilespmem:s31+$0x0];
	(v2sf) =	vpush v4, $0xF;
	v6, _, _ =	vpop (xrf0)  }
0x4e3: {  	s21 =	spop (v2sf);
	(v2sf) =	vpush v6, $0xF;
	_ =	sdelay $0x2  }
0x4e4: {  	s22 =	simm.s32 $0x0;
	p2 =	por $0x0, $0x0  }
0x4e5: {  	s19 =	simm.s32 $0xF;
	s20 =	simm.s32 $0xA30;
	s24 =	simm.s32 $0xA;
	(xrf0) =	vadd.scan.msk.s32 $0xffff, v1  }
0x4e6: {  	s25 =	simm.s32 $0xA20;
	s17 =	simm.s32 $0xE;
	s16 =	simm.s32 $0xD;
	v4 =	vld [tilespmem:s20+$0x0]  }
0x4e7: {  	s18 =	simm.s32 $0xC;
	s15 =	simm.s32 $0xB;
	p1 =	por !p2, !p2  }
0x4e8: {  	v5 =	vimm.s32 $0x0;
	s20 =	simm.s32 $0x0;
	s23 =	sadd.s32 $0x0, s21;
	s21 =	simm.s32 $0x0  }
.LBB2_9:
0x4e9: {  	s26 =	smov.u32 s22;
	p3 =	sne.s32 s24, $0x0  }
0x4ea: {  	p0 =	sge.s32 s23, s14;
	s28 =	smov.u32 s15;
	s15 =	smov.u32 s24  }
0x4eb: {  	v7 =	vmov v4;
	s24 =	sadd.s32 $0xFFFFFFFF, s24;
	s29 =	smov.u32 s22;
	s22 =	smov.u32 s23;
	(xrf0) =	vadd.scan.msk.s32 $0xffff, v4;
	v6, _, _ =	vpop (xrf0)  }
.Ltmp5:
0x4ec: {  	p4 =	por !p0, !p1;
	p2 =	por p2, p0;
	v4 =	vld [tilespmem:s25+$0x0];
	(v2sf) =	vpush v6, $0xF;
	(pc) =	sbr.rel @p3 .LBB2_9-.Ltmp5, $4  }
0x4ed: {  	p1 =	por !p2, !p2;
	p0 =	por !p4, !p4;
	s22 =	smov.u32 @p2 s26  }
0x4ee: {  	s21 =	smov.u32 @p0 s29;
	s20 =	smov.u32 @p0 s19;
	v5 =	vpsel p0, v2, v5;
	v2 =	vmovc v3;
	v3 =	vmovc v0;
	v0 =	vmov v1;
	v1 =	vmov v7;
	s19 =	smov.u32 s17  }
0x4ef: {  	s17 =	smov.u32 s16;
	s16 =	smov.u32 s18;
	s23 =	spop (v2sf)  }
0x4f0: {  	s25 =	sadd.s32 $0xFFFFFFF0, s25;
	s18 =	smov.u32 s28;
	s23 =	sadd.s32 s22, s23  }
0x4f1: {  	(xrf0) =	vadd.scan.msk.s32 $0xffff, v4;
	_ =	sdelay $0x1  }
0x4f2: {  	v6, _, _ =	vpop (xrf0)  }
0x4f3: {  	(v2sf) =	vpush v6, $0xF;
	_ =	sdelay $0x2  }
0x4f4: {  	v55, _, _ =	vpop (xrf0)  }
0x4f5: {  	(v2sf) =	vpush v55, $0xF  }
0x4f6: {  	p4 =	sge.s32 s23, s14  }
0x4f7: {  	p0 =	por p2, p4  }
0x4f8: {  	s24 =	spop (v2sf);
	s23 =	smov.u32 @p0 s22  }
0x4f9: {  	s24 =	sadd.s32 s23, s24  }
0x4fa: {  	p2 =	sge.s32 s24, s14  }
0x4fb: {  	p5 =	por p0, p2;
	p0 =	por !p0, !p0  }
0x4fc: {  	s24 =	smov.u32 @p5 s23;
	s28 =	simm.s32 @!p0 $0x0;
	s25 =	spop (v2sf)  }
0x4fd: {  	s28 =	simm.s32 @p0 $0x1;
	s25 =	sadd.s32 s24, s25  }
0x4fe: {  	[smem:$0x7F9] =	sst s28;
	p6 =	sge.s32 s25, s14  }
0x4ff: {  	s28 =	sld [smem:$0x7F9];
	p3 =	por p5, p6  }
0x500: {  	p1 =	por !p4, !p1;
	s25 =	smov.u32 @p3 s24;
	s26 =	spop (v2sf)  }
0x501: {  	p1 =	por !p1, !p1;
	s26 =	sadd.s32 s25, s26  }
0x502: {  	p4 =	seq.s32 s28, $0x1;
	p5 =	por !p5, !p5;
	p0 =	sge.s32 s26, s14  }
0x503: {  	p2 =	por !p2, !p4;
	p5 =	por !p6, !p5;
	p4 =	por p3, p0  }
0x504: {  	p3 =	por !p3, !p3;
	s26 =	smov.u32 @p4 s25;
	s30 =	spop (v2sf)  }
0x505: {  	v2 =	vpsel p1, v2, v5;
	p2 =	por !p2, !p2;
	p0 =	por !p0, !p3;
	s28 =	sadd.s32 s26, s30  }
0x506: {  	v56 =	vlaneseq.u32;
	v2 =	vpsel p2, v3, v2;
	p3 =	por !p5, !p5;
	p4 =	por !p4, !p4;
	p6 =	sge.s32 s28, s14  }
0x507: {  	v57 =	vmul.u32 $0xFFFFFFFF, v56;
	v0 =	vpsel p3, v0, v2;
	p6 =	por !p6, !p4;
	p4 =	por !p0, !p0  }
0x508: {  	v0 =	vpsel p4, v1, v0;
	p5 =	por !p6, !p6  }
0x509: {  	v58 =	vadd.s32 $0xF, v57;
	v0 =	vpsel p5, v4, v0  }
0x50a: {  	v2 =	vperm.xlane v0, v58;
	_ =	sdelay $0x1  }
0x50b: {  	(xrf0) =	vadd.scan.msk.s32 $0xffff, v2;
	_ =	sdelay $0x2  }
0x50c: {  	s21 =	smov.u32 @p1 s22  }
0x50d: {  	s21 =	smov.u32 @p2 s23  }
0x50e: {  	s21 =	smov.u32 @p3 s24  }
0x50f: {  	s21 =	smov.u32 @p4 s25;
	v2, _, _ =	vpop (xrf0)  }
0x510: {  	s21 =	smov.u32 @p5 s26;
	v1 =	vperm.xlane v2, v58  }
0x511: {  	s31 =	ssub.s32 s14, s21  }
0x512: {  	vm0 =	vge.s32 v1, s31  }
0x513: {  	v59 =	vmpcnt.ones.xlane vm0;
	_ =	sdelay $0x1  }
0x514: {  	(v2sf) =	vpush v59, $0x0;
	_ =	sdelay $0xe  }
0x515: {  	s22 =	spop (v2sf)  }
0x516: {  	s21 =	sadd.s32 $0xFFFFFFFF, s22  }
0x517: {  	v60 =	vmov s21  }
0x518: {  	vm14 =	veq.s32 v60, v56  }
0x519: {  	v1 =	vnsel vm14, $0x0, v1  }
0x51a: {  	v0 =	vnsel vm14, $0x0, v0;
	(xrf0) =	vadd.scan.msk.s32 $0xffff, v1  }
0x51b: {  	(xrf0) =	vadd.scan.msk.s32 $0xffff, v0;
	_ =	sdelay $0x4  }
0x51c: {  	v61, _, _ =	vpop (xrf0)  }
0x51d: {  	(v2sf) =	vpush v61, $0xF;
	v62, _, _ =	vpop (xrf0)  }
0x51e: {  	(v2sf) =	vpush v62, $0xF;
	_ =	sdelay $0x8  }
0x51f: {  	s20 =	smov.u32 @p1 s19  }
0x520: {  	s20 =	smov.u32 @p2 s17  }
0x521: {  	s20 =	smov.u32 @p3 s16  }
0x522: {  	s20 =	smov.u32 @p4 s18  }
0x523: {  	s20 =	smov.u32 @p5 s15  }
0x524: {  	s25 =	sshll.u32 s20, $0x14;
	s23 =	spop (v2sf)  }
0x525: {  	s26 =	sshll.u32 s21, $0x10;
	s24 =	spop (v2sf);
	s14 =	ssub.s32 s31, s23  }
0x526: {  	s28 =	sadd.s32 s25, s26;
	s14 =	sadd.s32 s24, s14  }
0x527: {  	vm15 =	veq.s32 v56, $0x0;
	s13 =	sor.u32 s13, s28;
	v63 =	vmov s14  }
0x528: {  	v0 =	vsel vm15, s13, v63  }
0x529: {  	s29 =	simm.s32 $0x1C80;
	s30 =	simm.s32 $0x1;
	[tilespmem:$0x1C80] =	vst v0  }
0x52a: {  	[spmem:s11] =	stream.linear.scatter [tilespmem:s29], [sflag:$0x1], $0x80, $0x38;
	[tilespmem:$0x2118] =	vst v63  }
0x52b: {  	_ =	swait.ge [sflag:s30], $0x80  }
0x52c: {  	s31 =	sld [smem:$0x7FD];
	_ =	sdelay $0x1  }
0x52d: {  	[sflag:s30] =	ssyncset.done $0x0  }
0x52e: {  	[sflag:s30] =	ssyncadd.s32 $0xFFFFFF80;
	p2 =	seq.s32 s31, $0x1  }
.LBB2_11:
0x52f: {  	[bflag:$0x0] =	sbarrier.arrive $0xFFFF;
	s13 =	simm.s32 $0x1C80  }
0x530: {  	[tilespmem:s13], [sflag:$0x1] =	stream.linear.gather [spmem:s11], $0x80, $0x38;
	[tilespmem:$0x2118] =	vst v63  }
0x531: {  	_ =	swait.ge [sflag:s12], $0x80  }
0x532: {  	[sflag:s12] =	ssyncset.done $0x0  }
0x533: {  	v1 =	vimm.s32 $0x0;
	[sflag:s12] =	ssyncadd.s32 $0xFFFFFF80  }
0x534: {  	[tilespmem:$0x800] =	vst v1  }
0x535: {  	[tilespmem:$0x810] =	vst v1  }
0x536: {  	[tilespmem:$0x820] =	vst v1  }
0x537: {  	[tilespmem:$0x830] =	vst v1  }
0x538: {  	[tilespmem:$0x840] =	vst v1  }
0x539: {  	[tilespmem:$0x850] =	vst v1  }
0x53a: {  	[tilespmem:$0x860] =	vst v1  }
0x53b: {  	[tilespmem:$0x870] =	vst v1  }
0x53c: {  	[tilespmem:$0x880] =	vst v1  }
0x53d: {  	[tilespmem:$0x890] =	vst v1  }
0x53e: {  	[tilespmem:$0x8A0] =	vst v1  }
0x53f: {  	v0 =	vld [tilespmem:$0x1C80];
	[tilespmem:$0x8B0] =	vst v1  }
0x540: {  	[tilespmem:$0x8C0] =	vst v1  }
0x541: {  	[tilespmem:$0x8D0] =	vst v1  }
0x542: {  	[tilespmem:$0x8E0] =	vst v1  }
0x543: {  	v2 =	vlaneseq.u32;
	[tilespmem:$0x8F0] =	vst v1  }
0x544: {  	v3 =	vimm.s32 $0x1;
	s11 =	simm.s32 $0x0;
	v2 =	vor.u32 $0x100, v2;
	[tilespmem:$0x900] =	vst v1;
	v1 =	vbroadcast v0, $0x0  }
.LBB2_12:
0x545: {  	s12 =	sshra.s32 s11, $0x2  }
0x546: {  	v4 =	vld [tilespmem:s12+$0x400];
	_ =	sdelay $0x4  }
0x547: {  	v5 =	vand.u32 $0xFFFF0000, v4;
	v4 =	vshrl.u32 v4, $0x8  }
0x548: {  	vm0 =	veq.s32 v5, v1;
	v4 =	vand.u32 $0xFF, v4  }
0x549: {  	v4 =	vsel vm0, v4, v2;
	_ =	sdelay $0x4  }
0x54a: {  	[tilespmem:v4+s8+$0x0] =	vst.idx.add.s32.msk $0xffff, v3  }
0x54b: {  	v4 =	vld [tilespmem:s12+$0x410];
	_ =	sdelay $0x4  }
0x54c: {  	v5 =	vand.u32 $0xFFFF0000, v4;
	v4 =	vshrl.u32 v4, $0x8  }
0x54d: {  	vm9 =	veq.s32 v5, v1;
	v4 =	vand.u32 $0xFF, v4  }
0x54e: {  	v4 =	vsel vm9, v4, v2;
	_ =	sdelay $0x4  }
0x54f: {  	[tilespmem:v4+s8+$0x0] =	vst.idx.add.s32.msk $0xffff, v3  }
0x550: {  	v4 =	vld [tilespmem:s12+$0x420];
	_ =	sdelay $0x4  }
0x551: {  	v5 =	vand.u32 $0xFFFF0000, v4;
	v4 =	vshrl.u32 v4, $0x8  }
0x552: {  	vm10 =	veq.s32 v5, v1;
	v4 =	vand.u32 $0xFF, v4  }
0x553: {  	v4 =	vsel vm10, v4, v2;
	_ =	sdelay $0x4  }
0x554: {  	[tilespmem:v4+s8+$0x0] =	vst.idx.add.s32.msk $0xffff, v3  }
0x555: {  	v4 =	vld [tilespmem:s12+$0x430];
	_ =	sdelay $0x4  }
0x556: {  	v5 =	vand.u32 $0xFFFF0000, v4;
	v4 =	vshrl.u32 v4, $0x8  }
0x557: {  	vm11 =	veq.s32 v5, v1;
	v4 =	vand.u32 $0xFF, v4  }
0x558: {  	v4 =	vsel vm11, v4, v2;
	_ =	sdelay $0x4  }
0x559: {  	[tilespmem:v4+s8+$0x0] =	vst.idx.add.s32.msk $0xffff, v3  }
0x55a: {  	v4 =	vld [tilespmem:s12+$0x440];
	_ =	sdelay $0x4  }
0x55b: {  	v5 =	vand.u32 $0xFFFF0000, v4;
	v4 =	vshrl.u32 v4, $0x8  }
0x55c: {  	vm12 =	veq.s32 v5, v1;
	v4 =	vand.u32 $0xFF, v4  }
0x55d: {  	v4 =	vsel vm12, v4, v2;
	_ =	sdelay $0x4  }
0x55e: {  	[tilespmem:v4+s8+$0x0] =	vst.idx.add.s32.msk $0xffff, v3  }
0x55f: {  	v4 =	vld [tilespmem:s12+$0x450];
	_ =	sdelay $0x4  }
0x560: {  	v5 =	vand.u32 $0xFFFF0000, v4;
	v4 =	vshrl.u32 v4, $0x8  }
0x561: {  	vm13 =	veq.s32 v5, v1;
	v4 =	vand.u32 $0xFF, v4  }
0x562: {  	v4 =	vsel vm13, v4, v2;
	_ =	sdelay $0x4  }
0x563: {  	[tilespmem:v4+s8+$0x0] =	vst.idx.add.s32.msk $0xffff, v3  }
0x564: {  	v4 =	vld [tilespmem:s12+$0x460];
	_ =	sdelay $0x4  }
0x565: {  	v5 =	vand.u32 $0xFFFF0000, v4;
	v4 =	vshrl.u32 v4, $0x8  }
0x566: {  	vm14 =	veq.s32 v5, v1;
	v4 =	vand.u32 $0xFF, v4  }
0x567: {  	v4 =	vsel vm14, v4, v2;
	_ =	sdelay $0x4  }
0x568: {  	[tilespmem:v4+s8+$0x0] =	vst.idx.add.s32.msk $0xffff, v3  }
0x569: {  	v4 =	vld [tilespmem:s12+$0x470];
	_ =	sdelay $0x4  }
0x56a: {  	v5 =	vand.u32 $0xFFFF0000, v4;
	v4 =	vshrl.u32 v4, $0x8  }
0x56b: {  	vm15 =	veq.s32 v5, v1;
	v4 =	vand.u32 $0xFF, v4  }
0x56c: {  	p0 =	sne.s32 s11, $0xE00;
	v4 =	vsel vm15, v4, v2  }
.Ltmp6:
0x56d: {  	_ = 	snop;
	(pc) =	sbr.rel @p0 .LBB2_12-.Ltmp6, $2  }
0x56e: {  	_ =	sdelay $0x2  }
0x56f: {  	s11 =	sadd.s32 $0x200, s11;
	[tilespmem:v4+s8+$0x0] =	vst.idx.add.s32.msk $0xffff, v3  }
0x570: {  	(v2sf) =	vpush v0, $0x0  }
0x571: {  	(v2sf) =	vpush v0, $0x1;
	_ =	sdelay $0xb  }
0x572: {  	s13 =	simm.s32 $0x80;
	s14 =	simm.s32 $0x200;
	s8 =	simm.s32 $0x800  }
0x573: {  	[spmem:s10] =	stream.strided.scatter [tilespmem:s8], [sflag:$0x1], $0x100, s14, s13, $0x38;
	[tilespmem:$0x2118] =	vst v63  }
0x574: {  	s11 =	spop (v2sf)  }
0x575: {  	s10 =	simm.s32 $0x1;
	s12 =	spop (v2sf)  }
.Ltmp7:
0x576: {  	_ =	swait.ge [sflag:s10], $0x100;
	(pc) =	sbr.rel @p2 .LBB2_17-.Ltmp7, $3  }
0x577: {  	[sflag:s10] =	ssyncset.done $0x0  }
0x578: {  	[sflag:s10] =	ssyncadd.s32 $0xFFFFFF00  }
0x579: {  	[bflag:$0x0] =	sbarrier.arrive $0xFFFF;
	_ =	sdelay $0x1  }
0x57a: {  	s15 =	simm.s32 $0xA80  }
0x57b: {  	[tilespmem:s15], [sflag:$0x1] =	stream.strided.gather [spmem:s9], $0x1000, s14, s13, $0x38;
	[tilespmem:$0x2118] =	vst v63  }
0x57c: {  	_ =	swait.ge [sflag:s10], $0x1000  }
0x57d: {  	[sflag:s10] =	ssyncset.done $0x0  }
0x57e: {  	[sflag:s10] =	ssyncadd.s32 $0xFFFFF000  }
0x57f: {  	v0 =	vld [tilespmem:$0x1090];
	_ =	sdelay $0x3  }
0x580: {  	v12 =	vld [tilespmem:$0xA80]  }
0x581: {  	[tilespmem:$0x1E8B0] =	vst v0;
	v0 =	vld [tilespmem:$0x1190]  }
0x582: {  	v9 =	vld [tilespmem:$0xB80]  }
0x583: {  	v13 =	vld [tilespmem:$0xC80]  }
0x584: {  	v15 =	vld [tilespmem:$0xD80]  }
0x585: {  	v17 =	vld [tilespmem:$0xE80]  }
0x586: {  	[tilespmem:$0x1E8C0] =	vst v0;
	v0 =	vld [tilespmem:$0x1290]  }
0x587: {  	v18 =	vld [tilespmem:$0xF80]  }
0x588: {  	v21 =	vld [tilespmem:$0x1080]  }
0x589: {  	v59 =	vld [tilespmem:$0x1180]  }
0x58a: {  	v62 =	vld [tilespmem:$0x1280]  }
0x58b: {  	[tilespmem:$0x1E8D0] =	vst v0;
	v0 =	vld [tilespmem:$0x1390]  }
0x58c: {  	v24 =	vld [tilespmem:$0x1380]  }
0x58d: {  	v27 =	vld [tilespmem:$0x1480]  }
0x58e: {  	v28 =	vld [tilespmem:$0x1580]  }
0x58f: {  	v30 =	vld [tilespmem:$0x1680]  }
0x590: {  	[tilespmem:$0x1E8E0] =	vst v0;
	v0 =	vld [tilespmem:$0x1490]  }
0x591: {  	v36 =	vld [tilespmem:$0x1780]  }
0x592: {  	v40 =	vld [tilespmem:$0x1880]  }
0x593: {  	v48 =	vld [tilespmem:$0x1980]  }
0x594: {  	v37 =	vld [tilespmem:$0xA90]  }
0x595: {  	[tilespmem:$0x1E8F0] =	vst v0;
	v0 =	vld [tilespmem:$0x1590]  }
0x596: {  	v31 =	vld [tilespmem:$0xB90]  }
0x597: {  	v41 =	vld [tilespmem:$0xC90]  }
0x598: {  	v47 =	vld [tilespmem:$0xD90]  }
0x599: {  	v54 =	vld [tilespmem:$0xE90]  }
0x59a: {  	v61 =	vld [tilespmem:$0xF90];
	[tilespmem:$0x1E910] =	vst v0  }
0x59b: {  	v0 =	vld [tilespmem:$0x1690]  }
0x59c: {  	v10 =	vld [tilespmem:$0xAA0]  }
0x59d: {  	v6 =	vld [tilespmem:$0xBA0]  }
0x59e: {  	v11 =	vld [tilespmem:$0xCA0]  }
0x59f: {  	v19 =	vld [tilespmem:$0xDA0]  }
0x5a0: {  	v23 =	vld [tilespmem:$0xEA0]  }
0x5a1: {  	v29 =	vld [tilespmem:$0xFA0]  }
0x5a2: {  	v42 =	vld [tilespmem:$0x10A0]  }
0x5a3: {  	v50 =	vld [tilespmem:$0x11A0]  }
0x5a4: {  	v56 =	vld [tilespmem:$0x12A0]  }
0x5a5: {  	v1 =	vld [tilespmem:$0xAB0]  }
0x5a6: {  	v2 =	vld [tilespmem:$0xCB0]  }
0x5a7: {  	v3 =	vld [tilespmem:$0xDB0]  }
0x5a8: {  	v4 =	vld [tilespmem:$0xEB0]  }
0x5a9: {  	v7 =	vld [tilespmem:$0xFB0]  }
0x5aa: {  	v16 =	vld [tilespmem:$0x10B0]  }
0x5ab: {  	v22 =	vld [tilespmem:$0x11B0]  }
0x5ac: {  	v25 =	vld [tilespmem:$0x12B0]  }
0x5ad: {  	v32 =	vld [tilespmem:$0x13B0]  }
0x5ae: {  	v45 =	vld [tilespmem:$0x14B0]  }
0x5af: {  	v51 =	vld [tilespmem:$0x15B0]  }
0x5b0: {  	v57 =	vld [tilespmem:$0x16B0]  }
0x5b1: {  	v5 =	vld [tilespmem:$0x17B0]  }
0x5b2: {  	v38 =	vld [tilespmem:$0xAD0]  }
0x5b3: {  	v33 =	vld [tilespmem:$0xBD0]  }
0x5b4: {  	v43 =	vld [tilespmem:$0xCD0]  }
0x5b5: {  	v49 =	vld [tilespmem:$0xDD0]  }
0x5b6: {  	v55 =	vld [tilespmem:$0xED0]  }
0x5b7: {  	v8 =	vld [tilespmem:$0xAE0]  }
0x5b8: {  	v14 =	vld [tilespmem:$0xCE0]  }
0x5b9: {  	v20 =	vld [tilespmem:$0xDE0]  }
0x5ba: {  	v26 =	vld [tilespmem:$0xEE0]  }
0x5bb: {  	v34 =	vld [tilespmem:$0xFE0]  }
0x5bc: {  	v46 =	vld [tilespmem:$0x10E0]  }
0x5bd: {  	v52 =	vld [tilespmem:$0x11E0]  }
0x5be: {  	v58 =	vld [tilespmem:$0x12E0]  }
0x5bf: {  	v35 =	vld [tilespmem:$0x13E0]  }
0x5c0: {  	v44 =	vld [tilespmem:$0x14E0]  }
0x5c1: {  	v53 =	vld [tilespmem:$0x15E0]  }
0x5c2: {  	v9 =	vadd.s32 v12, v9;
	v60 =	vld [tilespmem:$0x16E0]  }
0x5c3: {  	v9 =	vadd.s32 v9, v13;
	v63 =	vld [tilespmem:$0x17E0]  }
0x5c4: {  	v9 =	vadd.s32 v9, v15;
	v39 =	vld [tilespmem:$0x18E0]  }
0x5c5: {  	v9 =	vadd.s32 v9, v17;
	v17 =	vld [tilespmem:$0x1920]  }
0x5c6: {  	v9 =	vadd.s32 v9, v18;
	v18 =	vld [tilespmem:$0x1A20]  }
0x5c7: {  	v9 =	vadd.s32 v9, v21;
	v21 =	vld [tilespmem:$0xB30]  }
0x5c8: {  	v9 =	vadd.s32 v9, v59;
	v59 =	vld [tilespmem:$0xC30]  }
0x5c9: {  	v9 =	vadd.s32 v9, v62;
	v62 =	vld [tilespmem:$0xD30]  }
0x5ca: {  	v9 =	vadd.s32 v9, v24;
	v24 =	vld [tilespmem:$0xE30]  }
0x5cb: {  	v9 =	vadd.s32 v9, v27;
	v27 =	vld [tilespmem:$0xF30]  }
0x5cc: {  	v9 =	vadd.s32 v9, v28;
	v28 =	vld [tilespmem:$0x1030]  }
0x5cd: {  	v9 =	vadd.s32 v9, v30;
	v30 =	vld [tilespmem:$0x1130]  }
0x5ce: {  	v12 =	vld [tilespmem:$0xF40]  }
0x5cf: {  	v13 =	vld [tilespmem:$0x1040]  }
0x5d0: {  	v15 =	vld [tilespmem:$0x1140]  }
0x5d1: {  	[tilespmem:$0x1E930] =	vst v0;
	v0 =	vld [tilespmem:$0x1790]  }
0x5d2: {  	[tilespmem:$0x1E9B0] =	vst v5;
	v5 =	vld [tilespmem:$0x18B0]  }
0x5d3: {  	[tilespmem:$0x1EB40] =	vst v44;
	v44 =	vld [tilespmem:$0x19E0]  }
0x5d4: {  	[tilespmem:$0x1EB70] =	vst v53;
	v53 =	vld [tilespmem:$0xAF0]  }
0x5d5: {  	[tilespmem:$0x1EBA0] =	vst v60;
	v60 =	vld [tilespmem:$0xBF0]  }
0x5d6: {  	[tilespmem:$0x1EBD0] =	vst v63;
	v63 =	vld [tilespmem:$0xCF0]  }
0x5d7: {  	[tilespmem:$0x1EBF0] =	vst v39;
	v39 =	vld [tilespmem:$0xDF0]  }
0x5d8: {  	[tilespmem:$0x1EB10] =	vst v35;
	v35 =	vld [tilespmem:$0xC10]  }
0x5d9: {  	[tilespmem:$0x1EEF0] =	vst v21;
	v21 =	vld [tilespmem:$0x1430]  }
0x5da: {  	v9 =	vadd.s32 v9, v36;
	v6 =	vadd.s32 v10, v6;
	v10 =	vld [tilespmem:$0xD40]  }
0x5db: {  	v9 =	vadd.s32 v9, v40;
	[tilespmem:$0x1F020] =	vst v17;
	v17 =	vadd.s32 v37, v31;
	v6 =	vadd.s32 v6, v11;
	v11 =	vld [tilespmem:$0xE40]  }
0x5dc: {  	v9 =	vadd.s32 v9, v48;
	[tilespmem:$0x1F030] =	vst v18;
	v18 =	vadd.s32 v17, v41;
	v17 =	vld [tilespmem:$0x1340]  }
0x5dd: {  	[tilespmem:$0x1F050] =	vst v9;
	v9 =	vadd.s32 v18, v47;
	v18 =	vld [tilespmem:$0x1440]  }
0x5de: {  	v6 =	vadd.s32 v6, v19;
	v19 =	vld [tilespmem:$0x1640]  }
0x5df: {  	[tilespmem:$0x1E950] =	vst v0;
	v0 =	vld [tilespmem:$0x1890]  }
0x5e0: {  	[tilespmem:$0x1E9D0] =	vst v5;
	v5 =	vld [tilespmem:$0x19B0]  }
0x5e1: {  	[tilespmem:$0x1EC20] =	vst v44;
	v44 =	vld [tilespmem:$0xEF0]  }
0x5e2: {  	[tilespmem:$0x1EC00] =	vst v53;
	v53 =	vld [tilespmem:$0xFF0]  }
0x5e3: {  	[tilespmem:$0x1EC10] =	vst v60;
	v60 =	vld [tilespmem:$0x10F0]  }
0x5e4: {  	[tilespmem:$0x1EC30] =	vst v63;
	v63 =	vld [tilespmem:$0x11F0]  }
0x5e5: {  	[tilespmem:$0x1EC60] =	vst v39;
	v39 =	vld [tilespmem:$0x12F0]  }
0x5e6: {  	[tilespmem:$0x1EFD0] =	vst v21;
	v21 =	vld [tilespmem:$0x1840]  }
0x5e7: {  	[tilespmem:$0x1E970] =	vst v0;
	v0 =	vld [tilespmem:$0x1990]  }
0x5e8: {  	[tilespmem:$0x1EA00] =	vst v5;
	v5 =	vld [tilespmem:$0xAC0]  }
0x5e9: {  	[tilespmem:$0x1EC80] =	vst v44;
	v44 =	vld [tilespmem:$0x13F0]  }
0x5ea: {  	[tilespmem:$0x1ECA0] =	vst v53;
	v53 =	vld [tilespmem:$0x14F0]  }
0x5eb: {  	[tilespmem:$0x1ECC0] =	vst v60;
	v60 =	vld [tilespmem:$0x15F0]  }
0x5ec: {  	[tilespmem:$0x1ECE0] =	vst v63;
	v63 =	vld [tilespmem:$0x16F0]  }
0x5ed: {  	[tilespmem:$0x1ED10] =	vst v39;
	v39 =	vld [tilespmem:$0x17F0]  }
0x5ee: {  	[tilespmem:$0x1E990] =	vst v0;
	v0 =	vld [tilespmem:$0x13A0]  }
0x5ef: {  	[tilespmem:$0x1E9E0] =	vst v5;
	v5 =	vld [tilespmem:$0xBC0]  }
0x5f0: {  	[tilespmem:$0x1ED40] =	vst v44;
	v44 =	vld [tilespmem:$0x18F0]  }
0x5f1: {  	[tilespmem:$0x1ED70] =	vst v53;
	v53 =	vld [tilespmem:$0x19F0]  }
0x5f2: {  	[tilespmem:$0x1EDA0] =	vst v60;
	v60 =	vld [tilespmem:$0xB00]  }
0x5f3: {  	[tilespmem:$0x1EDD0] =	vst v63;
	v63 =	vld [tilespmem:$0xC00]  }
0x5f4: {  	[tilespmem:$0x1EE00] =	vst v39;
	v39 =	vld [tilespmem:$0xD00]  }
0x5f5: {  	[tilespmem:$0x1E900] =	vst v0;
	v0 =	vld [tilespmem:$0x14A0]  }
0x5f6: {  	[tilespmem:$0x1E9F0] =	vst v5;
	v5 =	vld [tilespmem:$0xCC0]  }
0x5f7: {  	[tilespmem:$0x1EE30] =	vst v44;
	v44 =	vld [tilespmem:$0xE00]  }
0x5f8: {  	[tilespmem:$0x1EE60] =	vst v53;
	v53 =	vld [tilespmem:$0xF00]  }
0x5f9: {  	[tilespmem:$0x1EC40] =	vst v60;
	v60 =	vld [tilespmem:$0x1000]  }
0x5fa: {  	[tilespmem:$0x1EC50] =	vst v63;
	v63 =	vld [tilespmem:$0x1100]  }
0x5fb: {  	[tilespmem:$0x1EC70] =	vst v39;
	v39 =	vld [tilespmem:$0x1200]  }
0x5fc: {  	[tilespmem:$0x1EF20] =	vst v24;
	v24 =	vld [tilespmem:$0x1E9F0]  }
0x5fd: {  	[tilespmem:$0x1E920] =	vst v0;
	v0 =	vld [tilespmem:$0x15A0]  }
0x5fe: {  	[tilespmem:$0x1EA10] =	vst v5;
	v5 =	vld [tilespmem:$0xDC0]  }
0x5ff: {  	[tilespmem:$0x1EC90] =	vst v44;
	v44 =	vld [tilespmem:$0x1300]  }
0x600: {  	[tilespmem:$0x1ECF0] =	vst v63;
	v63 =	vld [tilespmem:$0x1600]  }
0x601: {  	[tilespmem:$0x1ECB0] =	vst v53;
	v53 =	vld [tilespmem:$0x1400]  }
0x602: {  	[tilespmem:$0x1ECD0] =	vst v60;
	v60 =	vld [tilespmem:$0x1500]  }
0x603: {  	[tilespmem:$0x1ED20] =	vst v39;
	v39 =	vld [tilespmem:$0x1700]  }
0x604: {  	[tilespmem:$0x1EF40] =	vst v27;
	v27 =	vld [tilespmem:$0x1EA10]  }
0x605: {  	[tilespmem:$0x1EDE0] =	vst v63;
	v63 =	vld [tilespmem:$0x1010]  }
0x606: {  	[tilespmem:$0x1E940] =	vst v0;
	v0 =	vld [tilespmem:$0x16A0]  }
0x607: {  	[tilespmem:$0x1EA20] =	vst v5;
	v5 =	vld [tilespmem:$0xEC0]  }
0x608: {  	[tilespmem:$0x1ED50] =	vst v44;
	v44 =	vld [tilespmem:$0x1800]  }
0x609: {  	[tilespmem:$0x1ED80] =	vst v53;
	v53 =	vld [tilespmem:$0x1900]  }
0x60a: {  	[tilespmem:$0x1ED00] =	vst v63;
	v63 =	vld [tilespmem:$0x1110]  }
0x60b: {  	[tilespmem:$0x1E960] =	vst v0;
	v0 =	vld [tilespmem:$0x17A0]  }
0x60c: {  	[tilespmem:$0x1EA30] =	vst v5;
	v5 =	vld [tilespmem:$0xFC0]  }
0x60d: {  	[tilespmem:$0x1EDB0] =	vst v60;
	v60 =	vld [tilespmem:$0x1A00]  }
0x60e: {  	[tilespmem:$0x1EE10] =	vst v39;
	v39 =	vld [tilespmem:$0xB10]  }
0x60f: {  	[tilespmem:$0x1ED30] =	vst v63;
	v63 =	vld [tilespmem:$0x1210]  }
0x610: {  	[tilespmem:$0x1E980] =	vst v0;
	v0 =	vld [tilespmem:$0x18A0]  }
0x611: {  	[tilespmem:$0x1EA40] =	vst v5;
	v5 =	vld [tilespmem:$0x10C0]  }
0x612: {  	[tilespmem:$0x1EE40] =	vst v44;
	v44 =	vld [tilespmem:$0xD10]  }
0x613: {  	[tilespmem:$0x1EE70] =	vst v53;
	v53 =	vld [tilespmem:$0xE10]  }
0x614: {  	[tilespmem:$0x1ED60] =	vst v63;
	v63 =	vld [tilespmem:$0x1310]  }
0x615: {  	[tilespmem:$0x1E9A0] =	vst v0;
	v0 =	vld [tilespmem:$0x19A0]  }
0x616: {  	[tilespmem:$0x1EA50] =	vst v5;
	v5 =	vld [tilespmem:$0x11C0]  }
0x617: {  	[tilespmem:$0x1EE90] =	vst v60;
	v60 =	vld [tilespmem:$0xF10]  }
0x618: {  	v31 =	vld [tilespmem:$0x1EA30]  }
0x619: {  	[tilespmem:$0x1ED90] =	vst v63;
	v63 =	vld [tilespmem:$0x1410]  }
0x61a: {  	[tilespmem:$0x1E9C0] =	vst v0;
	v0 =	vld [tilespmem:$0xBB0]  }
0x61b: {  	[tilespmem:$0x1EA70] =	vst v5;
	v5 =	vld [tilespmem:$0x12C0]  }
0x61c: {  	[tilespmem:$0x1EF60] =	vst v28;
	v28 =	vadd.s32 v38, v33;
	v33 =	vld [tilespmem:$0x1EA40]  }
0x61d: {  	v36 =	vld [tilespmem:$0x1EA50]  }
0x61e: {  	[tilespmem:$0x1EDC0] =	vst v63;
	v63 =	vld [tilespmem:$0x1510]  }
0x61f: {  	v0 =	vadd.s32 v1, v0;
	v1 =	vld [tilespmem:$0x1530]  }
0x620: {  	[tilespmem:$0x1EA90] =	vst v5;
	v5 =	vld [tilespmem:$0x13C0];
	v0 =	vadd.s32 v0, v2  }
0x621: {  	v0 =	vadd.s32 v0, v3;
	v3 =	vld [tilespmem:$0x1E8B0]  }
0x622: {  	v0 =	vadd.s32 v0, v4;
	v4 =	vld [tilespmem:$0x1E8C0]  }
0x623: {  	v38 =	vld [tilespmem:$0x1EA70];
	[tilespmem:$0x1EDF0] =	vst v63  }
0x624: {  	v63 =	vld [tilespmem:$0x1610];
	[tilespmem:$0x1EFF0] =	vst v1;
	v1 =	vadd.s32 v9, v54  }
0x625: {  	[tilespmem:$0x1EAB0] =	vst v5;
	v5 =	vld [tilespmem:$0x14C0];
	v1 =	vadd.s32 v1, v61  }
0x626: {  	v2 =	vadd.s32 v6, v23;
	v6 =	vld [tilespmem:$0x1A30];
	v1 =	vadd.s32 v1, v3  }
0x627: {  	v1 =	vadd.s32 v1, v4;
	v4 =	vld [tilespmem:$0x1930]  }
0x628: {  	v41 =	vld [tilespmem:$0x1EA90]  }
0x629: {  	[tilespmem:$0x1EE20] =	vst v63;
	v63 =	vld [tilespmem:$0x1710]  }
0x62a: {  	[tilespmem:$0x1EAD0] =	vst v5;
	v5 =	vld [tilespmem:$0x15C0]  }
0x62b: {  	v23 =	vld [tilespmem:$0x1A40]  }
0x62c: {  	[tilespmem:$0x1F040] =	vst v4;
	v4 =	vld [tilespmem:$0x1E8D0]  }
0x62d: {  	v0 =	vadd.s32 v0, v7;
	v7 =	vld [tilespmem:$0x1E8F0]  }
0x62e: {  	[tilespmem:$0x1EE50] =	vst v63;
	v63 =	vld [tilespmem:$0x1810]  }
0x62f: {  	[tilespmem:$0x1EAF0] =	vst v5;
	v5 =	vld [tilespmem:$0x16C0]  }
0x630: {  	v54 =	vld [tilespmem:$0x1630]  }
0x631: {  	v1 =	vadd.s32 v1, v4;
	v4 =	vld [tilespmem:$0x1E8E0]  }
0x632: {  	v9 =	vld [tilespmem:$0xC40]  }
0x633: {  	[tilespmem:$0x1EE80] =	vst v63;
	v63 =	vld [tilespmem:$0x1910]  }
0x634: {  	[tilespmem:$0x1EB20] =	vst v5;
	v5 =	vld [tilespmem:$0x17C0]  }
0x635: {  	v0 =	vadd.s32 v0, v16;
	v16 =	vld [tilespmem:$0x1240]  }
0x636: {  	v61 =	vld [tilespmem:$0x1730];
	v1 =	vadd.s32 v1, v4  }
0x637: {  	v1 =	vadd.s32 v1, v7;
	v7 =	vld [tilespmem:$0x1E900]  }
0x638: {  	v3 =	vadd.s32 v2, v29;
	[tilespmem:$0x1EEA0] =	vst v63;
	v63 =	vld [tilespmem:$0x1A10]  }
0x639: {  	v3 =	vadd.s32 v3, v42;
	[tilespmem:$0x1EB50] =	vst v5;
	v5 =	vld [tilespmem:$0x18C0]  }
0x63a: {  	v0 =	vadd.s32 v0, v22;
	v22 =	vld [tilespmem:$0x1940];
	v3 =	vadd.s32 v3, v50  }
0x63b: {  	[tilespmem:$0x1EF80] =	vst v30;
	v30 =	vadd.s32 v28, v43;
	v43 =	vld [tilespmem:$0x1EAB0];
	v3 =	vadd.s32 v3, v56  }
0x63c: {  	v3 =	vadd.s32 v3, v7;
	v7 =	vld [tilespmem:$0x1E910]  }
0x63d: {  	[tilespmem:$0x1EED0] =	vst v63;
	v63 =	vld [tilespmem:$0xB20]  }
0x63e: {  	[tilespmem:$0x1EB80] =	vst v5;
	v5 =	vld [tilespmem:$0x19C0]  }
0x63f: {  	v2 =	vld [tilespmem:$0x1830]  }
0x640: {  	v0 =	vadd.s32 v0, v25;
	v25 =	vld [tilespmem:$0x1EA00]  }
0x641: {  	v1 =	vadd.s32 v1, v7;
	v7 =	vld [tilespmem:$0x1E920]  }
0x642: {  	[tilespmem:$0x1EEB0] =	vst v63;
	v63 =	vld [tilespmem:$0xC20]  }
0x643: {  	[tilespmem:$0x1EBB0] =	vst v5;
	v5 =	vld [tilespmem:$0xFD0]  }
0x644: {  	v29 =	vld [tilespmem:$0x1EA20]  }
0x645: {  	v0 =	vadd.s32 v0, v32;
	v32 =	vadd.s32 v30, v49;
	v30 =	vld [tilespmem:$0x1EBA0]  }
0x646: {  	v3 =	vadd.s32 v3, v7;
	v7 =	vld [tilespmem:$0x1E930]  }
0x647: {  	[tilespmem:$0x1EEC0] =	vst v63;
	v63 =	vld [tilespmem:$0xD20]  }
0x648: {  	[tilespmem:$0x1EA60] =	vst v5;
	v5 =	vld [tilespmem:$0x10D0]  }
0x649: {  	v50 =	vld [tilespmem:$0x1EB10]  }
0x64a: {  	v48 =	vld [tilespmem:$0x1EAF0]  }
0x64b: {  	v1 =	vadd.s32 v1, v7;
	v7 =	vld [tilespmem:$0x1E940]  }
0x64c: {  	[tilespmem:$0x1EEE0] =	vst v63;
	v63 =	vld [tilespmem:$0xE20]  }
0x64d: {  	v0 =	vadd.s32 v0, v45;
	[tilespmem:$0x1EA80] =	vst v5;
	v5 =	vld [tilespmem:$0x11D0]  }
0x64e: {  	v0 =	vadd.s32 v0, v51;
	v51 =	vld [tilespmem:$0x1EB20]  }
0x64f: {  	v4 =	vld [tilespmem:$0xB40]  }
0x650: {  	v3 =	vadd.s32 v3, v7;
	v7 =	vld [tilespmem:$0x1E950]  }
0x651: {  	[tilespmem:$0x1EF00] =	vst v63;
	v63 =	vld [tilespmem:$0xF20]  }
0x652: {  	[tilespmem:$0x1EAA0] =	vst v5;
	v5 =	vld [tilespmem:$0x12D0]  }
0x653: {  	v56 =	vld [tilespmem:$0x1EB50]  }
0x654: {  	v4 =	vadd.s32 v4, v9;
	v9 =	vld [tilespmem:$0x1260]  }
0x655: {  	v1 =	vadd.s32 v1, v7;
	v7 =	vld [tilespmem:$0x1E960]  }
0x656: {  	[tilespmem:$0x1EF10] =	vst v63;
	v63 =	vld [tilespmem:$0x1020]  }
0x657: {  	[tilespmem:$0x1EAC0] =	vst v5;
	v5 =	vld [tilespmem:$0x13D0]  }
0x658: {  	v4 =	vadd.s32 v4, v10;
	v10 =	vld [tilespmem:$0x1360]  }
0x659: {  	v4 =	vadd.s32 v4, v11;
	v11 =	vld [tilespmem:$0x1460]  }
0x65a: {  	v3 =	vadd.s32 v3, v7;
	v7 =	vld [tilespmem:$0x1E970]  }
0x65b: {  	[tilespmem:$0x1EF30] =	vst v63;
	v63 =	vld [tilespmem:$0x1120]  }
0x65c: {  	[tilespmem:$0x1EAE0] =	vst v5;
	v5 =	vld [tilespmem:$0x14D0]  }
0x65d: {  	v28 =	vld [tilespmem:$0x1EB80]  }
0x65e: {  	v4 =	vadd.s32 v4, v12;
	v12 =	vld [tilespmem:$0x1560]  }
0x65f: {  	v1 =	vadd.s32 v1, v7;
	v7 =	vld [tilespmem:$0x1E980]  }
0x660: {  	[tilespmem:$0x1EF50] =	vst v63;
	v63 =	vld [tilespmem:$0x1220]  }
0x661: {  	[tilespmem:$0x1EB00] =	vst v5;
	v5 =	vld [tilespmem:$0x15D0]  }
0x662: {  	v4 =	vadd.s32 v4, v13;
	v13 =	vld [tilespmem:$0x1660]  }
0x663: {  	v4 =	vadd.s32 v4, v15;
	v15 =	vld [tilespmem:$0x1760]  }
0x664: {  	v7 =	vadd.s32 v3, v7;
	v3 =	vld [tilespmem:$0x1E990]  }
0x665: {  	[tilespmem:$0x1EF70] =	vst v63;
	v63 =	vld [tilespmem:$0x1320]  }
0x666: {  	[tilespmem:$0x1EB30] =	vst v5;
	v5 =	vld [tilespmem:$0x16D0]  }
0x667: {  	v4 =	vadd.s32 v4, v16;
	v16 =	vld [tilespmem:$0x1860]  }
0x668: {  	v4 =	vadd.s32 v4, v17;
	v17 =	vld [tilespmem:$0x1960]  }
0x669: {  	v3 =	vadd.s32 v1, v3;
	v1 =	vld [tilespmem:$0x1E9A0]  }
0x66a: {  	[tilespmem:$0x1EF90] =	vst v63;
	v63 =	vld [tilespmem:$0x1420]  }
0x66b: {  	[tilespmem:$0x1EB60] =	vst v5;
	v5 =	vld [tilespmem:$0x17D0]  }
0x66c: {  	v4 =	vadd.s32 v4, v18;
	v18 =	vld [tilespmem:$0x1A60]  }
0x66d: {  	v37 =	vld [tilespmem:$0x1EA60]  }
0x66e: {  	v1 =	vadd.s32 v7, v1;
	v7 =	vld [tilespmem:$0x1E9B0]  }
0x66f: {  	[tilespmem:$0x1EFB0] =	vst v63;
	v63 =	vld [tilespmem:$0x1520]  }
0x670: {  	[tilespmem:$0x1EB90] =	vst v5;
	v5 =	vld [tilespmem:$0x18D0]  }
0x671: {  	v40 =	vld [tilespmem:$0x1EA80]  }
0x672: {  	v0 =	vadd.s32 v0, v57;
	v42 =	vld [tilespmem:$0x1EAA0]  }
0x673: {  	v0 =	vadd.s32 v0, v7;
	v7 =	vld [tilespmem:$0x1E9C0]  }
0x674: {  	[tilespmem:$0x1EFC0] =	vst v63;
	v63 =	vld [tilespmem:$0x1620]  }
0x675: {  	[tilespmem:$0x1EBC0] =	vst v5;
	v5 =	vld [tilespmem:$0x19D0]  }
0x676: {  	v45 =	vld [tilespmem:$0x1EAC0]  }
0x677: {  	v47 =	vld [tilespmem:$0x1EAE0]  }
0x678: {  	v1 =	vadd.s32 v1, v7;
	v7 =	vld [tilespmem:$0x1E9D0]  }
0x679: {  	[tilespmem:$0x1EFE0] =	vst v63;
	v63 =	vld [tilespmem:$0x1720]  }
0x67a: {  	[tilespmem:$0x1EBE0] =	vst v5;
	v5 =	vld [tilespmem:$0xBE0]  }
0x67b: {  	v49 =	vld [tilespmem:$0x1EB00]  }
0x67c: {  	v57 =	vld [tilespmem:$0x1EB60]  }
0x67d: {  	v0 =	vadd.s32 v0, v7;
	v7 =	vld [tilespmem:$0x1E9E0]  }
0x67e: {  	[tilespmem:$0x1F000] =	vst v63;
	v63 =	vld [tilespmem:$0x1820]  }
0x67f: {  	v5 =	vadd.s32 v8, v5;
	v8 =	vadd.s32 v32, v55;
	v55 =	vld [tilespmem:$0x1EB40]  }
0x680: {  	v32 =	vld [tilespmem:$0x1EBB0]  }
0x681: {  	v5 =	vadd.s32 v5, v14;
	v14 =	vld [tilespmem:$0x1540]  }
0x682: {  	v8 =	vadd.s32 v8, v37;
	v37 =	vld [tilespmem:$0xC50]  }
0x683: {  	v5 =	vadd.s32 v5, v20;
	v20 =	vld [tilespmem:$0x1740]  }
0x684: {  	v8 =	vadd.s32 v8, v40;
	v40 =	vld [tilespmem:$0xD50]  }
0x685: {  	v5 =	vadd.s32 v5, v26;
	v8 =	vadd.s32 v8, v42;
	v42 =	vld [tilespmem:$0x1EBF0]  }
0x686: {  	v5 =	vadd.s32 v5, v34;
	v34 =	vld [tilespmem:$0x1EBE0]  }
0x687: {  	v8 =	vadd.s32 v8, v45;
	v45 =	vld [tilespmem:$0x1EC10]  }
0x688: {  	[tilespmem:$0x1F010] =	vst v63;
	v63 =	vld [tilespmem:$0x1230]  }
0x689: {  	v5 =	vadd.s32 v5, v46;
	v46 =	vld [tilespmem:$0x1EAD0]  }
0x68a: {  	v7 =	vadd.s32 v7, v24;
	v8 =	vadd.s32 v8, v47;
	v47 =	vld [tilespmem:$0x1EC30]  }
0x68b: {  	v7 =	vadd.s32 v7, v27;
	v27 =	vld [tilespmem:$0x1750]  }
0x68c: {  	v5 =	vadd.s32 v5, v52;
	v52 =	vld [tilespmem:$0x1EB30]  }
0x68d: {  	v7 =	vadd.s32 v7, v29;
	v29 =	vld [tilespmem:$0x1EB90]  }
0x68e: {  	v8 =	vadd.s32 v8, v49;
	v49 =	vld [tilespmem:$0x1EC50]  }
0x68f: {  	v7 =	vadd.s32 v7, v31;
	v31 =	vld [tilespmem:$0xB50]  }
0x690: {  	v5 =	vadd.s32 v5, v58;
	v58 =	vld [tilespmem:$0x1EB70]  }
0x691: {  	v7 =	vadd.s32 v7, v33;
	v33 =	vld [tilespmem:$0x1EBD0]  }
0x692: {  	v5 =	vadd.s32 v5, v50;
	v50 =	vld [tilespmem:$0x1EC60]  }
0x693: {  	v7 =	vadd.s32 v7, v36;
	v36 =	vld [tilespmem:$0x1050]  }
0x694: {  	v5 =	vadd.s32 v5, v55;
	v55 =	vld [tilespmem:$0x1EC80]  }
0x695: {  	[tilespmem:$0x1EFA0] =	vst v63;
	v63 =	vld [tilespmem:$0x1330]  }
0x696: {  	v7 =	vadd.s32 v7, v38;
	v38 =	vld [tilespmem:$0xF50]  }
0x697: {  	v7 =	vadd.s32 v7, v41;
	v41 =	vld [tilespmem:$0xE50]  }
0x698: {  	v8 =	vadd.s32 v8, v52;
	v52 =	vadd.s32 v39, v35;
	v35 =	vld [tilespmem:$0x1ECC0]  }
0x699: {  	v39 =	vld [tilespmem:$0x1ECD0]  }
0x69a: {  	v7 =	vadd.s32 v7, v43;
	v43 =	vld [tilespmem:$0x1EC00]  }
0x69b: {  	v8 =	vadd.s32 v8, v57;
	v57 =	vld [tilespmem:$0x1ECA0]  }
0x69c: {  	v5 =	vadd.s32 v5, v58;
	v58 =	vld [tilespmem:$0x1ECB0]  }
0x69d: {  	v26 =	vadd.s32 v52, v44;
	v44 =	vld [tilespmem:$0x1ED00]  }
0x69e: {  	v52 =	vld [tilespmem:$0x1ED80]  }
0x69f: {  	v7 =	vadd.s32 v7, v46;
	v46 =	vld [tilespmem:$0x1EC20]  }
0x6a0: {  	v5 =	vadd.s32 v5, v30;
	v30 =	vld [tilespmem:$0x1450]  }
0x6a1: {  	v24 =	vadd.s32 v8, v29;
	v29 =	vld [tilespmem:$0x1550]  }
0x6a2: {  	v26 =	vadd.s32 v26, v53;
	v53 =	vld [tilespmem:$0x1ED90]  }
0x6a3: {  	v7 =	vadd.s32 v7, v48;
	v48 =	vld [tilespmem:$0x1EC40]  }
0x6a4: {  	v5 =	vadd.s32 v5, v33;
	v33 =	vld [tilespmem:$0x1250]  }
0x6a5: {  	v26 =	vadd.s32 v26, v60;
	v60 =	vld [tilespmem:$0x1EDE0]  }
0x6a6: {  	v7 =	vadd.s32 v7, v51;
	v51 =	vld [tilespmem:$0x1EC70]  }
0x6a7: {  	v5 =	vadd.s32 v5, v42;
	v42 =	vld [tilespmem:$0x1ECE0]  }
0x6a8: {  	v7 =	vadd.s32 v7, v56;
	v56 =	vld [tilespmem:$0x1EC90]  }
0x6a9: {  	v7 =	vadd.s32 v7, v28;
	v28 =	vld [tilespmem:$0x1650]  }
0x6aa: {  	v26 =	vadd.s32 v26, v44;
	v44 =	vld [tilespmem:$0xC60]  }
0x6ab: {  	v8 =	vadd.s32 v7, v32;
	v7 =	vld [tilespmem:$0x1EBC0]  }
0x6ac: {  	v32 =	vld [tilespmem:$0x1350]  }
0x6ad: {  	v5 =	vadd.s32 v5, v46;
	v46 =	vld [tilespmem:$0x1ED20]  }
0x6ae: {  	v0 =	vadd.s32 v0, v25;
	v25 =	vadd.s32 v48, v49;
	v48 =	vld [tilespmem:$0x1ED40]  }
0x6af: {  	v49 =	vld [tilespmem:$0x1ED50]  }
0x6b0: {  	[tilespmem:$0x9E0] =	vst v5;
	v5 =	vld [tilespmem:$0x1770]  }
0x6b1: {  	v25 =	vadd.s32 v25, v51;
	v51 =	vld [tilespmem:$0x1ED70]  }
0x6b2: {  	v25 =	vadd.s32 v25, v56;
	v56 =	vld [tilespmem:$0x1EDB0]  }
0x6b3: {  	v25 =	vadd.s32 v25, v58;
	v58 =	vld [tilespmem:$0x1EDD0]  }
0x6b4: {  	v7 =	vadd.s32 v24, v7;
	v24 =	vadd.s32 v43, v45;
	v43 =	vld [tilespmem:$0x1ECF0]  }
0x6b5: {  	v45 =	vld [tilespmem:$0x1ED10]  }
0x6b6: {  	v7 =	vadd.s32 v7, v34;
	v34 =	vld [tilespmem:$0x1150]  }
0x6b7: {  	v24 =	vadd.s32 v24, v47;
	v47 =	vld [tilespmem:$0x1ED30]  }
0x6b8: {  	v24 =	vadd.s32 v24, v50;
	v50 =	vld [tilespmem:$0x1ED60]  }
0x6b9: {  	[tilespmem:$0x9D0] =	vst v7;
	v7 =	vld [tilespmem:$0x1670]  }
0x6ba: {  	v24 =	vadd.s32 v24, v55;
	v55 =	vld [tilespmem:$0x1EDA0]  }
0x6bb: {  	v25 =	vadd.s32 v25, v39;
	v24 =	vadd.s32 v24, v57;
	v57 =	vld [tilespmem:$0x1EDC0]  }
0x6bc: {  	v25 =	vadd.s32 v25, v43;
	v43 =	vld [tilespmem:$0xB60]  }
0x6bd: {  	v24 =	vadd.s32 v24, v35;
	v25 =	vadd.s32 v25, v46;
	v46 =	vld [tilespmem:$0xE60]  }
0x6be: {  	v24 =	vadd.s32 v24, v42;
	v26 =	vadd.s32 v26, v47;
	v47 =	vld [tilespmem:$0xF60]  }
0x6bf: {  	v35 =	vadd.s32 v24, v45;
	v24 =	vld [tilespmem:$0x1850]  }
0x6c0: {  	v39 =	vadd.s32 v25, v49;
	v25 =	vld [tilespmem:$0x1950]  }
0x6c1: {  	v49 =	vld [tilespmem:$0x1EE00]  }
0x6c2: {  	v26 =	vadd.s32 v26, v50;
	v50 =	vld [tilespmem:$0x1EE10]  }
0x6c3: {  	v45 =	vld [tilespmem:$0xD60]  }
0x6c4: {  	v35 =	vadd.s32 v35, v48;
	v48 =	vld [tilespmem:$0x1EDF0]  }
0x6c5: {  	v39 =	vadd.s32 v39, v52;
	v52 =	vld [tilespmem:$0x1EE30]  }
0x6c6: {  	v42 =	vadd.s32 v26, v53;
	v53 =	vld [tilespmem:$0x1EE40]  }
0x6c7: {  	v35 =	vadd.s32 v35, v51;
	v51 =	vld [tilespmem:$0x1EE20]  }
0x6c8: {  	v39 =	vadd.s32 v39, v56;
	v56 =	vld [tilespmem:$0x1EE60]  }
0x6c9: {  	v42 =	vadd.s32 v42, v57;
	v57 =	vld [tilespmem:$0x1EE70]  }
0x6ca: {  	v35 =	vadd.s32 v35, v55;
	v55 =	vld [tilespmem:$0x1EE50]  }
0x6cb: {  	v39 =	vadd.s32 v39, v60;
	v60 =	vld [tilespmem:$0x1EE90]  }
0x6cc: {  	v35 =	vadd.s32 v35, v58;
	v58 =	vld [tilespmem:$0x1EE80]  }
0x6cd: {  	v35 =	vadd.s32 v35, v49;
	v49 =	vld [tilespmem:$0x1060]  }
0x6ce: {  	v39 =	vadd.s32 v39, v50;
	v35 =	vadd.s32 v35, v52;
	v52 =	vld [tilespmem:$0x1EEA0]  }
0x6cf: {  	v39 =	vadd.s32 v39, v53;
	v53 =	vld [tilespmem:$0x1EEB0]  }
0x6d0: {  	v42 =	vadd.s32 v42, v48;
	v35 =	vadd.s32 v35, v56;
	v56 =	vld [tilespmem:$0x1EED0]  }
0x6d1: {  	v42 =	vadd.s32 v42, v51;
	v39 =	vadd.s32 v39, v57;
	v57 =	vld [tilespmem:$0x1EEE0]  }
0x6d2: {  	v42 =	vadd.s32 v42, v55;
	v55 =	vld [tilespmem:$0x1EEC0]  }
0x6d3: {  	v42 =	vadd.s32 v42, v58;
	v58 =	vld [tilespmem:$0x1EEF0]  }
0x6d4: {  	v51 =	vld [tilespmem:$0x1160]  }
0x6d5: {  	v39 =	vadd.s32 v39, v60;
	v60 =	vld [tilespmem:$0x1EF00]  }
0x6d6: {  	v42 =	vadd.s32 v42, v52;
	v52 =	vld [tilespmem:$0x1F040]  }
0x6d7: {  	v42 =	vadd.s32 v42, v56;
	v56 =	vld [tilespmem:$0x1EF20];
	v48 =	vadd.s32 v53, v55  }
0x6d8: {  	v48 =	vadd.s32 v48, v57;
	v50 =	vadd.s32 v58, v59;
	v57 =	vld [tilespmem:$0x1EF30]  }
0x6d9: {  	v50 =	vadd.s32 v50, v62;
	v62 =	vld [tilespmem:$0x1EF10]  }
0x6da: {  	v58 =	vld [tilespmem:$0x1EF40]  }
0x6db: {  	v48 =	vadd.s32 v48, v60;
	v60 =	vld [tilespmem:$0x1EF60]  }
0x6dc: {  	v59 =	vld [tilespmem:$0x1EF50]  }
0x6dd: {  	v50 =	vadd.s32 v50, v56;
	v56 =	vld [tilespmem:$0x1EF80]  }
0x6de: {  	v48 =	vadd.s32 v48, v62;
	v62 =	vld [tilespmem:$0x1EF70]  }
0x6df: {  	v50 =	vadd.s32 v50, v58;
	v58 =	vld [tilespmem:$0x1EFA0]  }
0x6e0: {  	v50 =	vadd.s32 v50, v60;
	v60 =	vld [tilespmem:$0x1EFC0]  }
0x6e1: {  	v48 =	vadd.s32 v48, v57;
	v57 =	vld [tilespmem:$0x1EF90]  }
0x6e2: {  	v48 =	vadd.s32 v48, v59;
	v59 =	vld [tilespmem:$0x1EFB0]  }
0x6e3: {  	v48 =	vadd.s32 v48, v62;
	v62 =	vld [tilespmem:$0x1EFD0]  }
0x6e4: {  	v50 =	vadd.s32 v50, v56;
	v56 =	vld [tilespmem:$0x1EFF0]  }
0x6e5: {  	v50 =	vadd.s32 v50, v58;
	v58 =	vld [tilespmem:$0xB70]  }
0x6e6: {  	v50 =	vadd.s32 v50, v63;
	v63 =	vld [tilespmem:$0x1EFE0]  }
0x6e7: {  	v4 =	vadd.s32 v4, v14;
	v48 =	vadd.s32 v48, v57;
	v57 =	vld [tilespmem:$0x1F000]  }
0x6e8: {  	v4 =	vadd.s32 v4, v19;
	v48 =	vadd.s32 v48, v59;
	v59 =	vld [tilespmem:$0x1F010];
	v50 =	vadd.s32 v50, v62  }
0x6e9: {  	v4 =	vadd.s32 v4, v20;
	v48 =	vadd.s32 v48, v60;
	v60 =	vld [tilespmem:$0xC70];
	v50 =	vadd.s32 v50, v56  }
0x6ea: {  	v4 =	vadd.s32 v4, v21;
	v62 =	vld [tilespmem:$0xD70];
	v50 =	vadd.s32 v50, v54  }
0x6eb: {  	v4 =	vadd.s32 v4, v22;
	v50 =	vadd.s32 v50, v61;
	v61 =	vld [tilespmem:$0x1F020]  }
0x6ec: {  	v55 =	vadd.s32 v43, v44;
	v48 =	vadd.s32 v48, v63;
	v63 =	vld [tilespmem:$0x1F030];
	v2 =	vadd.s32 v50, v2  }
0x6ed: {  	v4 =	vadd.s32 v4, v23;
	v53 =	vld [tilespmem:$0xE70];
	v23 =	vadd.s32 v55, v45;
	v2 =	vadd.s32 v2, v52  }
0x6ee: {  	v48 =	vadd.s32 v48, v57;
	v54 =	vld [tilespmem:$0xF70];
	v2 =	vadd.s32 v2, v6;
	v6 =	vadd.s32 v31, v37  }
0x6ef: {  	v56 =	vld [tilespmem:$0x1070];
	v48 =	vadd.s32 v48, v59;
	v14 =	vadd.s32 v58, v60;
	v6 =	vadd.s32 v6, v40  }
0x6f0: {  	v58 =	vld [tilespmem:$0x1170];
	v14 =	vadd.s32 v14, v62;
	v48 =	vadd.s32 v48, v61;
	v6 =	vadd.s32 v6, v41  }
0x6f1: {  	[tilespmem:$0x990] =	vst v3;
	v59 =	vld [tilespmem:$0x1270];
	v48 =	vadd.s32 v48, v63;
	v3 =	vadd.s32 v6, v38;
	v6 =	vadd.s32 v23, v46  }
0x6f2: {  	[tilespmem:$0x9A0] =	vst v1;
	v60 =	vld [tilespmem:$0x1370];
	v1 =	vadd.s32 v3, v36;
	v3 =	vadd.s32 v6, v47;
	v6 =	vadd.s32 v14, v53  }
0x6f3: {  	[tilespmem:$0x9B0] =	vst v0;
	v0 =	vadd.s32 v1, v34;
	v1 =	vadd.s32 v3, v49;
	v3 =	vadd.s32 v6, v54;
	v6 =	vld [tilespmem:$0x1470]  }
0x6f4: {  	v61 =	vld [tilespmem:$0x1570];
	v0 =	vadd.s32 v0, v33;
	v1 =	vadd.s32 v1, v51;
	v3 =	vadd.s32 v3, v56  }
0x6f5: {  	[tilespmem:$0xA40] =	vst v4;
	v57 =	vld [tilespmem:$0x1F050];
	v0 =	vadd.s32 v0, v32;
	v1 =	vadd.s32 v1, v9;
	v3 =	vadd.s32 v3, v58  }
0x6f6: {  	[tilespmem:$0x9C0] =	vst v8;
	v26 =	vld [tilespmem:$0x1A50];
	v0 =	vadd.s32 v0, v30;
	v1 =	vadd.s32 v1, v10;
	v3 =	vadd.s32 v3, v59  }
0x6f7: {  	[tilespmem:$0x9F0] =	vst v35;
	v62 =	vld [tilespmem:$0x1870];
	v0 =	vadd.s32 v0, v29;
	v1 =	vadd.s32 v1, v11;
	v3 =	vadd.s32 v3, v60  }
0x6f8: {  	[tilespmem:$0xA00] =	vst v39;
	v0 =	vadd.s32 v0, v28;
	v1 =	vadd.s32 v1, v12;
	v3 =	vadd.s32 v3, v6;
	v6 =	vld [tilespmem:$0x1970]  }
0x6f9: {  	[tilespmem:$0xA10] =	vst v42;
	v63 =	vld [tilespmem:$0x1A70];
	v0 =	vadd.s32 v0, v27;
	v1 =	vadd.s32 v1, v13;
	v3 =	vadd.s32 v3, v61  }
0x6fa: {  	[tilespmem:$0x980] =	vst v57;
	v0 =	vadd.s32 v0, v24;
	v1 =	vadd.s32 v1, v15;
	v3 =	vadd.s32 v3, v7  }
0x6fb: {  	[tilespmem:$0xA30] =	vst v2;
	v0 =	vadd.s32 v0, v25;
	v1 =	vadd.s32 v1, v16;
	v2 =	vadd.s32 v3, v5  }
0x6fc: {  	[tilespmem:$0xA20] =	vst v48;
	v0 =	vadd.s32 v0, v26;
	v1 =	vadd.s32 v1, v17;
	v2 =	vadd.s32 v2, v62  }
0x6fd: {  	[tilespmem:$0xA50] =	vst v0;
	v0 =	vadd.s32 v1, v18;
	v1 =	vadd.s32 v2, v6  }
0x6fe: {  	[tilespmem:$0xA60] =	vst v0;
	v0 =	vadd.s32 v1, v63  }
0x6ff: {  	s28 =	simm.s32 $0xA70;
	[tilespmem:$0xA70] =	vst v0  }
0x700: {  	v2 =	vld [tilespmem:s28+$0x0];
	_ =	sdelay $0x4  }
0x701: {  	(xrf0) =	vadd.scan.msk.s32 $0xffff, v2;
	_ =	sdelay $0x5  }
0x702: {  	v0, _, _ =	vpop (xrf0)  }
0x703: {  	(v2sf) =	vpush v0, $0xF  }
0x704: {  	s29 =	simm.s32 $0xA60  }
0x705: {  	s30 =	simm.s32 $0xA50;
	v3 =	vld [tilespmem:s29+$0x0]  }
0x706: {  	v0 =	vld [tilespmem:s30+$0x0];
	_ =	sdelay $0x3  }
0x707: {  	(xrf0) =	vadd.scan.msk.s32 $0xffff, v3  }
0x708: {  	(xrf0) =	vadd.scan.msk.s32 $0xffff, v0;
	_ =	sdelay $0x4  }
0x709: {  	s31 =	simm.s32 $0xA40;
	v4, _, _ =	vpop (xrf0)  }
0x70a: {  	v1 =	vld [tilespmem:s31+$0x0];
	(v2sf) =	vpush v4, $0xF;
	v6, _, _ =	vpop (xrf0)  }
0x70b: {  	s18 =	spop (v2sf);
	(v2sf) =	vpush v6, $0xF;
	_ =	sdelay $0x2  }
0x70c: {  	s19 =	simm.s32 $0x0;
	p2 =	por $0x0, $0x0  }
0x70d: {  	s16 =	simm.s32 $0xF;
	s17 =	simm.s32 $0xA30;
	s21 =	simm.s32 $0xA;
	(xrf0) =	vadd.scan.msk.s32 $0xffff, v1  }
0x70e: {  	s22 =	simm.s32 $0xA20;
	s14 =	simm.s32 $0xE;
	s13 =	simm.s32 $0xD;
	v4 =	vld [tilespmem:s17+$0x0]  }
0x70f: {  	s15 =	simm.s32 $0xC;
	s9 =	simm.s32 $0xB;
	p1 =	por !p2, !p2  }
0x710: {  	v5 =	vimm.s32 $0x0;
	s17 =	simm.s32 $0x0;
	s20 =	sadd.s32 $0x0, s18;
	s18 =	simm.s32 $0x0  }
.LBB2_15:
0x711: {  	s23 =	smov.u32 s19;
	p3 =	sne.s32 s21, $0x0  }
0x712: {  	p0 =	sge.s32 s20, s12;
	s24 =	smov.u32 s9;
	s9 =	smov.u32 s21  }
0x713: {  	v7 =	vmov v4;
	s21 =	sadd.s32 $0xFFFFFFFF, s21;
	s25 =	smov.u32 s19;
	s19 =	smov.u32 s20;
	(xrf0) =	vadd.scan.msk.s32 $0xffff, v4;
	v6, _, _ =	vpop (xrf0)  }
.Ltmp8:
0x714: {  	p4 =	por !p0, !p1;
	p2 =	por p2, p0;
	v4 =	vld [tilespmem:s22+$0x0];
	(v2sf) =	vpush v6, $0xF;
	(pc) =	sbr.rel @p3 .LBB2_15-.Ltmp8, $4  }
0x715: {  	p1 =	por !p2, !p2;
	p0 =	por !p4, !p4;
	s19 =	smov.u32 @p2 s23  }
0x716: {  	s18 =	smov.u32 @p0 s25;
	s17 =	smov.u32 @p0 s16;
	v5 =	vpsel p0, v2, v5;
	v2 =	vmovc v3;
	v3 =	vmovc v0;
	v0 =	vmov v1;
	v1 =	vmov v7;
	s16 =	smov.u32 s14  }
0x717: {  	s14 =	smov.u32 s13;
	s13 =	smov.u32 s15;
	s20 =	spop (v2sf)  }
0x718: {  	s22 =	sadd.s32 $0xFFFFFFF0, s22;
	s15 =	smov.u32 s24;
	s20 =	sadd.s32 s19, s20  }
0x719: {  	(xrf0) =	vadd.scan.msk.s32 $0xffff, v4;
	_ =	sdelay $0x1  }
0x71a: {  	v6, _, _ =	vpop (xrf0)  }
0x71b: {  	(v2sf) =	vpush v6, $0xF;
	_ =	sdelay $0x2  }
0x71c: {  	v55, _, _ =	vpop (xrf0)  }
0x71d: {  	(v2sf) =	vpush v55, $0xF  }
0x71e: {  	p4 =	sge.s32 s20, s12  }
0x71f: {  	p0 =	por p2, p4  }
0x720: {  	s21 =	spop (v2sf);
	s20 =	smov.u32 @p0 s19  }
0x721: {  	s21 =	sadd.s32 s20, s21  }
0x722: {  	p2 =	sge.s32 s21, s12  }
0x723: {  	p5 =	por p0, p2;
	p0 =	por !p0, !p0  }
0x724: {  	s21 =	smov.u32 @p5 s20;
	s24 =	simm.s32 @!p0 $0x0;
	s22 =	spop (v2sf)  }
0x725: {  	s24 =	simm.s32 @p0 $0x1;
	s22 =	sadd.s32 s21, s22  }
0x726: {  	[smem:$0x7F8] =	sst s24;
	p6 =	sge.s32 s22, s12  }
0x727: {  	s24 =	sld [smem:$0x7F8];
	p3 =	por p5, p6  }
0x728: {  	p1 =	por !p4, !p1;
	s22 =	smov.u32 @p3 s21;
	s23 =	spop (v2sf)  }
0x729: {  	p1 =	por !p1, !p1;
	s23 =	sadd.s32 s22, s23  }
0x72a: {  	p4 =	seq.s32 s24, $0x1;
	p5 =	por !p5, !p5;
	p0 =	sge.s32 s23, s12  }
0x72b: {  	p2 =	por !p2, !p4;
	p5 =	por !p6, !p5;
	p4 =	por p3, p0  }
0x72c: {  	p3 =	por !p3, !p3;
	s23 =	smov.u32 @p4 s22;
	s31 =	spop (v2sf)  }
0x72d: {  	v2 =	vpsel p1, v2, v5;
	p2 =	por !p2, !p2;
	p0 =	por !p0, !p3;
	s24 =	sadd.s32 s23, s31  }
0x72e: {  	v56 =	vlaneseq.u32;
	v2 =	vpsel p2, v3, v2;
	p3 =	por !p5, !p5;
	p4 =	por !p4, !p4;
	p6 =	sge.s32 s24, s12  }
0x72f: {  	v57 =	vmul.u32 $0xFFFFFFFF, v56;
	v0 =	vpsel p3, v0, v2;
	p6 =	por !p6, !p4;
	p4 =	por !p0, !p0  }
0x730: {  	v0 =	vpsel p4, v1, v0;
	p5 =	por !p6, !p6  }
0x731: {  	v58 =	vadd.s32 $0xF, v57;
	v0 =	vpsel p5, v4, v0  }
0x732: {  	v2 =	vperm.xlane v0, v58;
	_ =	sdelay $0x1  }
0x733: {  	(xrf0) =	vadd.scan.msk.s32 $0xffff, v2;
	_ =	sdelay $0x2  }
0x734: {  	s18 =	smov.u32 @p1 s19  }
0x735: {  	s18 =	smov.u32 @p2 s20  }
0x736: {  	s18 =	smov.u32 @p3 s21  }
0x737: {  	s18 =	smov.u32 @p4 s22;
	v2, _, _ =	vpop (xrf0)  }
0x738: {  	s18 =	smov.u32 @p5 s23;
	v1 =	vperm.xlane v2, v58  }
0x739: {  	s21 =	ssub.s32 s12, s18  }
0x73a: {  	vm0 =	vge.s32 v1, s21  }
0x73b: {  	v59 =	vmpcnt.ones.xlane vm0;
	_ =	sdelay $0x1  }
0x73c: {  	(v2sf) =	vpush v59, $0x0;
	_ =	sdelay $0xe  }
0x73d: {  	s22 =	spop (v2sf)  }
0x73e: {  	s18 =	sadd.s32 $0xFFFFFFFF, s22  }
0x73f: {  	v60 =	vmov s18  }
0x740: {  	vm14 =	veq.s32 v60, v56  }
0x741: {  	v1 =	vnsel vm14, $0x0, v1  }
0x742: {  	v0 =	vnsel vm14, $0x0, v0;
	(xrf0) =	vadd.scan.msk.s32 $0xffff, v1  }
0x743: {  	(xrf0) =	vadd.scan.msk.s32 $0xffff, v0;
	_ =	sdelay $0x4  }
0x744: {  	v61, _, _ =	vpop (xrf0)  }
0x745: {  	(v2sf) =	vpush v61, $0xF;
	v62, _, _ =	vpop (xrf0)  }
0x746: {  	(v2sf) =	vpush v62, $0xF;
	_ =	sdelay $0x8  }
0x747: {  	s17 =	smov.u32 @p1 s16  }
0x748: {  	s17 =	smov.u32 @p2 s14  }
0x749: {  	s17 =	smov.u32 @p3 s13  }
0x74a: {  	s17 =	smov.u32 @p4 s15  }
0x74b: {  	s17 =	smov.u32 @p5 s9  }
0x74c: {  	s25 =	sshll.u32 s17, $0xC;
	s23 =	spop (v2sf)  }
0x74d: {  	s26 =	sshll.u32 s18, $0x8;
	s24 =	spop (v2sf);
	s12 =	ssub.s32 s21, s23  }
0x74e: {  	s28 =	sadd.s32 s25, s26;
	s9 =	sadd.s32 s24, s12  }
0x74f: {  	vm15 =	veq.s32 v56, $0x0;
	s11 =	sor.u32 s11, s28;
	v63 =	vmov s9  }
0x750: {  	v0 =	vsel vm15, s11, v63  }
0x751: {  	s29 =	simm.s32 $0x1C80;
	s30 =	simm.s32 $0x1;
	[tilespmem:$0x1C80] =	vst v0  }
0x752: {  	[spmem:s7] =	stream.linear.scatter [tilespmem:s29], [sflag:$0x1], $0x80, $0x38;
	[tilespmem:$0x2118] =	vst v63  }
0x753: {  	_ =	swait.ge [sflag:s30], $0x80  }
0x754: {  	s31 =	sld [smem:$0x7FD];
	_ =	sdelay $0x1  }
0x755: {  	[sflag:s30] =	ssyncset.done $0x0  }
0x756: {  	[sflag:s30] =	ssyncadd.s32 $0xFFFFFF80;
	p2 =	seq.s32 s31, $0x1  }
.LBB2_17:
0x757: {  	[bflag:$0x0] =	sbarrier.arrive $0xFFFF;
	s9 =	simm.s32 $0x1C80  }
0x758: {  	[tilespmem:s9], [sflag:$0x1] =	stream.linear.gather [spmem:s7], $0x80, $0x38;
	[tilespmem:$0x2118] =	vst v63  }
0x759: {  	_ =	swait.ge [sflag:s10], $0x80  }
0x75a: {  	[sflag:s10] =	ssyncset.done $0x0  }
0x75b: {  	v1 =	vimm.s32 $0x0;
	[sflag:s10] =	ssyncadd.s32 $0xFFFFFF80  }
0x75c: {  	[tilespmem:$0x800] =	vst v1  }
0x75d: {  	[tilespmem:$0x810] =	vst v1  }
0x75e: {  	[tilespmem:$0x820] =	vst v1  }
0x75f: {  	[tilespmem:$0x830] =	vst v1  }
0x760: {  	[tilespmem:$0x840] =	vst v1  }
0x761: {  	[tilespmem:$0x850] =	vst v1  }
0x762: {  	[tilespmem:$0x860] =	vst v1  }
0x763: {  	[tilespmem:$0x870] =	vst v1  }
0x764: {  	[tilespmem:$0x880] =	vst v1  }
0x765: {  	[tilespmem:$0x890] =	vst v1  }
0x766: {  	[tilespmem:$0x8A0] =	vst v1  }
0x767: {  	v0 =	vld [tilespmem:$0x1C80];
	[tilespmem:$0x8B0] =	vst v1  }
0x768: {  	[tilespmem:$0x8C0] =	vst v1  }
0x769: {  	[tilespmem:$0x8D0] =	vst v1  }
0x76a: {  	[tilespmem:$0x8E0] =	vst v1  }
0x76b: {  	v2 =	vlaneseq.u32;
	[tilespmem:$0x8F0] =	vst v1  }
0x76c: {  	v3 =	vimm.s32 $0x1;
	s7 =	simm.s32 $0x0;
	v2 =	vor.u32 $0x100, v2;
	[tilespmem:$0x900] =	vst v1;
	v1 =	vbroadcast v0, $0x0  }
.LBB2_18:
0x76d: {  	s9 =	sshra.s32 s7, $0x2  }
0x76e: {  	v4 =	vld [tilespmem:s9+$0x400];
	_ =	sdelay $0x4  }
0x76f: {  	v5 =	vand.u32 $0xFFFFFF00, v4  }
0x770: {  	v4 =	vand.u32 $0xFF, v4;
	vm0 =	veq.s32 v5, v1  }
0x771: {  	v4 =	vsel vm0, v4, v2;
	_ =	sdelay $0x4  }
0x772: {  	[tilespmem:v4+s8+$0x0] =	vst.idx.add.s32.msk $0xffff, v3  }
0x773: {  	v4 =	vld [tilespmem:s9+$0x410];
	_ =	sdelay $0x4  }
0x774: {  	v5 =	vand.u32 $0xFFFFFF00, v4  }
0x775: {  	v4 =	vand.u32 $0xFF, v4;
	vm9 =	veq.s32 v5, v1  }
0x776: {  	v4 =	vsel vm9, v4, v2;
	_ =	sdelay $0x4  }
0x777: {  	[tilespmem:v4+s8+$0x0] =	vst.idx.add.s32.msk $0xffff, v3  }
0x778: {  	v4 =	vld [tilespmem:s9+$0x420];
	_ =	sdelay $0x4  }
0x779: {  	v5 =	vand.u32 $0xFFFFFF00, v4  }
0x77a: {  	v4 =	vand.u32 $0xFF, v4;
	vm10 =	veq.s32 v5, v1  }
0x77b: {  	v4 =	vsel vm10, v4, v2;
	_ =	sdelay $0x4  }
0x77c: {  	[tilespmem:v4+s8+$0x0] =	vst.idx.add.s32.msk $0xffff, v3  }
0x77d: {  	v4 =	vld [tilespmem:s9+$0x430];
	_ =	sdelay $0x4  }
0x77e: {  	v5 =	vand.u32 $0xFFFFFF00, v4  }
0x77f: {  	v4 =	vand.u32 $0xFF, v4;
	vm11 =	veq.s32 v5, v1  }
0x780: {  	v4 =	vsel vm11, v4, v2;
	_ =	sdelay $0x4  }
0x781: {  	[tilespmem:v4+s8+$0x0] =	vst.idx.add.s32.msk $0xffff, v3  }
0x782: {  	v4 =	vld [tilespmem:s9+$0x440];
	_ =	sdelay $0x4  }
0x783: {  	v5 =	vand.u32 $0xFFFFFF00, v4  }
0x784: {  	v4 =	vand.u32 $0xFF, v4;
	vm12 =	veq.s32 v5, v1  }
0x785: {  	v4 =	vsel vm12, v4, v2;
	_ =	sdelay $0x4  }
0x786: {  	[tilespmem:v4+s8+$0x0] =	vst.idx.add.s32.msk $0xffff, v3  }
0x787: {  	v4 =	vld [tilespmem:s9+$0x450];
	_ =	sdelay $0x4  }
0x788: {  	v5 =	vand.u32 $0xFFFFFF00, v4  }
0x789: {  	v4 =	vand.u32 $0xFF, v4;
	vm13 =	veq.s32 v5, v1  }
0x78a: {  	v4 =	vsel vm13, v4, v2;
	_ =	sdelay $0x4  }
0x78b: {  	[tilespmem:v4+s8+$0x0] =	vst.idx.add.s32.msk $0xffff, v3  }
0x78c: {  	v4 =	vld [tilespmem:s9+$0x460];
	_ =	sdelay $0x4  }
0x78d: {  	v5 =	vand.u32 $0xFFFFFF00, v4  }
0x78e: {  	v4 =	vand.u32 $0xFF, v4;
	vm14 =	veq.s32 v5, v1  }
0x78f: {  	v4 =	vsel vm14, v4, v2;
	_ =	sdelay $0x4  }
0x790: {  	[tilespmem:v4+s8+$0x0] =	vst.idx.add.s32.msk $0xffff, v3  }
0x791: {  	v4 =	vld [tilespmem:s9+$0x470];
	_ =	sdelay $0x4  }
0x792: {  	v5 =	vand.u32 $0xFFFFFF00, v4  }
0x793: {  	v4 =	vand.u32 $0xFF, v4;
	vm15 =	veq.s32 v5, v1  }
0x794: {  	p0 =	sne.s32 s7, $0xE00;
	v4 =	vsel vm15, v4, v2  }
.Ltmp9:
0x795: {  	_ = 	snop;
	(pc) =	sbr.rel @p0 .LBB2_18-.Ltmp9, $2  }
0x796: {  	_ =	sdelay $0x2  }
0x797: {  	s7 =	sadd.s32 $0x200, s7;
	[tilespmem:v4+s8+$0x0] =	vst.idx.add.s32.msk $0xffff, v3  }
0x798: {  	(v2sf) =	vpush v0, $0x0  }
0x799: {  	(v2sf) =	vpush v0, $0x1;
	_ =	sdelay $0xb  }
0x79a: {  	s9 =	simm.s32 $0x80;
	s10 =	simm.s32 $0x200;
	s8 =	simm.s32 $0x800  }
0x79b: {  	[spmem:s6] =	stream.strided.scatter [tilespmem:s8], [sflag:$0x1], $0x100, s10, s9, $0x38;
	[tilespmem:$0x2118] =	vst v63  }
0x79c: {  	s7 =	spop (v2sf)  }
0x79d: {  	s6 =	simm.s32 $0x1;
	s8 =	spop (v2sf)  }
.Ltmp10:
0x79e: {  	_ =	swait.ge [sflag:s6], $0x100;
	(pc) =	sbr.rel @p2 .LBB2_23-.Ltmp10, $3  }
0x79f: {  	[sflag:s6] =	ssyncset.done $0x0  }
0x7a0: {  	[sflag:s6] =	ssyncadd.s32 $0xFFFFFF00  }
0x7a1: {  	[bflag:$0x0] =	sbarrier.arrive $0xFFFF;
	_ =	sdelay $0x1  }
0x7a2: {  	s11 =	simm.s32 $0xA80  }
0x7a3: {  	[tilespmem:s11], [sflag:$0x1] =	stream.strided.gather [spmem:s5], $0x1000, s10, s9, $0x38;
	[tilespmem:$0x2118] =	vst v63  }
0x7a4: {  	_ =	swait.ge [sflag:s6], $0x1000  }
0x7a5: {  	[sflag:s6] =	ssyncset.done $0x0  }
0x7a6: {  	[sflag:s6] =	ssyncadd.s32 $0xFFFFF000  }
0x7a7: {  	v0 =	vld [tilespmem:$0x1090];
	_ =	sdelay $0x3  }
0x7a8: {  	v12 =	vld [tilespmem:$0xA80]  }
0x7a9: {  	[tilespmem:$0x1E100] =	vst v0;
	v0 =	vld [tilespmem:$0x1190]  }
0x7aa: {  	v9 =	vld [tilespmem:$0xB80]  }
0x7ab: {  	v13 =	vld [tilespmem:$0xC80]  }
0x7ac: {  	v15 =	vld [tilespmem:$0xD80]  }
0x7ad: {  	v17 =	vld [tilespmem:$0xE80]  }
0x7ae: {  	[tilespmem:$0x1E110] =	vst v0;
	v0 =	vld [tilespmem:$0x1290]  }
0x7af: {  	v18 =	vld [tilespmem:$0xF80]  }
0x7b0: {  	v21 =	vld [tilespmem:$0x1080]  }
0x7b1: {  	v59 =	vld [tilespmem:$0x1180]  }
0x7b2: {  	v62 =	vld [tilespmem:$0x1280]  }
0x7b3: {  	[tilespmem:$0x1E120] =	vst v0;
	v0 =	vld [tilespmem:$0x1390]  }
0x7b4: {  	v24 =	vld [tilespmem:$0x1380]  }
0x7b5: {  	v27 =	vld [tilespmem:$0x1480]  }
0x7b6: {  	v28 =	vld [tilespmem:$0x1580]  }
0x7b7: {  	v30 =	vld [tilespmem:$0x1680]  }
0x7b8: {  	[tilespmem:$0x1E130] =	vst v0;
	v0 =	vld [tilespmem:$0x1490]  }
0x7b9: {  	v36 =	vld [tilespmem:$0x1780]  }
0x7ba: {  	v40 =	vld [tilespmem:$0x1880]  }
0x7bb: {  	v48 =	vld [tilespmem:$0x1980]  }
0x7bc: {  	v37 =	vld [tilespmem:$0xA90]  }
0x7bd: {  	[tilespmem:$0x1E140] =	vst v0;
	v0 =	vld [tilespmem:$0x1590]  }
0x7be: {  	v31 =	vld [tilespmem:$0xB90]  }
0x7bf: {  	v41 =	vld [tilespmem:$0xC90]  }
0x7c0: {  	v47 =	vld [tilespmem:$0xD90]  }
0x7c1: {  	v54 =	vld [tilespmem:$0xE90]  }
0x7c2: {  	v61 =	vld [tilespmem:$0xF90];
	[tilespmem:$0x1E160] =	vst v0  }
0x7c3: {  	v0 =	vld [tilespmem:$0x1690]  }
0x7c4: {  	v10 =	vld [tilespmem:$0xAA0]  }
0x7c5: {  	v6 =	vld [tilespmem:$0xBA0]  }
0x7c6: {  	v11 =	vld [tilespmem:$0xCA0]  }
0x7c7: {  	v19 =	vld [tilespmem:$0xDA0]  }
0x7c8: {  	v23 =	vld [tilespmem:$0xEA0]  }
0x7c9: {  	v29 =	vld [tilespmem:$0xFA0]  }
0x7ca: {  	v42 =	vld [tilespmem:$0x10A0]  }
0x7cb: {  	v50 =	vld [tilespmem:$0x11A0]  }
0x7cc: {  	v56 =	vld [tilespmem:$0x12A0]  }
0x7cd: {  	v1 =	vld [tilespmem:$0xAB0]  }
0x7ce: {  	v2 =	vld [tilespmem:$0xCB0]  }
0x7cf: {  	v3 =	vld [tilespmem:$0xDB0]  }
0x7d0: {  	v4 =	vld [tilespmem:$0xEB0]  }
0x7d1: {  	v7 =	vld [tilespmem:$0xFB0]  }
0x7d2: {  	v16 =	vld [tilespmem:$0x10B0]  }
0x7d3: {  	v22 =	vld [tilespmem:$0x11B0]  }
0x7d4: {  	v25 =	vld [tilespmem:$0x12B0]  }
0x7d5: {  	v32 =	vld [tilespmem:$0x13B0]  }
0x7d6: {  	v45 =	vld [tilespmem:$0x14B0]  }
0x7d7: {  	v51 =	vld [tilespmem:$0x15B0]  }
0x7d8: {  	v57 =	vld [tilespmem:$0x16B0]  }
0x7d9: {  	v5 =	vld [tilespmem:$0x17B0]  }
0x7da: {  	v38 =	vld [tilespmem:$0xAD0]  }
0x7db: {  	v33 =	vld [tilespmem:$0xBD0]  }
0x7dc: {  	v43 =	vld [tilespmem:$0xCD0]  }
0x7dd: {  	v49 =	vld [tilespmem:$0xDD0]  }
0x7de: {  	v55 =	vld [tilespmem:$0xED0]  }
0x7df: {  	v8 =	vld [tilespmem:$0xAE0]  }
0x7e0: {  	v14 =	vld [tilespmem:$0xCE0]  }
0x7e1: {  	v20 =	vld [tilespmem:$0xDE0]  }
0x7e2: {  	v26 =	vld [tilespmem:$0xEE0]  }
0x7e3: {  	v34 =	vld [tilespmem:$0xFE0]  }
0x7e4: {  	v46 =	vld [tilespmem:$0x10E0]  }
0x7e5: {  	v52 =	vld [tilespmem:$0x11E0]  }
0x7e6: {  	v58 =	vld [tilespmem:$0x12E0]  }
0x7e7: {  	v35 =	vld [tilespmem:$0x13E0]  }
0x7e8: {  	v44 =	vld [tilespmem:$0x14E0]  }
0x7e9: {  	v53 =	vld [tilespmem:$0x15E0]  }
0x7ea: {  	v9 =	vadd.s32 v12, v9;
	v60 =	vld [tilespmem:$0x16E0]  }
0x7eb: {  	v9 =	vadd.s32 v9, v13;
	v63 =	vld [tilespmem:$0x17E0]  }
0x7ec: {  	v9 =	vadd.s32 v9, v15;
	v39 =	vld [tilespmem:$0x18E0]  }
0x7ed: {  	v9 =	vadd.s32 v9, v17;
	v17 =	vld [tilespmem:$0x1920]  }
0x7ee: {  	v9 =	vadd.s32 v9, v18;
	v18 =	vld [tilespmem:$0x1A20]  }
0x7ef: {  	v9 =	vadd.s32 v9, v21;
	v21 =	vld [tilespmem:$0xB30]  }
0x7f0: {  	v9 =	vadd.s32 v9, v59;
	v59 =	vld [tilespmem:$0xC30]  }
0x7f1: {  	v9 =	vadd.s32 v9, v62;
	v62 =	vld [tilespmem:$0xD30]  }
0x7f2: {  	v9 =	vadd.s32 v9, v24;
	v24 =	vld [tilespmem:$0xE30]  }
0x7f3: {  	v9 =	vadd.s32 v9, v27;
	v27 =	vld [tilespmem:$0xF30]  }
0x7f4: {  	v9 =	vadd.s32 v9, v28;
	v28 =	vld [tilespmem:$0x1030]  }
0x7f5: {  	v9 =	vadd.s32 v9, v30;
	v30 =	vld [tilespmem:$0x1130]  }
0x7f6: {  	v12 =	vld [tilespmem:$0xF40]  }
0x7f7: {  	v13 =	vld [tilespmem:$0x1040]  }
0x7f8: {  	v15 =	vld [tilespmem:$0x1140]  }
0x7f9: {  	[tilespmem:$0x1E180] =	vst v0;
	v0 =	vld [tilespmem:$0x1790]  }
0x7fa: {  	[tilespmem:$0x1E200] =	vst v5;
	v5 =	vld [tilespmem:$0x18B0]  }
0x7fb: {  	[tilespmem:$0x1E390] =	vst v44;
	v44 =	vld [tilespmem:$0x19E0]  }
0x7fc: {  	[tilespmem:$0x1E3C0] =	vst v53;
	v53 =	vld [tilespmem:$0xAF0]  }
0x7fd: {  	[tilespmem:$0x1E3F0] =	vst v60;
	v60 =	vld [tilespmem:$0xBF0]  }
0x7fe: {  	[tilespmem:$0x1E420] =	vst v63;
	v63 =	vld [tilespmem:$0xCF0]  }
0x7ff: {  	[tilespmem:$0x1E440] =	vst v39;
	v39 =	vld [tilespmem:$0xDF0]  }
0x800: {  	[tilespmem:$0x1E360] =	vst v35;
	v35 =	vld [tilespmem:$0xC10]  }
0x801: {  	[tilespmem:$0x1E740] =	vst v21;
	v21 =	vld [tilespmem:$0x1430]  }
0x802: {  	v9 =	vadd.s32 v9, v36;
	v6 =	vadd.s32 v10, v6;
	v10 =	vld [tilespmem:$0xD40]  }
0x803: {  	v9 =	vadd.s32 v9, v40;
	[tilespmem:$0x1E870] =	vst v17;
	v17 =	vadd.s32 v37, v31;
	v6 =	vadd.s32 v6, v11;
	v11 =	vld [tilespmem:$0xE40]  }
0x804: {  	v9 =	vadd.s32 v9, v48;
	[tilespmem:$0x1E880] =	vst v18;
	v18 =	vadd.s32 v17, v41;
	v17 =	vld [tilespmem:$0x1340]  }
0x805: {  	[tilespmem:$0x1E8A0] =	vst v9;
	v9 =	vadd.s32 v18, v47;
	v18 =	vld [tilespmem:$0x1440]  }
0x806: {  	v6 =	vadd.s32 v6, v19;
	v19 =	vld [tilespmem:$0x1640]  }
0x807: {  	[tilespmem:$0x1E1A0] =	vst v0;
	v0 =	vld [tilespmem:$0x1890]  }
0x808: {  	[tilespmem:$0x1E220] =	vst v5;
	v5 =	vld [tilespmem:$0x19B0]  }
0x809: {  	[tilespmem:$0x1E470] =	vst v44;
	v44 =	vld [tilespmem:$0xEF0]  }
0x80a: {  	[tilespmem:$0x1E450] =	vst v53;
	v53 =	vld [tilespmem:$0xFF0]  }
0x80b: {  	[tilespmem:$0x1E460] =	vst v60;
	v60 =	vld [tilespmem:$0x10F0]  }
0x80c: {  	[tilespmem:$0x1E480] =	vst v63;
	v63 =	vld [tilespmem:$0x11F0]  }
0x80d: {  	[tilespmem:$0x1E4B0] =	vst v39;
	v39 =	vld [tilespmem:$0x12F0]  }
0x80e: {  	[tilespmem:$0x1E820] =	vst v21;
	v21 =	vld [tilespmem:$0x1840]  }
0x80f: {  	[tilespmem:$0x1E1C0] =	vst v0;
	v0 =	vld [tilespmem:$0x1990]  }
0x810: {  	[tilespmem:$0x1E250] =	vst v5;
	v5 =	vld [tilespmem:$0xAC0]  }
0x811: {  	[tilespmem:$0x1E4D0] =	vst v44;
	v44 =	vld [tilespmem:$0x13F0]  }
0x812: {  	[tilespmem:$0x1E4F0] =	vst v53;
	v53 =	vld [tilespmem:$0x14F0]  }
0x813: {  	[tilespmem:$0x1E510] =	vst v60;
	v60 =	vld [tilespmem:$0x15F0]  }
0x814: {  	[tilespmem:$0x1E530] =	vst v63;
	v63 =	vld [tilespmem:$0x16F0]  }
0x815: {  	[tilespmem:$0x1E560] =	vst v39;
	v39 =	vld [tilespmem:$0x17F0]  }
0x816: {  	[tilespmem:$0x1E1E0] =	vst v0;
	v0 =	vld [tilespmem:$0x13A0]  }
0x817: {  	[tilespmem:$0x1E230] =	vst v5;
	v5 =	vld [tilespmem:$0xBC0]  }
0x818: {  	[tilespmem:$0x1E590] =	vst v44;
	v44 =	vld [tilespmem:$0x18F0]  }
0x819: {  	[tilespmem:$0x1E5C0] =	vst v53;
	v53 =	vld [tilespmem:$0x19F0]  }
0x81a: {  	[tilespmem:$0x1E5F0] =	vst v60;
	v60 =	vld [tilespmem:$0xB00]  }
0x81b: {  	[tilespmem:$0x1E620] =	vst v63;
	v63 =	vld [tilespmem:$0xC00]  }
0x81c: {  	[tilespmem:$0x1E650] =	vst v39;
	v39 =	vld [tilespmem:$0xD00]  }
0x81d: {  	[tilespmem:$0x1E150] =	vst v0;
	v0 =	vld [tilespmem:$0x14A0]  }
0x81e: {  	[tilespmem:$0x1E240] =	vst v5;
	v5 =	vld [tilespmem:$0xCC0]  }
0x81f: {  	[tilespmem:$0x1E680] =	vst v44;
	v44 =	vld [tilespmem:$0xE00]  }
0x820: {  	[tilespmem:$0x1E6B0] =	vst v53;
	v53 =	vld [tilespmem:$0xF00]  }
0x821: {  	[tilespmem:$0x1E490] =	vst v60;
	v60 =	vld [tilespmem:$0x1000]  }
0x822: {  	[tilespmem:$0x1E4A0] =	vst v63;
	v63 =	vld [tilespmem:$0x1100]  }
0x823: {  	[tilespmem:$0x1E4C0] =	vst v39;
	v39 =	vld [tilespmem:$0x1200]  }
0x824: {  	[tilespmem:$0x1E770] =	vst v24;
	v24 =	vld [tilespmem:$0x1E240]  }
0x825: {  	[tilespmem:$0x1E170] =	vst v0;
	v0 =	vld [tilespmem:$0x15A0]  }
0x826: {  	[tilespmem:$0x1E260] =	vst v5;
	v5 =	vld [tilespmem:$0xDC0]  }
0x827: {  	[tilespmem:$0x1E4E0] =	vst v44;
	v44 =	vld [tilespmem:$0x1300]  }
0x828: {  	[tilespmem:$0x1E540] =	vst v63;
	v63 =	vld [tilespmem:$0x1600]  }
0x829: {  	[tilespmem:$0x1E500] =	vst v53;
	v53 =	vld [tilespmem:$0x1400]  }
0x82a: {  	[tilespmem:$0x1E520] =	vst v60;
	v60 =	vld [tilespmem:$0x1500]  }
0x82b: {  	[tilespmem:$0x1E570] =	vst v39;
	v39 =	vld [tilespmem:$0x1700]  }
0x82c: {  	[tilespmem:$0x1E790] =	vst v27;
	v27 =	vld [tilespmem:$0x1E260]  }
0x82d: {  	[tilespmem:$0x1E630] =	vst v63;
	v63 =	vld [tilespmem:$0x1010]  }
0x82e: {  	[tilespmem:$0x1E190] =	vst v0;
	v0 =	vld [tilespmem:$0x16A0]  }
0x82f: {  	[tilespmem:$0x1E270] =	vst v5;
	v5 =	vld [tilespmem:$0xEC0]  }
0x830: {  	[tilespmem:$0x1E5A0] =	vst v44;
	v44 =	vld [tilespmem:$0x1800]  }
0x831: {  	[tilespmem:$0x1E5D0] =	vst v53;
	v53 =	vld [tilespmem:$0x1900]  }
0x832: {  	[tilespmem:$0x1E550] =	vst v63;
	v63 =	vld [tilespmem:$0x1110]  }
0x833: {  	[tilespmem:$0x1E1B0] =	vst v0;
	v0 =	vld [tilespmem:$0x17A0]  }
0x834: {  	[tilespmem:$0x1E280] =	vst v5;
	v5 =	vld [tilespmem:$0xFC0]  }
0x835: {  	[tilespmem:$0x1E600] =	vst v60;
	v60 =	vld [tilespmem:$0x1A00]  }
0x836: {  	[tilespmem:$0x1E660] =	vst v39;
	v39 =	vld [tilespmem:$0xB10]  }
0x837: {  	[tilespmem:$0x1E580] =	vst v63;
	v63 =	vld [tilespmem:$0x1210]  }
0x838: {  	[tilespmem:$0x1E1D0] =	vst v0;
	v0 =	vld [tilespmem:$0x18A0]  }
0x839: {  	[tilespmem:$0x1E290] =	vst v5;
	v5 =	vld [tilespmem:$0x10C0]  }
0x83a: {  	[tilespmem:$0x1E690] =	vst v44;
	v44 =	vld [tilespmem:$0xD10]  }
0x83b: {  	[tilespmem:$0x1E6C0] =	vst v53;
	v53 =	vld [tilespmem:$0xE10]  }
0x83c: {  	[tilespmem:$0x1E5B0] =	vst v63;
	v63 =	vld [tilespmem:$0x1310]  }
0x83d: {  	[tilespmem:$0x1E1F0] =	vst v0;
	v0 =	vld [tilespmem:$0x19A0]  }
0x83e: {  	[tilespmem:$0x1E2A0] =	vst v5;
	v5 =	vld [tilespmem:$0x11C0]  }
0x83f: {  	[tilespmem:$0x1E6E0] =	vst v60;
	v60 =	vld [tilespmem:$0xF10]  }
0x840: {  	v31 =	vld [tilespmem:$0x1E280]  }
0x841: {  	[tilespmem:$0x1E5E0] =	vst v63;
	v63 =	vld [tilespmem:$0x1410]  }
0x842: {  	[tilespmem:$0x1E210] =	vst v0;
	v0 =	vld [tilespmem:$0xBB0]  }
0x843: {  	[tilespmem:$0x1E2C0] =	vst v5;
	v5 =	vld [tilespmem:$0x12C0]  }
0x844: {  	[tilespmem:$0x1E7B0] =	vst v28;
	v28 =	vadd.s32 v38, v33;
	v33 =	vld [tilespmem:$0x1E290]  }
0x845: {  	v36 =	vld [tilespmem:$0x1E2A0]  }
0x846: {  	[tilespmem:$0x1E610] =	vst v63;
	v63 =	vld [tilespmem:$0x1510]  }
0x847: {  	v0 =	vadd.s32 v1, v0;
	v1 =	vld [tilespmem:$0x1530]  }
0x848: {  	[tilespmem:$0x1E2E0] =	vst v5;
	v5 =	vld [tilespmem:$0x13C0];
	v0 =	vadd.s32 v0, v2  }
0x849: {  	v0 =	vadd.s32 v0, v3;
	v3 =	vld [tilespmem:$0x1E100]  }
0x84a: {  	v0 =	vadd.s32 v0, v4;
	v4 =	vld [tilespmem:$0x1E110]  }
0x84b: {  	v38 =	vld [tilespmem:$0x1E2C0];
	[tilespmem:$0x1E640] =	vst v63  }
0x84c: {  	v63 =	vld [tilespmem:$0x1610];
	[tilespmem:$0x1E840] =	vst v1;
	v1 =	vadd.s32 v9, v54  }
0x84d: {  	[tilespmem:$0x1E300] =	vst v5;
	v5 =	vld [tilespmem:$0x14C0];
	v1 =	vadd.s32 v1, v61  }
0x84e: {  	v2 =	vadd.s32 v6, v23;
	v6 =	vld [tilespmem:$0x1A30];
	v1 =	vadd.s32 v1, v3  }
0x84f: {  	v1 =	vadd.s32 v1, v4;
	v4 =	vld [tilespmem:$0x1930]  }
0x850: {  	v41 =	vld [tilespmem:$0x1E2E0]  }
0x851: {  	[tilespmem:$0x1E670] =	vst v63;
	v63 =	vld [tilespmem:$0x1710]  }
0x852: {  	[tilespmem:$0x1E320] =	vst v5;
	v5 =	vld [tilespmem:$0x15C0]  }
0x853: {  	v23 =	vld [tilespmem:$0x1A40]  }
0x854: {  	[tilespmem:$0x1E890] =	vst v4;
	v4 =	vld [tilespmem:$0x1E120]  }
0x855: {  	v0 =	vadd.s32 v0, v7;
	v7 =	vld [tilespmem:$0x1E140]  }
0x856: {  	[tilespmem:$0x1E6A0] =	vst v63;
	v63 =	vld [tilespmem:$0x1810]  }
0x857: {  	[tilespmem:$0x1E340] =	vst v5;
	v5 =	vld [tilespmem:$0x16C0]  }
0x858: {  	v54 =	vld [tilespmem:$0x1630]  }
0x859: {  	v1 =	vadd.s32 v1, v4;
	v4 =	vld [tilespmem:$0x1E130]  }
0x85a: {  	v9 =	vld [tilespmem:$0xC40]  }
0x85b: {  	[tilespmem:$0x1E6D0] =	vst v63;
	v63 =	vld [tilespmem:$0x1910]  }
0x85c: {  	[tilespmem:$0x1E370] =	vst v5;
	v5 =	vld [tilespmem:$0x17C0]  }
0x85d: {  	v0 =	vadd.s32 v0, v16;
	v16 =	vld [tilespmem:$0x1240]  }
0x85e: {  	v61 =	vld [tilespmem:$0x1730];
	v1 =	vadd.s32 v1, v4  }
0x85f: {  	v1 =	vadd.s32 v1, v7;
	v7 =	vld [tilespmem:$0x1E150]  }
0x860: {  	v3 =	vadd.s32 v2, v29;
	[tilespmem:$0x1E6F0] =	vst v63;
	v63 =	vld [tilespmem:$0x1A10]  }
0x861: {  	v3 =	vadd.s32 v3, v42;
	[tilespmem:$0x1E3A0] =	vst v5;
	v5 =	vld [tilespmem:$0x18C0]  }
0x862: {  	v0 =	vadd.s32 v0, v22;
	v22 =	vld [tilespmem:$0x1940];
	v3 =	vadd.s32 v3, v50  }
0x863: {  	[tilespmem:$0x1E7D0] =	vst v30;
	v30 =	vadd.s32 v28, v43;
	v43 =	vld [tilespmem:$0x1E300];
	v3 =	vadd.s32 v3, v56  }
0x864: {  	v3 =	vadd.s32 v3, v7;
	v7 =	vld [tilespmem:$0x1E160]  }
0x865: {  	[tilespmem:$0x1E720] =	vst v63;
	v63 =	vld [tilespmem:$0xB20]  }
0x866: {  	[tilespmem:$0x1E3D0] =	vst v5;
	v5 =	vld [tilespmem:$0x19C0]  }
0x867: {  	v2 =	vld [tilespmem:$0x1830]  }
0x868: {  	v0 =	vadd.s32 v0, v25;
	v25 =	vld [tilespmem:$0x1E250]  }
0x869: {  	v1 =	vadd.s32 v1, v7;
	v7 =	vld [tilespmem:$0x1E170]  }
0x86a: {  	[tilespmem:$0x1E700] =	vst v63;
	v63 =	vld [tilespmem:$0xC20]  }
0x86b: {  	[tilespmem:$0x1E400] =	vst v5;
	v5 =	vld [tilespmem:$0xFD0]  }
0x86c: {  	v29 =	vld [tilespmem:$0x1E270]  }
0x86d: {  	v0 =	vadd.s32 v0, v32;
	v32 =	vadd.s32 v30, v49;
	v30 =	vld [tilespmem:$0x1E3F0]  }
0x86e: {  	v3 =	vadd.s32 v3, v7;
	v7 =	vld [tilespmem:$0x1E180]  }
0x86f: {  	[tilespmem:$0x1E710] =	vst v63;
	v63 =	vld [tilespmem:$0xD20]  }
0x870: {  	[tilespmem:$0x1E2B0] =	vst v5;
	v5 =	vld [tilespmem:$0x10D0]  }
0x871: {  	v50 =	vld [tilespmem:$0x1E360]  }
0x872: {  	v48 =	vld [tilespmem:$0x1E340]  }
0x873: {  	v1 =	vadd.s32 v1, v7;
	v7 =	vld [tilespmem:$0x1E190]  }
0x874: {  	[tilespmem:$0x1E730] =	vst v63;
	v63 =	vld [tilespmem:$0xE20]  }
0x875: {  	v0 =	vadd.s32 v0, v45;
	[tilespmem:$0x1E2D0] =	vst v5;
	v5 =	vld [tilespmem:$0x11D0]  }
0x876: {  	v0 =	vadd.s32 v0, v51;
	v51 =	vld [tilespmem:$0x1E370]  }
0x877: {  	v4 =	vld [tilespmem:$0xB40]  }
0x878: {  	v3 =	vadd.s32 v3, v7;
	v7 =	vld [tilespmem:$0x1E1A0]  }
0x879: {  	[tilespmem:$0x1E750] =	vst v63;
	v63 =	vld [tilespmem:$0xF20]  }
0x87a: {  	[tilespmem:$0x1E2F0] =	vst v5;
	v5 =	vld [tilespmem:$0x12D0]  }
0x87b: {  	v56 =	vld [tilespmem:$0x1E3A0]  }
0x87c: {  	v4 =	vadd.s32 v4, v9;
	v9 =	vld [tilespmem:$0x1260]  }
0x87d: {  	v1 =	vadd.s32 v1, v7;
	v7 =	vld [tilespmem:$0x1E1B0]  }
0x87e: {  	[tilespmem:$0x1E760] =	vst v63;
	v63 =	vld [tilespmem:$0x1020]  }
0x87f: {  	[tilespmem:$0x1E310] =	vst v5;
	v5 =	vld [tilespmem:$0x13D0]  }
0x880: {  	v4 =	vadd.s32 v4, v10;
	v10 =	vld [tilespmem:$0x1360]  }
0x881: {  	v4 =	vadd.s32 v4, v11;
	v11 =	vld [tilespmem:$0x1460]  }
0x882: {  	v3 =	vadd.s32 v3, v7;
	v7 =	vld [tilespmem:$0x1E1C0]  }
0x883: {  	[tilespmem:$0x1E780] =	vst v63;
	v63 =	vld [tilespmem:$0x1120]  }
0x884: {  	[tilespmem:$0x1E330] =	vst v5;
	v5 =	vld [tilespmem:$0x14D0]  }
0x885: {  	v28 =	vld [tilespmem:$0x1E3D0]  }
0x886: {  	v4 =	vadd.s32 v4, v12;
	v12 =	vld [tilespmem:$0x1560]  }
0x887: {  	v1 =	vadd.s32 v1, v7;
	v7 =	vld [tilespmem:$0x1E1D0]  }
0x888: {  	[tilespmem:$0x1E7A0] =	vst v63;
	v63 =	vld [tilespmem:$0x1220]  }
0x889: {  	[tilespmem:$0x1E350] =	vst v5;
	v5 =	vld [tilespmem:$0x15D0]  }
0x88a: {  	v4 =	vadd.s32 v4, v13;
	v13 =	vld [tilespmem:$0x1660]  }
0x88b: {  	v4 =	vadd.s32 v4, v15;
	v15 =	vld [tilespmem:$0x1760]  }
0x88c: {  	v7 =	vadd.s32 v3, v7;
	v3 =	vld [tilespmem:$0x1E1E0]  }
0x88d: {  	[tilespmem:$0x1E7C0] =	vst v63;
	v63 =	vld [tilespmem:$0x1320]  }
0x88e: {  	[tilespmem:$0x1E380] =	vst v5;
	v5 =	vld [tilespmem:$0x16D0]  }
0x88f: {  	v4 =	vadd.s32 v4, v16;
	v16 =	vld [tilespmem:$0x1860]  }
0x890: {  	v4 =	vadd.s32 v4, v17;
	v17 =	vld [tilespmem:$0x1960]  }
0x891: {  	v3 =	vadd.s32 v1, v3;
	v1 =	vld [tilespmem:$0x1E1F0]  }
0x892: {  	[tilespmem:$0x1E7E0] =	vst v63;
	v63 =	vld [tilespmem:$0x1420]  }
0x893: {  	[tilespmem:$0x1E3B0] =	vst v5;
	v5 =	vld [tilespmem:$0x17D0]  }
0x894: {  	v4 =	vadd.s32 v4, v18;
	v18 =	vld [tilespmem:$0x1A60]  }
0x895: {  	v37 =	vld [tilespmem:$0x1E2B0]  }
0x896: {  	v1 =	vadd.s32 v7, v1;
	v7 =	vld [tilespmem:$0x1E200]  }
0x897: {  	[tilespmem:$0x1E800] =	vst v63;
	v63 =	vld [tilespmem:$0x1520]  }
0x898: {  	[tilespmem:$0x1E3E0] =	vst v5;
	v5 =	vld [tilespmem:$0x18D0]  }
0x899: {  	v40 =	vld [tilespmem:$0x1E2D0]  }
0x89a: {  	v0 =	vadd.s32 v0, v57;
	v42 =	vld [tilespmem:$0x1E2F0]  }
0x89b: {  	v0 =	vadd.s32 v0, v7;
	v7 =	vld [tilespmem:$0x1E210]  }
0x89c: {  	[tilespmem:$0x1E810] =	vst v63;
	v63 =	vld [tilespmem:$0x1620]  }
0x89d: {  	[tilespmem:$0x1E410] =	vst v5;
	v5 =	vld [tilespmem:$0x19D0]  }
0x89e: {  	v45 =	vld [tilespmem:$0x1E310]  }
0x89f: {  	v47 =	vld [tilespmem:$0x1E330]  }
0x8a0: {  	v1 =	vadd.s32 v1, v7;
	v7 =	vld [tilespmem:$0x1E220]  }
0x8a1: {  	[tilespmem:$0x1E830] =	vst v63;
	v63 =	vld [tilespmem:$0x1720]  }
0x8a2: {  	[tilespmem:$0x1E430] =	vst v5;
	v5 =	vld [tilespmem:$0xBE0]  }
0x8a3: {  	v49 =	vld [tilespmem:$0x1E350]  }
0x8a4: {  	v57 =	vld [tilespmem:$0x1E3B0]  }
0x8a5: {  	v0 =	vadd.s32 v0, v7;
	v7 =	vld [tilespmem:$0x1E230]  }
0x8a6: {  	[tilespmem:$0x1E850] =	vst v63;
	v63 =	vld [tilespmem:$0x1820]  }
0x8a7: {  	v5 =	vadd.s32 v8, v5;
	v8 =	vadd.s32 v32, v55;
	v55 =	vld [tilespmem:$0x1E390]  }
0x8a8: {  	v32 =	vld [tilespmem:$0x1E400]  }
0x8a9: {  	v5 =	vadd.s32 v5, v14;
	v14 =	vld [tilespmem:$0x1540]  }
0x8aa: {  	v8 =	vadd.s32 v8, v37;
	v37 =	vld [tilespmem:$0xC50]  }
0x8ab: {  	v5 =	vadd.s32 v5, v20;
	v20 =	vld [tilespmem:$0x1740]  }
0x8ac: {  	v8 =	vadd.s32 v8, v40;
	v40 =	vld [tilespmem:$0xD50]  }
0x8ad: {  	v5 =	vadd.s32 v5, v26;
	v8 =	vadd.s32 v8, v42;
	v42 =	vld [tilespmem:$0x1E440]  }
0x8ae: {  	v5 =	vadd.s32 v5, v34;
	v34 =	vld [tilespmem:$0x1E430]  }
0x8af: {  	v8 =	vadd.s32 v8, v45;
	v45 =	vld [tilespmem:$0x1E460]  }
0x8b0: {  	[tilespmem:$0x1E860] =	vst v63;
	v63 =	vld [tilespmem:$0x1230]  }
0x8b1: {  	v5 =	vadd.s32 v5, v46;
	v46 =	vld [tilespmem:$0x1E320]  }
0x8b2: {  	v7 =	vadd.s32 v7, v24;
	v8 =	vadd.s32 v8, v47;
	v47 =	vld [tilespmem:$0x1E480]  }
0x8b3: {  	v7 =	vadd.s32 v7, v27;
	v27 =	vld [tilespmem:$0x1750]  }
0x8b4: {  	v5 =	vadd.s32 v5, v52;
	v52 =	vld [tilespmem:$0x1E380]  }
0x8b5: {  	v7 =	vadd.s32 v7, v29;
	v29 =	vld [tilespmem:$0x1E3E0]  }
0x8b6: {  	v8 =	vadd.s32 v8, v49;
	v49 =	vld [tilespmem:$0x1E4A0]  }
0x8b7: {  	v7 =	vadd.s32 v7, v31;
	v31 =	vld [tilespmem:$0xB50]  }
0x8b8: {  	v5 =	vadd.s32 v5, v58;
	v58 =	vld [tilespmem:$0x1E3C0]  }
0x8b9: {  	v7 =	vadd.s32 v7, v33;
	v33 =	vld [tilespmem:$0x1E420]  }
0x8ba: {  	v5 =	vadd.s32 v5, v50;
	v50 =	vld [tilespmem:$0x1E4B0]  }
0x8bb: {  	v7 =	vadd.s32 v7, v36;
	v36 =	vld [tilespmem:$0x1050]  }
0x8bc: {  	v5 =	vadd.s32 v5, v55;
	v55 =	vld [tilespmem:$0x1E4D0]  }
0x8bd: {  	[tilespmem:$0x1E7F0] =	vst v63;
	v63 =	vld [tilespmem:$0x1330]  }
0x8be: {  	v7 =	vadd.s32 v7, v38;
	v38 =	vld [tilespmem:$0xF50]  }
0x8bf: {  	v7 =	vadd.s32 v7, v41;
	v41 =	vld [tilespmem:$0xE50]  }
0x8c0: {  	v8 =	vadd.s32 v8, v52;
	v52 =	vadd.s32 v39, v35;
	v35 =	vld [tilespmem:$0x1E510]  }
0x8c1: {  	v39 =	vld [tilespmem:$0x1E520]  }
0x8c2: {  	v7 =	vadd.s32 v7, v43;
	v43 =	vld [tilespmem:$0x1E450]  }
0x8c3: {  	v8 =	vadd.s32 v8, v57;
	v57 =	vld [tilespmem:$0x1E4F0]  }
0x8c4: {  	v5 =	vadd.s32 v5, v58;
	v58 =	vld [tilespmem:$0x1E500]  }
0x8c5: {  	v26 =	vadd.s32 v52, v44;
	v44 =	vld [tilespmem:$0x1E550]  }
0x8c6: {  	v52 =	vld [tilespmem:$0x1E5D0]  }
0x8c7: {  	v7 =	vadd.s32 v7, v46;
	v46 =	vld [tilespmem:$0x1E470]  }
0x8c8: {  	v5 =	vadd.s32 v5, v30;
	v30 =	vld [tilespmem:$0x1450]  }
0x8c9: {  	v24 =	vadd.s32 v8, v29;
	v29 =	vld [tilespmem:$0x1550]  }
0x8ca: {  	v26 =	vadd.s32 v26, v53;
	v53 =	vld [tilespmem:$0x1E5E0]  }
0x8cb: {  	v7 =	vadd.s32 v7, v48;
	v48 =	vld [tilespmem:$0x1E490]  }
0x8cc: {  	v5 =	vadd.s32 v5, v33;
	v33 =	vld [tilespmem:$0x1250]  }
0x8cd: {  	v26 =	vadd.s32 v26, v60;
	v60 =	vld [tilespmem:$0x1E630]  }
0x8ce: {  	v7 =	vadd.s32 v7, v51;
	v51 =	vld [tilespmem:$0x1E4C0]  }
0x8cf: {  	v5 =	vadd.s32 v5, v42;
	v42 =	vld [tilespmem:$0x1E530]  }
0x8d0: {  	v7 =	vadd.s32 v7, v56;
	v56 =	vld [tilespmem:$0x1E4E0]  }
0x8d1: {  	v7 =	vadd.s32 v7, v28;
	v28 =	vld [tilespmem:$0x1650]  }
0x8d2: {  	v26 =	vadd.s32 v26, v44;
	v44 =	vld [tilespmem:$0xC60]  }
0x8d3: {  	v8 =	vadd.s32 v7, v32;
	v7 =	vld [tilespmem:$0x1E410]  }
0x8d4: {  	v32 =	vld [tilespmem:$0x1350]  }
0x8d5: {  	v5 =	vadd.s32 v5, v46;
	v46 =	vld [tilespmem:$0x1E570]  }
0x8d6: {  	v0 =	vadd.s32 v0, v25;
	v25 =	vadd.s32 v48, v49;
	v48 =	vld [tilespmem:$0x1E590]  }
0x8d7: {  	v49 =	vld [tilespmem:$0x1E5A0]  }
0x8d8: {  	[tilespmem:$0x9E0] =	vst v5;
	v5 =	vld [tilespmem:$0x1770]  }
0x8d9: {  	v25 =	vadd.s32 v25, v51;
	v51 =	vld [tilespmem:$0x1E5C0]  }
0x8da: {  	v25 =	vadd.s32 v25, v56;
	v56 =	vld [tilespmem:$0x1E600]  }
0x8db: {  	v25 =	vadd.s32 v25, v58;
	v58 =	vld [tilespmem:$0x1E620]  }
0x8dc: {  	v7 =	vadd.s32 v24, v7;
	v24 =	vadd.s32 v43, v45;
	v43 =	vld [tilespmem:$0x1E540]  }
0x8dd: {  	v45 =	vld [tilespmem:$0x1E560]  }
0x8de: {  	v7 =	vadd.s32 v7, v34;
	v34 =	vld [tilespmem:$0x1150]  }
0x8df: {  	v24 =	vadd.s32 v24, v47;
	v47 =	vld [tilespmem:$0x1E580]  }
0x8e0: {  	v24 =	vadd.s32 v24, v50;
	v50 =	vld [tilespmem:$0x1E5B0]  }
0x8e1: {  	[tilespmem:$0x9D0] =	vst v7;
	v7 =	vld [tilespmem:$0x1670]  }
0x8e2: {  	v24 =	vadd.s32 v24, v55;
	v55 =	vld [tilespmem:$0x1E5F0]  }
0x8e3: {  	v25 =	vadd.s32 v25, v39;
	v24 =	vadd.s32 v24, v57;
	v57 =	vld [tilespmem:$0x1E610]  }
0x8e4: {  	v25 =	vadd.s32 v25, v43;
	v43 =	vld [tilespmem:$0xB60]  }
0x8e5: {  	v24 =	vadd.s32 v24, v35;
	v25 =	vadd.s32 v25, v46;
	v46 =	vld [tilespmem:$0xE60]  }
0x8e6: {  	v24 =	vadd.s32 v24, v42;
	v26 =	vadd.s32 v26, v47;
	v47 =	vld [tilespmem:$0xF60]  }
0x8e7: {  	v35 =	vadd.s32 v24, v45;
	v24 =	vld [tilespmem:$0x1850]  }
0x8e8: {  	v39 =	vadd.s32 v25, v49;
	v25 =	vld [tilespmem:$0x1950]  }
0x8e9: {  	v49 =	vld [tilespmem:$0x1E650]  }
0x8ea: {  	v26 =	vadd.s32 v26, v50;
	v50 =	vld [tilespmem:$0x1E660]  }
0x8eb: {  	v45 =	vld [tilespmem:$0xD60]  }
0x8ec: {  	v35 =	vadd.s32 v35, v48;
	v48 =	vld [tilespmem:$0x1E640]  }
0x8ed: {  	v39 =	vadd.s32 v39, v52;
	v52 =	vld [tilespmem:$0x1E680]  }
0x8ee: {  	v42 =	vadd.s32 v26, v53;
	v53 =	vld [tilespmem:$0x1E690]  }
0x8ef: {  	v35 =	vadd.s32 v35, v51;
	v51 =	vld [tilespmem:$0x1E670]  }
0x8f0: {  	v39 =	vadd.s32 v39, v56;
	v56 =	vld [tilespmem:$0x1E6B0]  }
0x8f1: {  	v42 =	vadd.s32 v42, v57;
	v57 =	vld [tilespmem:$0x1E6C0]  }
0x8f2: {  	v35 =	vadd.s32 v35, v55;
	v55 =	vld [tilespmem:$0x1E6A0]  }
0x8f3: {  	v39 =	vadd.s32 v39, v60;
	v60 =	vld [tilespmem:$0x1E6E0]  }
0x8f4: {  	v35 =	vadd.s32 v35, v58;
	v58 =	vld [tilespmem:$0x1E6D0]  }
0x8f5: {  	v35 =	vadd.s32 v35, v49;
	v49 =	vld [tilespmem:$0x1060]  }
0x8f6: {  	v39 =	vadd.s32 v39, v50;
	v35 =	vadd.s32 v35, v52;
	v52 =	vld [tilespmem:$0x1E6F0]  }
0x8f7: {  	v39 =	vadd.s32 v39, v53;
	v53 =	vld [tilespmem:$0x1E700]  }
0x8f8: {  	v42 =	vadd.s32 v42, v48;
	v35 =	vadd.s32 v35, v56;
	v56 =	vld [tilespmem:$0x1E720]  }
0x8f9: {  	v42 =	vadd.s32 v42, v51;
	v39 =	vadd.s32 v39, v57;
	v57 =	vld [tilespmem:$0x1E730]  }
0x8fa: {  	v42 =	vadd.s32 v42, v55;
	v55 =	vld [tilespmem:$0x1E710]  }
0x8fb: {  	v42 =	vadd.s32 v42, v58;
	v58 =	vld [tilespmem:$0x1E740]  }
0x8fc: {  	v51 =	vld [tilespmem:$0x1160]  }
0x8fd: {  	v39 =	vadd.s32 v39, v60;
	v60 =	vld [tilespmem:$0x1E750]  }
0x8fe: {  	v42 =	vadd.s32 v42, v52;
	v52 =	vld [tilespmem:$0x1E890]  }
0x8ff: {  	v42 =	vadd.s32 v42, v56;
	v56 =	vld [tilespmem:$0x1E770];
	v48 =	vadd.s32 v53, v55  }
0x900: {  	v48 =	vadd.s32 v48, v57;
	v50 =	vadd.s32 v58, v59;
	v57 =	vld [tilespmem:$0x1E780]  }
0x901: {  	v50 =	vadd.s32 v50, v62;
	v62 =	vld [tilespmem:$0x1E760]  }
0x902: {  	v58 =	vld [tilespmem:$0x1E790]  }
0x903: {  	v48 =	vadd.s32 v48, v60;
	v60 =	vld [tilespmem:$0x1E7B0]  }
0x904: {  	v59 =	vld [tilespmem:$0x1E7A0]  }
0x905: {  	v50 =	vadd.s32 v50, v56;
	v56 =	vld [tilespmem:$0x1E7D0]  }
0x906: {  	v48 =	vadd.s32 v48, v62;
	v62 =	vld [tilespmem:$0x1E7C0]  }
0x907: {  	v50 =	vadd.s32 v50, v58;
	v58 =	vld [tilespmem:$0x1E7F0]  }
0x908: {  	v50 =	vadd.s32 v50, v60;
	v60 =	vld [tilespmem:$0x1E810]  }
0x909: {  	v48 =	vadd.s32 v48, v57;
	v57 =	vld [tilespmem:$0x1E7E0]  }
0x90a: {  	v48 =	vadd.s32 v48, v59;
	v59 =	vld [tilespmem:$0x1E800]  }
0x90b: {  	v48 =	vadd.s32 v48, v62;
	v62 =	vld [tilespmem:$0x1E820]  }
0x90c: {  	v50 =	vadd.s32 v50, v56;
	v56 =	vld [tilespmem:$0x1E840]  }
0x90d: {  	v50 =	vadd.s32 v50, v58;
	v58 =	vld [tilespmem:$0xB70]  }
0x90e: {  	v50 =	vadd.s32 v50, v63;
	v63 =	vld [tilespmem:$0x1E830]  }
0x90f: {  	v4 =	vadd.s32 v4, v14;
	v48 =	vadd.s32 v48, v57;
	v57 =	vld [tilespmem:$0x1E850]  }
0x910: {  	v4 =	vadd.s32 v4, v19;
	v48 =	vadd.s32 v48, v59;
	v59 =	vld [tilespmem:$0x1E860];
	v50 =	vadd.s32 v50, v62  }
0x911: {  	v4 =	vadd.s32 v4, v20;
	v48 =	vadd.s32 v48, v60;
	v60 =	vld [tilespmem:$0xC70];
	v50 =	vadd.s32 v50, v56  }
0x912: {  	v4 =	vadd.s32 v4, v21;
	v62 =	vld [tilespmem:$0xD70];
	v50 =	vadd.s32 v50, v54  }
0x913: {  	v4 =	vadd.s32 v4, v22;
	v50 =	vadd.s32 v50, v61;
	v61 =	vld [tilespmem:$0x1E870]  }
0x914: {  	v55 =	vadd.s32 v43, v44;
	v48 =	vadd.s32 v48, v63;
	v63 =	vld [tilespmem:$0x1E880];
	v2 =	vadd.s32 v50, v2  }
0x915: {  	v4 =	vadd.s32 v4, v23;
	v53 =	vld [tilespmem:$0xE70];
	v23 =	vadd.s32 v55, v45;
	v2 =	vadd.s32 v2, v52  }
0x916: {  	v48 =	vadd.s32 v48, v57;
	v54 =	vld [tilespmem:$0xF70];
	v2 =	vadd.s32 v2, v6;
	v6 =	vadd.s32 v31, v37  }
0x917: {  	v56 =	vld [tilespmem:$0x1070];
	v48 =	vadd.s32 v48, v59;
	v14 =	vadd.s32 v58, v60;
	v6 =	vadd.s32 v6, v40  }
0x918: {  	v58 =	vld [tilespmem:$0x1170];
	v14 =	vadd.s32 v14, v62;
	v48 =	vadd.s32 v48, v61;
	v6 =	vadd.s32 v6, v41  }
0x919: {  	[tilespmem:$0x990] =	vst v3;
	v59 =	vld [tilespmem:$0x1270];
	v48 =	vadd.s32 v48, v63;
	v3 =	vadd.s32 v6, v38;
	v6 =	vadd.s32 v23, v46  }
0x91a: {  	[tilespmem:$0x9A0] =	vst v1;
	v60 =	vld [tilespmem:$0x1370];
	v1 =	vadd.s32 v3, v36;
	v3 =	vadd.s32 v6, v47;
	v6 =	vadd.s32 v14, v53  }
0x91b: {  	[tilespmem:$0x9B0] =	vst v0;
	v0 =	vadd.s32 v1, v34;
	v1 =	vadd.s32 v3, v49;
	v3 =	vadd.s32 v6, v54;
	v6 =	vld [tilespmem:$0x1470]  }
0x91c: {  	v61 =	vld [tilespmem:$0x1570];
	v0 =	vadd.s32 v0, v33;
	v1 =	vadd.s32 v1, v51;
	v3 =	vadd.s32 v3, v56  }
0x91d: {  	[tilespmem:$0xA40] =	vst v4;
	v57 =	vld [tilespmem:$0x1E8A0];
	v0 =	vadd.s32 v0, v32;
	v1 =	vadd.s32 v1, v9;
	v3 =	vadd.s32 v3, v58  }
0x91e: {  	[tilespmem:$0x9C0] =	vst v8;
	v26 =	vld [tilespmem:$0x1A50];
	v0 =	vadd.s32 v0, v30;
	v1 =	vadd.s32 v1, v10;
	v3 =	vadd.s32 v3, v59  }
0x91f: {  	[tilespmem:$0x9F0] =	vst v35;
	v62 =	vld [tilespmem:$0x1870];
	v0 =	vadd.s32 v0, v29;
	v1 =	vadd.s32 v1, v11;
	v3 =	vadd.s32 v3, v60  }
0x920: {  	[tilespmem:$0xA00] =	vst v39;
	v0 =	vadd.s32 v0, v28;
	v1 =	vadd.s32 v1, v12;
	v3 =	vadd.s32 v3, v6;
	v6 =	vld [tilespmem:$0x1970]  }
0x921: {  	[tilespmem:$0xA10] =	vst v42;
	v63 =	vld [tilespmem:$0x1A70];
	v0 =	vadd.s32 v0, v27;
	v1 =	vadd.s32 v1, v13;
	v3 =	vadd.s32 v3, v61  }
0x922: {  	[tilespmem:$0x980] =	vst v57;
	v0 =	vadd.s32 v0, v24;
	v1 =	vadd.s32 v1, v15;
	v3 =	vadd.s32 v3, v7  }
0x923: {  	[tilespmem:$0xA30] =	vst v2;
	v0 =	vadd.s32 v0, v25;
	v1 =	vadd.s32 v1, v16;
	v2 =	vadd.s32 v3, v5  }
0x924: {  	[tilespmem:$0xA20] =	vst v48;
	v0 =	vadd.s32 v0, v26;
	v1 =	vadd.s32 v1, v17;
	v2 =	vadd.s32 v2, v62  }
0x925: {  	[tilespmem:$0xA50] =	vst v0;
	v0 =	vadd.s32 v1, v18;
	v1 =	vadd.s32 v2, v6  }
0x926: {  	[tilespmem:$0xA60] =	vst v0;
	v0 =	vadd.s32 v1, v63  }
0x927: {  	s28 =	simm.s32 $0xA70;
	[tilespmem:$0xA70] =	vst v0  }
0x928: {  	v2 =	vld [tilespmem:s28+$0x0];
	_ =	sdelay $0x4  }
0x929: {  	(xrf0) =	vadd.scan.msk.s32 $0xffff, v2;
	_ =	sdelay $0x5  }
0x92a: {  	v0, _, _ =	vpop (xrf0)  }
0x92b: {  	(v2sf) =	vpush v0, $0xF  }
0x92c: {  	s29 =	simm.s32 $0xA60  }
0x92d: {  	s30 =	simm.s32 $0xA50;
	v3 =	vld [tilespmem:s29+$0x0]  }
0x92e: {  	v0 =	vld [tilespmem:s30+$0x0];
	_ =	sdelay $0x3  }
0x92f: {  	(xrf0) =	vadd.scan.msk.s32 $0xffff, v3  }
0x930: {  	(xrf0) =	vadd.scan.msk.s32 $0xffff, v0;
	_ =	sdelay $0x4  }
0x931: {  	s31 =	simm.s32 $0xA40;
	v4, _, _ =	vpop (xrf0)  }
0x932: {  	v1 =	vld [tilespmem:s31+$0x0];
	(v2sf) =	vpush v4, $0xF;
	v6, _, _ =	vpop (xrf0)  }
0x933: {  	s14 =	spop (v2sf);
	(v2sf) =	vpush v6, $0xF;
	_ =	sdelay $0x2  }
0x934: {  	s15 =	simm.s32 $0x0;
	p2 =	por $0x0, $0x0  }
0x935: {  	s12 =	simm.s32 $0xF;
	s13 =	simm.s32 $0xA30;
	s17 =	simm.s32 $0xA;
	(xrf0) =	vadd.scan.msk.s32 $0xffff, v1  }
0x936: {  	s18 =	simm.s32 $0xA20;
	s10 =	simm.s32 $0xE;
	s9 =	simm.s32 $0xD;
	v4 =	vld [tilespmem:s13+$0x0]  }
0x937: {  	s11 =	simm.s32 $0xC;
	s5 =	simm.s32 $0xB;
	p1 =	por !p2, !p2  }
0x938: {  	v5 =	vimm.s32 $0x0;
	s13 =	simm.s32 $0x0;
	s16 =	sadd.s32 $0x0, s14;
	s14 =	simm.s32 $0x0  }
.LBB2_21:
0x939: {  	s19 =	smov.u32 s15;
	p3 =	sne.s32 s17, $0x0  }
0x93a: {  	p0 =	sge.s32 s16, s8;
	s20 =	smov.u32 s5;
	s5 =	smov.u32 s17  }
0x93b: {  	v7 =	vmov v4;
	s17 =	sadd.s32 $0xFFFFFFFF, s17;
	s21 =	smov.u32 s15;
	s15 =	smov.u32 s16;
	(xrf0) =	vadd.scan.msk.s32 $0xffff, v4;
	v6, _, _ =	vpop (xrf0)  }
.Ltmp11:
0x93c: {  	p4 =	por !p0, !p1;
	p2 =	por p2, p0;
	v4 =	vld [tilespmem:s18+$0x0];
	(v2sf) =	vpush v6, $0xF;
	(pc) =	sbr.rel @p3 .LBB2_21-.Ltmp11, $4  }
0x93d: {  	p1 =	por !p2, !p2;
	p0 =	por !p4, !p4;
	s15 =	smov.u32 @p2 s19  }
0x93e: {  	s14 =	smov.u32 @p0 s21;
	s13 =	smov.u32 @p0 s12;
	v5 =	vpsel p0, v2, v5;
	v2 =	vmovc v3;
	v3 =	vmovc v0;
	v0 =	vmov v1;
	v1 =	vmov v7;
	s12 =	smov.u32 s10  }
0x93f: {  	s10 =	smov.u32 s9;
	s9 =	smov.u32 s11;
	s16 =	spop (v2sf)  }
0x940: {  	s18 =	sadd.s32 $0xFFFFFFF0, s18;
	s11 =	smov.u32 s20;
	s16 =	sadd.s32 s15, s16  }
0x941: {  	(xrf0) =	vadd.scan.msk.s32 $0xffff, v4;
	_ =	sdelay $0x1  }
0x942: {  	v6, _, _ =	vpop (xrf0)  }
0x943: {  	(v2sf) =	vpush v6, $0xF;
	_ =	sdelay $0x2  }
0x944: {  	v55, _, _ =	vpop (xrf0)  }
0x945: {  	(v2sf) =	vpush v55, $0xF  }
0x946: {  	p4 =	sge.s32 s16, s8  }
0x947: {  	p0 =	por p2, p4  }
0x948: {  	s17 =	spop (v2sf);
	s16 =	smov.u32 @p0 s15  }
0x949: {  	s17 =	sadd.s32 s16, s17  }
0x94a: {  	p2 =	sge.s32 s17, s8  }
0x94b: {  	p5 =	por p0, p2;
	p0 =	por !p0, !p0  }
0x94c: {  	s17 =	smov.u32 @p5 s16;
	s20 =	simm.s32 @!p0 $0x0;
	s18 =	spop (v2sf)  }
0x94d: {  	s20 =	simm.s32 @p0 $0x1;
	s18 =	sadd.s32 s17, s18  }
0x94e: {  	[smem:$0x7F7] =	sst s20;
	p6 =	sge.s32 s18, s8  }
0x94f: {  	s20 =	sld [smem:$0x7F7];
	p3 =	por p5, p6  }
0x950: {  	p1 =	por !p4, !p1;
	s18 =	smov.u32 @p3 s17;
	s19 =	spop (v2sf)  }
0x951: {  	p1 =	por !p1, !p1;
	s19 =	sadd.s32 s18, s19  }
0x952: {  	p4 =	seq.s32 s20, $0x1;
	p5 =	por !p5, !p5;
	p0 =	sge.s32 s19, s8  }
0x953: {  	p2 =	por !p2, !p4;
	p5 =	por !p6, !p5;
	p4 =	por p3, p0  }
0x954: {  	p3 =	por !p3, !p3;
	s19 =	smov.u32 @p4 s18;
	s21 =	spop (v2sf)  }
0x955: {  	v2 =	vpsel p1, v2, v5;
	p2 =	por !p2, !p2;
	p0 =	por !p0, !p3;
	s20 =	sadd.s32 s19, s21  }
0x956: {  	v56 =	vlaneseq.u32;
	v2 =	vpsel p2, v3, v2;
	p3 =	por !p5, !p5;
	p4 =	por !p4, !p4;
	p6 =	sge.s32 s20, s8  }
0x957: {  	v57 =	vmul.u32 $0xFFFFFFFF, v56;
	v0 =	vpsel p3, v0, v2;
	p6 =	por !p6, !p4;
	p4 =	por !p0, !p0  }
0x958: {  	v0 =	vpsel p4, v1, v0;
	p5 =	por !p6, !p6  }
0x959: {  	v58 =	vadd.s32 $0xF, v57;
	v0 =	vpsel p5, v4, v0  }
0x95a: {  	v2 =	vperm.xlane v0, v58;
	_ =	sdelay $0x1  }
0x95b: {  	(xrf0) =	vadd.scan.msk.s32 $0xffff, v2;
	_ =	sdelay $0x2  }
0x95c: {  	s14 =	smov.u32 @p1 s15  }
0x95d: {  	s14 =	smov.u32 @p2 s16  }
0x95e: {  	s14 =	smov.u32 @p3 s17  }
0x95f: {  	s14 =	smov.u32 @p4 s18;
	v2, _, _ =	vpop (xrf0)  }
0x960: {  	s14 =	smov.u32 @p5 s19;
	v1 =	vperm.xlane v2, v58  }
0x961: {  	s22 =	ssub.s32 s8, s14  }
0x962: {  	vm0 =	vge.s32 v1, s22  }
0x963: {  	v59 =	vmpcnt.ones.xlane vm0;
	_ =	sdelay $0x1  }
0x964: {  	(v2sf) =	vpush v59, $0x0;
	_ =	sdelay $0xe  }
0x965: {  	s23 =	spop (v2sf)  }
0x966: {  	s14 =	sadd.s32 $0xFFFFFFFF, s23  }
0x967: {  	v60 =	vmov s14  }
0x968: {  	vm14 =	veq.s32 v60, v56  }
0x969: {  	v1 =	vnsel vm14, $0x0, v1  }
0x96a: {  	v0 =	vnsel vm14, $0x0, v0;
	(xrf0) =	vadd.scan.msk.s32 $0xffff, v1  }
0x96b: {  	(xrf0) =	vadd.scan.msk.s32 $0xffff, v0;
	_ =	sdelay $0x4  }
0x96c: {  	v61, _, _ =	vpop (xrf0)  }
0x96d: {  	(v2sf) =	vpush v61, $0xF;
	v62, _, _ =	vpop (xrf0)  }
0x96e: {  	(v2sf) =	vpush v62, $0xF;
	_ =	sdelay $0x9  }
0x96f: {  	s13 =	smov.u32 @p1 s12  }
0x970: {  	s13 =	smov.u32 @p2 s10  }
0x971: {  	s13 =	smov.u32 @p3 s9  }
0x972: {  	s13 =	smov.u32 @p4 s11  }
0x973: {  	s13 =	smov.u32 @p5 s5;
	s24 =	spop (v2sf)  }
0x974: {  	s26 =	sshll.u32 s13, $0x4;
	s25 =	spop (v2sf);
	s5 =	ssub.s32 s22, s24  }
0x975: {  	s28 =	sadd.s32 s26, s14;
	s5 =	sadd.s32 s25, s5  }
0x976: {  	vm15 =	veq.s32 v56, $0x0;
	s7 =	sor.u32 s7, s28;
	v63 =	vmov s5  }
0x977: {  	v0 =	vsel vm15, s7, v63  }
0x978: {  	s29 =	simm.s32 $0x1C80;
	s30 =	simm.s32 $0x1;
	[tilespmem:$0x1C80] =	vst v0  }
0x979: {  	[spmem:s4] =	stream.linear.scatter [tilespmem:s29], [sflag:$0x1], $0x80, $0x38;
	[tilespmem:$0x2118] =	vst v63  }
0x97a: {  	_ =	swait.ge [sflag:s30], $0x80  }
0x97b: {  	s31 =	sld [smem:$0x7FD];
	_ =	sdelay $0x1  }
0x97c: {  	[sflag:s30] =	ssyncset.done $0x0  }
0x97d: {  	[sflag:s30] =	ssyncadd.s32 $0xFFFFFF80;
	p2 =	seq.s32 s31, $0x1  }
.LBB2_23:
0x97e: {  	[bflag:$0x0] =	sbarrier.arrive $0xFFFF;
	s5 =	simm.s32 $0x1C80  }
0x97f: {  	[tilespmem:s5], [sflag:$0x1] =	stream.linear.gather [spmem:s4], $0x80, $0x38;
	[tilespmem:$0x2118] =	vst v63  }
0x980: {  	_ =	swait.ge [sflag:s6], $0x80  }
0x981: {  	[sflag:s6] =	ssyncset.done $0x0  }
0x982: {  	[sflag:s6] =	ssyncadd.s32 $0xFFFFFF80  }
0x983: {  	v0 =	vld [tilespmem:$0x1C80]  }
0x984: {  	s31 =	simm.s32 $0x0  }
0x985: {  	v2 =	vld [tilespmem:s31+$0x400]  }
0x986: {  	v3 =	vld [tilespmem:s31+$0x0]  }
0x987: {  	v4 =	vld [tilespmem:s31+$0x410]  }
0x988: {  	v5 =	vld [tilespmem:s31+$0x10];
	v1 =	vbroadcast v0, $0x0  }
0x989: {  	v6 =	vld [tilespmem:s31+$0x420]  }
0x98a: {  	vm0 =	vgt.s32 v2, v1;
	v2 =	vld [tilespmem:s31+$0x20]  }
0x98b: {  	v7 =	vimm.f32 $0.0e+00;
	v8 =	vld [tilespmem:s31+$0x430];
	v3 =	vnsel vm0, $0x0, v3  }
0x98c: {  	vm0 =	vgt.s32 v4, v1;
	v3 =	vadd.f32 v3, v7;
	v7 =	vld [tilespmem:s31+$0x30]  }
0x98d: {  	v4 =	vnsel vm0, $0x0, v5;
	v5 =	vld [tilespmem:s31+$0x440]  }
0x98e: {  	vm0 =	vgt.s32 v6, v1;
	v6 =	vld [tilespmem:s31+$0x40];
	v3 =	vadd.f32 v4, v3  }
0x98f: {  	v9 =	vld [tilespmem:s31+$0x450];
	v2 =	vnsel vm0, $0x0, v2  }
0x990: {  	v4 =	vld [tilespmem:s31+$0x50];
	vm0 =	vgt.s32 v8, v1;
	v3 =	vadd.f32 v2, v3  }
0x991: {  	v2 =	vld [tilespmem:s31+$0x460];
	v7 =	vnsel vm0, $0x0, v7  }
0x992: {  	vm0 =	vgt.s32 v5, v1;
	v5 =	vld [tilespmem:s31+$0x60];
	v7 =	vadd.f32 v7, v3  }
0x993: {  	v6 =	vnsel vm0, $0x0, v6;
	v3 =	vld [tilespmem:s31+$0x470]  }
0x994: {  	s4 =	simm.s32 $0x80;
	s5 =	simm.s32 $0x400;
	vm0 =	vgt.s32 v9, v1;
	v7 =	vadd.f32 v6, v7;
	v6 =	vld [tilespmem:s31+$0x70]  }
.LBB2_24:
0x995: {  	p1 =	sne.s32 s5, $0xE00;
	v8 =	vld [tilespmem:s4+$0x400];
	v4 =	vnsel vm0, $0x0, v4  }
0x996: {  	v9 =	vld [tilespmem:s4+$0x0];
	v4 =	vadd.f32 v4, v7;
	vm0 =	vgt.s32 v2, v1  }
0x997: {  	v2 =	vld [tilespmem:s4+$0x410];
	v5 =	vnsel vm0, $0x0, v5  }
0x998: {  	v7 =	vld [tilespmem:s4+$0x10];
	v4 =	vadd.f32 v5, v4;
	vm0 =	vgt.s32 v3, v1  }
0x999: {  	v3 =	vld [tilespmem:s4+$0x420];
	v5 =	vnsel vm0, $0x0, v6  }
0x99a: {  	vm0 =	vgt.s32 v8, v1;
	v6 =	vld [tilespmem:s4+$0x20];
	v4 =	vadd.f32 v5, v4  }
0x99b: {  	v5 =	vnsel vm0, $0x0, v9;
	v8 =	vld [tilespmem:s4+$0x430]  }
0x99c: {  	v4 =	vadd.f32 v5, v4;
	vm0 =	vgt.s32 v2, v1;
	v2 =	vld [tilespmem:s4+$0x30]  }
0x99d: {  	v5 =	vnsel vm0, $0x0, v7;
	v7 =	vld [tilespmem:s4+$0x440]  }
0x99e: {  	v4 =	vadd.f32 v5, v4;
	vm0 =	vgt.s32 v3, v1;
	v3 =	vld [tilespmem:s4+$0x40]  }
0x99f: {  	v5 =	vnsel vm0, $0x0, v6;
	v6 =	vld [tilespmem:s4+$0x450]  }
.Ltmp12:
0x9a0: {  	v5 =	vadd.f32 v5, v4;
	vm0 =	vgt.s32 v8, v1;
	v4 =	vld [tilespmem:s4+$0x50];
	(pc) =	sbr.rel @p1 .LBB2_24-.Ltmp12, $4  }
0x9a1: {  	v8 =	vnsel vm0, $0x0, v2;
	v2 =	vld [tilespmem:s4+$0x460]  }
0x9a2: {  	v8 =	vadd.f32 v8, v5;
	vm0 =	vgt.s32 v7, v1;
	v5 =	vld [tilespmem:s4+$0x60]  }
0x9a3: {  	v7 =	vnsel vm0, $0x0, v3;
	v3 =	vld [tilespmem:s4+$0x470]  }
0x9a4: {  	v7 =	vadd.f32 v7, v8;
	vm0 =	vgt.s32 v6, v1;
	v6 =	vld [tilespmem:s4+$0x70];
	s4 =	sshra.s32 s5, $0x2;
	s5 =	sadd.s32 $0x200, s5  }
0x9a5: {  	v8 =	vld [tilespmem:s4+$0x400];
	v4 =	vnsel vm0, $0x0, v4  }
0x9a6: {  	v9 =	vld [tilespmem:s4+$0x0];
	v4 =	vadd.f32 v4, v7;
	vm6 =	vgt.s32 v2, v1  }
0x9a7: {  	v46 =	vld [tilespmem:s4+$0x410];
	v5 =	vnsel vm6, $0x0, v5  }
0x9a8: {  	v47 =	vld [tilespmem:s4+$0x10];
	v4 =	vadd.f32 v5, v4;
	vm7 =	vgt.s32 v3, v1  }
0x9a9: {  	v48 =	vld [tilespmem:s4+$0x420];
	v49 =	vnsel vm7, $0x0, v6  }
0x9aa: {  	v50 =	vld [tilespmem:s4+$0x20];
	vm8 =	vgt.s32 v8, v1;
	v4 =	vadd.f32 v49, v4  }
0x9ab: {  	v52 =	vld [tilespmem:s4+$0x430];
	v51 =	vnsel vm8, $0x0, v9  }
0x9ac: {  	v53 =	vld [tilespmem:s4+$0x30];
	vm9 =	vgt.s32 v46, v1;
	v4 =	vadd.f32 v51, v4  }
0x9ad: {  	v55 =	vld [tilespmem:s4+$0x440];
	v54 =	vnsel vm9, $0x0, v47  }
0x9ae: {  	v56 =	vld [tilespmem:s4+$0x40];
	vm10 =	vgt.s32 v48, v1;
	v4 =	vadd.f32 v54, v4  }
0x9af: {  	v58 =	vld [tilespmem:s4+$0x450];
	v57 =	vnsel vm10, $0x0, v50  }
0x9b0: {  	v59 =	vld [tilespmem:s4+$0x50];
	vm11 =	vgt.s32 v52, v1;
	v4 =	vadd.f32 v57, v4  }
0x9b1: {  	v60 =	vld [tilespmem:s4+$0x460];
	v2 =	vnsel vm11, $0x0, v53  }
0x9b2: {  	v61 =	vld [tilespmem:s4+$0x60];
	vm12 =	vgt.s32 v55, v1;
	v2 =	vadd.f32 v2, v4  }
0x9b3: {  	v62 =	vld [tilespmem:s4+$0x470];
	v3 =	vnsel vm12, $0x0, v56  }
0x9b4: {  	v63 =	vld [tilespmem:s4+$0x70];
	vm13 =	vgt.s32 v58, v1;
	v2 =	vadd.f32 v3, v2  }
0x9b5: {  	v5 =	vnsel vm13, $0x0, v59  }
0x9b6: {  	vm14 =	vgt.s32 v60, v1;
	v2 =	vadd.f32 v5, v2  }
0x9b7: {  	v4 =	vnsel vm14, $0x0, v61  }
0x9b8: {  	vm15 =	vgt.s32 v62, v1;
	v2 =	vadd.f32 v4, v2  }
0x9b9: {  	v1 =	vnsel vm15, $0x0, v63  }
0x9ba: {  	v1 =	vadd.f32 v1, v2;
	_ =	sdelay $0x1  }
0x9bb: {  	s30 =	simm.s32 $0x1A80;
	s31 =	simm.s32 $0x1;
	[tilespmem:$0x1A80] =	vst v1  }
0x9bc: {  	[spmem:s3] =	stream.linear.scatter [tilespmem:s30], [sflag:$0x1], $0x10, $0x38;
	[tilespmem:$0x2118] =	vst v63  }
0x9bd: {  	_ =	swait.ge [sflag:s31], $0x10  }
0x9be: {  	[sflag:s31] =	ssyncset.done $0x0  }
0x9bf: {  	[sflag:s31] =	ssyncadd.s32 $0xFFFFFFF0  }
0x9c0: {  	s3 =	simm.s32 @!p2 $0x1B00;
	[bflag:$0x0] =	sbarrier.arrive $0xFFFF  }
0x9c1: {  	[tilespmem:s3], [sflag:$0x1] =	stream.linear.gather @!p2 [spmem:s2], $0x100, $0x38;
	[tilespmem:$0x2118] =	vst v63  }
0x9c2: {  	s2 =	simm.s32 @!p2 $0x1  }
0x9c3: {  	_ =	swait.ge @!p2 [sflag:s2], $0x100  }
0x9c4: {  	[sflag:s2] =	ssyncset.done @!p2 $0x0  }
0x9c5: {  	[sflag:s2] =	ssyncadd.s32 @!p2 $0xFFFFFF00  }
0x9c6: {  	v1 =	vld @!p2 [tilespmem:$0x1B00];
	_ =	sdelay $0x1  }
0x9c7: {  	v2 =	vld @!p2 [tilespmem:$0x1B10];
	_ =	sdelay $0x1  }
0x9c8: {  	v3 =	vld @!p2 [tilespmem:$0x1B20]  }
0x9c9: {  	v1 =	vadd.f32 @!p2 $0.0e+00, v1  }
0x9ca: {  	v4 =	vld @!p2 [tilespmem:$0x1B30]  }
0x9cb: {  	v1 =	vadd.f32 @!p2 v2, v1  }
0x9cc: {  	v2 =	vld @!p2 [tilespmem:$0x1B40]  }
0x9cd: {  	v1 =	vadd.f32 @!p2 v3, v1  }
0x9ce: {  	v3 =	vld @!p2 [tilespmem:$0x1B50]  }
0x9cf: {  	v1 =	vadd.f32 @!p2 v4, v1  }
0x9d0: {  	v4 =	vld @!p2 [tilespmem:$0x1B60]  }
0x9d1: {  	v1 =	vadd.f32 @!p2 v2, v1  }
0x9d2: {  	v2 =	vld @!p2 [tilespmem:$0x1B70]  }
0x9d3: {  	v1 =	vadd.f32 @!p2 v3, v1  }
0x9d4: {  	v3 =	vld @!p2 [tilespmem:$0x1B80]  }
0x9d5: {  	v1 =	vadd.f32 @!p2 v4, v1  }
0x9d6: {  	v4 =	vld @!p2 [tilespmem:$0x1B90]  }
0x9d7: {  	v1 =	vadd.f32 @!p2 v2, v1  }
0x9d8: {  	v2 =	vld @!p2 [tilespmem:$0x1BA0]  }
0x9d9: {  	v1 =	vadd.f32 @!p2 v3, v1  }
0x9da: {  	v3 =	vld @!p2 [tilespmem:$0x1BB0]  }
0x9db: {  	v1 =	vadd.f32 @!p2 v4, v1  }
0x9dc: {  	v4 =	vld @!p2 [tilespmem:$0x1BC0]  }
0x9dd: {  	v1 =	vadd.f32 @!p2 v2, v1  }
0x9de: {  	v2 =	vld @!p2 [tilespmem:$0x1BD0]  }
0x9df: {  	v1 =	vadd.f32 @!p2 v3, v1  }
0x9e0: {  	v3 =	vld @!p2 [tilespmem:$0x1BE0]  }
0x9e1: {  	v1 =	vadd.f32 @!p2 v4, v1  }
0x9e2: {  	v4 =	vld @!p2 [tilespmem:$0x1BF0]  }
0x9e3: {  	v1 =	vadd.f32 @!p2 v2, v1;
	_ =	sdelay $0x1  }
0x9e4: {  	v1 =	vadd.f32 @!p2 v3, v1;
	_ =	sdelay $0x1  }
0x9e5: {  	v1 =	vadd.f32 @!p2 v4, v1;
	_ =	sdelay $0x1  }
0x9e6: {  	(xrf2) =	vadd.scan.msk.f32 @!p2 $0xffff, v1;
	_ =	sdelay $0x6  }
0x9e7: {  	v1 =	vcvt.s32.f32 @!p2 v0;
	_ =	sdelay $0x1  }
0x9e8: {  	v0 =	vbroadcast @!p2 v0, $0x0;
	v1 =	vbroadcast @!p2 v1, $0x1  }
0x9e9: {  	v2, _, _ =	vpop @!p2 (xrf2)  }
0x9ea: {  	v0 =	vmul.f32 @!p2 v0, v1;
	v1 =	vbroadcast @!p2 v2, $0xF;
	_ =	sdelay $0x1  }
0x9eb: {  	v0 =	vadd.f32 @!p2 v1, v0;
	_ =	sdelay $0x1  }
0x9ec: {  	v0 =	vmul.f32 @!p2 $8.719916510e-05, v0;
	_ =	sdelay $0x1  }
0x9ed: {  	s4 =	simm.s32 @!p2 $0x1C00;
	s3 =	simm.s32 @!p2 $0x0;
	[tilespmem:$0x1C00] =	vst @!p2 v0  }
0x9ee: {  	[hbm4b:s1+s3] =	stream.linear.scatter @!p2 [tilespmem:s4], [sflag:$0x1], $0x80, $0x38;
	[tilespmem:$0x2118] =	vst v63  }
0x9ef: {  	_ =	swait.ge @!p2 [sflag:s2], $0x80  }
0x9f0: {  	[sflag:s2] =	ssyncset.done @!p2 $0x0  }
0x9f1: {  	[sflag:s2] =	ssyncadd.s32 @!p2 $0xFFFFFF80  }
.LBB2_26:
0x9f2: {  	_ =	sfence.sel $0x180000  }
0x9f3: {  	[bflag:$0x0] =	sbarrier.arrive $0xFFFF  }
0x9f4: {  	_ =	strace $0x90000047  }
0x9f5: {  	s0 =	sadd.s32 @!p2 $0x100000, s0;
	[bflag:$0x2] =	sbarrier.arrive $0xFFFF  }
0x9f6: {  	[sflag:s0] =	ssyncadd.tile.s32 @!p2 $0x1;
	_ =	shalt  }
.Lfunc_end2:
_tile_overlayer_lowered:
.L_overlay_start_2:
0x9f7: {  	(tag) =	ssettag $0x2  }
0x9f8: {  	s0 =	rddreg [dreg:$0x0];
	s2 =	stileid.u32  }
0x9f9: {  	s1 =	rddreg [dreg:$0x1];
	p0 =	sne.s32 s2, $0x0  }
0x9fa: {  	s3 =	rddreg [dreg:$0x2];
	[bflag:$0x3] =	sbarrier.arrive $0xFFFF;
	s2 =	simm.s32 @!p0 $0x1C01  }
0x9fb: {  	[timem:s3], [sflag:s2] =	dma.local @!p0 [hbm:s0], s1  }
0x9fc: {  	s0 =	simm.s32 @!p0 $0x1  }
0x9fd: {  	_ =	swait.ge @!p0 [sflag:s0], s1  }
0x9fe: {  	s1 =	ssub.s32 @!p0 $0x0, s1;
	[sflag:s0] =	ssyncset.done @!p0 $0x0  }
0x9ff: {  	[sflag:s0] =	ssyncadd.s32 @!p0 s1  }
0xa00: {  	[bflag:$0x3] =	sbarrier.arrive $0xFFFF  }
0xa01: {  	_ =	shalt  }

</sc_bundles>
